<compile_context>
chip_gen: v7x
topology: tpu7x:2x2x1
jax: 0.10.2.dev20260603
libtpu: 0.0.44.dev20260713+nightly
codegen_flags: <defaults>
</compile_context>

<pallas_src>
import functools

import jax
import jax.numpy as jnp
from jax import lax
from jax.experimental import pallas as pl
from jax.experimental.pallas import tpu as pltpu
from jax.experimental.pallas import tpu_sc as plsc

N_NODES = 10000
N_EDGES = 160000
IN_FEATS = 256
H_FEATS = 1024
NUM_CLASSES = 128

NPAD = 10240
NTILE = NPAD // 16
HF = IN_FEATS // 2
EPT = N_EDGES // 16
CH = 96
NCH = 105
EPP = NCH * CH

_f32 = jnp.float32
_i32 = jnp.int32


def _rsqrt16(d):
    i = plsc.bitcast(d, _i32)
    i = 0x5F3759DF - lax.shift_right_logical(i, 1)
    y = plsc.bitcast(i, _f32)
    for _ in range(3):
        y = y * (1.5 - 0.5 * d * y * y)
    return jnp.where(d > 0.0, y, 0.0)


def _deg_norm_call(src, dst):
    mesh = plsc.VectorSubcoreMesh(core_axis_name="c", subcore_axis_name="s")

    @functools.partial(
        pl.kernel,
        mesh=mesh,
        out_type=[
            jax.ShapeDtypeStruct((NPAD,), _f32),
            jax.ShapeDtypeStruct((NPAD,), _f32),
        ],
        compiler_params=pltpu.CompilerParams(needs_layout_passes=False),
        scratch_types=[
            pltpu.VMEM((EPT,), _i32),
            pltpu.VMEM((NPAD,), _f32),
            pltpu.VMEM((NTILE,), _f32),
            pltpu.VMEM((NTILE,), _f32),
            pltpu.VMEM((NTILE,), _f32),
            pltpu.VMEM_SHARED((16, NPAD), _f32),
            pltpu.SemaphoreType.DMA,
            pltpu.SemaphoreType.DMA,
        ],
    )
    def deg_kernel(src_h, dst_h, nout_h, nin_h, idx_v, hist_v, tmp_v, tmp2_v,
                   acc_v, stage, sem_a, sem_b):
        cid = lax.axis_index("c")
        sid = lax.axis_index("s")
        base = sid * EPT
        nb = sid * NTILE

        @pl.when(cid == 0)
        def _():
            pltpu.sync_copy(src_h.at[pl.ds(base, EPT)], idx_v)

        @pl.when(cid == 1)
        def _():
            pltpu.sync_copy(dst_h.at[pl.ds(base, EPT)], idx_v)

        z16 = jnp.zeros((16,), _f32)
        ones16 = jnp.ones((16,), _f32)

        def zbody(i, c):
            hist_v[pl.ds(i * 16, 16)] = z16
            return c

        def ebody(i, c):
            idx = idx_v[pl.ds(i * 16, 16)]
            plsc.addupdate_scatter(hist_v, [idx], ones16)
            return c

        def abody_t(t, c):
            sl = pl.ds(t * 16, 16)
            acc_v[sl] = acc_v[sl] + tmp_v[sl]
            return c

        def abody_t2(t, c):
            sl = pl.ds(t * 16, 16)
            acc_v[sl] = acc_v[sl] + tmp2_v[sl]
            return c

        lax.fori_loop(0, NPAD // 16, zbody, 0)
        lax.fori_loop(0, EPT // 16, ebody, 0)

        pltpu.sync_copy(hist_v, stage.at[sid])
        plsc.subcore_barrier()

        bufs = [(tmp_v, sem_a, abody_t), (tmp2_v, sem_b, abody_t2)]
        pltpu.sync_copy(stage.at[0, pl.ds(nb, NTILE)], acc_v)
        pltpu.async_copy(stage.at[1, pl.ds(nb, NTILE)], tmp_v, sem_a)
        for k in range(1, 16):
            buf, sem, ab = bufs[(k - 1) % 2]
            nbuf, nsem, _ = bufs[k % 2]
            pltpu.make_async_copy(stage.at[k, pl.ds(nb, NTILE)], buf,
                                  sem).wait()
            if k < 15:
                pltpu.async_copy(stage.at[k + 1, pl.ds(nb, NTILE)], nbuf,
                                 nsem)
            lax.fori_loop(0, NTILE // 16, ab, 0)

        def rbody(t, c):
            sl = pl.ds(t * 16, 16)
            acc_v[sl] = _rsqrt16(acc_v[sl])
            return c

        lax.fori_loop(0, NTILE // 16, rbody, 0)

        @pl.when(cid == 0)
        def _():
            pltpu.sync_copy(acc_v, nout_h.at[pl.ds(nb, NTILE)])

        @pl.when(cid == 1)
        def _():
            pltpu.sync_copy(acc_v, nin_h.at[pl.ds(nb, NTILE)])

    return deg_kernel(src, dst)


def _u_call(src, dst, norm_in):
    EPT2 = N_EDGES // 32
    mesh = plsc.VectorSubcoreMesh(core_axis_name="c", subcore_axis_name="s")

    @functools.partial(
        pl.kernel,
        mesh=mesh,
        out_type=jax.ShapeDtypeStruct((2, NPAD), _f32),
        compiler_params=pltpu.CompilerParams(needs_layout_passes=False),
        scratch_types=[
            pltpu.VMEM((EPT2,), _i32),
            pltpu.VMEM((EPT2,), _i32),
            pltpu.VMEM((NPAD,), _f32),
            pltpu.VMEM((NPAD,), _f32),
            pltpu.VMEM((NTILE,), _f32),
            pltpu.VMEM((NTILE,), _f32),
            pltpu.VMEM((NTILE,), _f32),
            pltpu.VMEM_SHARED((16, NPAD), _f32),
            pltpu.SemaphoreType.DMA,
            pltpu.SemaphoreType.DMA,
        ],
    )
    def u_kernel(src_h, dst_h, nin_h, u_h, sv_v, dv_v, hist_v, normin_v,
                 tmp_v, tmp2_v, acc_v, stage, sem_a, sem_b):
        cid = lax.axis_index("c")
        sid = lax.axis_index("s")
        base = (cid * 16 + sid) * EPT2
        nb = sid * NTILE

        pltpu.sync_copy(src_h.at[pl.ds(base, EPT2)], sv_v)
        pltpu.sync_copy(dst_h.at[pl.ds(base, EPT2)], dv_v)
        pltpu.sync_copy(nin_h, normin_v)

        z16 = jnp.zeros((16,), _f32)

        def zbody(i, c):
            hist_v[pl.ds(i * 16, 16)] = z16
            return c

        lax.fori_loop(0, NPAD // 16, zbody, 0)

        def ubody(i, c):
            sl = pl.ds(i * 16, 16)
            vals = plsc.load_gather(normin_v, [dv_v[sl]])
            plsc.addupdate_scatter(hist_v, [sv_v[sl]], vals)
            return c

        lax.fori_loop(0, EPT2 // 16, ubody, 0)

        def abody_t(t, c):
            sl = pl.ds(t * 16, 16)
            acc_v[sl] = acc_v[sl] + tmp_v[sl]
            return c

        def abody_t2(t, c):
            sl = pl.ds(t * 16, 16)
            acc_v[sl] = acc_v[sl] + tmp2_v[sl]
            return c

        pltpu.sync_copy(hist_v, stage.at[sid])
        plsc.subcore_barrier()
        bufs = [(tmp_v, sem_a, abody_t), (tmp2_v, sem_b, abody_t2)]
        pltpu.sync_copy(stage.at[0, pl.ds(nb, NTILE)], acc_v)
        pltpu.async_copy(stage.at[1, pl.ds(nb, NTILE)], tmp_v, sem_a)
        for k in range(1, 16):
            buf, sem, ab = bufs[(k - 1) % 2]
            nbuf, nsem, _ = bufs[k % 2]
            pltpu.make_async_copy(stage.at[k, pl.ds(nb, NTILE)], buf,
                                  sem).wait()
            if k < 15:
                pltpu.async_copy(stage.at[k + 1, pl.ds(nb, NTILE)], nbuf,
                                 nsem)
            lax.fori_loop(0, NTILE // 16, ab, 0)

        @pl.when(cid == 0)
        def _():
            pltpu.sync_copy(acc_v, u_h.at[0, pl.ds(nb, NTILE)])

        @pl.when(cid == 1)
        def _():
            pltpu.sync_copy(acc_v, u_h.at[1, pl.ds(nb, NTILE)])

    return u_kernel(src, dst, norm_in)


def _scale_call(x, norm_out):
    mt = 1000

    def body(x_ref, n_ref, o_ref):
        sc = x_ref[...] * n_ref[...]
        o_ref[0] = sc[:, :HF]
        o_ref[1] = sc[:, HF:]

    return pl.pallas_call(
        body,
        grid=(N_NODES // mt,),
        in_specs=[
            pl.BlockSpec((mt, IN_FEATS), lambda m: (m, 0)),
            pl.BlockSpec((mt, 1), lambda m: (m, 0)),
        ],
        out_specs=pl.BlockSpec((2, mt, HF), lambda m: (0, m, 0)),
        out_shape=jax.ShapeDtypeStruct((2, N_NODES, HF), _f32),
    )(x, norm_out)


def _edge_agg_call(srcf, dst, h0v):
    mesh = plsc.VectorSubcoreMesh(core_axis_name="c", subcore_axis_name="s")

    @functools.partial(
        pl.kernel,
        mesh=mesh,
        out_type=jax.ShapeDtypeStruct((2, NPAD, HF), _f32),
        compiler_params=pltpu.CompilerParams(needs_layout_passes=False),
        scratch_types=[
            pltpu.VMEM((EPP,), _i32),
            pltpu.VMEM((EPP,), _i32),
            pltpu.VMEM((CH,), _i32),
            pltpu.VMEM((CH,), _i32),
            pltpu.VMEM((CH,), _i32),
            pltpu.VMEM((CH, HF), _f32),
            pltpu.VMEM((CH, HF), _f32),
            pltpu.VMEM_SHARED((NPAD, HF), _f32),
            pltpu.SemaphoreType.DMA,
            pltpu.SemaphoreType.DMA,
        ],
    )
    def agg_kernel(srcf_h, dst_h, h0v_h, agg_h,
                   g_v, dst_v, idx_a, idx_b, dsts_v, rows_a, rows_b,
                   acc_s, sem_a, sem_b):
        cid = lax.axis_index("c")
        sid = lax.axis_index("s")
        base = sid * EPP
        nb = sid * NTILE
        coff = cid * N_NODES

        pltpu.sync_copy(srcf_h.at[pl.ds(base, EPP)], g_v)
        pltpu.sync_copy(dst_h.at[pl.ds(base, EPP)], dst_v)

        z16 = jnp.zeros((16,), _f32)

        def zrow(i, c):
            for t in range(HF // 16):
                rows_a[i, pl.ds(t * 16, 16)] = z16
            return c

        lax.fori_loop(0, CH, zrow, 0)
        for q in range(NTILE // CH):
            pltpu.sync_copy(rows_a, acc_s.at[pl.ds(nb + q * CH, CH)])
        rem = NTILE - (NTILE // CH) * CH
        if rem:
            pltpu.sync_copy(rows_a.at[pl.ds(0, rem)],
                            acc_s.at[pl.ds(nb + (NTILE // CH) * CH, rem)])

        plsc.subcore_barrier()

        def build(flat, j, dref, off):
            for t in range(CH // 16):
                sl = pl.ds(t * 16, 16)
                dref[sl] = flat[pl.ds(j * CH + t * 16, 16)] + off

        def gather(j, idx, rows, sem):
            build(g_v, j, idx, coff)
            pltpu.async_copy(h0v_h.at[idx], rows, sem)

        def wait(rows, sem):
            pltpu.make_async_copy(h0v_h.at[idx_a], rows, sem).wait()

        def scatter(j, rows):
            build(dst_v, j, dsts_v, 0)
            pltpu.sync_copy(rows, acc_s.at[dsts_v], add=True)

        gather(0, idx_a, rows_a, sem_a)
        gather(1, idx_b, rows_b, sem_b)

        def pair_body(j2, c):
            ja = 2 * j2
            jb = ja + 1
            wait(rows_a, sem_a)
            scatter(ja, rows_a)
            gather(ja + 2, idx_a, rows_a, sem_a)
            wait(rows_b, sem_b)
            scatter(jb, rows_b)

            @pl.when(j2 < (NCH - 3) // 2)
            def _():
                gather(jb + 2, idx_b, rows_b, sem_b)

            return c

        lax.fori_loop(0, (NCH - 1) // 2, pair_body, 0)
        wait(rows_a, sem_a)
        scatter(NCH - 1, rows_a)

        plsc.subcore_barrier()

        @pl.when(cid == 0)
        def _():
            pltpu.sync_copy(acc_s.at[pl.ds(nb, NTILE)],
                            agg_h.at[0, pl.ds(nb, NTILE)])

        @pl.when(cid == 1)
        def _():
            pltpu.sync_copy(acc_s.at[pl.ds(nb, NTILE)],
                            agg_h.at[1, pl.ds(nb, NTILE)])

    return agg_kernel(srcf, dst, h0v)


def _dense_call(agg, w1r, b1, norm_in, u, norm_out, W2, b2):
    mt = 1024
    grid = NPAD // mt
    dn = (((1,), (0,)), ((), ()))
    dn_pool = (((0,), (0,)), ((), ()))
    prec = jax.lax.Precision.DEFAULT

    def body(agg_ref, w1_ref, b1_ref, nin_ref, u_ref, nout_ref, w2_ref,
             b2_ref, out_ref, pooled_ref):
        m = pl.program_id(0)

        @pl.when(m == 0)
        def _():
            pooled_ref[...] = jnp.zeros_like(pooled_ref)

        hid = lax.dot_general(agg_ref[0], w1_ref[0], dn, precision=prec,
                              preferred_element_type=_f32)
        hid = hid + lax.dot_general(agg_ref[1], w1_ref[1], dn, precision=prec,
                                    preferred_element_type=_f32)
        hid = hid * nin_ref[...] + b1_ref[...]
        h1 = jnp.maximum(hid, 0.0)
        w = (u_ref[0] + u_ref[1]) * nout_ref[...]
        pooled_ref[...] += lax.dot_general(w, h1, dn_pool, precision=prec,
                                           preferred_element_type=_f32)

        @pl.when(m == grid - 1)
        def _():
            out_ref[...] = lax.dot_general(
                pooled_ref[...] * (1.0 / N_NODES), w2_ref[...], dn,
                precision=prec, preferred_element_type=_f32) + b2_ref[...]

    return pl.pallas_call(
        body,
        grid=(grid,),
        in_specs=[
            pl.BlockSpec((2, mt, HF), lambda m: (0, m, 0)),
            pl.BlockSpec((2, HF, H_FEATS), lambda m: (0, 0, 0)),
            pl.BlockSpec((1, H_FEATS), lambda m: (0, 0)),
            pl.BlockSpec((mt, 1), lambda m: (m, 0)),
            pl.BlockSpec((2, mt, 1), lambda m: (0, m, 0)),
            pl.BlockSpec((mt, 1), lambda m: (m, 0)),
            pl.BlockSpec((H_FEATS, NUM_CLASSES), lambda m: (0, 0)),
            pl.BlockSpec((1, NUM_CLASSES), lambda m: (0, 0)),
        ],
        out_specs=pl.BlockSpec((1, NUM_CLASSES), lambda m: (0, 0)),
        out_shape=jax.ShapeDtypeStruct((1, NUM_CLASSES), _f32),
        scratch_shapes=[pltpu.VMEM((1, H_FEATS), _f32)],
    )(agg, w1r, b1, norm_in, u, norm_out, W2, b2)


def kernel(x, edge_index, W1, b1, W2, b2):
    src = edge_index[0]
    dst = edge_index[1]

    norm_out_p, norm_in_p = _deg_norm_call(src, dst)
    u2 = _u_call(src, dst, norm_in_p)

    h0 = _scale_call(x, norm_out_p[:N_NODES, None])
    h0v = h0.reshape(2 * N_NODES, HF)

    pad = EPP - EPT
    spad = (jnp.arange(pad, dtype=_i32) * 125) % N_NODES
    dpad = N_NODES + (jnp.arange(pad, dtype=_i32) % (NPAD - N_NODES))
    srcp = jnp.concatenate(
        [src.reshape(16, EPT), jnp.broadcast_to(spad, (16, pad))],
        axis=1).reshape(-1)
    dstp = jnp.concatenate(
        [dst.reshape(16, EPT), jnp.broadcast_to(dpad, (16, pad))],
        axis=1).reshape(-1)
    agg = _edge_agg_call(srcp, dstp, h0v)

    w1r = W1.reshape(2, HF, H_FEATS)
    out = _dense_call(agg, w1r, b1.reshape(1, H_FEATS),
                      norm_in_p[:, None], u2[:, :, None], norm_out_p[:, None],
                      W2, b2.reshape(1, NUM_CLASSES))
    return out.reshape(NUM_CLASSES)

# --- scband reference (transcript-rebuilt; emitter-appended) ---
"""Pipeline reference for scband-gcn-79852031967344 (READ-ONLY COPY).

The authoritative reference and input builder live on the scoring server;
editing this copy changes nothing except your own understanding.
"""

import jax, jax.numpy as jnp
import numpy as np

N_NODES = 10000
N_EDGES = 160000
IN_FEATS = 256
H_FEATS = 1024
NUM_CLASSES = 128


def setup_inputs(seed: int = 0) -> dict:
    key = jax.random.key(seed)
    k1, k2, k3, k4, k5, k6 = jax.random.split(key, 6)
    x = jax.random.normal(k1, (N_NODES, IN_FEATS), dtype=jnp.float32)
    edge_index = jax.random.randint(k2, (2, N_EDGES), 0, N_NODES, dtype=jnp.int32)
    W1 = jax.random.normal(k3, (IN_FEATS, H_FEATS), dtype=jnp.float32) * 0.05
    b1 = jnp.zeros((H_FEATS,), dtype=jnp.float32)
    W2 = jax.random.normal(k4, (H_FEATS, NUM_CLASSES), dtype=jnp.float32) * 0.05
    b2 = jnp.zeros((NUM_CLASSES,), dtype=jnp.float32)
    return {"x": x, "edge_index": edge_index, "W1": W1, "b1": b1, "W2": W2, "b2": b2}


def _graph_conv(x, src, dst, W, b):
    # DGL GraphConv with norm='both' (symmetric normalization), bias=True.
    n = x.shape[0]
    ones = jnp.ones((src.shape[0],), dtype=x.dtype)
    deg_out = jax.ops.segment_sum(ones, src, num_segments=n)
    deg_in = jax.ops.segment_sum(ones, dst, num_segments=n)
    norm_out = jnp.where(deg_out > 0, deg_out ** -0.5, 0.0)
    norm_in = jnp.where(deg_in > 0, deg_in ** -0.5, 0.0)
    h = x * norm_out[:, None]
    in_f, out_f = W.shape
    if in_f > out_f:
        # multiply by W first, then aggregate (DGL optimization, same math)
        h = h @ W
        agg = jax.ops.segment_sum(h[src], dst, num_segments=n)
    else:
        agg = jax.ops.segment_sum(h[src], dst, num_segments=n)
        agg = agg @ W
    return agg * norm_in[:, None] + b


def reference(x, edge_index, W1, b1, W2, b2):
    src = edge_index[0]
    dst = edge_index[1]
    h = _graph_conv(x, src, dst, W1, b1)
    h = jax.nn.relu(h)
    h = _graph_conv(h, src, dst, W2, b2)
    # dgl.mean_nodes over a single (non-batched) graph -> mean over all nodes
    return jnp.mean(h, axis=0)

if __name__ == "__main__":
    import jax
    _d = setup_inputs()
    print(jax.jit(kernel)(*tuple(_d.values())))

</pallas_src>

<mosaic_0001>
#map = affine_map<(d0, d1) -> (0)>
module attributes {stable_mosaic.version = 14 : i64} {
  func.func @deg_kernel(%arg0: i32, %arg1: i32, %arg2: memref<160000xi32, #tpu.memory_space<hbm>>, %arg3: memref<160000xi32, #tpu.memory_space<hbm>>, %arg4: memref<10240xf32, #tpu.memory_space<hbm>>, %arg5: memref<10240xf32, #tpu.memory_space<hbm>>, %arg6: memref<10000xi32, #tpu.memory_space<vmem>>, %arg7: memref<10240xf32, #tpu.memory_space<vmem>>, %arg8: memref<640xf32, #tpu.memory_space<vmem>>, %arg9: memref<640xf32, #tpu.memory_space<vmem>>, %arg10: memref<640xf32, #tpu.memory_space<vmem>>, %arg11: memref<16x10240xf32, #tpu.memory_space<vmem_shared>>, %arg12: memref<!tpu.dma_semaphore, #tpu.memory_space<semaphore_mem>>, %arg13: memref<!tpu.dma_semaphore, #tpu.memory_space<semaphore_mem>>) attributes {dimension_semantics = [#tpu.dimension_semantics<core_parallel>, #tpu.dimension_semantics<subcore_parallel>], iteration_bounds = array<i64: 2, 16>, scalar_prefetch = 0 : i64, scratch_operands = 8 : i64, tpu.core_type = #tpu.core_type<sc_vector_subcore>, window_params = [{transform_indices = #map}, {transform_indices = #map}, {transform_indices = #map}, {transform_indices = #map}]} {
    %mul3A = arith.constant 10000 : i32
    %mul3A_0 = arith.muli %arg1, %mul3A : i32
    %mul3A_1 = arith.constant 640 : i32
    %mul3A_2 = arith.muli %arg1, %mul3A_1 : i32
    %eq3A = arith.constant 0 : i32
    %eq3A_3 = arith.cmpi eq, %arg0, %eq3A : i32
    %convert_element_type3A = arith.extui %eq3A_3 : i1 to i32
    %cond3A = arith.constant 0 : i32
    %cond3A_4 = arith.cmpi ne, %convert_element_type3A, %cond3A : i32
    scf.if %cond3A_4 {
      "tpu.region"() ({
        %run_scoped3A_278 = tpu.sem_alloc : memref<!tpu.dma_semaphore, #tpu.memory_space<semaphore_mem>>
        %dma_start3A_279 = tpu.memref_slice %arg2[%mul3A_0] : memref<160000xi32, #tpu.memory_space<hbm>> -> memref<10000xi32, #tpu.memory_space<hbm>>
        %dma_start3A_280 = tpu.memref_slice %arg2[%mul3A_0] : memref<160000xi32, #tpu.memory_space<hbm>> -> memref<10000xi32, #tpu.memory_space<hbm>>
        tpu.enqueue_dma source(%dma_start3A_280 : memref<10000xi32, #tpu.memory_space<hbm>>) target(%arg6 : memref<10000xi32, #tpu.memory_space<vmem>>) target_semaphore(%run_scoped3A_278 : memref<!tpu.dma_semaphore, #tpu.memory_space<semaphore_mem>>)
        %dma_wait3A_281 = tpu.memref_slice %arg2[%mul3A_0] : memref<160000xi32, #tpu.memory_space<hbm>> -> memref<10000xi32, #tpu.memory_space<hbm>>
        %dma_wait3A_282 = tpu.memref_slice %arg2[%mul3A_0] : memref<160000xi32, #tpu.memory_space<hbm>> -> memref<10000xi32, #tpu.memory_space<hbm>>
        tpu.wait_dma2 semaphore(%run_scoped3A_278 : memref<!tpu.dma_semaphore, #tpu.memory_space<semaphore_mem>>) src(%dma_wait3A_282 : memref<10000xi32, #tpu.memory_space<hbm>>) dst(%arg6 : memref<10000xi32, #tpu.memory_space<vmem>>)
        tpu.yield
      }) : () -> ()
    } else {
    }
    %eq3A_5 = arith.constant 1 : i32
    %eq3A_6 = arith.cmpi eq, %arg0, %eq3A_5 : i32
    %convert_element_type3A_7 = arith.extui %eq3A_6 : i1 to i32
    %cond3A_8 = arith.constant 0 : i32
    %cond3A_9 = arith.cmpi ne, %convert_element_type3A_7, %cond3A_8 : i32
    scf.if %cond3A_9 {
      "tpu.region"() ({
        %run_scoped3A_278 = tpu.sem_alloc : memref<!tpu.dma_semaphore, #tpu.memory_space<semaphore_mem>>
        %dma_start3A_279 = tpu.memref_slice %arg3[%mul3A_0] : memref<160000xi32, #tpu.memory_space<hbm>> -> memref<10000xi32, #tpu.memory_space<hbm>>
        %dma_start3A_280 = tpu.memref_slice %arg3[%mul3A_0] : memref<160000xi32, #tpu.memory_space<hbm>> -> memref<10000xi32, #tpu.memory_space<hbm>>
        tpu.enqueue_dma source(%dma_start3A_280 : memref<10000xi32, #tpu.memory_space<hbm>>) target(%arg6 : memref<10000xi32, #tpu.memory_space<vmem>>) target_semaphore(%run_scoped3A_278 : memref<!tpu.dma_semaphore, #tpu.memory_space<semaphore_mem>>)
        %dma_wait3A_281 = tpu.memref_slice %arg3[%mul3A_0] : memref<160000xi32, #tpu.memory_space<hbm>> -> memref<10000xi32, #tpu.memory_space<hbm>>
        %dma_wait3A_282 = tpu.memref_slice %arg3[%mul3A_0] : memref<160000xi32, #tpu.memory_space<hbm>> -> memref<10000xi32, #tpu.memory_space<hbm>>
        tpu.wait_dma2 semaphore(%run_scoped3A_278 : memref<!tpu.dma_semaphore, #tpu.memory_space<semaphore_mem>>) src(%dma_wait3A_282 : memref<10000xi32, #tpu.memory_space<hbm>>) dst(%arg6 : memref<10000xi32, #tpu.memory_space<vmem>>)
        tpu.yield
      }) : () -> ()
    } else {
    }
    %broadcast_in_dim3A = arith.constant 0.000000e+00 : f32
    %broadcast_in_dim3A_10 = vector.broadcast %broadcast_in_dim3A : f32 to vector<16xf32>
    %broadcast_in_dim3A_11 = arith.constant 1.000000e+00 : f32
    %broadcast_in_dim3A_12 = vector.broadcast %broadcast_in_dim3A_11 : f32 to vector<16xf32>
    %scan3A = arith.constant 0 : i32
    %scan3A_13 = arith.constant 0 : i32
    %scan3A_14 = arith.constant 640 : i32
    %scan3A_15 = arith.addi %scan3A_13, %scan3A_14 : i32
    %scan3A_16 = arith.constant 1 : i32
    scf.for %scan3A_278 = %scan3A_13 to %scan3A_15 step %scan3A_16  : i32 {
      %mul3A_279 = arith.constant 16 : i32
      %mul3A_280 = arith.muli %scan3A_278, %mul3A_279 : i32
      %swap3A = arith.index_cast %mul3A_280 : i32 to index
      %swap3A_281 = tpu.vector_load %arg7[%swap3A] {strides = array<i32>} : memref<10240xf32, #tpu.memory_space<vmem>>, vector<16xf32>,
      tpu.vector_store %arg7[%swap3A], %broadcast_in_dim3A_10 {strides = array<i32>} : memref<10240xf32, #tpu.memory_space<vmem>>, vector<16xf32>,
    }
    %scan3A_17 = arith.constant 640 : i32
    %scan3A_18 = arith.constant 0 : i32
    %scan3A_19 = arith.constant 0 : i32
    %scan3A_20 = arith.constant 625 : i32
    %scan3A_21 = arith.addi %scan3A_19, %scan3A_20 : i32
    %scan3A_22 = arith.constant 1 : i32
    scf.for %scan3A_278 = %scan3A_19 to %scan3A_21 step %scan3A_22  : i32 {
      %mul3A_279 = arith.constant 16 : i32
      %mul3A_280 = arith.muli %scan3A_278, %mul3A_279 : i32
      %get3A = arith.index_cast %mul3A_280 : i32 to index
      %get3A_281 = tpu.vector_load %arg6[%get3A] {strides = array<i32>} : memref<10000xi32, #tpu.memory_space<vmem>>, vector<16xi32>,
      tpu.vector_store_idx %arg7[%get3A_281], %broadcast_in_dim3A_12 {add = true} : memref<10240xf32, #tpu.memory_space<vmem>>[vector<16xi32>], vector<16xf32>,
    }
    %scan3A_23 = arith.constant 625 : i32
    "tpu.region"() ({
      %run_scoped3A_278 = tpu.sem_alloc : memref<!tpu.dma_semaphore, #tpu.memory_space<semaphore_mem>>
      %dma_start3A_279 = arith.constant 0 : i32
      %dma_start3A_280 = tpu.memref_slice %arg11[%arg1, %dma_start3A_279] : memref<16x10240xf32, #tpu.memory_space<vmem_shared>> -> memref<1x10240xf32, #tpu.memory_space<vmem_shared>>
      %dma_start3A_281 = tpu.memref_squeeze %dma_start3A_280 : memref<1x10240xf32, #tpu.memory_space<vmem_shared>> -> memref<10240xf32, #tpu.memory_space<vmem_shared>>
      %dma_start3A_282 = arith.constant 0 : i32
      %dma_start3A_283 = tpu.memref_slice %arg11[%arg1, %dma_start3A_282] : memref<16x10240xf32, #tpu.memory_space<vmem_shared>> -> memref<1x10240xf32, #tpu.memory_space<vmem_shared>>
      %dma_start3A_284 = tpu.memref_squeeze %dma_start3A_283 : memref<1x10240xf32, #tpu.memory_space<vmem_shared>> -> memref<10240xf32, #tpu.memory_space<vmem_shared>>
      tpu.enqueue_dma source(%arg7 : memref<10240xf32, #tpu.memory_space<vmem>>) target(%dma_start3A_284 : memref<10240xf32, #tpu.memory_space<vmem_shared>>) target_semaphore(%run_scoped3A_278 : memref<!tpu.dma_semaphore, #tpu.memory_space<semaphore_mem>>)
      %dma_wait3A_285 = arith.constant 0 : i32
      %dma_wait3A_286 = tpu.memref_slice %arg11[%arg1, %dma_wait3A_285] : memref<16x10240xf32, #tpu.memory_space<vmem_shared>> -> memref<1x10240xf32, #tpu.memory_space<vmem_shared>>
      %dma_wait3A_287 = tpu.memref_squeeze %dma_wait3A_286 : memref<1x10240xf32, #tpu.memory_space<vmem_shared>> -> memref<10240xf32, #tpu.memory_space<vmem_shared>>
      %dma_wait3A_288 = arith.constant 0 : i32
      %dma_wait3A_289 = tpu.memref_slice %arg11[%arg1, %dma_wait3A_288] : memref<16x10240xf32, #tpu.memory_space<vmem_shared>> -> memref<1x10240xf32, #tpu.memory_space<vmem_shared>>
      %dma_wait3A_290 = tpu.memref_squeeze %dma_wait3A_289 : memref<1x10240xf32, #tpu.memory_space<vmem_shared>> -> memref<10240xf32, #tpu.memory_space<vmem_shared>>
      tpu.wait_dma2 semaphore(%run_scoped3A_278 : memref<!tpu.dma_semaphore, #tpu.memory_space<semaphore_mem>>) src(%arg7 : memref<10240xf32, #tpu.memory_space<vmem>>) dst(%dma_wait3A_290 : memref<10240xf32, #tpu.memory_space<vmem_shared>>)
      tpu.yield
    }) : () -> ()
    %barrier3A = arith.constant 0 : index
    tpu.barrier barrier_id(%barrier3A)
    %run_scoped3A = arith.constant 0 : i32
    "tpu.region"() ({
      %run_scoped3A_278 = tpu.sem_alloc : memref<!tpu.dma_semaphore, #tpu.memory_space<semaphore_mem>>
      %dma_start3A_279 = tpu.memref_slice %arg11[%run_scoped3A, %mul3A_2] : memref<16x10240xf32, #tpu.memory_space<vmem_shared>> -> memref<1x640xf32, #tpu.memory_space<vmem_shared>>
      %dma_start3A_280 = tpu.memref_squeeze %dma_start3A_279 : memref<1x640xf32, #tpu.memory_space<vmem_shared>> -> memref<640xf32, #tpu.memory_space<vmem_shared>>
      %dma_start3A_281 = tpu.memref_slice %arg11[%run_scoped3A, %mul3A_2] : memref<16x10240xf32, #tpu.memory_space<vmem_shared>> -> memref<1x640xf32, #tpu.memory_space<vmem_shared>>
      %dma_start3A_282 = tpu.memref_squeeze %dma_start3A_281 : memref<1x640xf32, #tpu.memory_space<vmem_shared>> -> memref<640xf32, #tpu.memory_space<vmem_shared>>
      tpu.enqueue_dma source(%dma_start3A_282 : memref<640xf32, #tpu.memory_space<vmem_shared>>) target(%arg10 : memref<640xf32, #tpu.memory_space<vmem>>) target_semaphore(%run_scoped3A_278 : memref<!tpu.dma_semaphore, #tpu.memory_space<semaphore_mem>>)
      %dma_wait3A_283 = tpu.memref_slice %arg11[%run_scoped3A, %mul3A_2] : memref<16x10240xf32, #tpu.memory_space<vmem_shared>> -> memref<1x640xf32, #tpu.memory_space<vmem_shared>>
      %dma_wait3A_284 = tpu.memref_squeeze %dma_wait3A_283 : memref<1x640xf32, #tpu.memory_space<vmem_shared>> -> memref<640xf32, #tpu.memory_space<vmem_shared>>
      %dma_wait3A_285 = tpu.memref_slice %arg11[%run_scoped3A, %mul3A_2] : memref<16x10240xf32, #tpu.memory_space<vmem_shared>> -> memref<1x640xf32, #tpu.memory_space<vmem_shared>>
      %dma_wait3A_286 = tpu.memref_squeeze %dma_wait3A_285 : memref<1x640xf32, #tpu.memory_space<vmem_shared>> -> memref<640xf32, #tpu.memory_space<vmem_shared>>
      tpu.wait_dma2 semaphore(%run_scoped3A_278 : memref<!tpu.dma_semaphore, #tpu.memory_space<semaphore_mem>>) src(%dma_wait3A_286 : memref<640xf32, #tpu.memory_space<vmem_shared>>) dst(%arg10 : memref<640xf32, #tpu.memory_space<vmem>>)
      tpu.yield
    }) : () -> ()
    %dma_start3A = arith.constant 1 : i32
    %dma_start3A_24 = tpu.memref_slice %arg11[%dma_start3A, %mul3A_2] : memref<16x10240xf32, #tpu.memory_space<vmem_shared>> -> memref<1x640xf32, #tpu.memory_space<vmem_shared>>
    %dma_start3A_25 = tpu.memref_squeeze %dma_start3A_24 : memref<1x640xf32, #tpu.memory_space<vmem_shared>> -> memref<640xf32, #tpu.memory_space<vmem_shared>>
    %dma_start3A_26 = tpu.memref_slice %arg11[%dma_start3A, %mul3A_2] : memref<16x10240xf32, #tpu.memory_space<vmem_shared>> -> memref<1x640xf32, #tpu.memory_space<vmem_shared>>
    %dma_start3A_27 = tpu.memref_squeeze %dma_start3A_26 : memref<1x640xf32, #tpu.memory_space<vmem_shared>> -> memref<640xf32, #tpu.memory_space<vmem_shared>>
    tpu.enqueue_dma source(%dma_start3A_27 : memref<640xf32, #tpu.memory_space<vmem_shared>>) target(%arg8 : memref<640xf32, #tpu.memory_space<vmem>>) target_semaphore(%arg12 : memref<!tpu.dma_semaphore, #tpu.memory_space<semaphore_mem>>)
    %dma_wait3A = arith.constant 1 : i32
    %dma_wait3A_28 = tpu.memref_slice %arg11[%dma_wait3A, %mul3A_2] : memref<16x10240xf32, #tpu.memory_space<vmem_shared>> -> memref<1x640xf32, #tpu.memory_space<vmem_shared>>
    %dma_wait3A_29 = tpu.memref_squeeze %dma_wait3A_28 : memref<1x640xf32, #tpu.memory_space<vmem_shared>> -> memref<640xf32, #tpu.memory_space<vmem_shared>>
    %dma_wait3A_30 = tpu.memref_slice %arg11[%dma_wait3A, %mul3A_2] : memref<16x10240xf32, #tpu.memory_space<vmem_shared>> -> memref<1x640xf32, #tpu.memory_space<vmem_shared>>
    %dma_wait3A_31 = tpu.memref_squeeze %dma_wait3A_30 : memref<1x640xf32, #tpu.memory_space<vmem_shared>> -> memref<640xf32, #tpu.memory_space<vmem_shared>>
    tpu.wait_dma2 semaphore(%arg12 : memref<!tpu.dma_semaphore, #tpu.memory_space<semaphore_mem>>) src(%dma_wait3A_31 : memref<640xf32, #tpu.memory_space<vmem_shared>>) dst(%arg8 : memref<640xf32, #tpu.memory_space<vmem>>)
    %dma_start3A_32 = arith.constant 2 : i32
    %dma_start3A_33 = tpu.memref_slice %arg11[%dma_start3A_32, %mul3A_2] : memref<16x10240xf32, #tpu.memory_space<vmem_shared>> -> memref<1x640xf32, #tpu.memory_space<vmem_shared>>
    %dma_start3A_34 = tpu.memref_squeeze %dma_start3A_33 : memref<1x640xf32, #tpu.memory_space<vmem_shared>> -> memref<640xf32, #tpu.memory_space<vmem_shared>>
    %dma_start3A_35 = tpu.memref_slice %arg11[%dma_start3A_32, %mul3A_2] : memref<16x10240xf32, #tpu.memory_space<vmem_shared>> -> memref<1x640xf32, #tpu.memory_space<vmem_shared>>
    %dma_start3A_36 = tpu.memref_squeeze %dma_start3A_35 : memref<1x640xf32, #tpu.memory_space<vmem_shared>> -> memref<640xf32, #tpu.memory_space<vmem_shared>>
    tpu.enqueue_dma source(%dma_start3A_36 : memref<640xf32, #tpu.memory_space<vmem_shared>>) target(%arg9 : memref<640xf32, #tpu.memory_space<vmem>>) target_semaphore(%arg13 : memref<!tpu.dma_semaphore, #tpu.memory_space<semaphore_mem>>)
    %scan3A_37 = arith.constant 0 : i32
    %scan3A_38 = arith.constant 0 : i32
    %scan3A_39 = arith.constant 40 : i32
    %scan3A_40 = arith.addi %scan3A_38, %scan3A_39 : i32
    %scan3A_41 = arith.constant 1 : i32
    scf.for %scan3A_278 = %scan3A_38 to %scan3A_40 step %scan3A_41  : i32 {
      %mul3A_279 = arith.constant 16 : i32
      %mul3A_280 = arith.muli %scan3A_278, %mul3A_279 : i32
      %get3A = arith.index_cast %mul3A_280 : i32 to index
      %get3A_281 = tpu.vector_load %arg10[%get3A] {strides = array<i32>} : memref<640xf32, #tpu.memory_space<vmem>>, vector<16xf32>,
      %get3A_282 = arith.index_cast %mul3A_280 : i32 to index
      %get3A_283 = tpu.vector_load %arg8[%get3A_282] {strides = array<i32>} : memref<640xf32, #tpu.memory_space<vmem>>, vector<16xf32>,
      %add3A = arith.addf %get3A_281, %get3A_283 : vector<16xf32>
      %swap3A = arith.index_cast %mul3A_280 : i32 to index
      %swap3A_284 = tpu.vector_load %arg10[%swap3A] {strides = array<i32>} : memref<640xf32, #tpu.memory_space<vmem>>, vector<16xf32>,
      tpu.vector_store %arg10[%swap3A], %add3A {strides = array<i32>} : memref<640xf32, #tpu.memory_space<vmem>>, vector<16xf32>,
    }
    %scan3A_42 = arith.constant 40 : i32
    %dma_wait3A_43 = arith.constant 2 : i32
    %dma_wait3A_44 = tpu.memref_slice %arg11[%dma_wait3A_43, %mul3A_2] : memref<16x10240xf32, #tpu.memory_space<vmem_shared>> -> memref<1x640xf32, #tpu.memory_space<vmem_shared>>
    %dma_wait3A_45 = tpu.memref_squeeze %dma_wait3A_44 : memref<1x640xf32, #tpu.memory_space<vmem_shared>> -> memref<640xf32, #tpu.memory_space<vmem_shared>>
    %dma_wait3A_46 = tpu.memref_slice %arg11[%dma_wait3A_43, %mul3A_2] : memref<16x10240xf32, #tpu.memory_space<vmem_shared>> -> memref<1x640xf32, #tpu.memory_space<vmem_shared>>
    %dma_wait3A_47 = tpu.memref_squeeze %dma_wait3A_46 : memref<1x640xf32, #tpu.memory_space<vmem_shared>> -> memref<640xf32, #tpu.memory_space<vmem_shared>>
    tpu.wait_dma2 semaphore(%arg13 : memref<!tpu.dma_semaphore, #tpu.memory_space<semaphore_mem>>) src(%dma_wait3A_47 : memref<640xf32, #tpu.memory_space<vmem_shared>>) dst(%arg9 : memref<640xf32, #tpu.memory_space<vmem>>)
    %dma_start3A_48 = arith.constant 3 : i32
    %dma_start3A_49 = tpu.memref_slice %arg11[%dma_start3A_48, %mul3A_2] : memref<16x10240xf32, #tpu.memory_space<vmem_shared>> -> memref<1x640xf32, #tpu.memory_space<vmem_shared>>
    %dma_start3A_50 = tpu.memref_squeeze %dma_start3A_49 : memref<1x640xf32, #tpu.memory_space<vmem_shared>> -> memref<640xf32, #tpu.memory_space<vmem_shared>>
    %dma_start3A_51 = tpu.memref_slice %arg11[%dma_start3A_48, %mul3A_2] : memref<16x10240xf32, #tpu.memory_space<vmem_shared>> -> memref<1x640xf32, #tpu.memory_space<vmem_shared>>
    %dma_start3A_52 = tpu.memref_squeeze %dma_start3A_51 : memref<1x640xf32, #tpu.memory_space<vmem_shared>> -> memref<640xf32, #tpu.memory_space<vmem_shared>>
    tpu.enqueue_dma source(%dma_start3A_52 : memref<640xf32, #tpu.memory_space<vmem_shared>>) target(%arg8 : memref<640xf32, #tpu.memory_space<vmem>>) target_semaphore(%arg12 : memref<!tpu.dma_semaphore, #tpu.memory_space<semaphore_mem>>)
    %scan3A_53 = arith.constant 0 : i32
    %scan3A_54 = arith.constant 0 : i32
    %scan3A_55 = arith.constant 40 : i32
    %scan3A_56 = arith.addi %scan3A_54, %scan3A_55 : i32
    %scan3A_57 = arith.constant 1 : i32
    scf.for %scan3A_278 = %scan3A_54 to %scan3A_56 step %scan3A_57  : i32 {
      %mul3A_279 = arith.constant 16 : i32
      %mul3A_280 = arith.muli %scan3A_278, %mul3A_279 : i32
      %get3A = arith.index_cast %mul3A_280 : i32 to index
      %get3A_281 = tpu.vector_load %arg10[%get3A] {strides = array<i32>} : memref<640xf32, #tpu.memory_space<vmem>>, vector<16xf32>,
      %get3A_282 = arith.index_cast %mul3A_280 : i32 to index
      %get3A_283 = tpu.vector_load %arg9[%get3A_282] {strides = array<i32>} : memref<640xf32, #tpu.memory_space<vmem>>, vector<16xf32>,
      %add3A = arith.addf %get3A_281, %get3A_283 : vector<16xf32>
      %swap3A = arith.index_cast %mul3A_280 : i32 to index
      %swap3A_284 = tpu.vector_load %arg10[%swap3A] {strides = array<i32>} : memref<640xf32, #tpu.memory_space<vmem>>, vector<16xf32>,
      tpu.vector_store %arg10[%swap3A], %add3A {strides = array<i32>} : memref<640xf32, #tpu.memory_space<vmem>>, vector<16xf32>,
    }
    %scan3A_58 = arith.constant 40 : i32
    %dma_wait3A_59 = arith.constant 3 : i32
    %dma_wait3A_60 = tpu.memref_slice %arg11[%dma_wait3A_59, %mul3A_2] : memref<16x10240xf32, #tpu.memory_space<vmem_shared>> -> memref<1x640xf32, #tpu.memory_space<vmem_shared>>
    %dma_wait3A_61 = tpu.memref_squeeze %dma_wait3A_60 : memref<1x640xf32, #tpu.memory_space<vmem_shared>> -> memref<640xf32, #tpu.memory_space<vmem_shared>>
    %dma_wait3A_62 = tpu.memref_slice %arg11[%dma_wait3A_59, %mul3A_2] : memref<16x10240xf32, #tpu.memory_space<vmem_shared>> -> memref<1x640xf32, #tpu.memory_space<vmem_shared>>
    %dma_wait3A_63 = tpu.memref_squeeze %dma_wait3A_62 : memref<1x640xf32, #tpu.memory_space<vmem_shared>> -> memref<640xf32, #tpu.memory_space<vmem_shared>>
    tpu.wait_dma2 semaphore(%arg12 : memref<!tpu.dma_semaphore, #tpu.memory_space<semaphore_mem>>) src(%dma_wait3A_63 : memref<640xf32, #tpu.memory_space<vmem_shared>>) dst(%arg8 : memref<640xf32, #tpu.memory_space<vmem>>)
    %dma_start3A_64 = arith.constant 4 : i32
    %dma_start3A_65 = tpu.memref_slice %arg11[%dma_start3A_64, %mul3A_2] : memref<16x10240xf32, #tpu.memory_space<vmem_shared>> -> memref<1x640xf32, #tpu.memory_space<vmem_shared>>
    %dma_start3A_66 = tpu.memref_squeeze %dma_start3A_65 : memref<1x640xf32, #tpu.memory_space<vmem_shared>> -> memref<640xf32, #tpu.memory_space<vmem_shared>>
    %dma_start3A_67 = tpu.memref_slice %arg11[%dma_start3A_64, %mul3A_2] : memref<16x10240xf32, #tpu.memory_space<vmem_shared>> -> memref<1x640xf32, #tpu.memory_space<vmem_shared>>
    %dma_start3A_68 = tpu.memref_squeeze %dma_start3A_67 : memref<1x640xf32, #tpu.memory_space<vmem_shared>> -> memref<640xf32, #tpu.memory_space<vmem_shared>>
    tpu.enqueue_dma source(%dma_start3A_68 : memref<640xf32, #tpu.memory_space<vmem_shared>>) target(%arg9 : memref<640xf32, #tpu.memory_space<vmem>>) target_semaphore(%arg13 : memref<!tpu.dma_semaphore, #tpu.memory_space<semaphore_mem>>)
    %scan3A_69 = arith.constant 0 : i32
    %scan3A_70 = arith.constant 0 : i32
    %scan3A_71 = arith.constant 40 : i32
    %scan3A_72 = arith.addi %scan3A_70, %scan3A_71 : i32
    %scan3A_73 = arith.constant 1 : i32
    scf.for %scan3A_278 = %scan3A_70 to %scan3A_72 step %scan3A_73  : i32 {
      %mul3A_279 = arith.constant 16 : i32
      %mul3A_280 = arith.muli %scan3A_278, %mul3A_279 : i32
      %get3A = arith.index_cast %mul3A_280 : i32 to index
      %get3A_281 = tpu.vector_load %arg10[%get3A] {strides = array<i32>} : memref<640xf32, #tpu.memory_space<vmem>>, vector<16xf32>,
      %get3A_282 = arith.index_cast %mul3A_280 : i32 to index
      %get3A_283 = tpu.vector_load %arg8[%get3A_282] {strides = array<i32>} : memref<640xf32, #tpu.memory_space<vmem>>, vector<16xf32>,
      %add3A = arith.addf %get3A_281, %get3A_283 : vector<16xf32>
      %swap3A = arith.index_cast %mul3A_280 : i32 to index
      %swap3A_284 = tpu.vector_load %arg10[%swap3A] {strides = array<i32>} : memref<640xf32, #tpu.memory_space<vmem>>, vector<16xf32>,
      tpu.vector_store %arg10[%swap3A], %add3A {strides = array<i32>} : memref<640xf32, #tpu.memory_space<vmem>>, vector<16xf32>,
    }
    %scan3A_74 = arith.constant 40 : i32
    %dma_wait3A_75 = arith.constant 4 : i32
    %dma_wait3A_76 = tpu.memref_slice %arg11[%dma_wait3A_75, %mul3A_2] : memref<16x10240xf32, #tpu.memory_space<vmem_shared>> -> memref<1x640xf32, #tpu.memory_space<vmem_shared>>
    %dma_wait3A_77 = tpu.memref_squeeze %dma_wait3A_76 : memref<1x640xf32, #tpu.memory_space<vmem_shared>> -> memref<640xf32, #tpu.memory_space<vmem_shared>>
    %dma_wait3A_78 = tpu.memref_slice %arg11[%dma_wait3A_75, %mul3A_2] : memref<16x10240xf32, #tpu.memory_space<vmem_shared>> -> memref<1x640xf32, #tpu.memory_space<vmem_shared>>
    %dma_wait3A_79 = tpu.memref_squeeze %dma_wait3A_78 : memref<1x640xf32, #tpu.memory_space<vmem_shared>> -> memref<640xf32, #tpu.memory_space<vmem_shared>>
    tpu.wait_dma2 semaphore(%arg13 : memref<!tpu.dma_semaphore, #tpu.memory_space<semaphore_mem>>) src(%dma_wait3A_79 : memref<640xf32, #tpu.memory_space<vmem_shared>>) dst(%arg9 : memref<640xf32, #tpu.memory_space<vmem>>)
    %dma_start3A_80 = arith.constant 5 : i32
    %dma_start3A_81 = tpu.memref_slice %arg11[%dma_start3A_80, %mul3A_2] : memref<16x10240xf32, #tpu.memory_space<vmem_shared>> -> memref<1x640xf32, #tpu.memory_space<vmem_shared>>
    %dma_start3A_82 = tpu.memref_squeeze %dma_start3A_81 : memref<1x640xf32, #tpu.memory_space<vmem_shared>> -> memref<640xf32, #tpu.memory_space<vmem_shared>>
    %dma_start3A_83 = tpu.memref_slice %arg11[%dma_start3A_80, %mul3A_2] : memref<16x10240xf32, #tpu.memory_space<vmem_shared>> -> memref<1x640xf32, #tpu.memory_space<vmem_shared>>
    %dma_start3A_84 = tpu.memref_squeeze %dma_start3A_83 : memref<1x640xf32, #tpu.memory_space<vmem_shared>> -> memref<640xf32, #tpu.memory_space<vmem_shared>>
    tpu.enqueue_dma source(%dma_start3A_84 : memref<640xf32, #tpu.memory_space<vmem_shared>>) target(%arg8 : memref<640xf32, #tpu.memory_space<vmem>>) target_semaphore(%arg12 : memref<!tpu.dma_semaphore, #tpu.memory_space<semaphore_mem>>)
    %scan3A_85 = arith.constant 0 : i32
    %scan3A_86 = arith.constant 0 : i32
    %scan3A_87 = arith.constant 40 : i32
    %scan3A_88 = arith.addi %scan3A_86, %scan3A_87 : i32
    %scan3A_89 = arith.constant 1 : i32
    scf.for %scan3A_278 = %scan3A_86 to %scan3A_88 step %scan3A_89  : i32 {
      %mul3A_279 = arith.constant 16 : i32
      %mul3A_280 = arith.muli %scan3A_278, %mul3A_279 : i32
      %get3A = arith.index_cast %mul3A_280 : i32 to index
      %get3A_281 = tpu.vector_load %arg10[%get3A] {strides = array<i32>} : memref<640xf32, #tpu.memory_space<vmem>>, vector<16xf32>,
      %get3A_282 = arith.index_cast %mul3A_280 : i32 to index
      %get3A_283 = tpu.vector_load %arg9[%get3A_282] {strides = array<i32>} : memref<640xf32, #tpu.memory_space<vmem>>, vector<16xf32>,
      %add3A = arith.addf %get3A_281, %get3A_283 : vector<16xf32>
      %swap3A = arith.index_cast %mul3A_280 : i32 to index
      %swap3A_284 = tpu.vector_load %arg10[%swap3A] {strides = array<i32>} : memref<640xf32, #tpu.memory_space<vmem>>, vector<16xf32>,
      tpu.vector_store %arg10[%swap3A], %add3A {strides = array<i32>} : memref<640xf32, #tpu.memory_space<vmem>>, vector<16xf32>,
    }
    %scan3A_90 = arith.constant 40 : i32
    %dma_wait3A_91 = arith.constant 5 : i32
    %dma_wait3A_92 = tpu.memref_slice %arg11[%dma_wait3A_91, %mul3A_2] : memref<16x10240xf32, #tpu.memory_space<vmem_shared>> -> memref<1x640xf32, #tpu.memory_space<vmem_shared>>
    %dma_wait3A_93 = tpu.memref_squeeze %dma_wait3A_92 : memref<1x640xf32, #tpu.memory_space<vmem_shared>> -> memref<640xf32, #tpu.memory_space<vmem_shared>>
    %dma_wait3A_94 = tpu.memref_slice %arg11[%dma_wait3A_91, %mul3A_2] : memref<16x10240xf32, #tpu.memory_space<vmem_shared>> -> memref<1x640xf32, #tpu.memory_space<vmem_shared>>
    %dma_wait3A_95 = tpu.memref_squeeze %dma_wait3A_94 : memref<1x640xf32, #tpu.memory_space<vmem_shared>> -> memref<640xf32, #tpu.memory_space<vmem_shared>>
    tpu.wait_dma2 semaphore(%arg12 : memref<!tpu.dma_semaphore, #tpu.memory_space<semaphore_mem>>) src(%dma_wait3A_95 : memref<640xf32, #tpu.memory_space<vmem_shared>>) dst(%arg8 : memref<640xf32, #tpu.memory_space<vmem>>)
    %dma_start3A_96 = arith.constant 6 : i32
    %dma_start3A_97 = tpu.memref_slice %arg11[%dma_start3A_96, %mul3A_2] : memref<16x10240xf32, #tpu.memory_space<vmem_shared>> -> memref<1x640xf32, #tpu.memory_space<vmem_shared>>
    %dma_start3A_98 = tpu.memref_squeeze %dma_start3A_97 : memref<1x640xf32, #tpu.memory_space<vmem_shared>> -> memref<640xf32, #tpu.memory_space<vmem_shared>>
    %dma_start3A_99 = tpu.memref_slice %arg11[%dma_start3A_96, %mul3A_2] : memref<16x10240xf32, #tpu.memory_space<vmem_shared>> -> memref<1x640xf32, #tpu.memory_space<vmem_shared>>
    %dma_start3A_100 = tpu.memref_squeeze %dma_start3A_99 : memref<1x640xf32, #tpu.memory_space<vmem_shared>> -> memref<640xf32, #tpu.memory_space<vmem_shared>>
    tpu.enqueue_dma source(%dma_start3A_100 : memref<640xf32, #tpu.memory_space<vmem_shared>>) target(%arg9 : memref<640xf32, #tpu.memory_space<vmem>>) target_semaphore(%arg13 : memref<!tpu.dma_semaphore, #tpu.memory_space<semaphore_mem>>)
    %scan3A_101 = arith.constant 0 : i32
    %scan3A_102 = arith.constant 0 : i32
    %scan3A_103 = arith.constant 40 : i32
    %scan3A_104 = arith.addi %scan3A_102, %scan3A_103 : i32
    %scan3A_105 = arith.constant 1 : i32
    scf.for %scan3A_278 = %scan3A_102 to %scan3A_104 step %scan3A_105  : i32 {
      %mul3A_279 = arith.constant 16 : i32
      %mul3A_280 = arith.muli %scan3A_278, %mul3A_279 : i32
      %get3A = arith.index_cast %mul3A_280 : i32 to index
      %get3A_281 = tpu.vector_load %arg10[%get3A] {strides = array<i32>} : memref<640xf32, #tpu.memory_space<vmem>>, vector<16xf32>,
      %get3A_282 = arith.index_cast %mul3A_280 : i32 to index
      %get3A_283 = tpu.vector_load %arg8[%get3A_282] {strides = array<i32>} : memref<640xf32, #tpu.memory_space<vmem>>, vector<16xf32>,
      %add3A = arith.addf %get3A_281, %get3A_283 : vector<16xf32>
      %swap3A = arith.index_cast %mul3A_280 : i32 to index
      %swap3A_284 = tpu.vector_load %arg10[%swap3A] {strides = array<i32>} : memref<640xf32, #tpu.memory_space<vmem>>, vector<16xf32>,
      tpu.vector_store %arg10[%swap3A], %add3A {strides = array<i32>} : memref<640xf32, #tpu.memory_space<vmem>>, vector<16xf32>,
    }
    %scan3A_106 = arith.constant 40 : i32
    %dma_wait3A_107 = arith.constant 6 : i32
    %dma_wait3A_108 = tpu.memref_slice %arg11[%dma_wait3A_107, %mul3A_2] : memref<16x10240xf32, #tpu.memory_space<vmem_shared>> -> memref<1x640xf32, #tpu.memory_space<vmem_shared>>
    %dma_wait3A_109 = tpu.memref_squeeze %dma_wait3A_108 : memref<1x640xf32, #tpu.memory_space<vmem_shared>> -> memref<640xf32, #tpu.memory_space<vmem_shared>>
    %dma_wait3A_110 = tpu.memref_slice %arg11[%dma_wait3A_107, %mul3A_2] : memref<16x10240xf32, #tpu.memory_space<vmem_shared>> -> memref<1x640xf32, #tpu.memory_space<vmem_shared>>
    %dma_wait3A_111 = tpu.memref_squeeze %dma_wait3A_110 : memref<1x640xf32, #tpu.memory_space<vmem_shared>> -> memref<640xf32, #tpu.memory_space<vmem_shared>>
    tpu.wait_dma2 semaphore(%arg13 : memref<!tpu.dma_semaphore, #tpu.memory_space<semaphore_mem>>) src(%dma_wait3A_111 : memref<640xf32, #tpu.memory_space<vmem_shared>>) dst(%arg9 : memref<640xf32, #tpu.memory_space<vmem>>)
    %dma_start3A_112 = arith.constant 7 : i32
    %dma_start3A_113 = tpu.memref_slice %arg11[%dma_start3A_112, %mul3A_2] : memref<16x10240xf32, #tpu.memory_space<vmem_shared>> -> memref<1x640xf32, #tpu.memory_space<vmem_shared>>
    %dma_start3A_114 = tpu.memref_squeeze %dma_start3A_113 : memref<1x640xf32, #tpu.memory_space<vmem_shared>> -> memref<640xf32, #tpu.memory_space<vmem_shared>>
    %dma_start3A_115 = tpu.memref_slice %arg11[%dma_start3A_112, %mul3A_2] : memref<16x10240xf32, #tpu.memory_space<vmem_shared>> -> memref<1x640xf32, #tpu.memory_space<vmem_shared>>
    %dma_start3A_116 = tpu.memref_squeeze %dma_start3A_115 : memref<1x640xf32, #tpu.memory_space<vmem_shared>> -> memref<640xf32, #tpu.memory_space<vmem_shared>>
    tpu.enqueue_dma source(%dma_start3A_116 : memref<640xf32, #tpu.memory_space<vmem_shared>>) target(%arg8 : memref<640xf32, #tpu.memory_space<vmem>>) target_semaphore(%arg12 : memref<!tpu.dma_semaphore, #tpu.memory_space<semaphore_mem>>)
    %scan3A_117 = arith.constant 0 : i32
    %scan3A_118 = arith.constant 0 : i32
    %scan3A_119 = arith.constant 40 : i32
    %scan3A_120 = arith.addi %scan3A_118, %scan3A_119 : i32
    %scan3A_121 = arith.constant 1 : i32
    scf.for %scan3A_278 = %scan3A_118 to %scan3A_120 step %scan3A_121  : i32 {
      %mul3A_279 = arith.constant 16 : i32
      %mul3A_280 = arith.muli %scan3A_278, %mul3A_279 : i32
      %get3A = arith.index_cast %mul3A_280 : i32 to index
      %get3A_281 = tpu.vector_load %arg10[%get3A] {strides = array<i32>} : memref<640xf32, #tpu.memory_space<vmem>>, vector<16xf32>,
      %get3A_282 = arith.index_cast %mul3A_280 : i32 to index
      %get3A_283 = tpu.vector_load %arg9[%get3A_282] {strides = array<i32>} : memref<640xf32, #tpu.memory_space<vmem>>, vector<16xf32>,
      %add3A = arith.addf %get3A_281, %get3A_283 : vector<16xf32>
      %swap3A = arith.index_cast %mul3A_280 : i32 to index
      %swap3A_284 = tpu.vector_load %arg10[%swap3A] {strides = array<i32>} : memref<640xf32, #tpu.memory_space<vmem>>, vector<16xf32>,
      tpu.vector_store %arg10[%swap3A], %add3A {strides = array<i32>} : memref<640xf32, #tpu.memory_space<vmem>>, vector<16xf32>,
    }
    %scan3A_122 = arith.constant 40 : i32
    %dma_wait3A_123 = arith.constant 7 : i32
    %dma_wait3A_124 = tpu.memref_slice %arg11[%dma_wait3A_123, %mul3A_2] : memref<16x10240xf32, #tpu.memory_space<vmem_shared>> -> memref<1x640xf32, #tpu.memory_space<vmem_shared>>
    %dma_wait3A_125 = tpu.memref_squeeze %dma_wait3A_124 : memref<1x640xf32, #tpu.memory_space<vmem_shared>> -> memref<640xf32, #tpu.memory_space<vmem_shared>>
    %dma_wait3A_126 = tpu.memref_slice %arg11[%dma_wait3A_123, %mul3A_2] : memref<16x10240xf32, #tpu.memory_space<vmem_shared>> -> memref<1x640xf32, #tpu.memory_space<vmem_shared>>
    %dma_wait3A_127 = tpu.memref_squeeze %dma_wait3A_126 : memref<1x640xf32, #tpu.memory_space<vmem_shared>> -> memref<640xf32, #tpu.memory_space<vmem_shared>>
    tpu.wait_dma2 semaphore(%arg12 : memref<!tpu.dma_semaphore, #tpu.memory_space<semaphore_mem>>) src(%dma_wait3A_127 : memref<640xf32, #tpu.memory_space<vmem_shared>>) dst(%arg8 : memref<640xf32, #tpu.memory_space<vmem>>)
    %dma_start3A_128 = arith.constant 8 : i32
    %dma_start3A_129 = tpu.memref_slice %arg11[%dma_start3A_128, %mul3A_2] : memref<16x10240xf32, #tpu.memory_space<vmem_shared>> -> memref<1x640xf32, #tpu.memory_space<vmem_shared>>
    %dma_start3A_130 = tpu.memref_squeeze %dma_start3A_129 : memref<1x640xf32, #tpu.memory_space<vmem_shared>> -> memref<640xf32, #tpu.memory_space<vmem_shared>>
    %dma_start3A_131 = tpu.memref_slice %arg11[%dma_start3A_128, %mul3A_2] : memref<16x10240xf32, #tpu.memory_space<vmem_shared>> -> memref<1x640xf32, #tpu.memory_space<vmem_shared>>
    %dma_start3A_132 = tpu.memref_squeeze %dma_start3A_131 : memref<1x640xf32, #tpu.memory_space<vmem_shared>> -> memref<640xf32, #tpu.memory_space<vmem_shared>>
    tpu.enqueue_dma source(%dma_start3A_132 : memref<640xf32, #tpu.memory_space<vmem_shared>>) target(%arg9 : memref<640xf32, #tpu.memory_space<vmem>>) target_semaphore(%arg13 : memref<!tpu.dma_semaphore, #tpu.memory_space<semaphore_mem>>)
    %scan3A_133 = arith.constant 0 : i32
    %scan3A_134 = arith.constant 0 : i32
    %scan3A_135 = arith.constant 40 : i32
    %scan3A_136 = arith.addi %scan3A_134, %scan3A_135 : i32
    %scan3A_137 = arith.constant 1 : i32
    scf.for %scan3A_278 = %scan3A_134 to %scan3A_136 step %scan3A_137  : i32 {
      %mul3A_279 = arith.constant 16 : i32
      %mul3A_280 = arith.muli %scan3A_278, %mul3A_279 : i32
      %get3A = arith.index_cast %mul3A_280 : i32 to index
      %get3A_281 = tpu.vector_load %arg10[%get3A] {strides = array<i32>} : memref<640xf32, #tpu.memory_space<vmem>>, vector<16xf32>,
      %get3A_282 = arith.index_cast %mul3A_280 : i32 to index
      %get3A_283 = tpu.vector_load %arg8[%get3A_282] {strides = array<i32>} : memref<640xf32, #tpu.memory_space<vmem>>, vector<16xf32>,
      %add3A = arith.addf %get3A_281, %get3A_283 : vector<16xf32>
      %swap3A = arith.index_cast %mul3A_280 : i32 to index
      %swap3A_284 = tpu.vector_load %arg10[%swap3A] {strides = array<i32>} : memref<640xf32, #tpu.memory_space<vmem>>, vector<16xf32>,
      tpu.vector_store %arg10[%swap3A], %add3A {strides = array<i32>} : memref<640xf32, #tpu.memory_space<vmem>>, vector<16xf32>,
    }
    %scan3A_138 = arith.constant 40 : i32
    %dma_wait3A_139 = arith.constant 8 : i32
    %dma_wait3A_140 = tpu.memref_slice %arg11[%dma_wait3A_139, %mul3A_2] : memref<16x10240xf32, #tpu.memory_space<vmem_shared>> -> memref<1x640xf32, #tpu.memory_space<vmem_shared>>
    %dma_wait3A_141 = tpu.memref_squeeze %dma_wait3A_140 : memref<1x640xf32, #tpu.memory_space<vmem_shared>> -> memref<640xf32, #tpu.memory_space<vmem_shared>>
    %dma_wait3A_142 = tpu.memref_slice %arg11[%dma_wait3A_139, %mul3A_2] : memref<16x10240xf32, #tpu.memory_space<vmem_shared>> -> memref<1x640xf32, #tpu.memory_space<vmem_shared>>
    %dma_wait3A_143 = tpu.memref_squeeze %dma_wait3A_142 : memref<1x640xf32, #tpu.memory_space<vmem_shared>> -> memref<640xf32, #tpu.memory_space<vmem_shared>>
    tpu.wait_dma2 semaphore(%arg13 : memref<!tpu.dma_semaphore, #tpu.memory_space<semaphore_mem>>) src(%dma_wait3A_143 : memref<640xf32, #tpu.memory_space<vmem_shared>>) dst(%arg9 : memref<640xf32, #tpu.memory_space<vmem>>)
    %dma_start3A_144 = arith.constant 9 : i32
    %dma_start3A_145 = tpu.memref_slice %arg11[%dma_start3A_144, %mul3A_2] : memref<16x10240xf32, #tpu.memory_space<vmem_shared>> -> memref<1x640xf32, #tpu.memory_space<vmem_shared>>
    %dma_start3A_146 = tpu.memref_squeeze %dma_start3A_145 : memref<1x640xf32, #tpu.memory_space<vmem_shared>> -> memref<640xf32, #tpu.memory_space<vmem_shared>>
    %dma_start3A_147 = tpu.memref_slice %arg11[%dma_start3A_144, %mul3A_2] : memref<16x10240xf32, #tpu.memory_space<vmem_shared>> -> memref<1x640xf32, #tpu.memory_space<vmem_shared>>
    %dma_start3A_148 = tpu.memref_squeeze %dma_start3A_147 : memref<1x640xf32, #tpu.memory_space<vmem_shared>> -> memref<640xf32, #tpu.memory_space<vmem_shared>>
    tpu.enqueue_dma source(%dma_start3A_148 : memref<640xf32, #tpu.memory_space<vmem_shared>>) target(%arg8 : memref<640xf32, #tpu.memory_space<vmem>>) target_semaphore(%arg12 : memref<!tpu.dma_semaphore, #tpu.memory_space<semaphore_mem>>)
    %scan3A_149 = arith.constant 0 : i32
    %scan3A_150 = arith.constant 0 : i32
    %scan3A_151 = arith.constant 40 : i32
    %scan3A_152 = arith.addi %scan3A_150, %scan3A_151 : i32
    %scan3A_153 = arith.constant 1 : i32
    scf.for %scan3A_278 = %scan3A_150 to %scan3A_152 step %scan3A_153  : i32 {
      %mul3A_279 = arith.constant 16 : i32
      %mul3A_280 = arith.muli %scan3A_278, %mul3A_279 : i32
      %get3A = arith.index_cast %mul3A_280 : i32 to index
      %get3A_281 = tpu.vector_load %arg10[%get3A] {strides = array<i32>} : memref<640xf32, #tpu.memory_space<vmem>>, vector<16xf32>,
      %get3A_282 = arith.index_cast %mul3A_280 : i32 to index
      %get3A_283 = tpu.vector_load %arg9[%get3A_282] {strides = array<i32>} : memref<640xf32, #tpu.memory_space<vmem>>, vector<16xf32>,
      %add3A = arith.addf %get3A_281, %get3A_283 : vector<16xf32>
      %swap3A = arith.index_cast %mul3A_280 : i32 to index
      %swap3A_284 = tpu.vector_load %arg10[%swap3A] {strides = array<i32>} : memref<640xf32, #tpu.memory_space<vmem>>, vector<16xf32>,
      tpu.vector_store %arg10[%swap3A], %add3A {strides = array<i32>} : memref<640xf32, #tpu.memory_space<vmem>>, vector<16xf32>,
    }
    %scan3A_154 = arith.constant 40 : i32
    %dma_wait3A_155 = arith.constant 9 : i32
    %dma_wait3A_156 = tpu.memref_slice %arg11[%dma_wait3A_155, %mul3A_2] : memref<16x10240xf32, #tpu.memory_space<vmem_shared>> -> memref<1x640xf32, #tpu.memory_space<vmem_shared>>
    %dma_wait3A_157 = tpu.memref_squeeze %dma_wait3A_156 : memref<1x640xf32, #tpu.memory_space<vmem_shared>> -> memref<640xf32, #tpu.memory_space<vmem_shared>>
    %dma_wait3A_158 = tpu.memref_slice %arg11[%dma_wait3A_155, %mul3A_2] : memref<16x10240xf32, #tpu.memory_space<vmem_shared>> -> memref<1x640xf32, #tpu.memory_space<vmem_shared>>
    %dma_wait3A_159 = tpu.memref_squeeze %dma_wait3A_158 : memref<1x640xf32, #tpu.memory_space<vmem_shared>> -> memref<640xf32, #tpu.memory_space<vmem_shared>>
    tpu.wait_dma2 semaphore(%arg12 : memref<!tpu.dma_semaphore, #tpu.memory_space<semaphore_mem>>) src(%dma_wait3A_159 : memref<640xf32, #tpu.memory_space<vmem_shared>>) dst(%arg8 : memref<640xf32, #tpu.memory_space<vmem>>)
    %dma_start3A_160 = arith.constant 10 : i32
    %dma_start3A_161 = tpu.memref_slice %arg11[%dma_start3A_160, %mul3A_2] : memref<16x10240xf32, #tpu.memory_space<vmem_shared>> -> memref<1x640xf32, #tpu.memory_space<vmem_shared>>
    %dma_start3A_162 = tpu.memref_squeeze %dma_start3A_161 : memref<1x640xf32, #tpu.memory_space<vmem_shared>> -> memref<640xf32, #tpu.memory_space<vmem_shared>>
    %dma_start3A_163 = tpu.memref_slice %arg11[%dma_start3A_160, %mul3A_2] : memref<16x10240xf32, #tpu.memory_space<vmem_shared>> -> memref<1x640xf32, #tpu.memory_space<vmem_shared>>
    %dma_start3A_164 = tpu.memref_squeeze %dma_start3A_163 : memref<1x640xf32, #tpu.memory_space<vmem_shared>> -> memref<640xf32, #tpu.memory_space<vmem_shared>>
    tpu.enqueue_dma source(%dma_start3A_164 : memref<640xf32, #tpu.memory_space<vmem_shared>>) target(%arg9 : memref<640xf32, #tpu.memory_space<vmem>>) target_semaphore(%arg13 : memref<!tpu.dma_semaphore, #tpu.memory_space<semaphore_mem>>)
    %scan3A_165 = arith.constant 0 : i32
    %scan3A_166 = arith.constant 0 : i32
    %scan3A_167 = arith.constant 40 : i32
    %scan3A_168 = arith.addi %scan3A_166, %scan3A_167 : i32
    %scan3A_169 = arith.constant 1 : i32
    scf.for %scan3A_278 = %scan3A_166 to %scan3A_168 step %scan3A_169  : i32 {
      %mul3A_279 = arith.constant 16 : i32
      %mul3A_280 = arith.muli %scan3A_278, %mul3A_279 : i32
      %get3A = arith.index_cast %mul3A_280 : i32 to index
      %get3A_281 = tpu.vector_load %arg10[%get3A] {strides = array<i32>} : memref<640xf32, #tpu.memory_space<vmem>>, vector<16xf32>,
      %get3A_282 = arith.index_cast %mul3A_280 : i32 to index
      %get3A_283 = tpu.vector_load %arg8[%get3A_282] {strides = array<i32>} : memref<640xf32, #tpu.memory_space<vmem>>, vector<16xf32>,
      %add3A = arith.addf %get3A_281, %get3A_283 : vector<16xf32>
      %swap3A = arith.index_cast %mul3A_280 : i32 to index
      %swap3A_284 = tpu.vector_load %arg10[%swap3A] {strides = array<i32>} : memref<640xf32, #tpu.memory_space<vmem>>, vector<16xf32>,
      tpu.vector_store %arg10[%swap3A], %add3A {strides = array<i32>} : memref<640xf32, #tpu.memory_space<vmem>>, vector<16xf32>,
    }
    %scan3A_170 = arith.constant 40 : i32
    %dma_wait3A_171 = arith.constant 10 : i32
    %dma_wait3A_172 = tpu.memref_slice %arg11[%dma_wait3A_171, %mul3A_2] : memref<16x10240xf32, #tpu.memory_space<vmem_shared>> -> memref<1x640xf32, #tpu.memory_space<vmem_shared>>
    %dma_wait3A_173 = tpu.memref_squeeze %dma_wait3A_172 : memref<1x640xf32, #tpu.memory_space<vmem_shared>> -> memref<640xf32, #tpu.memory_space<vmem_shared>>
    %dma_wait3A_174 = tpu.memref_slice %arg11[%dma_wait3A_171, %mul3A_2] : memref<16x10240xf32, #tpu.memory_space<vmem_shared>> -> memref<1x640xf32, #tpu.memory_space<vmem_shared>>
    %dma_wait3A_175 = tpu.memref_squeeze %dma_wait3A_174 : memref<1x640xf32, #tpu.memory_space<vmem_shared>> -> memref<640xf32, #tpu.memory_space<vmem_shared>>
    tpu.wait_dma2 semaphore(%arg13 : memref<!tpu.dma_semaphore, #tpu.memory_space<semaphore_mem>>) src(%dma_wait3A_175 : memref<640xf32, #tpu.memory_space<vmem_shared>>) dst(%arg9 : memref<640xf32, #tpu.memory_space<vmem>>)
    %dma_start3A_176 = arith.constant 11 : i32
    %dma_start3A_177 = tpu.memref_slice %arg11[%dma_start3A_176, %mul3A_2] : memref<16x10240xf32, #tpu.memory_space<vmem_shared>> -> memref<1x640xf32, #tpu.memory_space<vmem_shared>>
    %dma_start3A_178 = tpu.memref_squeeze %dma_start3A_177 : memref<1x640xf32, #tpu.memory_space<vmem_shared>> -> memref<640xf32, #tpu.memory_space<vmem_shared>>
    %dma_start3A_179 = tpu.memref_slice %arg11[%dma_start3A_176, %mul3A_2] : memref<16x10240xf32, #tpu.memory_space<vmem_shared>> -> memref<1x640xf32, #tpu.memory_space<vmem_shared>>
    %dma_start3A_180 = tpu.memref_squeeze %dma_start3A_179 : memref<1x640xf32, #tpu.memory_space<vmem_shared>> -> memref<640xf32, #tpu.memory_space<vmem_shared>>
    tpu.enqueue_dma source(%dma_start3A_180 : memref<640xf32, #tpu.memory_space<vmem_shared>>) target(%arg8 : memref<640xf32, #tpu.memory_space<vmem>>) target_semaphore(%arg12 : memref<!tpu.dma_semaphore, #tpu.memory_space<semaphore_mem>>)
    %scan3A_181 = arith.constant 0 : i32
    %scan3A_182 = arith.constant 0 : i32
    %scan3A_183 = arith.constant 40 : i32
    %scan3A_184 = arith.addi %scan3A_182, %scan3A_183 : i32
    %scan3A_185 = arith.constant 1 : i32
    scf.for %scan3A_278 = %scan3A_182 to %scan3A_184 step %scan3A_185  : i32 {
      %mul3A_279 = arith.constant 16 : i32
      %mul3A_280 = arith.muli %scan3A_278, %mul3A_279 : i32
      %get3A = arith.index_cast %mul3A_280 : i32 to index
      %get3A_281 = tpu.vector_load %arg10[%get3A] {strides = array<i32>} : memref<640xf32, #tpu.memory_space<vmem>>, vector<16xf32>,
      %get3A_282 = arith.index_cast %mul3A_280 : i32 to index
      %get3A_283 = tpu.vector_load %arg9[%get3A_282] {strides = array<i32>} : memref<640xf32, #tpu.memory_space<vmem>>, vector<16xf32>,
      %add3A = arith.addf %get3A_281, %get3A_283 : vector<16xf32>
      %swap3A = arith.index_cast %mul3A_280 : i32 to index
      %swap3A_284 = tpu.vector_load %arg10[%swap3A] {strides = array<i32>} : memref<640xf32, #tpu.memory_space<vmem>>, vector<16xf32>,
      tpu.vector_store %arg10[%swap3A], %add3A {strides = array<i32>} : memref<640xf32, #tpu.memory_space<vmem>>, vector<16xf32>,
    }
    %scan3A_186 = arith.constant 40 : i32
    %dma_wait3A_187 = arith.constant 11 : i32
    %dma_wait3A_188 = tpu.memref_slice %arg11[%dma_wait3A_187, %mul3A_2] : memref<16x10240xf32, #tpu.memory_space<vmem_shared>> -> memref<1x640xf32, #tpu.memory_space<vmem_shared>>
    %dma_wait3A_189 = tpu.memref_squeeze %dma_wait3A_188 : memref<1x640xf32, #tpu.memory_space<vmem_shared>> -> memref<640xf32, #tpu.memory_space<vmem_shared>>
    %dma_wait3A_190 = tpu.memref_slice %arg11[%dma_wait3A_187, %mul3A_2] : memref<16x10240xf32, #tpu.memory_space<vmem_shared>> -> memref<1x640xf32, #tpu.memory_space<vmem_shared>>
    %dma_wait3A_191 = tpu.memref_squeeze %dma_wait3A_190 : memref<1x640xf32, #tpu.memory_space<vmem_shared>> -> memref<640xf32, #tpu.memory_space<vmem_shared>>
    tpu.wait_dma2 semaphore(%arg12 : memref<!tpu.dma_semaphore, #tpu.memory_space<semaphore_mem>>) src(%dma_wait3A_191 : memref<640xf32, #tpu.memory_space<vmem_shared>>) dst(%arg8 : memref<640xf32, #tpu.memory_space<vmem>>)
    %dma_start3A_192 = arith.constant 12 : i32
    %dma_start3A_193 = tpu.memref_slice %arg11[%dma_start3A_192, %mul3A_2] : memref<16x10240xf32, #tpu.memory_space<vmem_shared>> -> memref<1x640xf32, #tpu.memory_space<vmem_shared>>
    %dma_start3A_194 = tpu.memref_squeeze %dma_start3A_193 : memref<1x640xf32, #tpu.memory_space<vmem_shared>> -> memref<640xf32, #tpu.memory_space<vmem_shared>>
    %dma_start3A_195 = tpu.memref_slice %arg11[%dma_start3A_192, %mul3A_2] : memref<16x10240xf32, #tpu.memory_space<vmem_shared>> -> memref<1x640xf32, #tpu.memory_space<vmem_shared>>
    %dma_start3A_196 = tpu.memref_squeeze %dma_start3A_195 : memref<1x640xf32, #tpu.memory_space<vmem_shared>> -> memref<640xf32, #tpu.memory_space<vmem_shared>>
    tpu.enqueue_dma source(%dma_start3A_196 : memref<640xf32, #tpu.memory_space<vmem_shared>>) target(%arg9 : memref<640xf32, #tpu.memory_space<vmem>>) target_semaphore(%arg13 : memref<!tpu.dma_semaphore, #tpu.memory_space<semaphore_mem>>)
    %scan3A_197 = arith.constant 0 : i32
    %scan3A_198 = arith.constant 0 : i32
    %scan3A_199 = arith.constant 40 : i32
    %scan3A_200 = arith.addi %scan3A_198, %scan3A_199 : i32
    %scan3A_201 = arith.constant 1 : i32
    scf.for %scan3A_278 = %scan3A_198 to %scan3A_200 step %scan3A_201  : i32 {
      %mul3A_279 = arith.constant 16 : i32
      %mul3A_280 = arith.muli %scan3A_278, %mul3A_279 : i32
      %get3A = arith.index_cast %mul3A_280 : i32 to index
      %get3A_281 = tpu.vector_load %arg10[%get3A] {strides = array<i32>} : memref<640xf32, #tpu.memory_space<vmem>>, vector<16xf32>,
      %get3A_282 = arith.index_cast %mul3A_280 : i32 to index
      %get3A_283 = tpu.vector_load %arg8[%get3A_282] {strides = array<i32>} : memref<640xf32, #tpu.memory_space<vmem>>, vector<16xf32>,
      %add3A = arith.addf %get3A_281, %get3A_283 : vector<16xf32>
      %swap3A = arith.index_cast %mul3A_280 : i32 to index
      %swap3A_284 = tpu.vector_load %arg10[%swap3A] {strides = array<i32>} : memref<640xf32, #tpu.memory_space<vmem>>, vector<16xf32>,
      tpu.vector_store %arg10[%swap3A], %add3A {strides = array<i32>} : memref<640xf32, #tpu.memory_space<vmem>>, vector<16xf32>,
    }
    %scan3A_202 = arith.constant 40 : i32
    %dma_wait3A_203 = arith.constant 12 : i32
    %dma_wait3A_204 = tpu.memref_slice %arg11[%dma_wait3A_203, %mul3A_2] : memref<16x10240xf32, #tpu.memory_space<vmem_shared>> -> memref<1x640xf32, #tpu.memory_space<vmem_shared>>
    %dma_wait3A_205 = tpu.memref_squeeze %dma_wait3A_204 : memref<1x640xf32, #tpu.memory_space<vmem_shared>> -> memref<640xf32, #tpu.memory_space<vmem_shared>>
    %dma_wait3A_206 = tpu.memref_slice %arg11[%dma_wait3A_203, %mul3A_2] : memref<16x10240xf32, #tpu.memory_space<vmem_shared>> -> memref<1x640xf32, #tpu.memory_space<vmem_shared>>
    %dma_wait3A_207 = tpu.memref_squeeze %dma_wait3A_206 : memref<1x640xf32, #tpu.memory_space<vmem_shared>> -> memref<640xf32, #tpu.memory_space<vmem_shared>>
    tpu.wait_dma2 semaphore(%arg13 : memref<!tpu.dma_semaphore, #tpu.memory_space<semaphore_mem>>) src(%dma_wait3A_207 : memref<640xf32, #tpu.memory_space<vmem_shared>>) dst(%arg9 : memref<640xf32, #tpu.memory_space<vmem>>)
    %dma_start3A_208 = arith.constant 13 : i32
    %dma_start3A_209 = tpu.memref_slice %arg11[%dma_start3A_208, %mul3A_2] : memref<16x10240xf32, #tpu.memory_space<vmem_shared>> -> memref<1x640xf32, #tpu.memory_space<vmem_shared>>
    %dma_start3A_210 = tpu.memref_squeeze %dma_start3A_209 : memref<1x640xf32, #tpu.memory_space<vmem_shared>> -> memref<640xf32, #tpu.memory_space<vmem_shared>>
    %dma_start3A_211 = tpu.memref_slice %arg11[%dma_start3A_208, %mul3A_2] : memref<16x10240xf32, #tpu.memory_space<vmem_shared>> -> memref<1x640xf32, #tpu.memory_space<vmem_shared>>
    %dma_start3A_212 = tpu.memref_squeeze %dma_start3A_211 : memref<1x640xf32, #tpu.memory_space<vmem_shared>> -> memref<640xf32, #tpu.memory_space<vmem_shared>>
    tpu.enqueue_dma source(%dma_start3A_212 : memref<640xf32, #tpu.memory_space<vmem_shared>>) target(%arg8 : memref<640xf32, #tpu.memory_space<vmem>>) target_semaphore(%arg12 : memref<!tpu.dma_semaphore, #tpu.memory_space<semaphore_mem>>)
    %scan3A_213 = arith.constant 0 : i32
    %scan3A_214 = arith.constant 0 : i32
    %scan3A_215 = arith.constant 40 : i32
    %scan3A_216 = arith.addi %scan3A_214, %scan3A_215 : i32
    %scan3A_217 = arith.constant 1 : i32
    scf.for %scan3A_278 = %scan3A_214 to %scan3A_216 step %scan3A_217  : i32 {
      %mul3A_279 = arith.constant 16 : i32
      %mul3A_280 = arith.muli %scan3A_278, %mul3A_279 : i32
      %get3A = arith.index_cast %mul3A_280 : i32 to index
      %get3A_281 = tpu.vector_load %arg10[%get3A] {strides = array<i32>} : memref<640xf32, #tpu.memory_space<vmem>>, vector<16xf32>,
      %get3A_282 = arith.index_cast %mul3A_280 : i32 to index
      %get3A_283 = tpu.vector_load %arg9[%get3A_282] {strides = array<i32>} : memref<640xf32, #tpu.memory_space<vmem>>, vector<16xf32>,
      %add3A = arith.addf %get3A_281, %get3A_283 : vector<16xf32>
      %swap3A = arith.index_cast %mul3A_280 : i32 to index
      %swap3A_284 = tpu.vector_load %arg10[%swap3A] {strides = array<i32>} : memref<640xf32, #tpu.memory_space<vmem>>, vector<16xf32>,
      tpu.vector_store %arg10[%swap3A], %add3A {strides = array<i32>} : memref<640xf32, #tpu.memory_space<vmem>>, vector<16xf32>,
    }
    %scan3A_218 = arith.constant 40 : i32
    %dma_wait3A_219 = arith.constant 13 : i32
    %dma_wait3A_220 = tpu.memref_slice %arg11[%dma_wait3A_219, %mul3A_2] : memref<16x10240xf32, #tpu.memory_space<vmem_shared>> -> memref<1x640xf32, #tpu.memory_space<vmem_shared>>
    %dma_wait3A_221 = tpu.memref_squeeze %dma_wait3A_220 : memref<1x640xf32, #tpu.memory_space<vmem_shared>> -> memref<640xf32, #tpu.memory_space<vmem_shared>>
    %dma_wait3A_222 = tpu.memref_slice %arg11[%dma_wait3A_219, %mul3A_2] : memref<16x10240xf32, #tpu.memory_space<vmem_shared>> -> memref<1x640xf32, #tpu.memory_space<vmem_shared>>
    %dma_wait3A_223 = tpu.memref_squeeze %dma_wait3A_222 : memref<1x640xf32, #tpu.memory_space<vmem_shared>> -> memref<640xf32, #tpu.memory_space<vmem_shared>>
    tpu.wait_dma2 semaphore(%arg12 : memref<!tpu.dma_semaphore, #tpu.memory_space<semaphore_mem>>) src(%dma_wait3A_223 : memref<640xf32, #tpu.memory_space<vmem_shared>>) dst(%arg8 : memref<640xf32, #tpu.memory_space<vmem>>)
    %dma_start3A_224 = arith.constant 14 : i32
    %dma_start3A_225 = tpu.memref_slice %arg11[%dma_start3A_224, %mul3A_2] : memref<16x10240xf32, #tpu.memory_space<vmem_shared>> -> memref<1x640xf32, #tpu.memory_space<vmem_shared>>
    %dma_start3A_226 = tpu.memref_squeeze %dma_start3A_225 : memref<1x640xf32, #tpu.memory_space<vmem_shared>> -> memref<640xf32, #tpu.memory_space<vmem_shared>>
    %dma_start3A_227 = tpu.memref_slice %arg11[%dma_start3A_224, %mul3A_2] : memref<16x10240xf32, #tpu.memory_space<vmem_shared>> -> memref<1x640xf32, #tpu.memory_space<vmem_shared>>
    %dma_start3A_228 = tpu.memref_squeeze %dma_start3A_227 : memref<1x640xf32, #tpu.memory_space<vmem_shared>> -> memref<640xf32, #tpu.memory_space<vmem_shared>>
    tpu.enqueue_dma source(%dma_start3A_228 : memref<640xf32, #tpu.memory_space<vmem_shared>>) target(%arg9 : memref<640xf32, #tpu.memory_space<vmem>>) target_semaphore(%arg13 : memref<!tpu.dma_semaphore, #tpu.memory_space<semaphore_mem>>)
    %scan3A_229 = arith.constant 0 : i32
    %scan3A_230 = arith.constant 0 : i32
    %scan3A_231 = arith.constant 40 : i32
    %scan3A_232 = arith.addi %scan3A_230, %scan3A_231 : i32
    %scan3A_233 = arith.constant 1 : i32
    scf.for %scan3A_278 = %scan3A_230 to %scan3A_232 step %scan3A_233  : i32 {
      %mul3A_279 = arith.constant 16 : i32
      %mul3A_280 = arith.muli %scan3A_278, %mul3A_279 : i32
      %get3A = arith.index_cast %mul3A_280 : i32 to index
      %get3A_281 = tpu.vector_load %arg10[%get3A] {strides = array<i32>} : memref<640xf32, #tpu.memory_space<vmem>>, vector<16xf32>,
      %get3A_282 = arith.index_cast %mul3A_280 : i32 to index
      %get3A_283 = tpu.vector_load %arg8[%get3A_282] {strides = array<i32>} : memref<640xf32, #tpu.memory_space<vmem>>, vector<16xf32>,
      %add3A = arith.addf %get3A_281, %get3A_283 : vector<16xf32>
      %swap3A = arith.index_cast %mul3A_280 : i32 to index
      %swap3A_284 = tpu.vector_load %arg10[%swap3A] {strides = array<i32>} : memref<640xf32, #tpu.memory_space<vmem>>, vector<16xf32>,
      tpu.vector_store %arg10[%swap3A], %add3A {strides = array<i32>} : memref<640xf32, #tpu.memory_space<vmem>>, vector<16xf32>,
    }
    %scan3A_234 = arith.constant 40 : i32
    %dma_wait3A_235 = arith.constant 14 : i32
    %dma_wait3A_236 = tpu.memref_slice %arg11[%dma_wait3A_235, %mul3A_2] : memref<16x10240xf32, #tpu.memory_space<vmem_shared>> -> memref<1x640xf32, #tpu.memory_space<vmem_shared>>
    %dma_wait3A_237 = tpu.memref_squeeze %dma_wait3A_236 : memref<1x640xf32, #tpu.memory_space<vmem_shared>> -> memref<640xf32, #tpu.memory_space<vmem_shared>>
    %dma_wait3A_238 = tpu.memref_slice %arg11[%dma_wait3A_235, %mul3A_2] : memref<16x10240xf32, #tpu.memory_space<vmem_shared>> -> memref<1x640xf32, #tpu.memory_space<vmem_shared>>
    %dma_wait3A_239 = tpu.memref_squeeze %dma_wait3A_238 : memref<1x640xf32, #tpu.memory_space<vmem_shared>> -> memref<640xf32, #tpu.memory_space<vmem_shared>>
    tpu.wait_dma2 semaphore(%arg13 : memref<!tpu.dma_semaphore, #tpu.memory_space<semaphore_mem>>) src(%dma_wait3A_239 : memref<640xf32, #tpu.memory_space<vmem_shared>>) dst(%arg9 : memref<640xf32, #tpu.memory_space<vmem>>)
    %dma_start3A_240 = arith.constant 15 : i32
    %dma_start3A_241 = tpu.memref_slice %arg11[%dma_start3A_240, %mul3A_2] : memref<16x10240xf32, #tpu.memory_space<vmem_shared>> -> memref<1x640xf32, #tpu.memory_space<vmem_shared>>
    %dma_start3A_242 = tpu.memref_squeeze %dma_start3A_241 : memref<1x640xf32, #tpu.memory_space<vmem_shared>> -> memref<640xf32, #tpu.memory_space<vmem_shared>>
    %dma_start3A_243 = tpu.memref_slice %arg11[%dma_start3A_240, %mul3A_2] : memref<16x10240xf32, #tpu.memory_space<vmem_shared>> -> memref<1x640xf32, #tpu.memory_space<vmem_shared>>
    %dma_start3A_244 = tpu.memref_squeeze %dma_start3A_243 : memref<1x640xf32, #tpu.memory_space<vmem_shared>> -> memref<640xf32, #tpu.memory_space<vmem_shared>>
    tpu.enqueue_dma source(%dma_start3A_244 : memref<640xf32, #tpu.memory_space<vmem_shared>>) target(%arg8 : memref<640xf32, #tpu.memory_space<vmem>>) target_semaphore(%arg12 : memref<!tpu.dma_semaphore, #tpu.memory_space<semaphore_mem>>)
    %scan3A_245 = arith.constant 0 : i32
    %scan3A_246 = arith.constant 0 : i32
    %scan3A_247 = arith.constant 40 : i32
    %scan3A_248 = arith.addi %scan3A_246, %scan3A_247 : i32
    %scan3A_249 = arith.constant 1 : i32
    scf.for %scan3A_278 = %scan3A_246 to %scan3A_248 step %scan3A_249  : i32 {
      %mul3A_279 = arith.constant 16 : i32
      %mul3A_280 = arith.muli %scan3A_278, %mul3A_279 : i32
      %get3A = arith.index_cast %mul3A_280 : i32 to index
      %get3A_281 = tpu.vector_load %arg10[%get3A] {strides = array<i32>} : memref<640xf32, #tpu.memory_space<vmem>>, vector<16xf32>,
      %get3A_282 = arith.index_cast %mul3A_280 : i32 to index
      %get3A_283 = tpu.vector_load %arg9[%get3A_282] {strides = array<i32>} : memref<640xf32, #tpu.memory_space<vmem>>, vector<16xf32>,
      %add3A = arith.addf %get3A_281, %get3A_283 : vector<16xf32>
      %swap3A = arith.index_cast %mul3A_280 : i32 to index
      %swap3A_284 = tpu.vector_load %arg10[%swap3A] {strides = array<i32>} : memref<640xf32, #tpu.memory_space<vmem>>, vector<16xf32>,
      tpu.vector_store %arg10[%swap3A], %add3A {strides = array<i32>} : memref<640xf32, #tpu.memory_space<vmem>>, vector<16xf32>,
    }
    %scan3A_250 = arith.constant 40 : i32
    %dma_wait3A_251 = arith.constant 15 : i32
    %dma_wait3A_252 = tpu.memref_slice %arg11[%dma_wait3A_251, %mul3A_2] : memref<16x10240xf32, #tpu.memory_space<vmem_shared>> -> memref<1x640xf32, #tpu.memory_space<vmem_shared>>
    %dma_wait3A_253 = tpu.memref_squeeze %dma_wait3A_252 : memref<1x640xf32, #tpu.memory_space<vmem_shared>> -> memref<640xf32, #tpu.memory_space<vmem_shared>>
    %dma_wait3A_254 = tpu.memref_slice %arg11[%dma_wait3A_251, %mul3A_2] : memref<16x10240xf32, #tpu.memory_space<vmem_shared>> -> memref<1x640xf32, #tpu.memory_space<vmem_shared>>
    %dma_wait3A_255 = tpu.memref_squeeze %dma_wait3A_254 : memref<1x640xf32, #tpu.memory_space<vmem_shared>> -> memref<640xf32, #tpu.memory_space<vmem_shared>>
    tpu.wait_dma2 semaphore(%arg12 : memref<!tpu.dma_semaphore, #tpu.memory_space<semaphore_mem>>) src(%dma_wait3A_255 : memref<640xf32, #tpu.memory_space<vmem_shared>>) dst(%arg8 : memref<640xf32, #tpu.memory_space<vmem>>)
    %scan3A_256 = arith.constant 0 : i32
    %scan3A_257 = arith.constant 0 : i32
    %scan3A_258 = arith.constant 40 : i32
    %scan3A_259 = arith.addi %scan3A_257, %scan3A_258 : i32
    %scan3A_260 = arith.constant 1 : i32
    scf.for %scan3A_278 = %scan3A_257 to %scan3A_259 step %scan3A_260  : i32 {
      %mul3A_279 = arith.constant 16 : i32
      %mul3A_280 = arith.muli %scan3A_278, %mul3A_279 : i32
      %get3A = arith.index_cast %mul3A_280 : i32 to index
      %get3A_281 = tpu.vector_load %arg10[%get3A] {strides = array<i32>} : memref<640xf32, #tpu.memory_space<vmem>>, vector<16xf32>,
      %get3A_282 = arith.index_cast %mul3A_280 : i32 to index
      %get3A_283 = tpu.vector_load %arg8[%get3A_282] {strides = array<i32>} : memref<640xf32, #tpu.memory_space<vmem>>, vector<16xf32>,
      %add3A = arith.addf %get3A_281, %get3A_283 : vector<16xf32>
      %swap3A = arith.index_cast %mul3A_280 : i32 to index
      %swap3A_284 = tpu.vector_load %arg10[%swap3A] {strides = array<i32>} : memref<640xf32, #tpu.memory_space<vmem>>, vector<16xf32>,
      tpu.vector_store %arg10[%swap3A], %add3A {strides = array<i32>} : memref<640xf32, #tpu.memory_space<vmem>>, vector<16xf32>,
    }
    %scan3A_261 = arith.constant 40 : i32
    %scan3A_262 = arith.constant 0 : i32
    %scan3A_263 = arith.constant 0 : i32
    %scan3A_264 = arith.constant 40 : i32
    %scan3A_265 = arith.addi %scan3A_263, %scan3A_264 : i32
    %scan3A_266 = arith.constant 1 : i32
    scf.for %scan3A_278 = %scan3A_263 to %scan3A_265 step %scan3A_266  : i32 {
      %mul3A_279 = arith.constant 16 : i32
      %mul3A_280 = arith.muli %scan3A_278, %mul3A_279 : i32
      %get3A = arith.index_cast %mul3A_280 : i32 to index
      %get3A_281 = tpu.vector_load %arg10[%get3A] {strides = array<i32>} : memref<640xf32, #tpu.memory_space<vmem>>, vector<16xf32>,
      %bitcast3A = vector.bitcast %get3A_281 : vector<16xf32> to vector<16xi32>
      %shift_right_logical3A = arith.constant 1 : i32
      %shift_right_logical3A_282 = vector.broadcast %shift_right_logical3A : i32 to vector<16xi32>
      %shift_right_logical3A_283 = arith.shrui %bitcast3A, %shift_right_logical3A_282 : vector<16xi32>
      %sub3A = arith.constant 1597463007 : i32
      %sub3A_284 = vector.broadcast %sub3A : i32 to vector<16xi32>
      %sub3A_285 = arith.subi %sub3A_284, %shift_right_logical3A_283 : vector<16xi32>
      %bitcast3A_286 = vector.bitcast %sub3A_285 : vector<16xi32> to vector<16xf32>
      %mul3A_287 = arith.constant 5.000000e-01 : f32
      %mul3A_288 = vector.broadcast %mul3A_287 : f32 to vector<16xf32>
      %mul3A_289 = arith.mulf %mul3A_288, %get3A_281 : vector<16xf32>
      %mul3A_290 = arith.mulf %mul3A_289, %bitcast3A_286 : vector<16xf32>
      %mul3A_291 = arith.mulf %mul3A_290, %bitcast3A_286 : vector<16xf32>
      %sub3A_292 = arith.constant 1.500000e+00 : f32
      %sub3A_293 = vector.broadcast %sub3A_292 : f32 to vector<16xf32>
      %sub3A_294 = arith.subf %sub3A_293, %mul3A_291 : vector<16xf32>
      %mul3A_295 = arith.mulf %bitcast3A_286, %sub3A_294 : vector<16xf32>
      %mul3A_296 = arith.constant 5.000000e-01 : f32
      %mul3A_297 = vector.broadcast %mul3A_296 : f32 to vector<16xf32>
      %mul3A_298 = arith.mulf %mul3A_297, %get3A_281 : vector<16xf32>
      %mul3A_299 = arith.mulf %mul3A_298, %mul3A_295 : vector<16xf32>
      %mul3A_300 = arith.mulf %mul3A_299, %mul3A_295 : vector<16xf32>
      %sub3A_301 = arith.constant 1.500000e+00 : f32
      %sub3A_302 = vector.broadcast %sub3A_301 : f32 to vector<16xf32>
      %sub3A_303 = arith.subf %sub3A_302, %mul3A_300 : vector<16xf32>
      %mul3A_304 = arith.mulf %mul3A_295, %sub3A_303 : vector<16xf32>
      %mul3A_305 = arith.constant 5.000000e-01 : f32
      %mul3A_306 = vector.broadcast %mul3A_305 : f32 to vector<16xf32>
      %mul3A_307 = arith.mulf %mul3A_306, %get3A_281 : vector<16xf32>
      %mul3A_308 = arith.mulf %mul3A_307, %mul3A_304 : vector<16xf32>
      %mul3A_309 = arith.mulf %mul3A_308, %mul3A_304 : vector<16xf32>
      %sub3A_310 = arith.constant 1.500000e+00 : f32
      %sub3A_311 = vector.broadcast %sub3A_310 : f32 to vector<16xf32>
      %sub3A_312 = arith.subf %sub3A_311, %mul3A_309 : vector<16xf32>
      %mul3A_313 = arith.mulf %mul3A_304, %sub3A_312 : vector<16xf32>
      %gt3A = arith.constant 0.000000e+00 : f32
      %gt3A_314 = vector.broadcast %gt3A : f32 to vector<16xf32>
      %gt3A_315 = arith.cmpf ogt, %get3A_281, %gt3A_314 : vector<16xf32>
      %jit3A = arith.constant 0.000000e+00 : f32
      %broadcast_in_dim3A_316 = vector.broadcast %jit3A : f32 to vector<16xf32>
      %select_n3A = arith.select %gt3A_315, %mul3A_313, %broadcast_in_dim3A_316 : vector<16xi1>, vector<16xf32>
      %swap3A = arith.index_cast %mul3A_280 : i32 to index
      %swap3A_317 = tpu.vector_load %arg10[%swap3A] {strides = array<i32>} : memref<640xf32, #tpu.memory_space<vmem>>, vector<16xf32>,
      tpu.vector_store %arg10[%swap3A], %select_n3A {strides = array<i32>} : memref<640xf32, #tpu.memory_space<vmem>>, vector<16xf32>,
    }
    %scan3A_267 = arith.constant 40 : i32
    %eq3A_268 = arith.constant 0 : i32
    %eq3A_269 = arith.cmpi eq, %arg0, %eq3A_268 : i32
    %convert_element_type3A_270 = arith.extui %eq3A_269 : i1 to i32
    %cond3A_271 = arith.constant 0 : i32
    %cond3A_272 = arith.cmpi ne, %convert_element_type3A_270, %cond3A_271 : i32
    scf.if %cond3A_272 {
      "tpu.region"() ({
        %run_scoped3A_278 = tpu.sem_alloc : memref<!tpu.dma_semaphore, #tpu.memory_space<semaphore_mem>>
        %dma_start3A_279 = tpu.memref_slice %arg4[%mul3A_2] : memref<10240xf32, #tpu.memory_space<hbm>> -> memref<640xf32, #tpu.memory_space<hbm>>
        %dma_start3A_280 = tpu.memref_slice %arg4[%mul3A_2] : memref<10240xf32, #tpu.memory_space<hbm>> -> memref<640xf32, #tpu.memory_space<hbm>>
        tpu.enqueue_dma source(%arg10 : memref<640xf32, #tpu.memory_space<vmem>>) target(%dma_start3A_280 : memref<640xf32, #tpu.memory_space<hbm>>) target_semaphore(%run_scoped3A_278 : memref<!tpu.dma_semaphore, #tpu.memory_space<semaphore_mem>>)
        %dma_wait3A_281 = tpu.memref_slice %arg4[%mul3A_2] : memref<10240xf32, #tpu.memory_space<hbm>> -> memref<640xf32, #tpu.memory_space<hbm>>
        %dma_wait3A_282 = tpu.memref_slice %arg4[%mul3A_2] : memref<10240xf32, #tpu.memory_space<hbm>> -> memref<640xf32, #tpu.memory_space<hbm>>
        tpu.wait_dma2 semaphore(%run_scoped3A_278 : memref<!tpu.dma_semaphore, #tpu.memory_space<semaphore_mem>>) src(%arg10 : memref<640xf32, #tpu.memory_space<vmem>>) dst(%dma_wait3A_282 : memref<640xf32, #tpu.memory_space<hbm>>)
        tpu.yield
      }) : () -> ()
    } else {
    }
    %eq3A_273 = arith.constant 1 : i32
    %eq3A_274 = arith.cmpi eq, %arg0, %eq3A_273 : i32
    %convert_element_type3A_275 = arith.extui %eq3A_274 : i1 to i32
    %cond3A_276 = arith.constant 0 : i32
    %cond3A_277 = arith.cmpi ne, %convert_element_type3A_275, %cond3A_276 : i32
    scf.if %cond3A_277 {
      "tpu.region"() ({
        %run_scoped3A_278 = tpu.sem_alloc : memref<!tpu.dma_semaphore, #tpu.memory_space<semaphore_mem>>
        %dma_start3A_279 = tpu.memref_slice %arg5[%mul3A_2] : memref<10240xf32, #tpu.memory_space<hbm>> -> memref<640xf32, #tpu.memory_space<hbm>>
        %dma_start3A_280 = tpu.memref_slice %arg5[%mul3A_2] : memref<10240xf32, #tpu.memory_space<hbm>> -> memref<640xf32, #tpu.memory_space<hbm>>
        tpu.enqueue_dma source(%arg10 : memref<640xf32, #tpu.memory_space<vmem>>) target(%dma_start3A_280 : memref<640xf32, #tpu.memory_space<hbm>>) target_semaphore(%run_scoped3A_278 : memref<!tpu.dma_semaphore, #tpu.memory_space<semaphore_mem>>)
        %dma_wait3A_281 = tpu.memref_slice %arg5[%mul3A_2] : memref<10240xf32, #tpu.memory_space<hbm>> -> memref<640xf32, #tpu.memory_space<hbm>>
        %dma_wait3A_282 = tpu.memref_slice %arg5[%mul3A_2] : memref<10240xf32, #tpu.memory_space<hbm>> -> memref<640xf32, #tpu.memory_space<hbm>>
        tpu.wait_dma2 semaphore(%run_scoped3A_278 : memref<!tpu.dma_semaphore, #tpu.memory_space<semaphore_mem>>) src(%arg10 : memref<640xf32, #tpu.memory_space<vmem>>) dst(%dma_wait3A_282 : memref<640xf32, #tpu.memory_space<hbm>>)
        tpu.yield
      }) : () -> ()
    } else {
    }
    return
  }
}

#map = affine_map<(d0, d1) -> (0)>
#map1 = affine_map<(d0, d1) -> (0, 0)>
#map2 = affine_map<(d0, d1) -> (0, 0, 0)>
module attributes {stable_mosaic.version = 14 : i64} {
  func.func @agg_kernel(%arg0: i32, %arg1: i32, %arg2: memref<161280xi32, #tpu.memory_space<hbm>>, %arg3: memref<161280xi32, #tpu.memory_space<hbm>>, %arg4: memref<20000x128xf32, #tpu.memory_space<hbm>>, %arg5: memref<2x10240x128xf32, #tpu.memory_space<hbm>>, %arg6: memref<10080xi32, #tpu.memory_space<vmem>>, %arg7: memref<10080xi32, #tpu.memory_space<vmem>>, %arg8: memref<96xi32, #tpu.memory_space<vmem>>, %arg9: memref<96xi32, #tpu.memory_space<vmem>>, %arg10: memref<96xi32, #tpu.memory_space<vmem>>, %arg11: memref<96x128xf32, #tpu.memory_space<vmem>>, %arg12: memref<96x128xf32, #tpu.memory_space<vmem>>, %arg13: memref<10240x128xf32, #tpu.memory_space<vmem_shared>>, %arg14: memref<!tpu.dma_semaphore, #tpu.memory_space<semaphore_mem>>, %arg15: memref<!tpu.dma_semaphore, #tpu.memory_space<semaphore_mem>>) attributes {dimension_semantics = [#tpu.dimension_semantics<core_parallel>, #tpu.dimension_semantics<subcore_parallel>], iteration_bounds = array<i64: 2, 16>, scalar_prefetch = 0 : i64, scratch_operands = 10 : i64, tpu.core_type = #tpu.core_type<sc_vector_subcore>, window_params = [{transform_indices = #map}, {transform_indices = #map}, {transform_indices = #map1}, {transform_indices = #map2}]} {
    %mul3A = arith.constant 10080 : i32
    %mul3A_0 = arith.muli %arg1, %mul3A : i32
    %mul3A_1 = arith.constant 640 : i32
    %mul3A_2 = arith.muli %arg1, %mul3A_1 : i32
    %mul3A_3 = arith.constant 10000 : i32
    %mul3A_4 = arith.muli %arg0, %mul3A_3 : i32
    "tpu.region"() ({
      %run_scoped3A = tpu.sem_alloc : memref<!tpu.dma_semaphore, #tpu.memory_space<semaphore_mem>>
      %dma_start3A_157 = tpu.memref_slice %arg2[%mul3A_0] : memref<161280xi32, #tpu.memory_space<hbm>> -> memref<10080xi32, #tpu.memory_space<hbm>>
      %dma_start3A_158 = tpu.memref_slice %arg2[%mul3A_0] : memref<161280xi32, #tpu.memory_space<hbm>> -> memref<10080xi32, #tpu.memory_space<hbm>>
      tpu.enqueue_dma source(%dma_start3A_158 : memref<10080xi32, #tpu.memory_space<hbm>>) target(%arg6 : memref<10080xi32, #tpu.memory_space<vmem>>) target_semaphore(%run_scoped3A : memref<!tpu.dma_semaphore, #tpu.memory_space<semaphore_mem>>)
      %dma_wait3A_159 = tpu.memref_slice %arg2[%mul3A_0] : memref<161280xi32, #tpu.memory_space<hbm>> -> memref<10080xi32, #tpu.memory_space<hbm>>
      %dma_wait3A_160 = tpu.memref_slice %arg2[%mul3A_0] : memref<161280xi32, #tpu.memory_space<hbm>> -> memref<10080xi32, #tpu.memory_space<hbm>>
      tpu.wait_dma2 semaphore(%run_scoped3A : memref<!tpu.dma_semaphore, #tpu.memory_space<semaphore_mem>>) src(%dma_wait3A_160 : memref<10080xi32, #tpu.memory_space<hbm>>) dst(%arg6 : memref<10080xi32, #tpu.memory_space<vmem>>)
      tpu.yield
    }) : () -> ()
    "tpu.region"() ({
      %run_scoped3A = tpu.sem_alloc : memref<!tpu.dma_semaphore, #tpu.memory_space<semaphore_mem>>
      %dma_start3A_157 = tpu.memref_slice %arg3[%mul3A_0] : memref<161280xi32, #tpu.memory_space<hbm>> -> memref<10080xi32, #tpu.memory_space<hbm>>
      %dma_start3A_158 = tpu.memref_slice %arg3[%mul3A_0] : memref<161280xi32, #tpu.memory_space<hbm>> -> memref<10080xi32, #tpu.memory_space<hbm>>
      tpu.enqueue_dma source(%dma_start3A_158 : memref<10080xi32, #tpu.memory_space<hbm>>) target(%arg7 : memref<10080xi32, #tpu.memory_space<vmem>>) target_semaphore(%run_scoped3A : memref<!tpu.dma_semaphore, #tpu.memory_space<semaphore_mem>>)
      %dma_wait3A_159 = tpu.memref_slice %arg3[%mul3A_0] : memref<161280xi32, #tpu.memory_space<hbm>> -> memref<10080xi32, #tpu.memory_space<hbm>>
      %dma_wait3A_160 = tpu.memref_slice %arg3[%mul3A_0] : memref<161280xi32, #tpu.memory_space<hbm>> -> memref<10080xi32, #tpu.memory_space<hbm>>
      tpu.wait_dma2 semaphore(%run_scoped3A : memref<!tpu.dma_semaphore, #tpu.memory_space<semaphore_mem>>) src(%dma_wait3A_160 : memref<10080xi32, #tpu.memory_space<hbm>>) dst(%arg7 : memref<10080xi32, #tpu.memory_space<vmem>>)
      tpu.yield
    }) : () -> ()
    %broadcast_in_dim3A = arith.constant 0.000000e+00 : f32
    %broadcast_in_dim3A_5 = vector.broadcast %broadcast_in_dim3A : f32 to vector<16xf32>
    %scan3A = arith.constant 0 : i32
    %scan3A_6 = arith.constant 0 : i32
    %scan3A_7 = arith.constant 96 : i32
    %scan3A_8 = arith.addi %scan3A_6, %scan3A_7 : i32
    %scan3A_9 = arith.constant 1 : i32
    scf.for %scan3A_157 = %scan3A_6 to %scan3A_8 step %scan3A_9  : i32 {
      %swap3A_158 = arith.index_cast %scan3A_157 : i32 to index
      %swap3A_159 = arith.constant 0 : index
      %swap3A_160 = tpu.vector_load %arg11[%swap3A_158, %swap3A_159] {strides = array<i32>} : memref<96x128xf32, #tpu.memory_space<vmem>>, vector<16xf32>,
      tpu.vector_store %arg11[%swap3A_158, %swap3A_159], %broadcast_in_dim3A_5 {strides = array<i32>} : memref<96x128xf32, #tpu.memory_space<vmem>>, vector<16xf32>,
      %swap3A_161 = arith.index_cast %scan3A_157 : i32 to index
      %swap3A_162 = arith.constant 16 : index
      %swap3A_163 = tpu.vector_load %arg11[%swap3A_161, %swap3A_162] {strides = array<i32>} : memref<96x128xf32, #tpu.memory_space<vmem>>, vector<16xf32>,
      tpu.vector_store %arg11[%swap3A_161, %swap3A_162], %broadcast_in_dim3A_5 {strides = array<i32>} : memref<96x128xf32, #tpu.memory_space<vmem>>, vector<16xf32>,
      %swap3A_164 = arith.index_cast %scan3A_157 : i32 to index
      %swap3A_165 = arith.constant 32 : index
      %swap3A_166 = tpu.vector_load %arg11[%swap3A_164, %swap3A_165] {strides = array<i32>} : memref<96x128xf32, #tpu.memory_space<vmem>>, vector<16xf32>,
      tpu.vector_store %arg11[%swap3A_164, %swap3A_165], %broadcast_in_dim3A_5 {strides = array<i32>} : memref<96x128xf32, #tpu.memory_space<vmem>>, vector<16xf32>,
      %swap3A_167 = arith.index_cast %scan3A_157 : i32 to index
      %swap3A_168 = arith.constant 48 : index
      %swap3A_169 = tpu.vector_load %arg11[%swap3A_167, %swap3A_168] {strides = array<i32>} : memref<96x128xf32, #tpu.memory_space<vmem>>, vector<16xf32>,
      tpu.vector_store %arg11[%swap3A_167, %swap3A_168], %broadcast_in_dim3A_5 {strides = array<i32>} : memref<96x128xf32, #tpu.memory_space<vmem>>, vector<16xf32>,
      %swap3A_170 = arith.index_cast %scan3A_157 : i32 to index
      %swap3A_171 = arith.constant 64 : index
      %swap3A_172 = tpu.vector_load %arg11[%swap3A_170, %swap3A_171] {strides = array<i32>} : memref<96x128xf32, #tpu.memory_space<vmem>>, vector<16xf32>,
      tpu.vector_store %arg11[%swap3A_170, %swap3A_171], %broadcast_in_dim3A_5 {strides = array<i32>} : memref<96x128xf32, #tpu.memory_space<vmem>>, vector<16xf32>,
      %swap3A_173 = arith.index_cast %scan3A_157 : i32 to index
      %swap3A_174 = arith.constant 80 : index
      %swap3A_175 = tpu.vector_load %arg11[%swap3A_173, %swap3A_174] {strides = array<i32>} : memref<96x128xf32, #tpu.memory_space<vmem>>, vector<16xf32>,
      tpu.vector_store %arg11[%swap3A_173, %swap3A_174], %broadcast_in_dim3A_5 {strides = array<i32>} : memref<96x128xf32, #tpu.memory_space<vmem>>, vector<16xf32>,
      %swap3A_176 = arith.index_cast %scan3A_157 : i32 to index
      %swap3A_177 = arith.constant 96 : index
      %swap3A_178 = tpu.vector_load %arg11[%swap3A_176, %swap3A_177] {strides = array<i32>} : memref<96x128xf32, #tpu.memory_space<vmem>>, vector<16xf32>,
      tpu.vector_store %arg11[%swap3A_176, %swap3A_177], %broadcast_in_dim3A_5 {strides = array<i32>} : memref<96x128xf32, #tpu.memory_space<vmem>>, vector<16xf32>,
      %swap3A_179 = arith.index_cast %scan3A_157 : i32 to index
      %swap3A_180 = arith.constant 112 : index
      %swap3A_181 = tpu.vector_load %arg11[%swap3A_179, %swap3A_180] {strides = array<i32>} : memref<96x128xf32, #tpu.memory_space<vmem>>, vector<16xf32>,
      tpu.vector_store %arg11[%swap3A_179, %swap3A_180], %broadcast_in_dim3A_5 {strides = array<i32>} : memref<96x128xf32, #tpu.memory_space<vmem>>, vector<16xf32>,
    }
    %scan3A_10 = arith.constant 96 : i32
    %add3A = arith.constant 0 : i32
    %add3A_11 = arith.addi %mul3A_2, %add3A : i32
    "tpu.region"() ({
      %run_scoped3A = tpu.sem_alloc : memref<!tpu.dma_semaphore, #tpu.memory_space<semaphore_mem>>
      %dma_start3A_157 = arith.constant 0 : i32
      %dma_start3A_158 = tpu.memref_slice %arg13[%add3A_11, %dma_start3A_157] : memref<10240x128xf32, #tpu.memory_space<vmem_shared>> -> memref<96x128xf32, #tpu.memory_space<vmem_shared>>
      %dma_start3A_159 = arith.constant 0 : i32
      %dma_start3A_160 = tpu.memref_slice %arg13[%add3A_11, %dma_start3A_159] : memref<10240x128xf32, #tpu.memory_space<vmem_shared>> -> memref<96x128xf32, #tpu.memory_space<vmem_shared>>
      tpu.enqueue_dma source(%arg11 : memref<96x128xf32, #tpu.memory_space<vmem>>) target(%dma_start3A_160 : memref<96x128xf32, #tpu.memory_space<vmem_shared>>) target_semaphore(%run_scoped3A : memref<!tpu.dma_semaphore, #tpu.memory_space<semaphore_mem>>)
      %dma_wait3A_161 = arith.constant 0 : i32
      %dma_wait3A_162 = tpu.memref_slice %arg13[%add3A_11, %dma_wait3A_161] : memref<10240x128xf32, #tpu.memory_space<vmem_shared>> -> memref<96x128xf32, #tpu.memory_space<vmem_shared>>
      %dma_wait3A_163 = arith.constant 0 : i32
      %dma_wait3A_164 = tpu.memref_slice %arg13[%add3A_11, %dma_wait3A_163] : memref<10240x128xf32, #tpu.memory_space<vmem_shared>> -> memref<96x128xf32, #tpu.memory_space<vmem_shared>>
      tpu.wait_dma2 semaphore(%run_scoped3A : memref<!tpu.dma_semaphore, #tpu.memory_space<semaphore_mem>>) src(%arg11 : memref<96x128xf32, #tpu.memory_space<vmem>>) dst(%dma_wait3A_164 : memref<96x128xf32, #tpu.memory_space<vmem_shared>>)
      tpu.yield
    }) : () -> ()
    %add3A_12 = arith.constant 96 : i32
    %add3A_13 = arith.addi %mul3A_2, %add3A_12 : i32
    "tpu.region"() ({
      %run_scoped3A = tpu.sem_alloc : memref<!tpu.dma_semaphore, #tpu.memory_space<semaphore_mem>>
      %dma_start3A_157 = arith.constant 0 : i32
      %dma_start3A_158 = tpu.memref_slice %arg13[%add3A_13, %dma_start3A_157] : memref<10240x128xf32, #tpu.memory_space<vmem_shared>> -> memref<96x128xf32, #tpu.memory_space<vmem_shared>>
      %dma_start3A_159 = arith.constant 0 : i32
      %dma_start3A_160 = tpu.memref_slice %arg13[%add3A_13, %dma_start3A_159] : memref<10240x128xf32, #tpu.memory_space<vmem_shared>> -> memref<96x128xf32, #tpu.memory_space<vmem_shared>>
      tpu.enqueue_dma source(%arg11 : memref<96x128xf32, #tpu.memory_space<vmem>>) target(%dma_start3A_160 : memref<96x128xf32, #tpu.memory_space<vmem_shared>>) target_semaphore(%run_scoped3A : memref<!tpu.dma_semaphore, #tpu.memory_space<semaphore_mem>>)
      %dma_wait3A_161 = arith.constant 0 : i32
      %dma_wait3A_162 = tpu.memref_slice %arg13[%add3A_13, %dma_wait3A_161] : memref<10240x128xf32, #tpu.memory_space<vmem_shared>> -> memref<96x128xf32, #tpu.memory_space<vmem_shared>>
      %dma_wait3A_163 = arith.constant 0 : i32
      %dma_wait3A_164 = tpu.memref_slice %arg13[%add3A_13, %dma_wait3A_163] : memref<10240x128xf32, #tpu.memory_space<vmem_shared>> -> memref<96x128xf32, #tpu.memory_space<vmem_shared>>
      tpu.wait_dma2 semaphore(%run_scoped3A : memref<!tpu.dma_semaphore, #tpu.memory_space<semaphore_mem>>) src(%arg11 : memref<96x128xf32, #tpu.memory_space<vmem>>) dst(%dma_wait3A_164 : memref<96x128xf32, #tpu.memory_space<vmem_shared>>)
      tpu.yield
    }) : () -> ()
    %add3A_14 = arith.constant 192 : i32
    %add3A_15 = arith.addi %mul3A_2, %add3A_14 : i32
    "tpu.region"() ({
      %run_scoped3A = tpu.sem_alloc : memref<!tpu.dma_semaphore, #tpu.memory_space<semaphore_mem>>
      %dma_start3A_157 = arith.constant 0 : i32
      %dma_start3A_158 = tpu.memref_slice %arg13[%add3A_15, %dma_start3A_157] : memref<10240x128xf32, #tpu.memory_space<vmem_shared>> -> memref<96x128xf32, #tpu.memory_space<vmem_shared>>
      %dma_start3A_159 = arith.constant 0 : i32
      %dma_start3A_160 = tpu.memref_slice %arg13[%add3A_15, %dma_start3A_159] : memref<10240x128xf32, #tpu.memory_space<vmem_shared>> -> memref<96x128xf32, #tpu.memory_space<vmem_shared>>
      tpu.enqueue_dma source(%arg11 : memref<96x128xf32, #tpu.memory_space<vmem>>) target(%dma_start3A_160 : memref<96x128xf32, #tpu.memory_space<vmem_shared>>) target_semaphore(%run_scoped3A : memref<!tpu.dma_semaphore, #tpu.memory_space<semaphore_mem>>)
      %dma_wait3A_161 = arith.constant 0 : i32
      %dma_wait3A_162 = tpu.memref_slice %arg13[%add3A_15, %dma_wait3A_161] : memref<10240x128xf32, #tpu.memory_space<vmem_shared>> -> memref<96x128xf32, #tpu.memory_space<vmem_shared>>
      %dma_wait3A_163 = arith.constant 0 : i32
      %dma_wait3A_164 = tpu.memref_slice %arg13[%add3A_15, %dma_wait3A_163] : memref<10240x128xf32, #tpu.memory_space<vmem_shared>> -> memref<96x128xf32, #tpu.memory_space<vmem_shared>>
      tpu.wait_dma2 semaphore(%run_scoped3A : memref<!tpu.dma_semaphore, #tpu.memory_space<semaphore_mem>>) src(%arg11 : memref<96x128xf32, #tpu.memory_space<vmem>>) dst(%dma_wait3A_164 : memref<96x128xf32, #tpu.memory_space<vmem_shared>>)
      tpu.yield
    }) : () -> ()
    %add3A_16 = arith.constant 288 : i32
    %add3A_17 = arith.addi %mul3A_2, %add3A_16 : i32
    "tpu.region"() ({
      %run_scoped3A = tpu.sem_alloc : memref<!tpu.dma_semaphore, #tpu.memory_space<semaphore_mem>>
      %dma_start3A_157 = arith.constant 0 : i32
      %dma_start3A_158 = tpu.memref_slice %arg13[%add3A_17, %dma_start3A_157] : memref<10240x128xf32, #tpu.memory_space<vmem_shared>> -> memref<96x128xf32, #tpu.memory_space<vmem_shared>>
      %dma_start3A_159 = arith.constant 0 : i32
      %dma_start3A_160 = tpu.memref_slice %arg13[%add3A_17, %dma_start3A_159] : memref<10240x128xf32, #tpu.memory_space<vmem_shared>> -> memref<96x128xf32, #tpu.memory_space<vmem_shared>>
      tpu.enqueue_dma source(%arg11 : memref<96x128xf32, #tpu.memory_space<vmem>>) target(%dma_start3A_160 : memref<96x128xf32, #tpu.memory_space<vmem_shared>>) target_semaphore(%run_scoped3A : memref<!tpu.dma_semaphore, #tpu.memory_space<semaphore_mem>>)
      %dma_wait3A_161 = arith.constant 0 : i32
      %dma_wait3A_162 = tpu.memref_slice %arg13[%add3A_17, %dma_wait3A_161] : memref<10240x128xf32, #tpu.memory_space<vmem_shared>> -> memref<96x128xf32, #tpu.memory_space<vmem_shared>>
      %dma_wait3A_163 = arith.constant 0 : i32
      %dma_wait3A_164 = tpu.memref_slice %arg13[%add3A_17, %dma_wait3A_163] : memref<10240x128xf32, #tpu.memory_space<vmem_shared>> -> memref<96x128xf32, #tpu.memory_space<vmem_shared>>
      tpu.wait_dma2 semaphore(%run_scoped3A : memref<!tpu.dma_semaphore, #tpu.memory_space<semaphore_mem>>) src(%arg11 : memref<96x128xf32, #tpu.memory_space<vmem>>) dst(%dma_wait3A_164 : memref<96x128xf32, #tpu.memory_space<vmem_shared>>)
      tpu.yield
    }) : () -> ()
    %add3A_18 = arith.constant 384 : i32
    %add3A_19 = arith.addi %mul3A_2, %add3A_18 : i32
    "tpu.region"() ({
      %run_scoped3A = tpu.sem_alloc : memref<!tpu.dma_semaphore, #tpu.memory_space<semaphore_mem>>
      %dma_start3A_157 = arith.constant 0 : i32
      %dma_start3A_158 = tpu.memref_slice %arg13[%add3A_19, %dma_start3A_157] : memref<10240x128xf32, #tpu.memory_space<vmem_shared>> -> memref<96x128xf32, #tpu.memory_space<vmem_shared>>
      %dma_start3A_159 = arith.constant 0 : i32
      %dma_start3A_160 = tpu.memref_slice %arg13[%add3A_19, %dma_start3A_159] : memref<10240x128xf32, #tpu.memory_space<vmem_shared>> -> memref<96x128xf32, #tpu.memory_space<vmem_shared>>
      tpu.enqueue_dma source(%arg11 : memref<96x128xf32, #tpu.memory_space<vmem>>) target(%dma_start3A_160 : memref<96x128xf32, #tpu.memory_space<vmem_shared>>) target_semaphore(%run_scoped3A : memref<!tpu.dma_semaphore, #tpu.memory_space<semaphore_mem>>)
      %dma_wait3A_161 = arith.constant 0 : i32
      %dma_wait3A_162 = tpu.memref_slice %arg13[%add3A_19, %dma_wait3A_161] : memref<10240x128xf32, #tpu.memory_space<vmem_shared>> -> memref<96x128xf32, #tpu.memory_space<vmem_shared>>
      %dma_wait3A_163 = arith.constant 0 : i32
      %dma_wait3A_164 = tpu.memref_slice %arg13[%add3A_19, %dma_wait3A_163] : memref<10240x128xf32, #tpu.memory_space<vmem_shared>> -> memref<96x128xf32, #tpu.memory_space<vmem_shared>>
      tpu.wait_dma2 semaphore(%run_scoped3A : memref<!tpu.dma_semaphore, #tpu.memory_space<semaphore_mem>>) src(%arg11 : memref<96x128xf32, #tpu.memory_space<vmem>>) dst(%dma_wait3A_164 : memref<96x128xf32, #tpu.memory_space<vmem_shared>>)
      tpu.yield
    }) : () -> ()
    %add3A_20 = arith.constant 480 : i32
    %add3A_21 = arith.addi %mul3A_2, %add3A_20 : i32
    "tpu.region"() ({
      %run_scoped3A = tpu.sem_alloc : memref<!tpu.dma_semaphore, #tpu.memory_space<semaphore_mem>>
      %dma_start3A_157 = arith.constant 0 : i32
      %dma_start3A_158 = tpu.memref_slice %arg13[%add3A_21, %dma_start3A_157] : memref<10240x128xf32, #tpu.memory_space<vmem_shared>> -> memref<96x128xf32, #tpu.memory_space<vmem_shared>>
      %dma_start3A_159 = arith.constant 0 : i32
      %dma_start3A_160 = tpu.memref_slice %arg13[%add3A_21, %dma_start3A_159] : memref<10240x128xf32, #tpu.memory_space<vmem_shared>> -> memref<96x128xf32, #tpu.memory_space<vmem_shared>>
      tpu.enqueue_dma source(%arg11 : memref<96x128xf32, #tpu.memory_space<vmem>>) target(%dma_start3A_160 : memref<96x128xf32, #tpu.memory_space<vmem_shared>>) target_semaphore(%run_scoped3A : memref<!tpu.dma_semaphore, #tpu.memory_space<semaphore_mem>>)
      %dma_wait3A_161 = arith.constant 0 : i32
      %dma_wait3A_162 = tpu.memref_slice %arg13[%add3A_21, %dma_wait3A_161] : memref<10240x128xf32, #tpu.memory_space<vmem_shared>> -> memref<96x128xf32, #tpu.memory_space<vmem_shared>>
      %dma_wait3A_163 = arith.constant 0 : i32
      %dma_wait3A_164 = tpu.memref_slice %arg13[%add3A_21, %dma_wait3A_163] : memref<10240x128xf32, #tpu.memory_space<vmem_shared>> -> memref<96x128xf32, #tpu.memory_space<vmem_shared>>
      tpu.wait_dma2 semaphore(%run_scoped3A : memref<!tpu.dma_semaphore, #tpu.memory_space<semaphore_mem>>) src(%arg11 : memref<96x128xf32, #tpu.memory_space<vmem>>) dst(%dma_wait3A_164 : memref<96x128xf32, #tpu.memory_space<vmem_shared>>)
      tpu.yield
    }) : () -> ()
    %add3A_22 = arith.constant 576 : i32
    %add3A_23 = arith.addi %mul3A_2, %add3A_22 : i32
    "tpu.region"() ({
      %run_scoped3A = tpu.sem_alloc : memref<!tpu.dma_semaphore, #tpu.memory_space<semaphore_mem>>
      %dma_start3A_157 = arith.constant 0 : i32
      %dma_start3A_158 = arith.constant 0 : i32
      %dma_start3A_159 = tpu.memref_slice %arg11[%dma_start3A_157, %dma_start3A_158] : memref<96x128xf32, #tpu.memory_space<vmem>> -> memref<64x128xf32, #tpu.memory_space<vmem>>
      %dma_start3A_160 = arith.constant 0 : i32
      %dma_start3A_161 = tpu.memref_slice %arg13[%add3A_23, %dma_start3A_160] : memref<10240x128xf32, #tpu.memory_space<vmem_shared>> -> memref<64x128xf32, #tpu.memory_space<vmem_shared>>
      %dma_start3A_162 = arith.constant 0 : i32
      %dma_start3A_163 = tpu.memref_slice %arg13[%add3A_23, %dma_start3A_162] : memref<10240x128xf32, #tpu.memory_space<vmem_shared>> -> memref<64x128xf32, #tpu.memory_space<vmem_shared>>
      %dma_start3A_164 = arith.constant 0 : i32
      %dma_start3A_165 = arith.constant 0 : i32
      %dma_start3A_166 = tpu.memref_slice %arg11[%dma_start3A_164, %dma_start3A_165] : memref<96x128xf32, #tpu.memory_space<vmem>> -> memref<64x128xf32, #tpu.memory_space<vmem>>
      tpu.enqueue_dma source(%dma_start3A_166 : memref<64x128xf32, #tpu.memory_space<vmem>>) target(%dma_start3A_163 : memref<64x128xf32, #tpu.memory_space<vmem_shared>>) target_semaphore(%run_scoped3A : memref<!tpu.dma_semaphore, #tpu.memory_space<semaphore_mem>>)
      %dma_wait3A_167 = arith.constant 0 : i32
      %dma_wait3A_168 = arith.constant 0 : i32
      %dma_wait3A_169 = tpu.memref_slice %arg11[%dma_wait3A_167, %dma_wait3A_168] : memref<96x128xf32, #tpu.memory_space<vmem>> -> memref<64x128xf32, #tpu.memory_space<vmem>>
      %dma_wait3A_170 = arith.constant 0 : i32
      %dma_wait3A_171 = tpu.memref_slice %arg13[%add3A_23, %dma_wait3A_170] : memref<10240x128xf32, #tpu.memory_space<vmem_shared>> -> memref<64x128xf32, #tpu.memory_space<vmem_shared>>
      %dma_wait3A_172 = arith.constant 0 : i32
      %dma_wait3A_173 = tpu.memref_slice %arg13[%add3A_23, %dma_wait3A_172] : memref<10240x128xf32, #tpu.memory_space<vmem_shared>> -> memref<64x128xf32, #tpu.memory_space<vmem_shared>>
      %dma_wait3A_174 = arith.constant 0 : i32
      %dma_wait3A_175 = arith.constant 0 : i32
      %dma_wait3A_176 = tpu.memref_slice %arg11[%dma_wait3A_174, %dma_wait3A_175] : memref<96x128xf32, #tpu.memory_space<vmem>> -> memref<64x128xf32, #tpu.memory_space<vmem>>
      tpu.wait_dma2 semaphore(%run_scoped3A : memref<!tpu.dma_semaphore, #tpu.memory_space<semaphore_mem>>) src(%dma_wait3A_176 : memref<64x128xf32, #tpu.memory_space<vmem>>) dst(%dma_wait3A_173 : memref<64x128xf32, #tpu.memory_space<vmem_shared>>)
      tpu.yield
    }) : () -> ()
    %barrier3A = arith.constant 0 : index
    tpu.barrier barrier_id(%barrier3A)
    %get3A = arith.constant 0 : index
    %get3A_24 = tpu.vector_load %arg6[%get3A] {strides = array<i32>} : memref<10080xi32, #tpu.memory_space<vmem>>, vector<16xi32>,
    %add3A_25 = vector.broadcast %mul3A_4 : i32 to vector<16xi32>
    %add3A_26 = arith.addi %get3A_24, %add3A_25 : vector<16xi32>
    %swap3A = arith.constant 0 : index
    %swap3A_27 = tpu.vector_load %arg8[%swap3A] {strides = array<i32>} : memref<96xi32, #tpu.memory_space<vmem>>, vector<16xi32>,
    tpu.vector_store %arg8[%swap3A], %add3A_26 {strides = array<i32>} : memref<96xi32, #tpu.memory_space<vmem>>, vector<16xi32>,
    %get3A_28 = arith.constant 16 : index
    %get3A_29 = tpu.vector_load %arg6[%get3A_28] {strides = array<i32>} : memref<10080xi32, #tpu.memory_space<vmem>>, vector<16xi32>,
    %add3A_30 = vector.broadcast %mul3A_4 : i32 to vector<16xi32>
    %add3A_31 = arith.addi %get3A_29, %add3A_30 : vector<16xi32>
    %swap3A_32 = arith.constant 16 : index
    %swap3A_33 = tpu.vector_load %arg8[%swap3A_32] {strides = array<i32>} : memref<96xi32, #tpu.memory_space<vmem>>, vector<16xi32>,
    tpu.vector_store %arg8[%swap3A_32], %add3A_31 {strides = array<i32>} : memref<96xi32, #tpu.memory_space<vmem>>, vector<16xi32>,
    %get3A_34 = arith.constant 32 : index
    %get3A_35 = tpu.vector_load %arg6[%get3A_34] {strides = array<i32>} : memref<10080xi32, #tpu.memory_space<vmem>>, vector<16xi32>,
    %add3A_36 = vector.broadcast %mul3A_4 : i32 to vector<16xi32>
    %add3A_37 = arith.addi %get3A_35, %add3A_36 : vector<16xi32>
    %swap3A_38 = arith.constant 32 : index
    %swap3A_39 = tpu.vector_load %arg8[%swap3A_38] {strides = array<i32>} : memref<96xi32, #tpu.memory_space<vmem>>, vector<16xi32>,
    tpu.vector_store %arg8[%swap3A_38], %add3A_37 {strides = array<i32>} : memref<96xi32, #tpu.memory_space<vmem>>, vector<16xi32>,
    %get3A_40 = arith.constant 48 : index
    %get3A_41 = tpu.vector_load %arg6[%get3A_40] {strides = array<i32>} : memref<10080xi32, #tpu.memory_space<vmem>>, vector<16xi32>,
    %add3A_42 = vector.broadcast %mul3A_4 : i32 to vector<16xi32>
    %add3A_43 = arith.addi %get3A_41, %add3A_42 : vector<16xi32>
    %swap3A_44 = arith.constant 48 : index
    %swap3A_45 = tpu.vector_load %arg8[%swap3A_44] {strides = array<i32>} : memref<96xi32, #tpu.memory_space<vmem>>, vector<16xi32>,
    tpu.vector_store %arg8[%swap3A_44], %add3A_43 {strides = array<i32>} : memref<96xi32, #tpu.memory_space<vmem>>, vector<16xi32>,
    %get3A_46 = arith.constant 64 : index
    %get3A_47 = tpu.vector_load %arg6[%get3A_46] {strides = array<i32>} : memref<10080xi32, #tpu.memory_space<vmem>>, vector<16xi32>,
    %add3A_48 = vector.broadcast %mul3A_4 : i32 to vector<16xi32>
    %add3A_49 = arith.addi %get3A_47, %add3A_48 : vector<16xi32>
    %swap3A_50 = arith.constant 64 : index
    %swap3A_51 = tpu.vector_load %arg8[%swap3A_50] {strides = array<i32>} : memref<96xi32, #tpu.memory_space<vmem>>, vector<16xi32>,
    tpu.vector_store %arg8[%swap3A_50], %add3A_49 {strides = array<i32>} : memref<96xi32, #tpu.memory_space<vmem>>, vector<16xi32>,
    %get3A_52 = arith.constant 80 : index
    %get3A_53 = tpu.vector_load %arg6[%get3A_52] {strides = array<i32>} : memref<10080xi32, #tpu.memory_space<vmem>>, vector<16xi32>,
    %add3A_54 = vector.broadcast %mul3A_4 : i32 to vector<16xi32>
    %add3A_55 = arith.addi %get3A_53, %add3A_54 : vector<16xi32>
    %swap3A_56 = arith.constant 80 : index
    %swap3A_57 = tpu.vector_load %arg8[%swap3A_56] {strides = array<i32>} : memref<96xi32, #tpu.memory_space<vmem>>, vector<16xi32>,
    tpu.vector_store %arg8[%swap3A_56], %add3A_55 {strides = array<i32>} : memref<96xi32, #tpu.memory_space<vmem>>, vector<16xi32>,
    %dma_start3A = arith.constant 0 : i32
    %dma_start3A_58 = arith.constant 0 : i32
    %dma_start3A_59 = tpu.memref_slice %arg4[%dma_start3A, %dma_start3A_58] : memref<20000x128xf32, #tpu.memory_space<hbm>> -> memref<20000x128xf32, #tpu.memory_space<hbm>>
    tpu.enqueue_indirect_dma source(%dma_start3A_59 : memref<20000x128xf32, #tpu.memory_space<hbm>>) target(%arg11 : memref<96x128xf32, #tpu.memory_space<vmem>>) offsets(%arg8 : memref<96xi32, #tpu.memory_space<vmem>>) semaphore(%arg14 : memref<!tpu.dma_semaphore, #tpu.memory_space<semaphore_mem>>)
    %get3A_60 = arith.constant 96 : index
    %get3A_61 = tpu.vector_load %arg6[%get3A_60] {strides = array<i32>} : memref<10080xi32, #tpu.memory_space<vmem>>, vector<16xi32>,
    %add3A_62 = vector.broadcast %mul3A_4 : i32 to vector<16xi32>
    %add3A_63 = arith.addi %get3A_61, %add3A_62 : vector<16xi32>
    %swap3A_64 = arith.constant 0 : index
    %swap3A_65 = tpu.vector_load %arg9[%swap3A_64] {strides = array<i32>} : memref<96xi32, #tpu.memory_space<vmem>>, vector<16xi32>,
    tpu.vector_store %arg9[%swap3A_64], %add3A_63 {strides = array<i32>} : memref<96xi32, #tpu.memory_space<vmem>>, vector<16xi32>,
    %get3A_66 = arith.constant 112 : index
    %get3A_67 = tpu.vector_load %arg6[%get3A_66] {strides = array<i32>} : memref<10080xi32, #tpu.memory_space<vmem>>, vector<16xi32>,
    %add3A_68 = vector.broadcast %mul3A_4 : i32 to vector<16xi32>
    %add3A_69 = arith.addi %get3A_67, %add3A_68 : vector<16xi32>
    %swap3A_70 = arith.constant 16 : index
    %swap3A_71 = tpu.vector_load %arg9[%swap3A_70] {strides = array<i32>} : memref<96xi32, #tpu.memory_space<vmem>>, vector<16xi32>,
    tpu.vector_store %arg9[%swap3A_70], %add3A_69 {strides = array<i32>} : memref<96xi32, #tpu.memory_space<vmem>>, vector<16xi32>,
    %get3A_72 = arith.constant 128 : index
    %get3A_73 = tpu.vector_load %arg6[%get3A_72] {strides = array<i32>} : memref<10080xi32, #tpu.memory_space<vmem>>, vector<16xi32>,
    %add3A_74 = vector.broadcast %mul3A_4 : i32 to vector<16xi32>
    %add3A_75 = arith.addi %get3A_73, %add3A_74 : vector<16xi32>
    %swap3A_76 = arith.constant 32 : index
    %swap3A_77 = tpu.vector_load %arg9[%swap3A_76] {strides = array<i32>} : memref<96xi32, #tpu.memory_space<vmem>>, vector<16xi32>,
    tpu.vector_store %arg9[%swap3A_76], %add3A_75 {strides = array<i32>} : memref<96xi32, #tpu.memory_space<vmem>>, vector<16xi32>,
    %get3A_78 = arith.constant 144 : index
    %get3A_79 = tpu.vector_load %arg6[%get3A_78] {strides = array<i32>} : memref<10080xi32, #tpu.memory_space<vmem>>, vector<16xi32>,
    %add3A_80 = vector.broadcast %mul3A_4 : i32 to vector<16xi32>
    %add3A_81 = arith.addi %get3A_79, %add3A_80 : vector<16xi32>
    %swap3A_82 = arith.constant 48 : index
    %swap3A_83 = tpu.vector_load %arg9[%swap3A_82] {strides = array<i32>} : memref<96xi32, #tpu.memory_space<vmem>>, vector<16xi32>,
    tpu.vector_store %arg9[%swap3A_82], %add3A_81 {strides = array<i32>} : memref<96xi32, #tpu.memory_space<vmem>>, vector<16xi32>,
    %get3A_84 = arith.constant 160 : index
    %get3A_85 = tpu.vector_load %arg6[%get3A_84] {strides = array<i32>} : memref<10080xi32, #tpu.memory_space<vmem>>, vector<16xi32>,
    %add3A_86 = vector.broadcast %mul3A_4 : i32 to vector<16xi32>
    %add3A_87 = arith.addi %get3A_85, %add3A_86 : vector<16xi32>
    %swap3A_88 = arith.constant 64 : index
    %swap3A_89 = tpu.vector_load %arg9[%swap3A_88] {strides = array<i32>} : memref<96xi32, #tpu.memory_space<vmem>>, vector<16xi32>,
    tpu.vector_store %arg9[%swap3A_88], %add3A_87 {strides = array<i32>} : memref<96xi32, #tpu.memory_space<vmem>>, vector<16xi32>,
    %get3A_90 = arith.constant 176 : index
    %get3A_91 = tpu.vector_load %arg6[%get3A_90] {strides = array<i32>} : memref<10080xi32, #tpu.memory_space<vmem>>, vector<16xi32>,
    %add3A_92 = vector.broadcast %mul3A_4 : i32 to vector<16xi32>
    %add3A_93 = arith.addi %get3A_91, %add3A_92 : vector<16xi32>
    %swap3A_94 = arith.constant 80 : index
    %swap3A_95 = tpu.vector_load %arg9[%swap3A_94] {strides = array<i32>} : memref<96xi32, #tpu.memory_space<vmem>>, vector<16xi32>,
    tpu.vector_store %arg9[%swap3A_94], %add3A_93 {strides = array<i32>} : memref<96xi32, #tpu.memory_space<vmem>>, vector<16xi32>,
    %dma_start3A_96 = arith.constant 0 : i32
    %dma_start3A_97 = arith.constant 0 : i32
    %dma_start3A_98 = tpu.memref_slice %arg4[%dma_start3A_96, %dma_start3A_97] : memref<20000x128xf32, #tpu.memory_space<hbm>> -> memref<20000x128xf32, #tpu.memory_space<hbm>>
    tpu.enqueue_indirect_dma source(%dma_start3A_98 : memref<20000x128xf32, #tpu.memory_space<hbm>>) target(%arg12 : memref<96x128xf32, #tpu.memory_space<vmem>>) offsets(%arg9 : memref<96xi32, #tpu.memory_space<vmem>>) semaphore(%arg15 : memref<!tpu.dma_semaphore, #tpu.memory_space<semaphore_mem>>)
    %scan3A_99 = arith.constant 0 : i32
    %scan3A_100 = arith.constant 0 : i32
    %scan3A_101 = arith.constant 52 : i32
    %scan3A_102 = arith.addi %scan3A_100, %scan3A_101 : i32
    %scan3A_103 = arith.constant 1 : i32
    scf.for %scan3A_157 = %scan3A_100 to %scan3A_102 step %scan3A_103  : i32 {
      %mul3A_158 = arith.constant 2 : i32
      %mul3A_159 = arith.muli %mul3A_158, %scan3A_157 : i32
      %add3A_160 = arith.constant 1 : i32
      %add3A_161 = arith.addi %mul3A_159, %add3A_160 : i32
      %dma_wait3A_162 = arith.constant 0 : i32
      %dma_wait3A_163 = arith.constant 0 : i32
      %dma_wait3A_164 = tpu.memref_slice %arg4[%dma_wait3A_162, %dma_wait3A_163] : memref<20000x128xf32, #tpu.memory_space<hbm>> -> memref<20000x128xf32, #tpu.memory_space<hbm>>
      tpu.wait_indirect_dma semaphore(%arg14 : memref<!tpu.dma_semaphore, #tpu.memory_space<semaphore_mem>>) src(%dma_wait3A_164 : memref<20000x128xf32, #tpu.memory_space<hbm>>) dst(%arg11 : memref<96x128xf32, #tpu.memory_space<vmem>>)
      %mul3A_165 = arith.constant 96 : i32
      %mul3A_166 = arith.muli %mul3A_159, %mul3A_165 : i32
      %add3A_167 = arith.constant 0 : i32
      %add3A_168 = arith.addi %mul3A_166, %add3A_167 : i32
      %get3A_169 = arith.index_cast %add3A_168 : i32 to index
      %get3A_170 = tpu.vector_load %arg7[%get3A_169] {strides = array<i32>} : memref<10080xi32, #tpu.memory_space<vmem>>, vector<16xi32>,
      %add3A_171 = arith.constant 0 : i32
      %add3A_172 = vector.broadcast %add3A_171 : i32 to vector<16xi32>
      %add3A_173 = arith.addi %get3A_170, %add3A_172 : vector<16xi32>
      %swap3A_174 = arith.constant 0 : index
      %swap3A_175 = tpu.vector_load %arg10[%swap3A_174] {strides = array<i32>} : memref<96xi32, #tpu.memory_space<vmem>>, vector<16xi32>,
      tpu.vector_store %arg10[%swap3A_174], %add3A_173 {strides = array<i32>} : memref<96xi32, #tpu.memory_space<vmem>>, vector<16xi32>,
      %mul3A_176 = arith.constant 96 : i32
      %mul3A_177 = arith.muli %mul3A_159, %mul3A_176 : i32
      %add3A_178 = arith.constant 16 : i32
      %add3A_179 = arith.addi %mul3A_177, %add3A_178 : i32
      %get3A_180 = arith.index_cast %add3A_179 : i32 to index
      %get3A_181 = tpu.vector_load %arg7[%get3A_180] {strides = array<i32>} : memref<10080xi32, #tpu.memory_space<vmem>>, vector<16xi32>,
      %add3A_182 = arith.constant 0 : i32
      %add3A_183 = vector.broadcast %add3A_182 : i32 to vector<16xi32>
      %add3A_184 = arith.addi %get3A_181, %add3A_183 : vector<16xi32>
      %swap3A_185 = arith.constant 16 : index
      %swap3A_186 = tpu.vector_load %arg10[%swap3A_185] {strides = array<i32>} : memref<96xi32, #tpu.memory_space<vmem>>, vector<16xi32>,
      tpu.vector_store %arg10[%swap3A_185], %add3A_184 {strides = array<i32>} : memref<96xi32, #tpu.memory_space<vmem>>, vector<16xi32>,
      %mul3A_187 = arith.constant 96 : i32
      %mul3A_188 = arith.muli %mul3A_159, %mul3A_187 : i32
      %add3A_189 = arith.constant 32 : i32
      %add3A_190 = arith.addi %mul3A_188, %add3A_189 : i32
      %get3A_191 = arith.index_cast %add3A_190 : i32 to index
      %get3A_192 = tpu.vector_load %arg7[%get3A_191] {strides = array<i32>} : memref<10080xi32, #tpu.memory_space<vmem>>, vector<16xi32>,
      %add3A_193 = arith.constant 0 : i32
      %add3A_194 = vector.broadcast %add3A_193 : i32 to vector<16xi32>
      %add3A_195 = arith.addi %get3A_192, %add3A_194 : vector<16xi32>
      %swap3A_196 = arith.constant 32 : index
      %swap3A_197 = tpu.vector_load %arg10[%swap3A_196] {strides = array<i32>} : memref<96xi32, #tpu.memory_space<vmem>>, vector<16xi32>,
      tpu.vector_store %arg10[%swap3A_196], %add3A_195 {strides = array<i32>} : memref<96xi32, #tpu.memory_space<vmem>>, vector<16xi32>,
      %mul3A_198 = arith.constant 96 : i32
      %mul3A_199 = arith.muli %mul3A_159, %mul3A_198 : i32
      %add3A_200 = arith.constant 48 : i32
      %add3A_201 = arith.addi %mul3A_199, %add3A_200 : i32
      %get3A_202 = arith.index_cast %add3A_201 : i32 to index
      %get3A_203 = tpu.vector_load %arg7[%get3A_202] {strides = array<i32>} : memref<10080xi32, #tpu.memory_space<vmem>>, vector<16xi32>,
      %add3A_204 = arith.constant 0 : i32
      %add3A_205 = vector.broadcast %add3A_204 : i32 to vector<16xi32>
      %add3A_206 = arith.addi %get3A_203, %add3A_205 : vector<16xi32>
      %swap3A_207 = arith.constant 48 : index
      %swap3A_208 = tpu.vector_load %arg10[%swap3A_207] {strides = array<i32>} : memref<96xi32, #tpu.memory_space<vmem>>, vector<16xi32>,
      tpu.vector_store %arg10[%swap3A_207], %add3A_206 {strides = array<i32>} : memref<96xi32, #tpu.memory_space<vmem>>, vector<16xi32>,
      %mul3A_209 = arith.constant 96 : i32
      %mul3A_210 = arith.muli %mul3A_159, %mul3A_209 : i32
      %add3A_211 = arith.constant 64 : i32
      %add3A_212 = arith.addi %mul3A_210, %add3A_211 : i32
      %get3A_213 = arith.index_cast %add3A_212 : i32 to index
      %get3A_214 = tpu.vector_load %arg7[%get3A_213] {strides = array<i32>} : memref<10080xi32, #tpu.memory_space<vmem>>, vector<16xi32>,
      %add3A_215 = arith.constant 0 : i32
      %add3A_216 = vector.broadcast %add3A_215 : i32 to vector<16xi32>
      %add3A_217 = arith.addi %get3A_214, %add3A_216 : vector<16xi32>
      %swap3A_218 = arith.constant 64 : index
      %swap3A_219 = tpu.vector_load %arg10[%swap3A_218] {strides = array<i32>} : memref<96xi32, #tpu.memory_space<vmem>>, vector<16xi32>,
      tpu.vector_store %arg10[%swap3A_218], %add3A_217 {strides = array<i32>} : memref<96xi32, #tpu.memory_space<vmem>>, vector<16xi32>,
      %mul3A_220 = arith.constant 96 : i32
      %mul3A_221 = arith.muli %mul3A_159, %mul3A_220 : i32
      %add3A_222 = arith.constant 80 : i32
      %add3A_223 = arith.addi %mul3A_221, %add3A_222 : i32
      %get3A_224 = arith.index_cast %add3A_223 : i32 to index
      %get3A_225 = tpu.vector_load %arg7[%get3A_224] {strides = array<i32>} : memref<10080xi32, #tpu.memory_space<vmem>>, vector<16xi32>,
      %add3A_226 = arith.constant 0 : i32
      %add3A_227 = vector.broadcast %add3A_226 : i32 to vector<16xi32>
      %add3A_228 = arith.addi %get3A_225, %add3A_227 : vector<16xi32>
      %swap3A_229 = arith.constant 80 : index
      %swap3A_230 = tpu.vector_load %arg10[%swap3A_229] {strides = array<i32>} : memref<96xi32, #tpu.memory_space<vmem>>, vector<16xi32>,
      tpu.vector_store %arg10[%swap3A_229], %add3A_228 {strides = array<i32>} : memref<96xi32, #tpu.memory_space<vmem>>, vector<16xi32>,
      "tpu.region"() ({
        %run_scoped3A = tpu.sem_alloc : memref<!tpu.dma_semaphore, #tpu.memory_space<semaphore_mem>>
        %dma_start3A_369 = arith.constant 0 : i32
        %dma_start3A_370 = arith.constant 0 : i32
        %dma_start3A_371 = tpu.memref_slice %arg13[%dma_start3A_369, %dma_start3A_370] : memref<10240x128xf32, #tpu.memory_space<vmem_shared>> -> memref<10240x128xf32, #tpu.memory_space<vmem_shared>>
        tpu.enqueue_indirect_dma source(%arg11 : memref<96x128xf32, #tpu.memory_space<vmem>>) target(%dma_start3A_371 : memref<10240x128xf32, #tpu.memory_space<vmem_shared>>) offsets(%arg10 : memref<96xi32, #tpu.memory_space<vmem>>) semaphore(%run_scoped3A : memref<!tpu.dma_semaphore, #tpu.memory_space<semaphore_mem>>) {add = true}
        %dma_wait3A_372 = arith.constant 0 : i32
        %dma_wait3A_373 = arith.constant 0 : i32
        %dma_wait3A_374 = tpu.memref_slice %arg13[%dma_wait3A_372, %dma_wait3A_373] : memref<10240x128xf32, #tpu.memory_space<vmem_shared>> -> memref<10240x128xf32, #tpu.memory_space<vmem_shared>>
        tpu.wait_indirect_dma semaphore(%run_scoped3A : memref<!tpu.dma_semaphore, #tpu.memory_space<semaphore_mem>>) src(%arg11 : memref<96x128xf32, #tpu.memory_space<vmem>>) dst(%dma_wait3A_374 : memref<10240x128xf32, #tpu.memory_space<vmem_shared>>)
        tpu.yield
      }) : () -> ()
      %add3A_231 = arith.constant 2 : i32
      %add3A_232 = arith.addi %mul3A_159, %add3A_231 : i32
      %mul3A_233 = arith.constant 96 : i32
      %mul3A_234 = arith.muli %add3A_232, %mul3A_233 : i32
      %add3A_235 = arith.constant 0 : i32
      %add3A_236 = arith.addi %mul3A_234, %add3A_235 : i32
      %get3A_237 = arith.index_cast %add3A_236 : i32 to index
      %get3A_238 = tpu.vector_load %arg6[%get3A_237] {strides = array<i32>} : memref<10080xi32, #tpu.memory_space<vmem>>, vector<16xi32>,
      %add3A_239 = vector.broadcast %mul3A_4 : i32 to vector<16xi32>
      %add3A_240 = arith.addi %get3A_238, %add3A_239 : vector<16xi32>
      %swap3A_241 = arith.constant 0 : index
      %swap3A_242 = tpu.vector_load %arg8[%swap3A_241] {strides = array<i32>} : memref<96xi32, #tpu.memory_space<vmem>>, vector<16xi32>,
      tpu.vector_store %arg8[%swap3A_241], %add3A_240 {strides = array<i32>} : memref<96xi32, #tpu.memory_space<vmem>>, vector<16xi32>,
      %mul3A_243 = arith.constant 96 : i32
      %mul3A_244 = arith.muli %add3A_232, %mul3A_243 : i32
      %add3A_245 = arith.constant 16 : i32
      %add3A_246 = arith.addi %mul3A_244, %add3A_245 : i32
      %get3A_247 = arith.index_cast %add3A_246 : i32 to index
      %get3A_248 = tpu.vector_load %arg6[%get3A_247] {strides = array<i32>} : memref<10080xi32, #tpu.memory_space<vmem>>, vector<16xi32>,
      %add3A_249 = vector.broadcast %mul3A_4 : i32 to vector<16xi32>
      %add3A_250 = arith.addi %get3A_248, %add3A_249 : vector<16xi32>
      %swap3A_251 = arith.constant 16 : index
      %swap3A_252 = tpu.vector_load %arg8[%swap3A_251] {strides = array<i32>} : memref<96xi32, #tpu.memory_space<vmem>>, vector<16xi32>,
      tpu.vector_store %arg8[%swap3A_251], %add3A_250 {strides = array<i32>} : memref<96xi32, #tpu.memory_space<vmem>>, vector<16xi32>,
      %mul3A_253 = arith.constant 96 : i32
      %mul3A_254 = arith.muli %add3A_232, %mul3A_253 : i32
      %add3A_255 = arith.constant 32 : i32
      %add3A_256 = arith.addi %mul3A_254, %add3A_255 : i32
      %get3A_257 = arith.index_cast %add3A_256 : i32 to index
      %get3A_258 = tpu.vector_load %arg6[%get3A_257] {strides = array<i32>} : memref<10080xi32, #tpu.memory_space<vmem>>, vector<16xi32>,
      %add3A_259 = vector.broadcast %mul3A_4 : i32 to vector<16xi32>
      %add3A_260 = arith.addi %get3A_258, %add3A_259 : vector<16xi32>
      %swap3A_261 = arith.constant 32 : index
      %swap3A_262 = tpu.vector_load %arg8[%swap3A_261] {strides = array<i32>} : memref<96xi32, #tpu.memory_space<vmem>>, vector<16xi32>,
      tpu.vector_store %arg8[%swap3A_261], %add3A_260 {strides = array<i32>} : memref<96xi32, #tpu.memory_space<vmem>>, vector<16xi32>,
      %mul3A_263 = arith.constant 96 : i32
      %mul3A_264 = arith.muli %add3A_232, %mul3A_263 : i32
      %add3A_265 = arith.constant 48 : i32
      %add3A_266 = arith.addi %mul3A_264, %add3A_265 : i32
      %get3A_267 = arith.index_cast %add3A_266 : i32 to index
      %get3A_268 = tpu.vector_load %arg6[%get3A_267] {strides = array<i32>} : memref<10080xi32, #tpu.memory_space<vmem>>, vector<16xi32>,
      %add3A_269 = vector.broadcast %mul3A_4 : i32 to vector<16xi32>
      %add3A_270 = arith.addi %get3A_268, %add3A_269 : vector<16xi32>
      %swap3A_271 = arith.constant 48 : index
      %swap3A_272 = tpu.vector_load %arg8[%swap3A_271] {strides = array<i32>} : memref<96xi32, #tpu.memory_space<vmem>>, vector<16xi32>,
      tpu.vector_store %arg8[%swap3A_271], %add3A_270 {strides = array<i32>} : memref<96xi32, #tpu.memory_space<vmem>>, vector<16xi32>,
      %mul3A_273 = arith.constant 96 : i32
      %mul3A_274 = arith.muli %add3A_232, %mul3A_273 : i32
      %add3A_275 = arith.constant 64 : i32
      %add3A_276 = arith.addi %mul3A_274, %add3A_275 : i32
      %get3A_277 = arith.index_cast %add3A_276 : i32 to index
      %get3A_278 = tpu.vector_load %arg6[%get3A_277] {strides = array<i32>} : memref<10080xi32, #tpu.memory_space<vmem>>, vector<16xi32>,
      %add3A_279 = vector.broadcast %mul3A_4 : i32 to vector<16xi32>
      %add3A_280 = arith.addi %get3A_278, %add3A_279 : vector<16xi32>
      %swap3A_281 = arith.constant 64 : index
      %swap3A_282 = tpu.vector_load %arg8[%swap3A_281] {strides = array<i32>} : memref<96xi32, #tpu.memory_space<vmem>>, vector<16xi32>,
      tpu.vector_store %arg8[%swap3A_281], %add3A_280 {strides = array<i32>} : memref<96xi32, #tpu.memory_space<vmem>>, vector<16xi32>,
      %mul3A_283 = arith.constant 96 : i32
      %mul3A_284 = arith.muli %add3A_232, %mul3A_283 : i32
      %add3A_285 = arith.constant 80 : i32
      %add3A_286 = arith.addi %mul3A_284, %add3A_285 : i32
      %get3A_287 = arith.index_cast %add3A_286 : i32 to index
      %get3A_288 = tpu.vector_load %arg6[%get3A_287] {strides = array<i32>} : memref<10080xi32, #tpu.memory_space<vmem>>, vector<16xi32>,
      %add3A_289 = vector.broadcast %mul3A_4 : i32 to vector<16xi32>
      %add3A_290 = arith.addi %get3A_288, %add3A_289 : vector<16xi32>
      %swap3A_291 = arith.constant 80 : index
      %swap3A_292 = tpu.vector_load %arg8[%swap3A_291] {strides = array<i32>} : memref<96xi32, #tpu.memory_space<vmem>>, vector<16xi32>,
      tpu.vector_store %arg8[%swap3A_291], %add3A_290 {strides = array<i32>} : memref<96xi32, #tpu.memory_space<vmem>>, vector<16xi32>,
      %dma_start3A_293 = arith.constant 0 : i32
      %dma_start3A_294 = arith.constant 0 : i32
      %dma_start3A_295 = tpu.memref_slice %arg4[%dma_start3A_293, %dma_start3A_294] : memref<20000x128xf32, #tpu.memory_space<hbm>> -> memref<20000x128xf32, #tpu.memory_space<hbm>>
      tpu.enqueue_indirect_dma source(%dma_start3A_295 : memref<20000x128xf32, #tpu.memory_space<hbm>>) target(%arg11 : memref<96x128xf32, #tpu.memory_space<vmem>>) offsets(%arg8 : memref<96xi32, #tpu.memory_space<vmem>>) semaphore(%arg14 : memref<!tpu.dma_semaphore, #tpu.memory_space<semaphore_mem>>)
      %dma_wait3A_296 = arith.constant 0 : i32
      %dma_wait3A_297 = arith.constant 0 : i32
      %dma_wait3A_298 = tpu.memref_slice %arg4[%dma_wait3A_296, %dma_wait3A_297] : memref<20000x128xf32, #tpu.memory_space<hbm>> -> memref<20000x128xf32, #tpu.memory_space<hbm>>
      tpu.wait_indirect_dma semaphore(%arg15 : memref<!tpu.dma_semaphore, #tpu.memory_space<semaphore_mem>>) src(%dma_wait3A_298 : memref<20000x128xf32, #tpu.memory_space<hbm>>) dst(%arg12 : memref<96x128xf32, #tpu.memory_space<vmem>>)
      %mul3A_299 = arith.constant 96 : i32
      %mul3A_300 = arith.muli %add3A_161, %mul3A_299 : i32
      %add3A_301 = arith.constant 0 : i32
      %add3A_302 = arith.addi %mul3A_300, %add3A_301 : i32
      %get3A_303 = arith.index_cast %add3A_302 : i32 to index
      %get3A_304 = tpu.vector_load %arg7[%get3A_303] {strides = array<i32>} : memref<10080xi32, #tpu.memory_space<vmem>>, vector<16xi32>,
      %add3A_305 = arith.constant 0 : i32
      %add3A_306 = vector.broadcast %add3A_305 : i32 to vector<16xi32>
      %add3A_307 = arith.addi %get3A_304, %add3A_306 : vector<16xi32>
      %swap3A_308 = arith.constant 0 : index
      %swap3A_309 = tpu.vector_load %arg10[%swap3A_308] {strides = array<i32>} : memref<96xi32, #tpu.memory_space<vmem>>, vector<16xi32>,
      tpu.vector_store %arg10[%swap3A_308], %add3A_307 {strides = array<i32>} : memref<96xi32, #tpu.memory_space<vmem>>, vector<16xi32>,
      %mul3A_310 = arith.constant 96 : i32
      %mul3A_311 = arith.muli %add3A_161, %mul3A_310 : i32
      %add3A_312 = arith.constant 16 : i32
      %add3A_313 = arith.addi %mul3A_311, %add3A_312 : i32
      %get3A_314 = arith.index_cast %add3A_313 : i32 to index
      %get3A_315 = tpu.vector_load %arg7[%get3A_314] {strides = array<i32>} : memref<10080xi32, #tpu.memory_space<vmem>>, vector<16xi32>,
      %add3A_316 = arith.constant 0 : i32
      %add3A_317 = vector.broadcast %add3A_316 : i32 to vector<16xi32>
      %add3A_318 = arith.addi %get3A_315, %add3A_317 : vector<16xi32>
      %swap3A_319 = arith.constant 16 : index
      %swap3A_320 = tpu.vector_load %arg10[%swap3A_319] {strides = array<i32>} : memref<96xi32, #tpu.memory_space<vmem>>, vector<16xi32>,
      tpu.vector_store %arg10[%swap3A_319], %add3A_318 {strides = array<i32>} : memref<96xi32, #tpu.memory_space<vmem>>, vector<16xi32>,
      %mul3A_321 = arith.constant 96 : i32
      %mul3A_322 = arith.muli %add3A_161, %mul3A_321 : i32
      %add3A_323 = arith.constant 32 : i32
      %add3A_324 = arith.addi %mul3A_322, %add3A_323 : i32
      %get3A_325 = arith.index_cast %add3A_324 : i32 to index
      %get3A_326 = tpu.vector_load %arg7[%get3A_325] {strides = array<i32>} : memref<10080xi32, #tpu.memory_space<vmem>>, vector<16xi32>,
      %add3A_327 = arith.constant 0 : i32
      %add3A_328 = vector.broadcast %add3A_327 : i32 to vector<16xi32>
      %add3A_329 = arith.addi %get3A_326, %add3A_328 : vector<16xi32>
      %swap3A_330 = arith.constant 32 : index
      %swap3A_331 = tpu.vector_load %arg10[%swap3A_330] {strides = array<i32>} : memref<96xi32, #tpu.memory_space<vmem>>, vector<16xi32>,
      tpu.vector_store %arg10[%swap3A_330], %add3A_329 {strides = array<i32>} : memref<96xi32, #tpu.memory_space<vmem>>, vector<16xi32>,
      %mul3A_332 = arith.constant 96 : i32
      %mul3A_333 = arith.muli %add3A_161, %mul3A_332 : i32
      %add3A_334 = arith.constant 48 : i32
      %add3A_335 = arith.addi %mul3A_333, %add3A_334 : i32
      %get3A_336 = arith.index_cast %add3A_335 : i32 to index
      %get3A_337 = tpu.vector_load %arg7[%get3A_336] {strides = array<i32>} : memref<10080xi32, #tpu.memory_space<vmem>>, vector<16xi32>,
      %add3A_338 = arith.constant 0 : i32
      %add3A_339 = vector.broadcast %add3A_338 : i32 to vector<16xi32>
      %add3A_340 = arith.addi %get3A_337, %add3A_339 : vector<16xi32>
      %swap3A_341 = arith.constant 48 : index
      %swap3A_342 = tpu.vector_load %arg10[%swap3A_341] {strides = array<i32>} : memref<96xi32, #tpu.memory_space<vmem>>, vector<16xi32>,
      tpu.vector_store %arg10[%swap3A_341], %add3A_340 {strides = array<i32>} : memref<96xi32, #tpu.memory_space<vmem>>, vector<16xi32>,
      %mul3A_343 = arith.constant 96 : i32
      %mul3A_344 = arith.muli %add3A_161, %mul3A_343 : i32
      %add3A_345 = arith.constant 64 : i32
      %add3A_346 = arith.addi %mul3A_344, %add3A_345 : i32
      %get3A_347 = arith.index_cast %add3A_346 : i32 to index
      %get3A_348 = tpu.vector_load %arg7[%get3A_347] {strides = array<i32>} : memref<10080xi32, #tpu.memory_space<vmem>>, vector<16xi32>,
      %add3A_349 = arith.constant 0 : i32
      %add3A_350 = vector.broadcast %add3A_349 : i32 to vector<16xi32>
      %add3A_351 = arith.addi %get3A_348, %add3A_350 : vector<16xi32>
      %swap3A_352 = arith.constant 64 : index
      %swap3A_353 = tpu.vector_load %arg10[%swap3A_352] {strides = array<i32>} : memref<96xi32, #tpu.memory_space<vmem>>, vector<16xi32>,
      tpu.vector_store %arg10[%swap3A_352], %add3A_351 {strides = array<i32>} : memref<96xi32, #tpu.memory_space<vmem>>, vector<16xi32>,
      %mul3A_354 = arith.constant 96 : i32
      %mul3A_355 = arith.muli %add3A_161, %mul3A_354 : i32
      %add3A_356 = arith.constant 80 : i32
      %add3A_357 = arith.addi %mul3A_355, %add3A_356 : i32
      %get3A_358 = arith.index_cast %add3A_357 : i32 to index
      %get3A_359 = tpu.vector_load %arg7[%get3A_358] {strides = array<i32>} : memref<10080xi32, #tpu.memory_space<vmem>>, vector<16xi32>,
      %add3A_360 = arith.constant 0 : i32
      %add3A_361 = vector.broadcast %add3A_360 : i32 to vector<16xi32>
      %add3A_362 = arith.addi %get3A_359, %add3A_361 : vector<16xi32>
      %swap3A_363 = arith.constant 80 : index
      %swap3A_364 = tpu.vector_load %arg10[%swap3A_363] {strides = array<i32>} : memref<96xi32, #tpu.memory_space<vmem>>, vector<16xi32>,
      tpu.vector_store %arg10[%swap3A_363], %add3A_362 {strides = array<i32>} : memref<96xi32, #tpu.memory_space<vmem>>, vector<16xi32>,
      "tpu.region"() ({
        %run_scoped3A = tpu.sem_alloc : memref<!tpu.dma_semaphore, #tpu.memory_space<semaphore_mem>>
        %dma_start3A_369 = arith.constant 0 : i32
        %dma_start3A_370 = arith.constant 0 : i32
        %dma_start3A_371 = tpu.memref_slice %arg13[%dma_start3A_369, %dma_start3A_370] : memref<10240x128xf32, #tpu.memory_space<vmem_shared>> -> memref<10240x128xf32, #tpu.memory_space<vmem_shared>>
        tpu.enqueue_indirect_dma source(%arg12 : memref<96x128xf32, #tpu.memory_space<vmem>>) target(%dma_start3A_371 : memref<10240x128xf32, #tpu.memory_space<vmem_shared>>) offsets(%arg10 : memref<96xi32, #tpu.memory_space<vmem>>) semaphore(%run_scoped3A : memref<!tpu.dma_semaphore, #tpu.memory_space<semaphore_mem>>) {add = true}
        %dma_wait3A_372 = arith.constant 0 : i32
        %dma_wait3A_373 = arith.constant 0 : i32
        %dma_wait3A_374 = tpu.memref_slice %arg13[%dma_wait3A_372, %dma_wait3A_373] : memref<10240x128xf32, #tpu.memory_space<vmem_shared>> -> memref<10240x128xf32, #tpu.memory_space<vmem_shared>>
        tpu.wait_indirect_dma semaphore(%run_scoped3A : memref<!tpu.dma_semaphore, #tpu.memory_space<semaphore_mem>>) src(%arg12 : memref<96x128xf32, #tpu.memory_space<vmem>>) dst(%dma_wait3A_374 : memref<10240x128xf32, #tpu.memory_space<vmem_shared>>)
        tpu.yield
      }) : () -> ()
      %lt3A = arith.constant 51 : i32
      %lt3A_365 = arith.cmpi slt, %scan3A_157, %lt3A : i32
      %convert_element_type3A_366 = arith.extui %lt3A_365 : i1 to i32
      %cond3A_367 = arith.constant 0 : i32
      %cond3A_368 = arith.cmpi ne, %convert_element_type3A_366, %cond3A_367 : i32
      scf.if %cond3A_368 {
        %add3A_369 = arith.constant 2 : i32
        %add3A_370 = arith.addi %add3A_161, %add3A_369 : i32
        %mul3A_371 = arith.constant 96 : i32
        %mul3A_372 = arith.muli %add3A_370, %mul3A_371 : i32
        %add3A_373 = arith.constant 0 : i32
        %add3A_374 = arith.addi %mul3A_372, %add3A_373 : i32
        %get3A_375 = arith.index_cast %add3A_374 : i32 to index
        %get3A_376 = tpu.vector_load %arg6[%get3A_375] {strides = array<i32>} : memref<10080xi32, #tpu.memory_space<vmem>>, vector<16xi32>,
        %add3A_377 = vector.broadcast %mul3A_4 : i32 to vector<16xi32>
        %add3A_378 = arith.addi %get3A_376, %add3A_377 : vector<16xi32>
        %swap3A_379 = arith.constant 0 : index
        %swap3A_380 = tpu.vector_load %arg9[%swap3A_379] {strides = array<i32>} : memref<96xi32, #tpu.memory_space<vmem>>, vector<16xi32>,
        tpu.vector_store %arg9[%swap3A_379], %add3A_378 {strides = array<i32>} : memref<96xi32, #tpu.memory_space<vmem>>, vector<16xi32>,
        %mul3A_381 = arith.constant 96 : i32
        %mul3A_382 = arith.muli %add3A_370, %mul3A_381 : i32
        %add3A_383 = arith.constant 16 : i32
        %add3A_384 = arith.addi %mul3A_382, %add3A_383 : i32
        %get3A_385 = arith.index_cast %add3A_384 : i32 to index
        %get3A_386 = tpu.vector_load %arg6[%get3A_385] {strides = array<i32>} : memref<10080xi32, #tpu.memory_space<vmem>>, vector<16xi32>,
        %add3A_387 = vector.broadcast %mul3A_4 : i32 to vector<16xi32>
        %add3A_388 = arith.addi %get3A_386, %add3A_387 : vector<16xi32>
        %swap3A_389 = arith.constant 16 : index
        %swap3A_390 = tpu.vector_load %arg9[%swap3A_389] {strides = array<i32>} : memref<96xi32, #tpu.memory_space<vmem>>, vector<16xi32>,
        tpu.vector_store %arg9[%swap3A_389], %add3A_388 {strides = array<i32>} : memref<96xi32, #tpu.memory_space<vmem>>, vector<16xi32>,
        %mul3A_391 = arith.constant 96 : i32
        %mul3A_392 = arith.muli %add3A_370, %mul3A_391 : i32
        %add3A_393 = arith.constant 32 : i32
        %add3A_394 = arith.addi %mul3A_392, %add3A_393 : i32
        %get3A_395 = arith.index_cast %add3A_394 : i32 to index
        %get3A_396 = tpu.vector_load %arg6[%get3A_395] {strides = array<i32>} : memref<10080xi32, #tpu.memory_space<vmem>>, vector<16xi32>,
        %add3A_397 = vector.broadcast %mul3A_4 : i32 to vector<16xi32>
        %add3A_398 = arith.addi %get3A_396, %add3A_397 : vector<16xi32>
        %swap3A_399 = arith.constant 32 : index
        %swap3A_400 = tpu.vector_load %arg9[%swap3A_399] {strides = array<i32>} : memref<96xi32, #tpu.memory_space<vmem>>, vector<16xi32>,
        tpu.vector_store %arg9[%swap3A_399], %add3A_398 {strides = array<i32>} : memref<96xi32, #tpu.memory_space<vmem>>, vector<16xi32>,
        %mul3A_401 = arith.constant 96 : i32
        %mul3A_402 = arith.muli %add3A_370, %mul3A_401 : i32
        %add3A_403 = arith.constant 48 : i32
        %add3A_404 = arith.addi %mul3A_402, %add3A_403 : i32
        %get3A_405 = arith.index_cast %add3A_404 : i32 to index
        %get3A_406 = tpu.vector_load %arg6[%get3A_405] {strides = array<i32>} : memref<10080xi32, #tpu.memory_space<vmem>>, vector<16xi32>,
        %add3A_407 = vector.broadcast %mul3A_4 : i32 to vector<16xi32>
        %add3A_408 = arith.addi %get3A_406, %add3A_407 : vector<16xi32>
        %swap3A_409 = arith.constant 48 : index
        %swap3A_410 = tpu.vector_load %arg9[%swap3A_409] {strides = array<i32>} : memref<96xi32, #tpu.memory_space<vmem>>, vector<16xi32>,
        tpu.vector_store %arg9[%swap3A_409], %add3A_408 {strides = array<i32>} : memref<96xi32, #tpu.memory_space<vmem>>, vector<16xi32>,
        %mul3A_411 = arith.constant 96 : i32
        %mul3A_412 = arith.muli %add3A_370, %mul3A_411 : i32
        %add3A_413 = arith.constant 64 : i32
        %add3A_414 = arith.addi %mul3A_412, %add3A_413 : i32
        %get3A_415 = arith.index_cast %add3A_414 : i32 to index
        %get3A_416 = tpu.vector_load %arg6[%get3A_415] {strides = array<i32>} : memref<10080xi32, #tpu.memory_space<vmem>>, vector<16xi32>,
        %add3A_417 = vector.broadcast %mul3A_4 : i32 to vector<16xi32>
        %add3A_418 = arith.addi %get3A_416, %add3A_417 : vector<16xi32>
        %swap3A_419 = arith.constant 64 : index
        %swap3A_420 = tpu.vector_load %arg9[%swap3A_419] {strides = array<i32>} : memref<96xi32, #tpu.memory_space<vmem>>, vector<16xi32>,
        tpu.vector_store %arg9[%swap3A_419], %add3A_418 {strides = array<i32>} : memref<96xi32, #tpu.memory_space<vmem>>, vector<16xi32>,
        %mul3A_421 = arith.constant 96 : i32
        %mul3A_422 = arith.muli %add3A_370, %mul3A_421 : i32
        %add3A_423 = arith.constant 80 : i32
        %add3A_424 = arith.addi %mul3A_422, %add3A_423 : i32
        %get3A_425 = arith.index_cast %add3A_424 : i32 to index
        %get3A_426 = tpu.vector_load %arg6[%get3A_425] {strides = array<i32>} : memref<10080xi32, #tpu.memory_space<vmem>>, vector<16xi32>,
        %add3A_427 = vector.broadcast %mul3A_4 : i32 to vector<16xi32>
        %add3A_428 = arith.addi %get3A_426, %add3A_427 : vector<16xi32>
        %swap3A_429 = arith.constant 80 : index
        %swap3A_430 = tpu.vector_load %arg9[%swap3A_429] {strides = array<i32>} : memref<96xi32, #tpu.memory_space<vmem>>, vector<16xi32>,
        tpu.vector_store %arg9[%swap3A_429], %add3A_428 {strides = array<i32>} : memref<96xi32, #tpu.memory_space<vmem>>, vector<16xi32>,
        %dma_start3A_431 = arith.constant 0 : i32
        %dma_start3A_432 = arith.constant 0 : i32
        %dma_start3A_433 = tpu.memref_slice %arg4[%dma_start3A_431, %dma_start3A_432] : memref<20000x128xf32, #tpu.memory_space<hbm>> -> memref<20000x128xf32, #tpu.memory_space<hbm>>
        tpu.enqueue_indirect_dma source(%dma_start3A_433 : memref<20000x128xf32, #tpu.memory_space<hbm>>) target(%arg12 : memref<96x128xf32, #tpu.memory_space<vmem>>) offsets(%arg9 : memref<96xi32, #tpu.memory_space<vmem>>) semaphore(%arg15 : memref<!tpu.dma_semaphore, #tpu.memory_space<semaphore_mem>>)
      } else {
      }
    }
    %scan3A_104 = arith.constant 52 : i32
    %dma_wait3A = arith.constant 0 : i32
    %dma_wait3A_105 = arith.constant 0 : i32
    %dma_wait3A_106 = tpu.memref_slice %arg4[%dma_wait3A, %dma_wait3A_105] : memref<20000x128xf32, #tpu.memory_space<hbm>> -> memref<20000x128xf32, #tpu.memory_space<hbm>>
    tpu.wait_indirect_dma semaphore(%arg14 : memref<!tpu.dma_semaphore, #tpu.memory_space<semaphore_mem>>) src(%dma_wait3A_106 : memref<20000x128xf32, #tpu.memory_space<hbm>>) dst(%arg11 : memref<96x128xf32, #tpu.memory_space<vmem>>)
    %get3A_107 = arith.constant 9984 : index
    %get3A_108 = tpu.vector_load %arg7[%get3A_107] {strides = array<i32>} : memref<10080xi32, #tpu.memory_space<vmem>>, vector<16xi32>,
    %add3A_109 = arith.constant 0 : i32
    %add3A_110 = vector.broadcast %add3A_109 : i32 to vector<16xi32>
    %add3A_111 = arith.addi %get3A_108, %add3A_110 : vector<16xi32>
    %swap3A_112 = arith.constant 0 : index
    %swap3A_113 = tpu.vector_load %arg10[%swap3A_112] {strides = array<i32>} : memref<96xi32, #tpu.memory_space<vmem>>, vector<16xi32>,
    tpu.vector_store %arg10[%swap3A_112], %add3A_111 {strides = array<i32>} : memref<96xi32, #tpu.memory_space<vmem>>, vector<16xi32>,
    %get3A_114 = arith.constant 10000 : index
    %get3A_115 = tpu.vector_load %arg7[%get3A_114] {strides = array<i32>} : memref<10080xi32, #tpu.memory_space<vmem>>, vector<16xi32>,
    %add3A_116 = arith.constant 0 : i32
    %add3A_117 = vector.broadcast %add3A_116 : i32 to vector<16xi32>
    %add3A_118 = arith.addi %get3A_115, %add3A_117 : vector<16xi32>
    %swap3A_119 = arith.constant 16 : index
    %swap3A_120 = tpu.vector_load %arg10[%swap3A_119] {strides = array<i32>} : memref<96xi32, #tpu.memory_space<vmem>>, vector<16xi32>,
    tpu.vector_store %arg10[%swap3A_119], %add3A_118 {strides = array<i32>} : memref<96xi32, #tpu.memory_space<vmem>>, vector<16xi32>,
    %get3A_121 = arith.constant 10016 : index
    %get3A_122 = tpu.vector_load %arg7[%get3A_121] {strides = array<i32>} : memref<10080xi32, #tpu.memory_space<vmem>>, vector<16xi32>,
    %add3A_123 = arith.constant 0 : i32
    %add3A_124 = vector.broadcast %add3A_123 : i32 to vector<16xi32>
    %add3A_125 = arith.addi %get3A_122, %add3A_124 : vector<16xi32>
    %swap3A_126 = arith.constant 32 : index
    %swap3A_127 = tpu.vector_load %arg10[%swap3A_126] {strides = array<i32>} : memref<96xi32, #tpu.memory_space<vmem>>, vector<16xi32>,
    tpu.vector_store %arg10[%swap3A_126], %add3A_125 {strides = array<i32>} : memref<96xi32, #tpu.memory_space<vmem>>, vector<16xi32>,
    %get3A_128 = arith.constant 10032 : index
    %get3A_129 = tpu.vector_load %arg7[%get3A_128] {strides = array<i32>} : memref<10080xi32, #tpu.memory_space<vmem>>, vector<16xi32>,
    %add3A_130 = arith.constant 0 : i32
    %add3A_131 = vector.broadcast %add3A_130 : i32 to vector<16xi32>
    %add3A_132 = arith.addi %get3A_129, %add3A_131 : vector<16xi32>
    %swap3A_133 = arith.constant 48 : index
    %swap3A_134 = tpu.vector_load %arg10[%swap3A_133] {strides = array<i32>} : memref<96xi32, #tpu.memory_space<vmem>>, vector<16xi32>,
    tpu.vector_store %arg10[%swap3A_133], %add3A_132 {strides = array<i32>} : memref<96xi32, #tpu.memory_space<vmem>>, vector<16xi32>,
    %get3A_135 = arith.constant 10048 : index
    %get3A_136 = tpu.vector_load %arg7[%get3A_135] {strides = array<i32>} : memref<10080xi32, #tpu.memory_space<vmem>>, vector<16xi32>,
    %add3A_137 = arith.constant 0 : i32
    %add3A_138 = vector.broadcast %add3A_137 : i32 to vector<16xi32>
    %add3A_139 = arith.addi %get3A_136, %add3A_138 : vector<16xi32>
    %swap3A_140 = arith.constant 64 : index
    %swap3A_141 = tpu.vector_load %arg10[%swap3A_140] {strides = array<i32>} : memref<96xi32, #tpu.memory_space<vmem>>, vector<16xi32>,
    tpu.vector_store %arg10[%swap3A_140], %add3A_139 {strides = array<i32>} : memref<96xi32, #tpu.memory_space<vmem>>, vector<16xi32>,
    %get3A_142 = arith.constant 10064 : index
    %get3A_143 = tpu.vector_load %arg7[%get3A_142] {strides = array<i32>} : memref<10080xi32, #tpu.memory_space<vmem>>, vector<16xi32>,
    %add3A_144 = arith.constant 0 : i32
    %add3A_145 = vector.broadcast %add3A_144 : i32 to vector<16xi32>
    %add3A_146 = arith.addi %get3A_143, %add3A_145 : vector<16xi32>
    %swap3A_147 = arith.constant 80 : index
    %swap3A_148 = tpu.vector_load %arg10[%swap3A_147] {strides = array<i32>} : memref<96xi32, #tpu.memory_space<vmem>>, vector<16xi32>,
    tpu.vector_store %arg10[%swap3A_147], %add3A_146 {strides = array<i32>} : memref<96xi32, #tpu.memory_space<vmem>>, vector<16xi32>,
    "tpu.region"() ({
      %run_scoped3A = tpu.sem_alloc : memref<!tpu.dma_semaphore, #tpu.memory_space<semaphore_mem>>
      %dma_start3A_157 = arith.constant 0 : i32
      %dma_start3A_158 = arith.constant 0 : i32
      %dma_start3A_159 = tpu.memref_slice %arg13[%dma_start3A_157, %dma_start3A_158] : memref<10240x128xf32, #tpu.memory_space<vmem_shared>> -> memref<10240x128xf32, #tpu.memory_space<vmem_shared>>
      tpu.enqueue_indirect_dma source(%arg11 : memref<96x128xf32, #tpu.memory_space<vmem>>) target(%dma_start3A_159 : memref<10240x128xf32, #tpu.memory_space<vmem_shared>>) offsets(%arg10 : memref<96xi32, #tpu.memory_space<vmem>>) semaphore(%run_scoped3A : memref<!tpu.dma_semaphore, #tpu.memory_space<semaphore_mem>>) {add = true}
      %dma_wait3A_160 = arith.constant 0 : i32
      %dma_wait3A_161 = arith.constant 0 : i32
      %dma_wait3A_162 = tpu.memref_slice %arg13[%dma_wait3A_160, %dma_wait3A_161] : memref<10240x128xf32, #tpu.memory_space<vmem_shared>> -> memref<10240x128xf32, #tpu.memory_space<vmem_shared>>
      tpu.wait_indirect_dma semaphore(%run_scoped3A : memref<!tpu.dma_semaphore, #tpu.memory_space<semaphore_mem>>) src(%arg11 : memref<96x128xf32, #tpu.memory_space<vmem>>) dst(%dma_wait3A_162 : memref<10240x128xf32, #tpu.memory_space<vmem_shared>>)
      tpu.yield
    }) : () -> ()
    %barrier3A_149 = arith.constant 0 : index
    tpu.barrier barrier_id(%barrier3A_149)
    %eq3A = arith.constant 0 : i32
    %eq3A_150 = arith.cmpi eq, %arg0, %eq3A : i32
    %convert_element_type3A = arith.extui %eq3A_150 : i1 to i32
    %cond3A = arith.constant 0 : i32
    %cond3A_151 = arith.cmpi ne, %convert_element_type3A, %cond3A : i32
    scf.if %cond3A_151 {
      %run_scoped3A = arith.constant 0 : i32
      "tpu.region"() ({
        %run_scoped3A_157 = tpu.sem_alloc : memref<!tpu.dma_semaphore, #tpu.memory_space<semaphore_mem>>
        %dma_start3A_158 = arith.constant 0 : i32
        %dma_start3A_159 = tpu.memref_slice %arg5[%run_scoped3A, %mul3A_2, %dma_start3A_158] : memref<2x10240x128xf32, #tpu.memory_space<hbm>> -> memref<1x640x128xf32, #tpu.memory_space<hbm>>
        %dma_start3A_160 = tpu.memref_squeeze %dma_start3A_159 : memref<1x640x128xf32, #tpu.memory_space<hbm>> -> memref<640x128xf32, #tpu.memory_space<hbm>>
        %dma_start3A_161 = arith.constant 0 : i32
        %dma_start3A_162 = tpu.memref_slice %arg13[%mul3A_2, %dma_start3A_161] : memref<10240x128xf32, #tpu.memory_space<vmem_shared>> -> memref<640x128xf32, #tpu.memory_space<vmem_shared>>
        tpu.enqueue_dma source(%dma_start3A_162 : memref<640x128xf32, #tpu.memory_space<vmem_shared>>) target(%dma_start3A_160 : memref<640x128xf32, #tpu.memory_space<hbm>>) target_semaphore(%run_scoped3A_157 : memref<!tpu.dma_semaphore, #tpu.memory_space<semaphore_mem>>)
        %dma_wait3A_163 = arith.constant 0 : i32
        %dma_wait3A_164 = tpu.memref_slice %arg5[%run_scoped3A, %mul3A_2, %dma_wait3A_163] : memref<2x10240x128xf32, #tpu.memory_space<hbm>> -> memref<1x640x128xf32, #tpu.memory_space<hbm>>
        %dma_wait3A_165 = tpu.memref_squeeze %dma_wait3A_164 : memref<1x640x128xf32, #tpu.memory_space<hbm>> -> memref<640x128xf32, #tpu.memory_space<hbm>>
        %dma_wait3A_166 = arith.constant 0 : i32
        %dma_wait3A_167 = tpu.memref_slice %arg13[%mul3A_2, %dma_wait3A_166] : memref<10240x128xf32, #tpu.memory_space<vmem_shared>> -> memref<640x128xf32, #tpu.memory_space<vmem_shared>>
        tpu.wait_dma2 semaphore(%run_scoped3A_157 : memref<!tpu.dma_semaphore, #tpu.memory_space<semaphore_mem>>) src(%dma_wait3A_167 : memref<640x128xf32, #tpu.memory_space<vmem_shared>>) dst(%dma_wait3A_165 : memref<640x128xf32, #tpu.memory_space<hbm>>)
        tpu.yield
      }) : () -> ()
    } else {
    }
    %eq3A_152 = arith.constant 1 : i32
    %eq3A_153 = arith.cmpi eq, %arg0, %eq3A_152 : i32
    %convert_element_type3A_154 = arith.extui %eq3A_153 : i1 to i32
    %cond3A_155 = arith.constant 0 : i32
    %cond3A_156 = arith.cmpi ne, %convert_element_type3A_154, %cond3A_155 : i32
    scf.if %cond3A_156 {
      %run_scoped3A = arith.constant 1 : i32
      "tpu.region"() ({
        %run_scoped3A_157 = tpu.sem_alloc : memref<!tpu.dma_semaphore, #tpu.memory_space<semaphore_mem>>
        %dma_start3A_158 = arith.constant 0 : i32
        %dma_start3A_159 = tpu.memref_slice %arg5[%run_scoped3A, %mul3A_2, %dma_start3A_158] : memref<2x10240x128xf32, #tpu.memory_space<hbm>> -> memref<1x640x128xf32, #tpu.memory_space<hbm>>
        %dma_start3A_160 = tpu.memref_squeeze %dma_start3A_159 : memref<1x640x128xf32, #tpu.memory_space<hbm>> -> memref<640x128xf32, #tpu.memory_space<hbm>>
        %dma_start3A_161 = arith.constant 0 : i32
        %dma_start3A_162 = tpu.memref_slice %arg13[%mul3A_2, %dma_start3A_161] : memref<10240x128xf32, #tpu.memory_space<vmem_shared>> -> memref<640x128xf32, #tpu.memory_space<vmem_shared>>
        tpu.enqueue_dma source(%dma_start3A_162 : memref<640x128xf32, #tpu.memory_space<vmem_shared>>) target(%dma_start3A_160 : memref<640x128xf32, #tpu.memory_space<hbm>>) target_semaphore(%run_scoped3A_157 : memref<!tpu.dma_semaphore, #tpu.memory_space<semaphore_mem>>)
        %dma_wait3A_163 = arith.constant 0 : i32
        %dma_wait3A_164 = tpu.memref_slice %arg5[%run_scoped3A, %mul3A_2, %dma_wait3A_163] : memref<2x10240x128xf32, #tpu.memory_space<hbm>> -> memref<1x640x128xf32, #tpu.memory_space<hbm>>
        %dma_wait3A_165 = tpu.memref_squeeze %dma_wait3A_164 : memref<1x640x128xf32, #tpu.memory_space<hbm>> -> memref<640x128xf32, #tpu.memory_space<hbm>>
        %dma_wait3A_166 = arith.constant 0 : i32
        %dma_wait3A_167 = tpu.memref_slice %arg13[%mul3A_2, %dma_wait3A_166] : memref<10240x128xf32, #tpu.memory_space<vmem_shared>> -> memref<640x128xf32, #tpu.memory_space<vmem_shared>>
        tpu.wait_dma2 semaphore(%run_scoped3A_157 : memref<!tpu.dma_semaphore, #tpu.memory_space<semaphore_mem>>) src(%dma_wait3A_167 : memref<640x128xf32, #tpu.memory_space<vmem_shared>>) dst(%dma_wait3A_165 : memref<640x128xf32, #tpu.memory_space<hbm>>)
        tpu.yield
      }) : () -> ()
    } else {
    }
    return
  }
}

#map = affine_map<(d0, d1) -> (0)>
#map1 = affine_map<(d0, d1) -> (0, 0)>
module attributes {stable_mosaic.version = 14 : i64} {
  func.func @u_kernel(%arg0: i32, %arg1: i32, %arg2: memref<160000xi32, #tpu.memory_space<hbm>>, %arg3: memref<160000xi32, #tpu.memory_space<hbm>>, %arg4: memref<10240xf32, #tpu.memory_space<hbm>>, %arg5: memref<2x10240xf32, #tpu.memory_space<hbm>>, %arg6: memref<5000xi32, #tpu.memory_space<vmem>>, %arg7: memref<5000xi32, #tpu.memory_space<vmem>>, %arg8: memref<10240xf32, #tpu.memory_space<vmem>>, %arg9: memref<10240xf32, #tpu.memory_space<vmem>>, %arg10: memref<640xf32, #tpu.memory_space<vmem>>, %arg11: memref<640xf32, #tpu.memory_space<vmem>>, %arg12: memref<640xf32, #tpu.memory_space<vmem>>, %arg13: memref<16x10240xf32, #tpu.memory_space<vmem_shared>>, %arg14: memref<!tpu.dma_semaphore, #tpu.memory_space<semaphore_mem>>, %arg15: memref<!tpu.dma_semaphore, #tpu.memory_space<semaphore_mem>>) attributes {dimension_semantics = [#tpu.dimension_semantics<core_parallel>, #tpu.dimension_semantics<subcore_parallel>], iteration_bounds = array<i64: 2, 16>, scalar_prefetch = 0 : i64, scratch_operands = 10 : i64, tpu.core_type = #tpu.core_type<sc_vector_subcore>, window_params = [{transform_indices = #map}, {transform_indices = #map}, {transform_indices = #map}, {transform_indices = #map1}]} {
    %mul3A = arith.constant 16 : i32
    %mul3A_0 = arith.muli %arg0, %mul3A : i32
    %add3A = arith.addi %mul3A_0, %arg1 : i32
    %mul3A_1 = arith.constant 5000 : i32
    %mul3A_2 = arith.muli %add3A, %mul3A_1 : i32
    %mul3A_3 = arith.constant 640 : i32
    %mul3A_4 = arith.muli %arg1, %mul3A_3 : i32
    "tpu.region"() ({
      %run_scoped3A_262 = tpu.sem_alloc : memref<!tpu.dma_semaphore, #tpu.memory_space<semaphore_mem>>
      %dma_start3A_263 = tpu.memref_slice %arg2[%mul3A_2] : memref<160000xi32, #tpu.memory_space<hbm>> -> memref<5000xi32, #tpu.memory_space<hbm>>
      %dma_start3A_264 = tpu.memref_slice %arg2[%mul3A_2] : memref<160000xi32, #tpu.memory_space<hbm>> -> memref<5000xi32, #tpu.memory_space<hbm>>
      tpu.enqueue_dma source(%dma_start3A_264 : memref<5000xi32, #tpu.memory_space<hbm>>) target(%arg6 : memref<5000xi32, #tpu.memory_space<vmem>>) target_semaphore(%run_scoped3A_262 : memref<!tpu.dma_semaphore, #tpu.memory_space<semaphore_mem>>)
      %dma_wait3A_265 = tpu.memref_slice %arg2[%mul3A_2] : memref<160000xi32, #tpu.memory_space<hbm>> -> memref<5000xi32, #tpu.memory_space<hbm>>
      %dma_wait3A_266 = tpu.memref_slice %arg2[%mul3A_2] : memref<160000xi32, #tpu.memory_space<hbm>> -> memref<5000xi32, #tpu.memory_space<hbm>>
      tpu.wait_dma2 semaphore(%run_scoped3A_262 : memref<!tpu.dma_semaphore, #tpu.memory_space<semaphore_mem>>) src(%dma_wait3A_266 : memref<5000xi32, #tpu.memory_space<hbm>>) dst(%arg6 : memref<5000xi32, #tpu.memory_space<vmem>>)
      tpu.yield
    }) : () -> ()
    "tpu.region"() ({
      %run_scoped3A_262 = tpu.sem_alloc : memref<!tpu.dma_semaphore, #tpu.memory_space<semaphore_mem>>
      %dma_start3A_263 = tpu.memref_slice %arg3[%mul3A_2] : memref<160000xi32, #tpu.memory_space<hbm>> -> memref<5000xi32, #tpu.memory_space<hbm>>
      %dma_start3A_264 = tpu.memref_slice %arg3[%mul3A_2] : memref<160000xi32, #tpu.memory_space<hbm>> -> memref<5000xi32, #tpu.memory_space<hbm>>
      tpu.enqueue_dma source(%dma_start3A_264 : memref<5000xi32, #tpu.memory_space<hbm>>) target(%arg7 : memref<5000xi32, #tpu.memory_space<vmem>>) target_semaphore(%run_scoped3A_262 : memref<!tpu.dma_semaphore, #tpu.memory_space<semaphore_mem>>)
      %dma_wait3A_265 = tpu.memref_slice %arg3[%mul3A_2] : memref<160000xi32, #tpu.memory_space<hbm>> -> memref<5000xi32, #tpu.memory_space<hbm>>
      %dma_wait3A_266 = tpu.memref_slice %arg3[%mul3A_2] : memref<160000xi32, #tpu.memory_space<hbm>> -> memref<5000xi32, #tpu.memory_space<hbm>>
      tpu.wait_dma2 semaphore(%run_scoped3A_262 : memref<!tpu.dma_semaphore, #tpu.memory_space<semaphore_mem>>) src(%dma_wait3A_266 : memref<5000xi32, #tpu.memory_space<hbm>>) dst(%arg7 : memref<5000xi32, #tpu.memory_space<vmem>>)
      tpu.yield
    }) : () -> ()
    "tpu.region"() ({
      %run_scoped3A_262 = tpu.sem_alloc : memref<!tpu.dma_semaphore, #tpu.memory_space<semaphore_mem>>
      tpu.enqueue_dma source(%arg4 : memref<10240xf32, #tpu.memory_space<hbm>>) target(%arg9 : memref<10240xf32, #tpu.memory_space<vmem>>) target_semaphore(%run_scoped3A_262 : memref<!tpu.dma_semaphore, #tpu.memory_space<semaphore_mem>>)
      tpu.wait_dma2 semaphore(%run_scoped3A_262 : memref<!tpu.dma_semaphore, #tpu.memory_space<semaphore_mem>>) src(%arg4 : memref<10240xf32, #tpu.memory_space<hbm>>) dst(%arg9 : memref<10240xf32, #tpu.memory_space<vmem>>)
      tpu.yield
    }) : () -> ()
    %broadcast_in_dim3A = arith.constant 0.000000e+00 : f32
    %broadcast_in_dim3A_5 = vector.broadcast %broadcast_in_dim3A : f32 to vector<16xf32>
    %scan3A = arith.constant 0 : i32
    %scan3A_6 = arith.constant 0 : i32
    %scan3A_7 = arith.constant 640 : i32
    %scan3A_8 = arith.addi %scan3A_6, %scan3A_7 : i32
    %scan3A_9 = arith.constant 1 : i32
    scf.for %scan3A_262 = %scan3A_6 to %scan3A_8 step %scan3A_9  : i32 {
      %mul3A_263 = arith.constant 16 : i32
      %mul3A_264 = arith.muli %scan3A_262, %mul3A_263 : i32
      %swap3A = arith.index_cast %mul3A_264 : i32 to index
      %swap3A_265 = tpu.vector_load %arg8[%swap3A] {strides = array<i32>} : memref<10240xf32, #tpu.memory_space<vmem>>, vector<16xf32>,
      tpu.vector_store %arg8[%swap3A], %broadcast_in_dim3A_5 {strides = array<i32>} : memref<10240xf32, #tpu.memory_space<vmem>>, vector<16xf32>,
    }
    %scan3A_10 = arith.constant 640 : i32
    %scan3A_11 = arith.constant 0 : i32
    %scan3A_12 = arith.constant 0 : i32
    %scan3A_13 = arith.constant 312 : i32
    %scan3A_14 = arith.addi %scan3A_12, %scan3A_13 : i32
    %scan3A_15 = arith.constant 1 : i32
    scf.for %scan3A_262 = %scan3A_12 to %scan3A_14 step %scan3A_15  : i32 {
      %mul3A_263 = arith.constant 16 : i32
      %mul3A_264 = arith.muli %scan3A_262, %mul3A_263 : i32
      %get3A = arith.index_cast %mul3A_264 : i32 to index
      %get3A_265 = tpu.vector_load %arg7[%get3A] {strides = array<i32>} : memref<5000xi32, #tpu.memory_space<vmem>>, vector<16xi32>,
      %gather3A = tpu.vector_load_idx %arg9[%get3A_265] : memref<10240xf32, #tpu.memory_space<vmem>>[vector<16xi32>], vector<16xf32>,
      %get3A_266 = arith.index_cast %mul3A_264 : i32 to index
      %get3A_267 = tpu.vector_load %arg6[%get3A_266] {strides = array<i32>} : memref<5000xi32, #tpu.memory_space<vmem>>, vector<16xi32>,
      tpu.vector_store_idx %arg8[%get3A_267], %gather3A {add = true} : memref<10240xf32, #tpu.memory_space<vmem>>[vector<16xi32>], vector<16xf32>,
    }
    %scan3A_16 = arith.constant 312 : i32
    "tpu.region"() ({
      %run_scoped3A_262 = tpu.sem_alloc : memref<!tpu.dma_semaphore, #tpu.memory_space<semaphore_mem>>
      %dma_start3A_263 = arith.constant 0 : i32
      %dma_start3A_264 = tpu.memref_slice %arg13[%arg1, %dma_start3A_263] : memref<16x10240xf32, #tpu.memory_space<vmem_shared>> -> memref<1x10240xf32, #tpu.memory_space<vmem_shared>>
      %dma_start3A_265 = tpu.memref_squeeze %dma_start3A_264 : memref<1x10240xf32, #tpu.memory_space<vmem_shared>> -> memref<10240xf32, #tpu.memory_space<vmem_shared>>
      %dma_start3A_266 = arith.constant 0 : i32
      %dma_start3A_267 = tpu.memref_slice %arg13[%arg1, %dma_start3A_266] : memref<16x10240xf32, #tpu.memory_space<vmem_shared>> -> memref<1x10240xf32, #tpu.memory_space<vmem_shared>>
      %dma_start3A_268 = tpu.memref_squeeze %dma_start3A_267 : memref<1x10240xf32, #tpu.memory_space<vmem_shared>> -> memref<10240xf32, #tpu.memory_space<vmem_shared>>
      tpu.enqueue_dma source(%arg8 : memref<10240xf32, #tpu.memory_space<vmem>>) target(%dma_start3A_268 : memref<10240xf32, #tpu.memory_space<vmem_shared>>) target_semaphore(%run_scoped3A_262 : memref<!tpu.dma_semaphore, #tpu.memory_space<semaphore_mem>>)
      %dma_wait3A_269 = arith.constant 0 : i32
      %dma_wait3A_270 = tpu.memref_slice %arg13[%arg1, %dma_wait3A_269] : memref<16x10240xf32, #tpu.memory_space<vmem_shared>> -> memref<1x10240xf32, #tpu.memory_space<vmem_shared>>
      %dma_wait3A_271 = tpu.memref_squeeze %dma_wait3A_270 : memref<1x10240xf32, #tpu.memory_space<vmem_shared>> -> memref<10240xf32, #tpu.memory_space<vmem_shared>>
      %dma_wait3A_272 = arith.constant 0 : i32
      %dma_wait3A_273 = tpu.memref_slice %arg13[%arg1, %dma_wait3A_272] : memref<16x10240xf32, #tpu.memory_space<vmem_shared>> -> memref<1x10240xf32, #tpu.memory_space<vmem_shared>>
      %dma_wait3A_274 = tpu.memref_squeeze %dma_wait3A_273 : memref<1x10240xf32, #tpu.memory_space<vmem_shared>> -> memref<10240xf32, #tpu.memory_space<vmem_shared>>
      tpu.wait_dma2 semaphore(%run_scoped3A_262 : memref<!tpu.dma_semaphore, #tpu.memory_space<semaphore_mem>>) src(%arg8 : memref<10240xf32, #tpu.memory_space<vmem>>) dst(%dma_wait3A_274 : memref<10240xf32, #tpu.memory_space<vmem_shared>>)
      tpu.yield
    }) : () -> ()
    %barrier3A = arith.constant 0 : index
    tpu.barrier barrier_id(%barrier3A)
    %run_scoped3A = arith.constant 0 : i32
    "tpu.region"() ({
      %run_scoped3A_262 = tpu.sem_alloc : memref<!tpu.dma_semaphore, #tpu.memory_space<semaphore_mem>>
      %dma_start3A_263 = tpu.memref_slice %arg13[%run_scoped3A, %mul3A_4] : memref<16x10240xf32, #tpu.memory_space<vmem_shared>> -> memref<1x640xf32, #tpu.memory_space<vmem_shared>>
      %dma_start3A_264 = tpu.memref_squeeze %dma_start3A_263 : memref<1x640xf32, #tpu.memory_space<vmem_shared>> -> memref<640xf32, #tpu.memory_space<vmem_shared>>
      %dma_start3A_265 = tpu.memref_slice %arg13[%run_scoped3A, %mul3A_4] : memref<16x10240xf32, #tpu.memory_space<vmem_shared>> -> memref<1x640xf32, #tpu.memory_space<vmem_shared>>
      %dma_start3A_266 = tpu.memref_squeeze %dma_start3A_265 : memref<1x640xf32, #tpu.memory_space<vmem_shared>> -> memref<640xf32, #tpu.memory_space<vmem_shared>>
      tpu.enqueue_dma source(%dma_start3A_266 : memref<640xf32, #tpu.memory_space<vmem_shared>>) target(%arg12 : memref<640xf32, #tpu.memory_space<vmem>>) target_semaphore(%run_scoped3A_262 : memref<!tpu.dma_semaphore, #tpu.memory_space<semaphore_mem>>)
      %dma_wait3A_267 = tpu.memref_slice %arg13[%run_scoped3A, %mul3A_4] : memref<16x10240xf32, #tpu.memory_space<vmem_shared>> -> memref<1x640xf32, #tpu.memory_space<vmem_shared>>
      %dma_wait3A_268 = tpu.memref_squeeze %dma_wait3A_267 : memref<1x640xf32, #tpu.memory_space<vmem_shared>> -> memref<640xf32, #tpu.memory_space<vmem_shared>>
      %dma_wait3A_269 = tpu.memref_slice %arg13[%run_scoped3A, %mul3A_4] : memref<16x10240xf32, #tpu.memory_space<vmem_shared>> -> memref<1x640xf32, #tpu.memory_space<vmem_shared>>
      %dma_wait3A_270 = tpu.memref_squeeze %dma_wait3A_269 : memref<1x640xf32, #tpu.memory_space<vmem_shared>> -> memref<640xf32, #tpu.memory_space<vmem_shared>>
      tpu.wait_dma2 semaphore(%run_scoped3A_262 : memref<!tpu.dma_semaphore, #tpu.memory_space<semaphore_mem>>) src(%dma_wait3A_270 : memref<640xf32, #tpu.memory_space<vmem_shared>>) dst(%arg12 : memref<640xf32, #tpu.memory_space<vmem>>)
      tpu.yield
    }) : () -> ()
    %dma_start3A = arith.constant 1 : i32
    %dma_start3A_17 = tpu.memref_slice %arg13[%dma_start3A, %mul3A_4] : memref<16x10240xf32, #tpu.memory_space<vmem_shared>> -> memref<1x640xf32, #tpu.memory_space<vmem_shared>>
    %dma_start3A_18 = tpu.memref_squeeze %dma_start3A_17 : memref<1x640xf32, #tpu.memory_space<vmem_shared>> -> memref<640xf32, #tpu.memory_space<vmem_shared>>
    %dma_start3A_19 = tpu.memref_slice %arg13[%dma_start3A, %mul3A_4] : memref<16x10240xf32, #tpu.memory_space<vmem_shared>> -> memref<1x640xf32, #tpu.memory_space<vmem_shared>>
    %dma_start3A_20 = tpu.memref_squeeze %dma_start3A_19 : memref<1x640xf32, #tpu.memory_space<vmem_shared>> -> memref<640xf32, #tpu.memory_space<vmem_shared>>
    tpu.enqueue_dma source(%dma_start3A_20 : memref<640xf32, #tpu.memory_space<vmem_shared>>) target(%arg10 : memref<640xf32, #tpu.memory_space<vmem>>) target_semaphore(%arg14 : memref<!tpu.dma_semaphore, #tpu.memory_space<semaphore_mem>>)
    %dma_wait3A = arith.constant 1 : i32
    %dma_wait3A_21 = tpu.memref_slice %arg13[%dma_wait3A, %mul3A_4] : memref<16x10240xf32, #tpu.memory_space<vmem_shared>> -> memref<1x640xf32, #tpu.memory_space<vmem_shared>>
    %dma_wait3A_22 = tpu.memref_squeeze %dma_wait3A_21 : memref<1x640xf32, #tpu.memory_space<vmem_shared>> -> memref<640xf32, #tpu.memory_space<vmem_shared>>
    %dma_wait3A_23 = tpu.memref_slice %arg13[%dma_wait3A, %mul3A_4] : memref<16x10240xf32, #tpu.memory_space<vmem_shared>> -> memref<1x640xf32, #tpu.memory_space<vmem_shared>>
    %dma_wait3A_24 = tpu.memref_squeeze %dma_wait3A_23 : memref<1x640xf32, #tpu.memory_space<vmem_shared>> -> memref<640xf32, #tpu.memory_space<vmem_shared>>
    tpu.wait_dma2 semaphore(%arg14 : memref<!tpu.dma_semaphore, #tpu.memory_space<semaphore_mem>>) src(%dma_wait3A_24 : memref<640xf32, #tpu.memory_space<vmem_shared>>) dst(%arg10 : memref<640xf32, #tpu.memory_space<vmem>>)
    %dma_start3A_25 = arith.constant 2 : i32
    %dma_start3A_26 = tpu.memref_slice %arg13[%dma_start3A_25, %mul3A_4] : memref<16x10240xf32, #tpu.memory_space<vmem_shared>> -> memref<1x640xf32, #tpu.memory_space<vmem_shared>>
    %dma_start3A_27 = tpu.memref_squeeze %dma_start3A_26 : memref<1x640xf32, #tpu.memory_space<vmem_shared>> -> memref<640xf32, #tpu.memory_space<vmem_shared>>
    %dma_start3A_28 = tpu.memref_slice %arg13[%dma_start3A_25, %mul3A_4] : memref<16x10240xf32, #tpu.memory_space<vmem_shared>> -> memref<1x640xf32, #tpu.memory_space<vmem_shared>>
    %dma_start3A_29 = tpu.memref_squeeze %dma_start3A_28 : memref<1x640xf32, #tpu.memory_space<vmem_shared>> -> memref<640xf32, #tpu.memory_space<vmem_shared>>
    tpu.enqueue_dma source(%dma_start3A_29 : memref<640xf32, #tpu.memory_space<vmem_shared>>) target(%arg11 : memref<640xf32, #tpu.memory_space<vmem>>) target_semaphore(%arg15 : memref<!tpu.dma_semaphore, #tpu.memory_space<semaphore_mem>>)
    %scan3A_30 = arith.constant 0 : i32
    %scan3A_31 = arith.constant 0 : i32
    %scan3A_32 = arith.constant 40 : i32
    %scan3A_33 = arith.addi %scan3A_31, %scan3A_32 : i32
    %scan3A_34 = arith.constant 1 : i32
    scf.for %scan3A_262 = %scan3A_31 to %scan3A_33 step %scan3A_34  : i32 {
      %mul3A_263 = arith.constant 16 : i32
      %mul3A_264 = arith.muli %scan3A_262, %mul3A_263 : i32
      %get3A = arith.index_cast %mul3A_264 : i32 to index
      %get3A_265 = tpu.vector_load %arg12[%get3A] {strides = array<i32>} : memref<640xf32, #tpu.memory_space<vmem>>, vector<16xf32>,
      %get3A_266 = arith.index_cast %mul3A_264 : i32 to index
      %get3A_267 = tpu.vector_load %arg10[%get3A_266] {strides = array<i32>} : memref<640xf32, #tpu.memory_space<vmem>>, vector<16xf32>,
      %add3A_268 = arith.addf %get3A_265, %get3A_267 : vector<16xf32>
      %swap3A = arith.index_cast %mul3A_264 : i32 to index
      %swap3A_269 = tpu.vector_load %arg12[%swap3A] {strides = array<i32>} : memref<640xf32, #tpu.memory_space<vmem>>, vector<16xf32>,
      tpu.vector_store %arg12[%swap3A], %add3A_268 {strides = array<i32>} : memref<640xf32, #tpu.memory_space<vmem>>, vector<16xf32>,
    }
    %scan3A_35 = arith.constant 40 : i32
    %dma_wait3A_36 = arith.constant 2 : i32
    %dma_wait3A_37 = tpu.memref_slice %arg13[%dma_wait3A_36, %mul3A_4] : memref<16x10240xf32, #tpu.memory_space<vmem_shared>> -> memref<1x640xf32, #tpu.memory_space<vmem_shared>>
    %dma_wait3A_38 = tpu.memref_squeeze %dma_wait3A_37 : memref<1x640xf32, #tpu.memory_space<vmem_shared>> -> memref<640xf32, #tpu.memory_space<vmem_shared>>
    %dma_wait3A_39 = tpu.memref_slice %arg13[%dma_wait3A_36, %mul3A_4] : memref<16x10240xf32, #tpu.memory_space<vmem_shared>> -> memref<1x640xf32, #tpu.memory_space<vmem_shared>>
    %dma_wait3A_40 = tpu.memref_squeeze %dma_wait3A_39 : memref<1x640xf32, #tpu.memory_space<vmem_shared>> -> memref<640xf32, #tpu.memory_space<vmem_shared>>
    tpu.wait_dma2 semaphore(%arg15 : memref<!tpu.dma_semaphore, #tpu.memory_space<semaphore_mem>>) src(%dma_wait3A_40 : memref<640xf32, #tpu.memory_space<vmem_shared>>) dst(%arg11 : memref<640xf32, #tpu.memory_space<vmem>>)
    %dma_start3A_41 = arith.constant 3 : i32
    %dma_start3A_42 = tpu.memref_slice %arg13[%dma_start3A_41, %mul3A_4] : memref<16x10240xf32, #tpu.memory_space<vmem_shared>> -> memref<1x640xf32, #tpu.memory_space<vmem_shared>>
    %dma_start3A_43 = tpu.memref_squeeze %dma_start3A_42 : memref<1x640xf32, #tpu.memory_space<vmem_shared>> -> memref<640xf32, #tpu.memory_space<vmem_shared>>
    %dma_start3A_44 = tpu.memref_slice %arg13[%dma_start3A_41, %mul3A_4] : memref<16x10240xf32, #tpu.memory_space<vmem_shared>> -> memref<1x640xf32, #tpu.memory_space<vmem_shared>>
    %dma_start3A_45 = tpu.memref_squeeze %dma_start3A_44 : memref<1x640xf32, #tpu.memory_space<vmem_shared>> -> memref<640xf32, #tpu.memory_space<vmem_shared>>
    tpu.enqueue_dma source(%dma_start3A_45 : memref<640xf32, #tpu.memory_space<vmem_shared>>) target(%arg10 : memref<640xf32, #tpu.memory_space<vmem>>) target_semaphore(%arg14 : memref<!tpu.dma_semaphore, #tpu.memory_space<semaphore_mem>>)
    %scan3A_46 = arith.constant 0 : i32
    %scan3A_47 = arith.constant 0 : i32
    %scan3A_48 = arith.constant 40 : i32
    %scan3A_49 = arith.addi %scan3A_47, %scan3A_48 : i32
    %scan3A_50 = arith.constant 1 : i32
    scf.for %scan3A_262 = %scan3A_47 to %scan3A_49 step %scan3A_50  : i32 {
      %mul3A_263 = arith.constant 16 : i32
      %mul3A_264 = arith.muli %scan3A_262, %mul3A_263 : i32
      %get3A = arith.index_cast %mul3A_264 : i32 to index
      %get3A_265 = tpu.vector_load %arg12[%get3A] {strides = array<i32>} : memref<640xf32, #tpu.memory_space<vmem>>, vector<16xf32>,
      %get3A_266 = arith.index_cast %mul3A_264 : i32 to index
      %get3A_267 = tpu.vector_load %arg11[%get3A_266] {strides = array<i32>} : memref<640xf32, #tpu.memory_space<vmem>>, vector<16xf32>,
      %add3A_268 = arith.addf %get3A_265, %get3A_267 : vector<16xf32>
      %swap3A = arith.index_cast %mul3A_264 : i32 to index
      %swap3A_269 = tpu.vector_load %arg12[%swap3A] {strides = array<i32>} : memref<640xf32, #tpu.memory_space<vmem>>, vector<16xf32>,
      tpu.vector_store %arg12[%swap3A], %add3A_268 {strides = array<i32>} : memref<640xf32, #tpu.memory_space<vmem>>, vector<16xf32>,
    }
    %scan3A_51 = arith.constant 40 : i32
    %dma_wait3A_52 = arith.constant 3 : i32
    %dma_wait3A_53 = tpu.memref_slice %arg13[%dma_wait3A_52, %mul3A_4] : memref<16x10240xf32, #tpu.memory_space<vmem_shared>> -> memref<1x640xf32, #tpu.memory_space<vmem_shared>>
    %dma_wait3A_54 = tpu.memref_squeeze %dma_wait3A_53 : memref<1x640xf32, #tpu.memory_space<vmem_shared>> -> memref<640xf32, #tpu.memory_space<vmem_shared>>
    %dma_wait3A_55 = tpu.memref_slice %arg13[%dma_wait3A_52, %mul3A_4] : memref<16x10240xf32, #tpu.memory_space<vmem_shared>> -> memref<1x640xf32, #tpu.memory_space<vmem_shared>>
    %dma_wait3A_56 = tpu.memref_squeeze %dma_wait3A_55 : memref<1x640xf32, #tpu.memory_space<vmem_shared>> -> memref<640xf32, #tpu.memory_space<vmem_shared>>
    tpu.wait_dma2 semaphore(%arg14 : memref<!tpu.dma_semaphore, #tpu.memory_space<semaphore_mem>>) src(%dma_wait3A_56 : memref<640xf32, #tpu.memory_space<vmem_shared>>) dst(%arg10 : memref<640xf32, #tpu.memory_space<vmem>>)
    %dma_start3A_57 = arith.constant 4 : i32
    %dma_start3A_58 = tpu.memref_slice %arg13[%dma_start3A_57, %mul3A_4] : memref<16x10240xf32, #tpu.memory_space<vmem_shared>> -> memref<1x640xf32, #tpu.memory_space<vmem_shared>>
    %dma_start3A_59 = tpu.memref_squeeze %dma_start3A_58 : memref<1x640xf32, #tpu.memory_space<vmem_shared>> -> memref<640xf32, #tpu.memory_space<vmem_shared>>
    %dma_start3A_60 = tpu.memref_slice %arg13[%dma_start3A_57, %mul3A_4] : memref<16x10240xf32, #tpu.memory_space<vmem_shared>> -> memref<1x640xf32, #tpu.memory_space<vmem_shared>>
    %dma_start3A_61 = tpu.memref_squeeze %dma_start3A_60 : memref<1x640xf32, #tpu.memory_space<vmem_shared>> -> memref<640xf32, #tpu.memory_space<vmem_shared>>
    tpu.enqueue_dma source(%dma_start3A_61 : memref<640xf32, #tpu.memory_space<vmem_shared>>) target(%arg11 : memref<640xf32, #tpu.memory_space<vmem>>) target_semaphore(%arg15 : memref<!tpu.dma_semaphore, #tpu.memory_space<semaphore_mem>>)
    %scan3A_62 = arith.constant 0 : i32
    %scan3A_63 = arith.constant 0 : i32
    %scan3A_64 = arith.constant 40 : i32
    %scan3A_65 = arith.addi %scan3A_63, %scan3A_64 : i32
    %scan3A_66 = arith.constant 1 : i32
    scf.for %scan3A_262 = %scan3A_63 to %scan3A_65 step %scan3A_66  : i32 {
      %mul3A_263 = arith.constant 16 : i32
      %mul3A_264 = arith.muli %scan3A_262, %mul3A_263 : i32
      %get3A = arith.index_cast %mul3A_264 : i32 to index
      %get3A_265 = tpu.vector_load %arg12[%get3A] {strides = array<i32>} : memref<640xf32, #tpu.memory_space<vmem>>, vector<16xf32>,
      %get3A_266 = arith.index_cast %mul3A_264 : i32 to index
      %get3A_267 = tpu.vector_load %arg10[%get3A_266] {strides = array<i32>} : memref<640xf32, #tpu.memory_space<vmem>>, vector<16xf32>,
      %add3A_268 = arith.addf %get3A_265, %get3A_267 : vector<16xf32>
      %swap3A = arith.index_cast %mul3A_264 : i32 to index
      %swap3A_269 = tpu.vector_load %arg12[%swap3A] {strides = array<i32>} : memref<640xf32, #tpu.memory_space<vmem>>, vector<16xf32>,
      tpu.vector_store %arg12[%swap3A], %add3A_268 {strides = array<i32>} : memref<640xf32, #tpu.memory_space<vmem>>, vector<16xf32>,
    }
    %scan3A_67 = arith.constant 40 : i32
    %dma_wait3A_68 = arith.constant 4 : i32
    %dma_wait3A_69 = tpu.memref_slice %arg13[%dma_wait3A_68, %mul3A_4] : memref<16x10240xf32, #tpu.memory_space<vmem_shared>> -> memref<1x640xf32, #tpu.memory_space<vmem_shared>>
    %dma_wait3A_70 = tpu.memref_squeeze %dma_wait3A_69 : memref<1x640xf32, #tpu.memory_space<vmem_shared>> -> memref<640xf32, #tpu.memory_space<vmem_shared>>
    %dma_wait3A_71 = tpu.memref_slice %arg13[%dma_wait3A_68, %mul3A_4] : memref<16x10240xf32, #tpu.memory_space<vmem_shared>> -> memref<1x640xf32, #tpu.memory_space<vmem_shared>>
    %dma_wait3A_72 = tpu.memref_squeeze %dma_wait3A_71 : memref<1x640xf32, #tpu.memory_space<vmem_shared>> -> memref<640xf32, #tpu.memory_space<vmem_shared>>
    tpu.wait_dma2 semaphore(%arg15 : memref<!tpu.dma_semaphore, #tpu.memory_space<semaphore_mem>>) src(%dma_wait3A_72 : memref<640xf32, #tpu.memory_space<vmem_shared>>) dst(%arg11 : memref<640xf32, #tpu.memory_space<vmem>>)
    %dma_start3A_73 = arith.constant 5 : i32
    %dma_start3A_74 = tpu.memref_slice %arg13[%dma_start3A_73, %mul3A_4] : memref<16x10240xf32, #tpu.memory_space<vmem_shared>> -> memref<1x640xf32, #tpu.memory_space<vmem_shared>>
    %dma_start3A_75 = tpu.memref_squeeze %dma_start3A_74 : memref<1x640xf32, #tpu.memory_space<vmem_shared>> -> memref<640xf32, #tpu.memory_space<vmem_shared>>
    %dma_start3A_76 = tpu.memref_slice %arg13[%dma_start3A_73, %mul3A_4] : memref<16x10240xf32, #tpu.memory_space<vmem_shared>> -> memref<1x640xf32, #tpu.memory_space<vmem_shared>>
    %dma_start3A_77 = tpu.memref_squeeze %dma_start3A_76 : memref<1x640xf32, #tpu.memory_space<vmem_shared>> -> memref<640xf32, #tpu.memory_space<vmem_shared>>
    tpu.enqueue_dma source(%dma_start3A_77 : memref<640xf32, #tpu.memory_space<vmem_shared>>) target(%arg10 : memref<640xf32, #tpu.memory_space<vmem>>) target_semaphore(%arg14 : memref<!tpu.dma_semaphore, #tpu.memory_space<semaphore_mem>>)
    %scan3A_78 = arith.constant 0 : i32
    %scan3A_79 = arith.constant 0 : i32
    %scan3A_80 = arith.constant 40 : i32
    %scan3A_81 = arith.addi %scan3A_79, %scan3A_80 : i32
    %scan3A_82 = arith.constant 1 : i32
    scf.for %scan3A_262 = %scan3A_79 to %scan3A_81 step %scan3A_82  : i32 {
      %mul3A_263 = arith.constant 16 : i32
      %mul3A_264 = arith.muli %scan3A_262, %mul3A_263 : i32
      %get3A = arith.index_cast %mul3A_264 : i32 to index
      %get3A_265 = tpu.vector_load %arg12[%get3A] {strides = array<i32>} : memref<640xf32, #tpu.memory_space<vmem>>, vector<16xf32>,
      %get3A_266 = arith.index_cast %mul3A_264 : i32 to index
      %get3A_267 = tpu.vector_load %arg11[%get3A_266] {strides = array<i32>} : memref<640xf32, #tpu.memory_space<vmem>>, vector<16xf32>,
      %add3A_268 = arith.addf %get3A_265, %get3A_267 : vector<16xf32>
      %swap3A = arith.index_cast %mul3A_264 : i32 to index
      %swap3A_269 = tpu.vector_load %arg12[%swap3A] {strides = array<i32>} : memref<640xf32, #tpu.memory_space<vmem>>, vector<16xf32>,
      tpu.vector_store %arg12[%swap3A], %add3A_268 {strides = array<i32>} : memref<640xf32, #tpu.memory_space<vmem>>, vector<16xf32>,
    }
    %scan3A_83 = arith.constant 40 : i32
    %dma_wait3A_84 = arith.constant 5 : i32
    %dma_wait3A_85 = tpu.memref_slice %arg13[%dma_wait3A_84, %mul3A_4] : memref<16x10240xf32, #tpu.memory_space<vmem_shared>> -> memref<1x640xf32, #tpu.memory_space<vmem_shared>>
    %dma_wait3A_86 = tpu.memref_squeeze %dma_wait3A_85 : memref<1x640xf32, #tpu.memory_space<vmem_shared>> -> memref<640xf32, #tpu.memory_space<vmem_shared>>
    %dma_wait3A_87 = tpu.memref_slice %arg13[%dma_wait3A_84, %mul3A_4] : memref<16x10240xf32, #tpu.memory_space<vmem_shared>> -> memref<1x640xf32, #tpu.memory_space<vmem_shared>>
    %dma_wait3A_88 = tpu.memref_squeeze %dma_wait3A_87 : memref<1x640xf32, #tpu.memory_space<vmem_shared>> -> memref<640xf32, #tpu.memory_space<vmem_shared>>
    tpu.wait_dma2 semaphore(%arg14 : memref<!tpu.dma_semaphore, #tpu.memory_space<semaphore_mem>>) src(%dma_wait3A_88 : memref<640xf32, #tpu.memory_space<vmem_shared>>) dst(%arg10 : memref<640xf32, #tpu.memory_space<vmem>>)
    %dma_start3A_89 = arith.constant 6 : i32
    %dma_start3A_90 = tpu.memref_slice %arg13[%dma_start3A_89, %mul3A_4] : memref<16x10240xf32, #tpu.memory_space<vmem_shared>> -> memref<1x640xf32, #tpu.memory_space<vmem_shared>>
    %dma_start3A_91 = tpu.memref_squeeze %dma_start3A_90 : memref<1x640xf32, #tpu.memory_space<vmem_shared>> -> memref<640xf32, #tpu.memory_space<vmem_shared>>
    %dma_start3A_92 = tpu.memref_slice %arg13[%dma_start3A_89, %mul3A_4] : memref<16x10240xf32, #tpu.memory_space<vmem_shared>> -> memref<1x640xf32, #tpu.memory_space<vmem_shared>>
    %dma_start3A_93 = tpu.memref_squeeze %dma_start3A_92 : memref<1x640xf32, #tpu.memory_space<vmem_shared>> -> memref<640xf32, #tpu.memory_space<vmem_shared>>
    tpu.enqueue_dma source(%dma_start3A_93 : memref<640xf32, #tpu.memory_space<vmem_shared>>) target(%arg11 : memref<640xf32, #tpu.memory_space<vmem>>) target_semaphore(%arg15 : memref<!tpu.dma_semaphore, #tpu.memory_space<semaphore_mem>>)
    %scan3A_94 = arith.constant 0 : i32
    %scan3A_95 = arith.constant 0 : i32
    %scan3A_96 = arith.constant 40 : i32
    %scan3A_97 = arith.addi %scan3A_95, %scan3A_96 : i32
    %scan3A_98 = arith.constant 1 : i32
    scf.for %scan3A_262 = %scan3A_95 to %scan3A_97 step %scan3A_98  : i32 {
      %mul3A_263 = arith.constant 16 : i32
      %mul3A_264 = arith.muli %scan3A_262, %mul3A_263 : i32
      %get3A = arith.index_cast %mul3A_264 : i32 to index
      %get3A_265 = tpu.vector_load %arg12[%get3A] {strides = array<i32>} : memref<640xf32, #tpu.memory_space<vmem>>, vector<16xf32>,
      %get3A_266 = arith.index_cast %mul3A_264 : i32 to index
      %get3A_267 = tpu.vector_load %arg10[%get3A_266] {strides = array<i32>} : memref<640xf32, #tpu.memory_space<vmem>>, vector<16xf32>,
      %add3A_268 = arith.addf %get3A_265, %get3A_267 : vector<16xf32>
      %swap3A = arith.index_cast %mul3A_264 : i32 to index
      %swap3A_269 = tpu.vector_load %arg12[%swap3A] {strides = array<i32>} : memref<640xf32, #tpu.memory_space<vmem>>, vector<16xf32>,
      tpu.vector_store %arg12[%swap3A], %add3A_268 {strides = array<i32>} : memref<640xf32, #tpu.memory_space<vmem>>, vector<16xf32>,
    }
    %scan3A_99 = arith.constant 40 : i32
    %dma_wait3A_100 = arith.constant 6 : i32
    %dma_wait3A_101 = tpu.memref_slice %arg13[%dma_wait3A_100, %mul3A_4] : memref<16x10240xf32, #tpu.memory_space<vmem_shared>> -> memref<1x640xf32, #tpu.memory_space<vmem_shared>>
    %dma_wait3A_102 = tpu.memref_squeeze %dma_wait3A_101 : memref<1x640xf32, #tpu.memory_space<vmem_shared>> -> memref<640xf32, #tpu.memory_space<vmem_shared>>
    %dma_wait3A_103 = tpu.memref_slice %arg13[%dma_wait3A_100, %mul3A_4] : memref<16x10240xf32, #tpu.memory_space<vmem_shared>> -> memref<1x640xf32, #tpu.memory_space<vmem_shared>>
    %dma_wait3A_104 = tpu.memref_squeeze %dma_wait3A_103 : memref<1x640xf32, #tpu.memory_space<vmem_shared>> -> memref<640xf32, #tpu.memory_space<vmem_shared>>
    tpu.wait_dma2 semaphore(%arg15 : memref<!tpu.dma_semaphore, #tpu.memory_space<semaphore_mem>>) src(%dma_wait3A_104 : memref<640xf32, #tpu.memory_space<vmem_shared>>) dst(%arg11 : memref<640xf32, #tpu.memory_space<vmem>>)
    %dma_start3A_105 = arith.constant 7 : i32
    %dma_start3A_106 = tpu.memref_slice %arg13[%dma_start3A_105, %mul3A_4] : memref<16x10240xf32, #tpu.memory_space<vmem_shared>> -> memref<1x640xf32, #tpu.memory_space<vmem_shared>>
    %dma_start3A_107 = tpu.memref_squeeze %dma_start3A_106 : memref<1x640xf32, #tpu.memory_space<vmem_shared>> -> memref<640xf32, #tpu.memory_space<vmem_shared>>
    %dma_start3A_108 = tpu.memref_slice %arg13[%dma_start3A_105, %mul3A_4] : memref<16x10240xf32, #tpu.memory_space<vmem_shared>> -> memref<1x640xf32, #tpu.memory_space<vmem_shared>>
    %dma_start3A_109 = tpu.memref_squeeze %dma_start3A_108 : memref<1x640xf32, #tpu.memory_space<vmem_shared>> -> memref<640xf32, #tpu.memory_space<vmem_shared>>
    tpu.enqueue_dma source(%dma_start3A_109 : memref<640xf32, #tpu.memory_space<vmem_shared>>) target(%arg10 : memref<640xf32, #tpu.memory_space<vmem>>) target_semaphore(%arg14 : memref<!tpu.dma_semaphore, #tpu.memory_space<semaphore_mem>>)
    %scan3A_110 = arith.constant 0 : i32
    %scan3A_111 = arith.constant 0 : i32
    %scan3A_112 = arith.constant 40 : i32
    %scan3A_113 = arith.addi %scan3A_111, %scan3A_112 : i32
    %scan3A_114 = arith.constant 1 : i32
    scf.for %scan3A_262 = %scan3A_111 to %scan3A_113 step %scan3A_114  : i32 {
      %mul3A_263 = arith.constant 16 : i32
      %mul3A_264 = arith.muli %scan3A_262, %mul3A_263 : i32
      %get3A = arith.index_cast %mul3A_264 : i32 to index
      %get3A_265 = tpu.vector_load %arg12[%get3A] {strides = array<i32>} : memref<640xf32, #tpu.memory_space<vmem>>, vector<16xf32>,
      %get3A_266 = arith.index_cast %mul3A_264 : i32 to index
      %get3A_267 = tpu.vector_load %arg11[%get3A_266] {strides = array<i32>} : memref<640xf32, #tpu.memory_space<vmem>>, vector<16xf32>,
      %add3A_268 = arith.addf %get3A_265, %get3A_267 : vector<16xf32>
      %swap3A = arith.index_cast %mul3A_264 : i32 to index
      %swap3A_269 = tpu.vector_load %arg12[%swap3A] {strides = array<i32>} : memref<640xf32, #tpu.memory_space<vmem>>, vector<16xf32>,
      tpu.vector_store %arg12[%swap3A], %add3A_268 {strides = array<i32>} : memref<640xf32, #tpu.memory_space<vmem>>, vector<16xf32>,
    }
    %scan3A_115 = arith.constant 40 : i32
    %dma_wait3A_116 = arith.constant 7 : i32
    %dma_wait3A_117 = tpu.memref_slice %arg13[%dma_wait3A_116, %mul3A_4] : memref<16x10240xf32, #tpu.memory_space<vmem_shared>> -> memref<1x640xf32, #tpu.memory_space<vmem_shared>>
    %dma_wait3A_118 = tpu.memref_squeeze %dma_wait3A_117 : memref<1x640xf32, #tpu.memory_space<vmem_shared>> -> memref<640xf32, #tpu.memory_space<vmem_shared>>
    %dma_wait3A_119 = tpu.memref_slice %arg13[%dma_wait3A_116, %mul3A_4] : memref<16x10240xf32, #tpu.memory_space<vmem_shared>> -> memref<1x640xf32, #tpu.memory_space<vmem_shared>>
    %dma_wait3A_120 = tpu.memref_squeeze %dma_wait3A_119 : memref<1x640xf32, #tpu.memory_space<vmem_shared>> -> memref<640xf32, #tpu.memory_space<vmem_shared>>
    tpu.wait_dma2 semaphore(%arg14 : memref<!tpu.dma_semaphore, #tpu.memory_space<semaphore_mem>>) src(%dma_wait3A_120 : memref<640xf32, #tpu.memory_space<vmem_shared>>) dst(%arg10 : memref<640xf32, #tpu.memory_space<vmem>>)
    %dma_start3A_121 = arith.constant 8 : i32
    %dma_start3A_122 = tpu.memref_slice %arg13[%dma_start3A_121, %mul3A_4] : memref<16x10240xf32, #tpu.memory_space<vmem_shared>> -> memref<1x640xf32, #tpu.memory_space<vmem_shared>>
    %dma_start3A_123 = tpu.memref_squeeze %dma_start3A_122 : memref<1x640xf32, #tpu.memory_space<vmem_shared>> -> memref<640xf32, #tpu.memory_space<vmem_shared>>
    %dma_start3A_124 = tpu.memref_slice %arg13[%dma_start3A_121, %mul3A_4] : memref<16x10240xf32, #tpu.memory_space<vmem_shared>> -> memref<1x640xf32, #tpu.memory_space<vmem_shared>>
    %dma_start3A_125 = tpu.memref_squeeze %dma_start3A_124 : memref<1x640xf32, #tpu.memory_space<vmem_shared>> -> memref<640xf32, #tpu.memory_space<vmem_shared>>
    tpu.enqueue_dma source(%dma_start3A_125 : memref<640xf32, #tpu.memory_space<vmem_shared>>) target(%arg11 : memref<640xf32, #tpu.memory_space<vmem>>) target_semaphore(%arg15 : memref<!tpu.dma_semaphore, #tpu.memory_space<semaphore_mem>>)
    %scan3A_126 = arith.constant 0 : i32
    %scan3A_127 = arith.constant 0 : i32
    %scan3A_128 = arith.constant 40 : i32
    %scan3A_129 = arith.addi %scan3A_127, %scan3A_128 : i32
    %scan3A_130 = arith.constant 1 : i32
    scf.for %scan3A_262 = %scan3A_127 to %scan3A_129 step %scan3A_130  : i32 {
      %mul3A_263 = arith.constant 16 : i32
      %mul3A_264 = arith.muli %scan3A_262, %mul3A_263 : i32
      %get3A = arith.index_cast %mul3A_264 : i32 to index
      %get3A_265 = tpu.vector_load %arg12[%get3A] {strides = array<i32>} : memref<640xf32, #tpu.memory_space<vmem>>, vector<16xf32>,
      %get3A_266 = arith.index_cast %mul3A_264 : i32 to index
      %get3A_267 = tpu.vector_load %arg10[%get3A_266] {strides = array<i32>} : memref<640xf32, #tpu.memory_space<vmem>>, vector<16xf32>,
      %add3A_268 = arith.addf %get3A_265, %get3A_267 : vector<16xf32>
      %swap3A = arith.index_cast %mul3A_264 : i32 to index
      %swap3A_269 = tpu.vector_load %arg12[%swap3A] {strides = array<i32>} : memref<640xf32, #tpu.memory_space<vmem>>, vector<16xf32>,
      tpu.vector_store %arg12[%swap3A], %add3A_268 {strides = array<i32>} : memref<640xf32, #tpu.memory_space<vmem>>, vector<16xf32>,
    }
    %scan3A_131 = arith.constant 40 : i32
    %dma_wait3A_132 = arith.constant 8 : i32
    %dma_wait3A_133 = tpu.memref_slice %arg13[%dma_wait3A_132, %mul3A_4] : memref<16x10240xf32, #tpu.memory_space<vmem_shared>> -> memref<1x640xf32, #tpu.memory_space<vmem_shared>>
    %dma_wait3A_134 = tpu.memref_squeeze %dma_wait3A_133 : memref<1x640xf32, #tpu.memory_space<vmem_shared>> -> memref<640xf32, #tpu.memory_space<vmem_shared>>
    %dma_wait3A_135 = tpu.memref_slice %arg13[%dma_wait3A_132, %mul3A_4] : memref<16x10240xf32, #tpu.memory_space<vmem_shared>> -> memref<1x640xf32, #tpu.memory_space<vmem_shared>>
    %dma_wait3A_136 = tpu.memref_squeeze %dma_wait3A_135 : memref<1x640xf32, #tpu.memory_space<vmem_shared>> -> memref<640xf32, #tpu.memory_space<vmem_shared>>
    tpu.wait_dma2 semaphore(%arg15 : memref<!tpu.dma_semaphore, #tpu.memory_space<semaphore_mem>>) src(%dma_wait3A_136 : memref<640xf32, #tpu.memory_space<vmem_shared>>) dst(%arg11 : memref<640xf32, #tpu.memory_space<vmem>>)
    %dma_start3A_137 = arith.constant 9 : i32
    %dma_start3A_138 = tpu.memref_slice %arg13[%dma_start3A_137, %mul3A_4] : memref<16x10240xf32, #tpu.memory_space<vmem_shared>> -> memref<1x640xf32, #tpu.memory_space<vmem_shared>>
    %dma_start3A_139 = tpu.memref_squeeze %dma_start3A_138 : memref<1x640xf32, #tpu.memory_space<vmem_shared>> -> memref<640xf32, #tpu.memory_space<vmem_shared>>
    %dma_start3A_140 = tpu.memref_slice %arg13[%dma_start3A_137, %mul3A_4] : memref<16x10240xf32, #tpu.memory_space<vmem_shared>> -> memref<1x640xf32, #tpu.memory_space<vmem_shared>>
    %dma_start3A_141 = tpu.memref_squeeze %dma_start3A_140 : memref<1x640xf32, #tpu.memory_space<vmem_shared>> -> memref<640xf32, #tpu.memory_space<vmem_shared>>
    tpu.enqueue_dma source(%dma_start3A_141 : memref<640xf32, #tpu.memory_space<vmem_shared>>) target(%arg10 : memref<640xf32, #tpu.memory_space<vmem>>) target_semaphore(%arg14 : memref<!tpu.dma_semaphore, #tpu.memory_space<semaphore_mem>>)
    %scan3A_142 = arith.constant 0 : i32
    %scan3A_143 = arith.constant 0 : i32
    %scan3A_144 = arith.constant 40 : i32
    %scan3A_145 = arith.addi %scan3A_143, %scan3A_144 : i32
    %scan3A_146 = arith.constant 1 : i32
    scf.for %scan3A_262 = %scan3A_143 to %scan3A_145 step %scan3A_146  : i32 {
      %mul3A_263 = arith.constant 16 : i32
      %mul3A_264 = arith.muli %scan3A_262, %mul3A_263 : i32
      %get3A = arith.index_cast %mul3A_264 : i32 to index
      %get3A_265 = tpu.vector_load %arg12[%get3A] {strides = array<i32>} : memref<640xf32, #tpu.memory_space<vmem>>, vector<16xf32>,
      %get3A_266 = arith.index_cast %mul3A_264 : i32 to index
      %get3A_267 = tpu.vector_load %arg11[%get3A_266] {strides = array<i32>} : memref<640xf32, #tpu.memory_space<vmem>>, vector<16xf32>,
      %add3A_268 = arith.addf %get3A_265, %get3A_267 : vector<16xf32>
      %swap3A = arith.index_cast %mul3A_264 : i32 to index
      %swap3A_269 = tpu.vector_load %arg12[%swap3A] {strides = array<i32>} : memref<640xf32, #tpu.memory_space<vmem>>, vector<16xf32>,
      tpu.vector_store %arg12[%swap3A], %add3A_268 {strides = array<i32>} : memref<640xf32, #tpu.memory_space<vmem>>, vector<16xf32>,
    }
    %scan3A_147 = arith.constant 40 : i32
    %dma_wait3A_148 = arith.constant 9 : i32
    %dma_wait3A_149 = tpu.memref_slice %arg13[%dma_wait3A_148, %mul3A_4] : memref<16x10240xf32, #tpu.memory_space<vmem_shared>> -> memref<1x640xf32, #tpu.memory_space<vmem_shared>>
    %dma_wait3A_150 = tpu.memref_squeeze %dma_wait3A_149 : memref<1x640xf32, #tpu.memory_space<vmem_shared>> -> memref<640xf32, #tpu.memory_space<vmem_shared>>
    %dma_wait3A_151 = tpu.memref_slice %arg13[%dma_wait3A_148, %mul3A_4] : memref<16x10240xf32, #tpu.memory_space<vmem_shared>> -> memref<1x640xf32, #tpu.memory_space<vmem_shared>>
    %dma_wait3A_152 = tpu.memref_squeeze %dma_wait3A_151 : memref<1x640xf32, #tpu.memory_space<vmem_shared>> -> memref<640xf32, #tpu.memory_space<vmem_shared>>
    tpu.wait_dma2 semaphore(%arg14 : memref<!tpu.dma_semaphore, #tpu.memory_space<semaphore_mem>>) src(%dma_wait3A_152 : memref<640xf32, #tpu.memory_space<vmem_shared>>) dst(%arg10 : memref<640xf32, #tpu.memory_space<vmem>>)
    %dma_start3A_153 = arith.constant 10 : i32
    %dma_start3A_154 = tpu.memref_slice %arg13[%dma_start3A_153, %mul3A_4] : memref<16x10240xf32, #tpu.memory_space<vmem_shared>> -> memref<1x640xf32, #tpu.memory_space<vmem_shared>>
    %dma_start3A_155 = tpu.memref_squeeze %dma_start3A_154 : memref<1x640xf32, #tpu.memory_space<vmem_shared>> -> memref<640xf32, #tpu.memory_space<vmem_shared>>
    %dma_start3A_156 = tpu.memref_slice %arg13[%dma_start3A_153, %mul3A_4] : memref<16x10240xf32, #tpu.memory_space<vmem_shared>> -> memref<1x640xf32, #tpu.memory_space<vmem_shared>>
    %dma_start3A_157 = tpu.memref_squeeze %dma_start3A_156 : memref<1x640xf32, #tpu.memory_space<vmem_shared>> -> memref<640xf32, #tpu.memory_space<vmem_shared>>
    tpu.enqueue_dma source(%dma_start3A_157 : memref<640xf32, #tpu.memory_space<vmem_shared>>) target(%arg11 : memref<640xf32, #tpu.memory_space<vmem>>) target_semaphore(%arg15 : memref<!tpu.dma_semaphore, #tpu.memory_space<semaphore_mem>>)
    %scan3A_158 = arith.constant 0 : i32
    %scan3A_159 = arith.constant 0 : i32
    %scan3A_160 = arith.constant 40 : i32
    %scan3A_161 = arith.addi %scan3A_159, %scan3A_160 : i32
    %scan3A_162 = arith.constant 1 : i32
    scf.for %scan3A_262 = %scan3A_159 to %scan3A_161 step %scan3A_162  : i32 {
      %mul3A_263 = arith.constant 16 : i32
      %mul3A_264 = arith.muli %scan3A_262, %mul3A_263 : i32
      %get3A = arith.index_cast %mul3A_264 : i32 to index
      %get3A_265 = tpu.vector_load %arg12[%get3A] {strides = array<i32>} : memref<640xf32, #tpu.memory_space<vmem>>, vector<16xf32>,
      %get3A_266 = arith.index_cast %mul3A_264 : i32 to index
      %get3A_267 = tpu.vector_load %arg10[%get3A_266] {strides = array<i32>} : memref<640xf32, #tpu.memory_space<vmem>>, vector<16xf32>,
      %add3A_268 = arith.addf %get3A_265, %get3A_267 : vector<16xf32>
      %swap3A = arith.index_cast %mul3A_264 : i32 to index
      %swap3A_269 = tpu.vector_load %arg12[%swap3A] {strides = array<i32>} : memref<640xf32, #tpu.memory_space<vmem>>, vector<16xf32>,
      tpu.vector_store %arg12[%swap3A], %add3A_268 {strides = array<i32>} : memref<640xf32, #tpu.memory_space<vmem>>, vector<16xf32>,
    }
    %scan3A_163 = arith.constant 40 : i32
    %dma_wait3A_164 = arith.constant 10 : i32
    %dma_wait3A_165 = tpu.memref_slice %arg13[%dma_wait3A_164, %mul3A_4] : memref<16x10240xf32, #tpu.memory_space<vmem_shared>> -> memref<1x640xf32, #tpu.memory_space<vmem_shared>>
    %dma_wait3A_166 = tpu.memref_squeeze %dma_wait3A_165 : memref<1x640xf32, #tpu.memory_space<vmem_shared>> -> memref<640xf32, #tpu.memory_space<vmem_shared>>
    %dma_wait3A_167 = tpu.memref_slice %arg13[%dma_wait3A_164, %mul3A_4] : memref<16x10240xf32, #tpu.memory_space<vmem_shared>> -> memref<1x640xf32, #tpu.memory_space<vmem_shared>>
    %dma_wait3A_168 = tpu.memref_squeeze %dma_wait3A_167 : memref<1x640xf32, #tpu.memory_space<vmem_shared>> -> memref<640xf32, #tpu.memory_space<vmem_shared>>
    tpu.wait_dma2 semaphore(%arg15 : memref<!tpu.dma_semaphore, #tpu.memory_space<semaphore_mem>>) src(%dma_wait3A_168 : memref<640xf32, #tpu.memory_space<vmem_shared>>) dst(%arg11 : memref<640xf32, #tpu.memory_space<vmem>>)
    %dma_start3A_169 = arith.constant 11 : i32
    %dma_start3A_170 = tpu.memref_slice %arg13[%dma_start3A_169, %mul3A_4] : memref<16x10240xf32, #tpu.memory_space<vmem_shared>> -> memref<1x640xf32, #tpu.memory_space<vmem_shared>>
    %dma_start3A_171 = tpu.memref_squeeze %dma_start3A_170 : memref<1x640xf32, #tpu.memory_space<vmem_shared>> -> memref<640xf32, #tpu.memory_space<vmem_shared>>
    %dma_start3A_172 = tpu.memref_slice %arg13[%dma_start3A_169, %mul3A_4] : memref<16x10240xf32, #tpu.memory_space<vmem_shared>> -> memref<1x640xf32, #tpu.memory_space<vmem_shared>>
    %dma_start3A_173 = tpu.memref_squeeze %dma_start3A_172 : memref<1x640xf32, #tpu.memory_space<vmem_shared>> -> memref<640xf32, #tpu.memory_space<vmem_shared>>
    tpu.enqueue_dma source(%dma_start3A_173 : memref<640xf32, #tpu.memory_space<vmem_shared>>) target(%arg10 : memref<640xf32, #tpu.memory_space<vmem>>) target_semaphore(%arg14 : memref<!tpu.dma_semaphore, #tpu.memory_space<semaphore_mem>>)
    %scan3A_174 = arith.constant 0 : i32
    %scan3A_175 = arith.constant 0 : i32
    %scan3A_176 = arith.constant 40 : i32
    %scan3A_177 = arith.addi %scan3A_175, %scan3A_176 : i32
    %scan3A_178 = arith.constant 1 : i32
    scf.for %scan3A_262 = %scan3A_175 to %scan3A_177 step %scan3A_178  : i32 {
      %mul3A_263 = arith.constant 16 : i32
      %mul3A_264 = arith.muli %scan3A_262, %mul3A_263 : i32
      %get3A = arith.index_cast %mul3A_264 : i32 to index
      %get3A_265 = tpu.vector_load %arg12[%get3A] {strides = array<i32>} : memref<640xf32, #tpu.memory_space<vmem>>, vector<16xf32>,
      %get3A_266 = arith.index_cast %mul3A_264 : i32 to index
      %get3A_267 = tpu.vector_load %arg11[%get3A_266] {strides = array<i32>} : memref<640xf32, #tpu.memory_space<vmem>>, vector<16xf32>,
      %add3A_268 = arith.addf %get3A_265, %get3A_267 : vector<16xf32>
      %swap3A = arith.index_cast %mul3A_264 : i32 to index
      %swap3A_269 = tpu.vector_load %arg12[%swap3A] {strides = array<i32>} : memref<640xf32, #tpu.memory_space<vmem>>, vector<16xf32>,
      tpu.vector_store %arg12[%swap3A], %add3A_268 {strides = array<i32>} : memref<640xf32, #tpu.memory_space<vmem>>, vector<16xf32>,
    }
    %scan3A_179 = arith.constant 40 : i32
    %dma_wait3A_180 = arith.constant 11 : i32
    %dma_wait3A_181 = tpu.memref_slice %arg13[%dma_wait3A_180, %mul3A_4] : memref<16x10240xf32, #tpu.memory_space<vmem_shared>> -> memref<1x640xf32, #tpu.memory_space<vmem_shared>>
    %dma_wait3A_182 = tpu.memref_squeeze %dma_wait3A_181 : memref<1x640xf32, #tpu.memory_space<vmem_shared>> -> memref<640xf32, #tpu.memory_space<vmem_shared>>
    %dma_wait3A_183 = tpu.memref_slice %arg13[%dma_wait3A_180, %mul3A_4] : memref<16x10240xf32, #tpu.memory_space<vmem_shared>> -> memref<1x640xf32, #tpu.memory_space<vmem_shared>>
    %dma_wait3A_184 = tpu.memref_squeeze %dma_wait3A_183 : memref<1x640xf32, #tpu.memory_space<vmem_shared>> -> memref<640xf32, #tpu.memory_space<vmem_shared>>
    tpu.wait_dma2 semaphore(%arg14 : memref<!tpu.dma_semaphore, #tpu.memory_space<semaphore_mem>>) src(%dma_wait3A_184 : memref<640xf32, #tpu.memory_space<vmem_shared>>) dst(%arg10 : memref<640xf32, #tpu.memory_space<vmem>>)
    %dma_start3A_185 = arith.constant 12 : i32
    %dma_start3A_186 = tpu.memref_slice %arg13[%dma_start3A_185, %mul3A_4] : memref<16x10240xf32, #tpu.memory_space<vmem_shared>> -> memref<1x640xf32, #tpu.memory_space<vmem_shared>>
    %dma_start3A_187 = tpu.memref_squeeze %dma_start3A_186 : memref<1x640xf32, #tpu.memory_space<vmem_shared>> -> memref<640xf32, #tpu.memory_space<vmem_shared>>
    %dma_start3A_188 = tpu.memref_slice %arg13[%dma_start3A_185, %mul3A_4] : memref<16x10240xf32, #tpu.memory_space<vmem_shared>> -> memref<1x640xf32, #tpu.memory_space<vmem_shared>>
    %dma_start3A_189 = tpu.memref_squeeze %dma_start3A_188 : memref<1x640xf32, #tpu.memory_space<vmem_shared>> -> memref<640xf32, #tpu.memory_space<vmem_shared>>
    tpu.enqueue_dma source(%dma_start3A_189 : memref<640xf32, #tpu.memory_space<vmem_shared>>) target(%arg11 : memref<640xf32, #tpu.memory_space<vmem>>) target_semaphore(%arg15 : memref<!tpu.dma_semaphore, #tpu.memory_space<semaphore_mem>>)
    %scan3A_190 = arith.constant 0 : i32
    %scan3A_191 = arith.constant 0 : i32
    %scan3A_192 = arith.constant 40 : i32
    %scan3A_193 = arith.addi %scan3A_191, %scan3A_192 : i32
    %scan3A_194 = arith.constant 1 : i32
    scf.for %scan3A_262 = %scan3A_191 to %scan3A_193 step %scan3A_194  : i32 {
      %mul3A_263 = arith.constant 16 : i32
      %mul3A_264 = arith.muli %scan3A_262, %mul3A_263 : i32
      %get3A = arith.index_cast %mul3A_264 : i32 to index
      %get3A_265 = tpu.vector_load %arg12[%get3A] {strides = array<i32>} : memref<640xf32, #tpu.memory_space<vmem>>, vector<16xf32>,
      %get3A_266 = arith.index_cast %mul3A_264 : i32 to index
      %get3A_267 = tpu.vector_load %arg10[%get3A_266] {strides = array<i32>} : memref<640xf32, #tpu.memory_space<vmem>>, vector<16xf32>,
      %add3A_268 = arith.addf %get3A_265, %get3A_267 : vector<16xf32>
      %swap3A = arith.index_cast %mul3A_264 : i32 to index
      %swap3A_269 = tpu.vector_load %arg12[%swap3A] {strides = array<i32>} : memref<640xf32, #tpu.memory_space<vmem>>, vector<16xf32>,
      tpu.vector_store %arg12[%swap3A], %add3A_268 {strides = array<i32>} : memref<640xf32, #tpu.memory_space<vmem>>, vector<16xf32>,
    }
    %scan3A_195 = arith.constant 40 : i32
    %dma_wait3A_196 = arith.constant 12 : i32
    %dma_wait3A_197 = tpu.memref_slice %arg13[%dma_wait3A_196, %mul3A_4] : memref<16x10240xf32, #tpu.memory_space<vmem_shared>> -> memref<1x640xf32, #tpu.memory_space<vmem_shared>>
    %dma_wait3A_198 = tpu.memref_squeeze %dma_wait3A_197 : memref<1x640xf32, #tpu.memory_space<vmem_shared>> -> memref<640xf32, #tpu.memory_space<vmem_shared>>
    %dma_wait3A_199 = tpu.memref_slice %arg13[%dma_wait3A_196, %mul3A_4] : memref<16x10240xf32, #tpu.memory_space<vmem_shared>> -> memref<1x640xf32, #tpu.memory_space<vmem_shared>>
    %dma_wait3A_200 = tpu.memref_squeeze %dma_wait3A_199 : memref<1x640xf32, #tpu.memory_space<vmem_shared>> -> memref<640xf32, #tpu.memory_space<vmem_shared>>
    tpu.wait_dma2 semaphore(%arg15 : memref<!tpu.dma_semaphore, #tpu.memory_space<semaphore_mem>>) src(%dma_wait3A_200 : memref<640xf32, #tpu.memory_space<vmem_shared>>) dst(%arg11 : memref<640xf32, #tpu.memory_space<vmem>>)
    %dma_start3A_201 = arith.constant 13 : i32
    %dma_start3A_202 = tpu.memref_slice %arg13[%dma_start3A_201, %mul3A_4] : memref<16x10240xf32, #tpu.memory_space<vmem_shared>> -> memref<1x640xf32, #tpu.memory_space<vmem_shared>>
    %dma_start3A_203 = tpu.memref_squeeze %dma_start3A_202 : memref<1x640xf32, #tpu.memory_space<vmem_shared>> -> memref<640xf32, #tpu.memory_space<vmem_shared>>
    %dma_start3A_204 = tpu.memref_slice %arg13[%dma_start3A_201, %mul3A_4] : memref<16x10240xf32, #tpu.memory_space<vmem_shared>> -> memref<1x640xf32, #tpu.memory_space<vmem_shared>>
    %dma_start3A_205 = tpu.memref_squeeze %dma_start3A_204 : memref<1x640xf32, #tpu.memory_space<vmem_shared>> -> memref<640xf32, #tpu.memory_space<vmem_shared>>
    tpu.enqueue_dma source(%dma_start3A_205 : memref<640xf32, #tpu.memory_space<vmem_shared>>) target(%arg10 : memref<640xf32, #tpu.memory_space<vmem>>) target_semaphore(%arg14 : memref<!tpu.dma_semaphore, #tpu.memory_space<semaphore_mem>>)
    %scan3A_206 = arith.constant 0 : i32
    %scan3A_207 = arith.constant 0 : i32
    %scan3A_208 = arith.constant 40 : i32
    %scan3A_209 = arith.addi %scan3A_207, %scan3A_208 : i32
    %scan3A_210 = arith.constant 1 : i32
    scf.for %scan3A_262 = %scan3A_207 to %scan3A_209 step %scan3A_210  : i32 {
      %mul3A_263 = arith.constant 16 : i32
      %mul3A_264 = arith.muli %scan3A_262, %mul3A_263 : i32
      %get3A = arith.index_cast %mul3A_264 : i32 to index
      %get3A_265 = tpu.vector_load %arg12[%get3A] {strides = array<i32>} : memref<640xf32, #tpu.memory_space<vmem>>, vector<16xf32>,
      %get3A_266 = arith.index_cast %mul3A_264 : i32 to index
      %get3A_267 = tpu.vector_load %arg11[%get3A_266] {strides = array<i32>} : memref<640xf32, #tpu.memory_space<vmem>>, vector<16xf32>,
      %add3A_268 = arith.addf %get3A_265, %get3A_267 : vector<16xf32>
      %swap3A = arith.index_cast %mul3A_264 : i32 to index
      %swap3A_269 = tpu.vector_load %arg12[%swap3A] {strides = array<i32>} : memref<640xf32, #tpu.memory_space<vmem>>, vector<16xf32>,
      tpu.vector_store %arg12[%swap3A], %add3A_268 {strides = array<i32>} : memref<640xf32, #tpu.memory_space<vmem>>, vector<16xf32>,
    }
    %scan3A_211 = arith.constant 40 : i32
    %dma_wait3A_212 = arith.constant 13 : i32
    %dma_wait3A_213 = tpu.memref_slice %arg13[%dma_wait3A_212, %mul3A_4] : memref<16x10240xf32, #tpu.memory_space<vmem_shared>> -> memref<1x640xf32, #tpu.memory_space<vmem_shared>>
    %dma_wait3A_214 = tpu.memref_squeeze %dma_wait3A_213 : memref<1x640xf32, #tpu.memory_space<vmem_shared>> -> memref<640xf32, #tpu.memory_space<vmem_shared>>
    %dma_wait3A_215 = tpu.memref_slice %arg13[%dma_wait3A_212, %mul3A_4] : memref<16x10240xf32, #tpu.memory_space<vmem_shared>> -> memref<1x640xf32, #tpu.memory_space<vmem_shared>>
    %dma_wait3A_216 = tpu.memref_squeeze %dma_wait3A_215 : memref<1x640xf32, #tpu.memory_space<vmem_shared>> -> memref<640xf32, #tpu.memory_space<vmem_shared>>
    tpu.wait_dma2 semaphore(%arg14 : memref<!tpu.dma_semaphore, #tpu.memory_space<semaphore_mem>>) src(%dma_wait3A_216 : memref<640xf32, #tpu.memory_space<vmem_shared>>) dst(%arg10 : memref<640xf32, #tpu.memory_space<vmem>>)
    %dma_start3A_217 = arith.constant 14 : i32
    %dma_start3A_218 = tpu.memref_slice %arg13[%dma_start3A_217, %mul3A_4] : memref<16x10240xf32, #tpu.memory_space<vmem_shared>> -> memref<1x640xf32, #tpu.memory_space<vmem_shared>>
    %dma_start3A_219 = tpu.memref_squeeze %dma_start3A_218 : memref<1x640xf32, #tpu.memory_space<vmem_shared>> -> memref<640xf32, #tpu.memory_space<vmem_shared>>
    %dma_start3A_220 = tpu.memref_slice %arg13[%dma_start3A_217, %mul3A_4] : memref<16x10240xf32, #tpu.memory_space<vmem_shared>> -> memref<1x640xf32, #tpu.memory_space<vmem_shared>>
    %dma_start3A_221 = tpu.memref_squeeze %dma_start3A_220 : memref<1x640xf32, #tpu.memory_space<vmem_shared>> -> memref<640xf32, #tpu.memory_space<vmem_shared>>
    tpu.enqueue_dma source(%dma_start3A_221 : memref<640xf32, #tpu.memory_space<vmem_shared>>) target(%arg11 : memref<640xf32, #tpu.memory_space<vmem>>) target_semaphore(%arg15 : memref<!tpu.dma_semaphore, #tpu.memory_space<semaphore_mem>>)
    %scan3A_222 = arith.constant 0 : i32
    %scan3A_223 = arith.constant 0 : i32
    %scan3A_224 = arith.constant 40 : i32
    %scan3A_225 = arith.addi %scan3A_223, %scan3A_224 : i32
    %scan3A_226 = arith.constant 1 : i32
    scf.for %scan3A_262 = %scan3A_223 to %scan3A_225 step %scan3A_226  : i32 {
      %mul3A_263 = arith.constant 16 : i32
      %mul3A_264 = arith.muli %scan3A_262, %mul3A_263 : i32
      %get3A = arith.index_cast %mul3A_264 : i32 to index
      %get3A_265 = tpu.vector_load %arg12[%get3A] {strides = array<i32>} : memref<640xf32, #tpu.memory_space<vmem>>, vector<16xf32>,
      %get3A_266 = arith.index_cast %mul3A_264 : i32 to index
      %get3A_267 = tpu.vector_load %arg10[%get3A_266] {strides = array<i32>} : memref<640xf32, #tpu.memory_space<vmem>>, vector<16xf32>,
      %add3A_268 = arith.addf %get3A_265, %get3A_267 : vector<16xf32>
      %swap3A = arith.index_cast %mul3A_264 : i32 to index
      %swap3A_269 = tpu.vector_load %arg12[%swap3A] {strides = array<i32>} : memref<640xf32, #tpu.memory_space<vmem>>, vector<16xf32>,
      tpu.vector_store %arg12[%swap3A], %add3A_268 {strides = array<i32>} : memref<640xf32, #tpu.memory_space<vmem>>, vector<16xf32>,
    }
    %scan3A_227 = arith.constant 40 : i32
    %dma_wait3A_228 = arith.constant 14 : i32
    %dma_wait3A_229 = tpu.memref_slice %arg13[%dma_wait3A_228, %mul3A_4] : memref<16x10240xf32, #tpu.memory_space<vmem_shared>> -> memref<1x640xf32, #tpu.memory_space<vmem_shared>>
    %dma_wait3A_230 = tpu.memref_squeeze %dma_wait3A_229 : memref<1x640xf32, #tpu.memory_space<vmem_shared>> -> memref<640xf32, #tpu.memory_space<vmem_shared>>
    %dma_wait3A_231 = tpu.memref_slice %arg13[%dma_wait3A_228, %mul3A_4] : memref<16x10240xf32, #tpu.memory_space<vmem_shared>> -> memref<1x640xf32, #tpu.memory_space<vmem_shared>>
    %dma_wait3A_232 = tpu.memref_squeeze %dma_wait3A_231 : memref<1x640xf32, #tpu.memory_space<vmem_shared>> -> memref<640xf32, #tpu.memory_space<vmem_shared>>
    tpu.wait_dma2 semaphore(%arg15 : memref<!tpu.dma_semaphore, #tpu.memory_space<semaphore_mem>>) src(%dma_wait3A_232 : memref<640xf32, #tpu.memory_space<vmem_shared>>) dst(%arg11 : memref<640xf32, #tpu.memory_space<vmem>>)
    %dma_start3A_233 = arith.constant 15 : i32
    %dma_start3A_234 = tpu.memref_slice %arg13[%dma_start3A_233, %mul3A_4] : memref<16x10240xf32, #tpu.memory_space<vmem_shared>> -> memref<1x640xf32, #tpu.memory_space<vmem_shared>>
    %dma_start3A_235 = tpu.memref_squeeze %dma_start3A_234 : memref<1x640xf32, #tpu.memory_space<vmem_shared>> -> memref<640xf32, #tpu.memory_space<vmem_shared>>
    %dma_start3A_236 = tpu.memref_slice %arg13[%dma_start3A_233, %mul3A_4] : memref<16x10240xf32, #tpu.memory_space<vmem_shared>> -> memref<1x640xf32, #tpu.memory_space<vmem_shared>>
    %dma_start3A_237 = tpu.memref_squeeze %dma_start3A_236 : memref<1x640xf32, #tpu.memory_space<vmem_shared>> -> memref<640xf32, #tpu.memory_space<vmem_shared>>
    tpu.enqueue_dma source(%dma_start3A_237 : memref<640xf32, #tpu.memory_space<vmem_shared>>) target(%arg10 : memref<640xf32, #tpu.memory_space<vmem>>) target_semaphore(%arg14 : memref<!tpu.dma_semaphore, #tpu.memory_space<semaphore_mem>>)
    %scan3A_238 = arith.constant 0 : i32
    %scan3A_239 = arith.constant 0 : i32
    %scan3A_240 = arith.constant 40 : i32
    %scan3A_241 = arith.addi %scan3A_239, %scan3A_240 : i32
    %scan3A_242 = arith.constant 1 : i32
    scf.for %scan3A_262 = %scan3A_239 to %scan3A_241 step %scan3A_242  : i32 {
      %mul3A_263 = arith.constant 16 : i32
      %mul3A_264 = arith.muli %scan3A_262, %mul3A_263 : i32
      %get3A = arith.index_cast %mul3A_264 : i32 to index
      %get3A_265 = tpu.vector_load %arg12[%get3A] {strides = array<i32>} : memref<640xf32, #tpu.memory_space<vmem>>, vector<16xf32>,
      %get3A_266 = arith.index_cast %mul3A_264 : i32 to index
      %get3A_267 = tpu.vector_load %arg11[%get3A_266] {strides = array<i32>} : memref<640xf32, #tpu.memory_space<vmem>>, vector<16xf32>,
      %add3A_268 = arith.addf %get3A_265, %get3A_267 : vector<16xf32>
      %swap3A = arith.index_cast %mul3A_264 : i32 to index
      %swap3A_269 = tpu.vector_load %arg12[%swap3A] {strides = array<i32>} : memref<640xf32, #tpu.memory_space<vmem>>, vector<16xf32>,
      tpu.vector_store %arg12[%swap3A], %add3A_268 {strides = array<i32>} : memref<640xf32, #tpu.memory_space<vmem>>, vector<16xf32>,
    }
    %scan3A_243 = arith.constant 40 : i32
    %dma_wait3A_244 = arith.constant 15 : i32
    %dma_wait3A_245 = tpu.memref_slice %arg13[%dma_wait3A_244, %mul3A_4] : memref<16x10240xf32, #tpu.memory_space<vmem_shared>> -> memref<1x640xf32, #tpu.memory_space<vmem_shared>>
    %dma_wait3A_246 = tpu.memref_squeeze %dma_wait3A_245 : memref<1x640xf32, #tpu.memory_space<vmem_shared>> -> memref<640xf32, #tpu.memory_space<vmem_shared>>
    %dma_wait3A_247 = tpu.memref_slice %arg13[%dma_wait3A_244, %mul3A_4] : memref<16x10240xf32, #tpu.memory_space<vmem_shared>> -> memref<1x640xf32, #tpu.memory_space<vmem_shared>>
    %dma_wait3A_248 = tpu.memref_squeeze %dma_wait3A_247 : memref<1x640xf32, #tpu.memory_space<vmem_shared>> -> memref<640xf32, #tpu.memory_space<vmem_shared>>
    tpu.wait_dma2 semaphore(%arg14 : memref<!tpu.dma_semaphore, #tpu.memory_space<semaphore_mem>>) src(%dma_wait3A_248 : memref<640xf32, #tpu.memory_space<vmem_shared>>) dst(%arg10 : memref<640xf32, #tpu.memory_space<vmem>>)
    %scan3A_249 = arith.constant 0 : i32
    %scan3A_250 = arith.constant 0 : i32
    %scan3A_251 = arith.constant 40 : i32
    %scan3A_252 = arith.addi %scan3A_250, %scan3A_251 : i32
    %scan3A_253 = arith.constant 1 : i32
    scf.for %scan3A_262 = %scan3A_250 to %scan3A_252 step %scan3A_253  : i32 {
      %mul3A_263 = arith.constant 16 : i32
      %mul3A_264 = arith.muli %scan3A_262, %mul3A_263 : i32
      %get3A = arith.index_cast %mul3A_264 : i32 to index
      %get3A_265 = tpu.vector_load %arg12[%get3A] {strides = array<i32>} : memref<640xf32, #tpu.memory_space<vmem>>, vector<16xf32>,
      %get3A_266 = arith.index_cast %mul3A_264 : i32 to index
      %get3A_267 = tpu.vector_load %arg10[%get3A_266] {strides = array<i32>} : memref<640xf32, #tpu.memory_space<vmem>>, vector<16xf32>,
      %add3A_268 = arith.addf %get3A_265, %get3A_267 : vector<16xf32>
      %swap3A = arith.index_cast %mul3A_264 : i32 to index
      %swap3A_269 = tpu.vector_load %arg12[%swap3A] {strides = array<i32>} : memref<640xf32, #tpu.memory_space<vmem>>, vector<16xf32>,
      tpu.vector_store %arg12[%swap3A], %add3A_268 {strides = array<i32>} : memref<640xf32, #tpu.memory_space<vmem>>, vector<16xf32>,
    }
    %scan3A_254 = arith.constant 40 : i32
    %eq3A = arith.constant 0 : i32
    %eq3A_255 = arith.cmpi eq, %arg0, %eq3A : i32
    %convert_element_type3A = arith.extui %eq3A_255 : i1 to i32
    %cond3A = arith.constant 0 : i32
    %cond3A_256 = arith.cmpi ne, %convert_element_type3A, %cond3A : i32
    scf.if %cond3A_256 {
      %run_scoped3A_262 = arith.constant 0 : i32
      "tpu.region"() ({
        %run_scoped3A_263 = tpu.sem_alloc : memref<!tpu.dma_semaphore, #tpu.memory_space<semaphore_mem>>
        %dma_start3A_264 = tpu.memref_slice %arg5[%run_scoped3A_262, %mul3A_4] : memref<2x10240xf32, #tpu.memory_space<hbm>> -> memref<1x640xf32, #tpu.memory_space<hbm>>
        %dma_start3A_265 = tpu.memref_squeeze %dma_start3A_264 : memref<1x640xf32, #tpu.memory_space<hbm>> -> memref<640xf32, #tpu.memory_space<hbm>>
        %dma_start3A_266 = tpu.memref_slice %arg5[%run_scoped3A_262, %mul3A_4] : memref<2x10240xf32, #tpu.memory_space<hbm>> -> memref<1x640xf32, #tpu.memory_space<hbm>>
        %dma_start3A_267 = tpu.memref_squeeze %dma_start3A_266 : memref<1x640xf32, #tpu.memory_space<hbm>> -> memref<640xf32, #tpu.memory_space<hbm>>
        tpu.enqueue_dma source(%arg12 : memref<640xf32, #tpu.memory_space<vmem>>) target(%dma_start3A_267 : memref<640xf32, #tpu.memory_space<hbm>>) target_semaphore(%run_scoped3A_263 : memref<!tpu.dma_semaphore, #tpu.memory_space<semaphore_mem>>)
        %dma_wait3A_268 = tpu.memref_slice %arg5[%run_scoped3A_262, %mul3A_4] : memref<2x10240xf32, #tpu.memory_space<hbm>> -> memref<1x640xf32, #tpu.memory_space<hbm>>
        %dma_wait3A_269 = tpu.memref_squeeze %dma_wait3A_268 : memref<1x640xf32, #tpu.memory_space<hbm>> -> memref<640xf32, #tpu.memory_space<hbm>>
        %dma_wait3A_270 = tpu.memref_slice %arg5[%run_scoped3A_262, %mul3A_4] : memref<2x10240xf32, #tpu.memory_space<hbm>> -> memref<1x640xf32, #tpu.memory_space<hbm>>
        %dma_wait3A_271 = tpu.memref_squeeze %dma_wait3A_270 : memref<1x640xf32, #tpu.memory_space<hbm>> -> memref<640xf32, #tpu.memory_space<hbm>>
        tpu.wait_dma2 semaphore(%run_scoped3A_263 : memref<!tpu.dma_semaphore, #tpu.memory_space<semaphore_mem>>) src(%arg12 : memref<640xf32, #tpu.memory_space<vmem>>) dst(%dma_wait3A_271 : memref<640xf32, #tpu.memory_space<hbm>>)
        tpu.yield
      }) : () -> ()
    } else {
    }
    %eq3A_257 = arith.constant 1 : i32
    %eq3A_258 = arith.cmpi eq, %arg0, %eq3A_257 : i32
    %convert_element_type3A_259 = arith.extui %eq3A_258 : i1 to i32
    %cond3A_260 = arith.constant 0 : i32
    %cond3A_261 = arith.cmpi ne, %convert_element_type3A_259, %cond3A_260 : i32
    scf.if %cond3A_261 {
      %run_scoped3A_262 = arith.constant 1 : i32
      "tpu.region"() ({
        %run_scoped3A_263 = tpu.sem_alloc : memref<!tpu.dma_semaphore, #tpu.memory_space<semaphore_mem>>
        %dma_start3A_264 = tpu.memref_slice %arg5[%run_scoped3A_262, %mul3A_4] : memref<2x10240xf32, #tpu.memory_space<hbm>> -> memref<1x640xf32, #tpu.memory_space<hbm>>
        %dma_start3A_265 = tpu.memref_squeeze %dma_start3A_264 : memref<1x640xf32, #tpu.memory_space<hbm>> -> memref<640xf32, #tpu.memory_space<hbm>>
        %dma_start3A_266 = tpu.memref_slice %arg5[%run_scoped3A_262, %mul3A_4] : memref<2x10240xf32, #tpu.memory_space<hbm>> -> memref<1x640xf32, #tpu.memory_space<hbm>>
        %dma_start3A_267 = tpu.memref_squeeze %dma_start3A_266 : memref<1x640xf32, #tpu.memory_space<hbm>> -> memref<640xf32, #tpu.memory_space<hbm>>
        tpu.enqueue_dma source(%arg12 : memref<640xf32, #tpu.memory_space<vmem>>) target(%dma_start3A_267 : memref<640xf32, #tpu.memory_space<hbm>>) target_semaphore(%run_scoped3A_263 : memref<!tpu.dma_semaphore, #tpu.memory_space<semaphore_mem>>)
        %dma_wait3A_268 = tpu.memref_slice %arg5[%run_scoped3A_262, %mul3A_4] : memref<2x10240xf32, #tpu.memory_space<hbm>> -> memref<1x640xf32, #tpu.memory_space<hbm>>
        %dma_wait3A_269 = tpu.memref_squeeze %dma_wait3A_268 : memref<1x640xf32, #tpu.memory_space<hbm>> -> memref<640xf32, #tpu.memory_space<hbm>>
        %dma_wait3A_270 = tpu.memref_slice %arg5[%run_scoped3A_262, %mul3A_4] : memref<2x10240xf32, #tpu.memory_space<hbm>> -> memref<1x640xf32, #tpu.memory_space<hbm>>
        %dma_wait3A_271 = tpu.memref_squeeze %dma_wait3A_270 : memref<1x640xf32, #tpu.memory_space<hbm>> -> memref<640xf32, #tpu.memory_space<hbm>>
        tpu.wait_dma2 semaphore(%run_scoped3A_263 : memref<!tpu.dma_semaphore, #tpu.memory_space<semaphore_mem>>) src(%arg12 : memref<640xf32, #tpu.memory_space<vmem>>) dst(%dma_wait3A_271 : memref<640xf32, #tpu.memory_space<hbm>>)
        tpu.yield
      }) : () -> ()
    } else {
    }
    return
  }
}

module attributes {stable_mosaic.version = 14 : i64} {
  func.func @body(%arg0: i32, %arg1: memref<1000x256xf32, #tpu.memory_space<vmem>>, %arg2: memref<1000x1xf32, #tpu.memory_space<vmem>>, %arg3: memref<2x1000x128xf32, #tpu.memory_space<vmem>>) attributes {dimension_semantics = [#tpu.dimension_semantics<arbitrary>], iteration_bounds = array<i64: 10>, scalar_prefetch = 0 : i64, scratch_operands = 0 : i64, tpu.core_type = #tpu.core_type<tc>, window_params = [{transform_indices = @transform_0, window_bounds = array<i64: 1000, 256>}, {transform_indices = @transform_1, window_bounds = array<i64: 1000, 1>}, {transform_indices = @transform_2, window_bounds = array<i64: 2, 1000, 128>}]} {
    %get3A = arith.constant 0 : index
    %get3A_0 = arith.constant 0 : index
    %get3A_1 = vector.load %arg1[%get3A, %get3A_0] : memref<1000x256xf32, #tpu.memory_space<vmem>>, vector<1000x256xf32>
    %get3A_2 = arith.constant 0 : index
    %get3A_3 = arith.constant 0 : index
    %get3A_4 = vector.load %arg2[%get3A_2, %get3A_3] : memref<1000x1xf32, #tpu.memory_space<vmem>>, vector<1000x1xf32>
    %mul3A = vector.broadcast %get3A_4 : vector<1000x1xf32> to vector<1000x256xf32>
    %mul3A_5 = arith.mulf %get3A_1, %mul3A : vector<1000x256xf32>
    %slice3A = vector.extract_strided_slice %mul3A_5 {offsets = [0, 0], sizes = [1000, 128], strides = [1, 1]} : vector<1000x256xf32> to vector<1000x128xf32>
    %swap3A = arith.constant 0 : index
    %swap3A_6 = arith.constant 0 : index
    %swap3A_7 = arith.constant 0 : index
    %swap3A_8 = vector.load %arg3[%swap3A, %swap3A_6, %swap3A_7] : memref<2x1000x128xf32, #tpu.memory_space<vmem>>, vector<1x1000x128xf32>
    %swap3A_9 = vector.shape_cast %swap3A_8 : vector<1x1000x128xf32> to vector<1000x128xf32>
    %swap3A_10 = vector.shape_cast %slice3A : vector<1000x128xf32> to vector<1x1000x128xf32>
    tpu.vector_store %arg3[%swap3A, %swap3A_6, %swap3A_7], %swap3A_10 {strides = array<i32>} : memref<2x1000x128xf32, #tpu.memory_space<vmem>>, vector<1x1000x128xf32>,
    %slice3A_11 = vector.extract_strided_slice %mul3A_5 {offsets = [0, 128], sizes = [1000, 128], strides = [1, 1]} : vector<1000x256xf32> to vector<1000x128xf32>
    %swap3A_12 = arith.constant 1 : index
    %swap3A_13 = arith.constant 0 : index
    %swap3A_14 = arith.constant 0 : index
    %swap3A_15 = vector.load %arg3[%swap3A_12, %swap3A_13, %swap3A_14] : memref<2x1000x128xf32, #tpu.memory_space<vmem>>, vector<1x1000x128xf32>
    %swap3A_16 = vector.shape_cast %swap3A_15 : vector<1x1000x128xf32> to vector<1000x128xf32>
    %swap3A_17 = vector.shape_cast %slice3A_11 : vector<1000x128xf32> to vector<1x1000x128xf32>
    tpu.vector_store %arg3[%swap3A_12, %swap3A_13, %swap3A_14], %swap3A_17 {strides = array<i32>} : memref<2x1000x128xf32, #tpu.memory_space<vmem>>, vector<1x1000x128xf32>,
    return
  }
  func.func @transform_0(%arg0: i32) -> (i32, i32) {
    %c0_i32 = arith.constant 0 : i32
    %c0_i32_0 = arith.constant 0 : i32
    return %arg0, %c0_i32 : i32, i32
  }
  func.func @transform_1(%arg0: i32) -> (i32, i32) {
    %c0_i32 = arith.constant 0 : i32
    %c0_i32_0 = arith.constant 0 : i32
    return %arg0, %c0_i32 : i32, i32
  }
  func.func @transform_2(%arg0: i32) -> (i32, i32, i32) {
    %c0_i32 = arith.constant 0 : i32
    %c0_i32_0 = arith.constant 0 : i32
    %c0_i32_1 = arith.constant 0 : i32
    return %c0_i32, %arg0, %c0_i32_0 : i32, i32, i32
  }
}

module attributes {stable_mosaic.version = 14 : i64} {
  func.func @body(%arg0: i32, %arg1: memref<2x1024x128xf32, #tpu.memory_space<vmem>>, %arg2: memref<2x128x1024xf32, #tpu.memory_space<vmem>>, %arg3: memref<1x1024xf32, #tpu.memory_space<vmem>>, %arg4: memref<1024x1xf32, #tpu.memory_space<vmem>>, %arg5: memref<2x1024x1xf32, #tpu.memory_space<vmem>>, %arg6: memref<1024x1xf32, #tpu.memory_space<vmem>>, %arg7: memref<1024x128xf32, #tpu.memory_space<vmem>>, %arg8: memref<1x128xf32, #tpu.memory_space<vmem>>, %arg9: memref<1x128xf32, #tpu.memory_space<vmem>>, %arg10: memref<1x1024xf32, #tpu.memory_space<vmem>>) attributes {dimension_semantics = [#tpu.dimension_semantics<arbitrary>], iteration_bounds = array<i64: 10>, scalar_prefetch = 0 : i64, scratch_operands = 1 : i64, tpu.core_type = #tpu.core_type<tc>, window_params = [{transform_indices = @transform_0, window_bounds = array<i64: 2, 1024, 128>}, {pipeline_mode = #tpu.pipeline_mode<synchronous>, transform_indices = @transform_1, window_bounds = array<i64: 2, 128, 1024>}, {pipeline_mode = #tpu.pipeline_mode<synchronous>, transform_indices = @transform_2, window_bounds = array<i64: 1, 1024>}, {transform_indices = @transform_3, window_bounds = array<i64: 1024, 1>}, {transform_indices = @transform_4, window_bounds = array<i64: 2, 1024, 1>}, {transform_indices = @transform_5, window_bounds = array<i64: 1024, 1>}, {pipeline_mode = #tpu.pipeline_mode<synchronous>, transform_indices = @transform_6, window_bounds = array<i64: 1024, 128>}, {pipeline_mode = #tpu.pipeline_mode<synchronous>, transform_indices = @transform_7, window_bounds = array<i64: 1, 128>}, {pipeline_mode = #tpu.pipeline_mode<synchronous>, transform_indices = @transform_8, window_bounds = array<i64: 1, 128>}]} {
    %eq3A = arith.constant 0 : i32
    %eq3A_0 = arith.cmpi eq, %arg0, %eq3A : i32
    %convert_element_type3A = arith.extui %eq3A_0 : i1 to i32
    %cond3A = arith.constant 0 : i32
    %cond3A_1 = arith.cmpi ne, %convert_element_type3A, %cond3A : i32
    scf.if %cond3A_1 {
      %broadcast_in_dim3A = arith.constant 0.000000e+00 : f32
      %broadcast_in_dim3A_63 = vector.broadcast %broadcast_in_dim3A : f32 to vector<1x1024xf32>
      %swap3A_64 = arith.constant 0 : index
      %swap3A_65 = arith.constant 0 : index
      %swap3A_66 = vector.load %arg10[%swap3A_64, %swap3A_65] : memref<1x1024xf32, #tpu.memory_space<vmem>>, vector<1x1024xf32>
      tpu.vector_store %arg10[%swap3A_64, %swap3A_65], %broadcast_in_dim3A_63 {strides = array<i32>} : memref<1x1024xf32, #tpu.memory_space<vmem>>, vector<1x1024xf32>,
    } else {
    }
    %get3A = arith.constant 0 : index
    %get3A_2 = arith.constant 0 : index
    %get3A_3 = arith.constant 0 : index
    %get3A_4 = vector.load %arg1[%get3A, %get3A_2, %get3A_3] : memref<2x1024x128xf32, #tpu.memory_space<vmem>>, vector<1x1024x128xf32>
    %get3A_5 = vector.shape_cast %get3A_4 : vector<1x1024x128xf32> to vector<1024x128xf32>
    %get3A_6 = arith.constant 0 : index
    %get3A_7 = arith.constant 0 : index
    %get3A_8 = arith.constant 0 : index
    %get3A_9 = vector.load %arg2[%get3A_6, %get3A_7, %get3A_8] : memref<2x128x1024xf32, #tpu.memory_space<vmem>>, vector<1x128x1024xf32>
    %get3A_10 = vector.shape_cast %get3A_9 : vector<1x128x1024xf32> to vector<128x1024xf32>
    %dot_general3A = arith.constant dense<0.000000e+00> : vector<1024x1024xf32>
    %dot_general3A_11 = tpu.matmul %get3A_5, %get3A_10, %dot_general3A {dimension_numbers = #tpu.dot_dimension_numbers<[1], [0], [0], [1], [0, 0, 1, 1], [], []>, transpose_lhs_hint = false} : vector<1024x128xf32>, vector<128x1024xf32>, vector<1024x1024xf32> -> vector<1024x1024xf32>
    %get3A_12 = arith.constant 1 : index
    %get3A_13 = arith.constant 0 : index
    %get3A_14 = arith.constant 0 : index
    %get3A_15 = vector.load %arg1[%get3A_12, %get3A_13, %get3A_14] : memref<2x1024x128xf32, #tpu.memory_space<vmem>>, vector<1x1024x128xf32>
    %get3A_16 = vector.shape_cast %get3A_15 : vector<1x1024x128xf32> to vector<1024x128xf32>
    %get3A_17 = arith.constant 1 : index
    %get3A_18 = arith.constant 0 : index
    %get3A_19 = arith.constant 0 : index
    %get3A_20 = vector.load %arg2[%get3A_17, %get3A_18, %get3A_19] : memref<2x128x1024xf32, #tpu.memory_space<vmem>>, vector<1x128x1024xf32>
    %get3A_21 = vector.shape_cast %get3A_20 : vector<1x128x1024xf32> to vector<128x1024xf32>
    %dot_general3A_22 = arith.constant dense<0.000000e+00> : vector<1024x1024xf32>
    %dot_general3A_23 = tpu.matmul %get3A_16, %get3A_21, %dot_general3A_22 {dimension_numbers = #tpu.dot_dimension_numbers<[1], [0], [0], [1], [0, 0, 1, 1], [], []>, transpose_lhs_hint = false} : vector<1024x128xf32>, vector<128x1024xf32>, vector<1024x1024xf32> -> vector<1024x1024xf32>
    %add3A = arith.addf %dot_general3A_11, %dot_general3A_23 : vector<1024x1024xf32>
    %get3A_24 = arith.constant 0 : index
    %get3A_25 = arith.constant 0 : index
    %get3A_26 = vector.load %arg4[%get3A_24, %get3A_25] : memref<1024x1xf32, #tpu.memory_space<vmem>>, vector<1024x1xf32>
    %mul3A = vector.broadcast %get3A_26 : vector<1024x1xf32> to vector<1024x1024xf32>
    %mul3A_27 = arith.mulf %add3A, %mul3A : vector<1024x1024xf32>
    %get3A_28 = arith.constant 0 : index
    %get3A_29 = arith.constant 0 : index
    %get3A_30 = vector.load %arg3[%get3A_28, %get3A_29] : memref<1x1024xf32, #tpu.memory_space<vmem>>, vector<1x1024xf32>
    %add3A_31 = vector.broadcast %get3A_30 : vector<1x1024xf32> to vector<1024x1024xf32>
    %add3A_32 = arith.addf %mul3A_27, %add3A_31 : vector<1024x1024xf32>
    %max3A = arith.constant 0.000000e+00 : f32
    %max3A_33 = vector.broadcast %max3A : f32 to vector<1024x1024xf32>
    %max3A_34 = arith.maximumf %add3A_32, %max3A_33 : vector<1024x1024xf32>
    %get3A_35 = arith.constant 0 : index
    %get3A_36 = arith.constant 0 : index
    %get3A_37 = arith.constant 0 : index
    %get3A_38 = vector.load %arg5[%get3A_35, %get3A_36, %get3A_37] : memref<2x1024x1xf32, #tpu.memory_space<vmem>>, vector<1x1024x1xf32>
    %get3A_39 = vector.shape_cast %get3A_38 : vector<1x1024x1xf32> to vector<1024x1xf32>
    %get3A_40 = arith.constant 1 : index
    %get3A_41 = arith.constant 0 : index
    %get3A_42 = arith.constant 0 : index
    %get3A_43 = vector.load %arg5[%get3A_40, %get3A_41, %get3A_42] : memref<2x1024x1xf32, #tpu.memory_space<vmem>>, vector<1x1024x1xf32>
    %get3A_44 = vector.shape_cast %get3A_43 : vector<1x1024x1xf32> to vector<1024x1xf32>
    %add3A_45 = arith.addf %get3A_39, %get3A_44 : vector<1024x1xf32>
    %get3A_46 = arith.constant 0 : index
    %get3A_47 = arith.constant 0 : index
    %get3A_48 = vector.load %arg6[%get3A_46, %get3A_47] : memref<1024x1xf32, #tpu.memory_space<vmem>>, vector<1024x1xf32>
    %mul3A_49 = arith.mulf %add3A_45, %get3A_48 : vector<1024x1xf32>
    %get3A_50 = arith.constant 0 : index
    %get3A_51 = arith.constant 0 : index
    %get3A_52 = vector.load %arg10[%get3A_50, %get3A_51] : memref<1x1024xf32, #tpu.memory_space<vmem>>, vector<1x1024xf32>
    %dot_general3A_53 = arith.constant dense<0.000000e+00> : vector<1x1024xf32>
    %dot_general3A_54 = tpu.matmul %mul3A_49, %max3A_34, %dot_general3A_53 {dimension_numbers = #tpu.dot_dimension_numbers<[0], [0], [1], [1], [0, 1, 1, 1], [], []>, transpose_lhs_hint = false} : vector<1024x1xf32>, vector<1024x1024xf32>, vector<1x1024xf32> -> vector<1x1024xf32>
    %add3A_55 = arith.addf %get3A_52, %dot_general3A_54 : vector<1x1024xf32>
    %swap3A = arith.constant 0 : index
    %swap3A_56 = arith.constant 0 : index
    %swap3A_57 = vector.load %arg10[%swap3A, %swap3A_56] : memref<1x1024xf32, #tpu.memory_space<vmem>>, vector<1x1024xf32>
    tpu.vector_store %arg10[%swap3A, %swap3A_56], %add3A_55 {strides = array<i32>} : memref<1x1024xf32, #tpu.memory_space<vmem>>, vector<1x1024xf32>,
    %eq3A_58 = arith.constant 9 : i32
    %eq3A_59 = arith.cmpi eq, %arg0, %eq3A_58 : i32
    %convert_element_type3A_60 = arith.extui %eq3A_59 : i1 to i32
    %cond3A_61 = arith.constant 0 : i32
    %cond3A_62 = arith.cmpi ne, %convert_element_type3A_60, %cond3A_61 : i32
    scf.if %cond3A_62 {
      %get3A_63 = arith.constant 0 : index
      %get3A_64 = arith.constant 0 : index
      %get3A_65 = vector.load %arg10[%get3A_63, %get3A_64] : memref<1x1024xf32, #tpu.memory_space<vmem>>, vector<1x1024xf32>
      %mul3A_66 = arith.constant 9.99999974E-5 : f32
      %mul3A_67 = vector.broadcast %mul3A_66 : f32 to vector<1x1024xf32>
      %mul3A_68 = arith.mulf %get3A_65, %mul3A_67 : vector<1x1024xf32>
      %get3A_69 = arith.constant 0 : index
      %get3A_70 = arith.constant 0 : index
      %get3A_71 = vector.load %arg7[%get3A_69, %get3A_70] : memref<1024x128xf32, #tpu.memory_space<vmem>>, vector<1024x128xf32>
      %dot_general3A_72 = arith.constant dense<0.000000e+00> : vector<1x128xf32>
      %dot_general3A_73 = tpu.matmul %mul3A_68, %get3A_71, %dot_general3A_72 {dimension_numbers = #tpu.dot_dimension_numbers<[1], [0], [0], [1], [0, 0, 1, 1], [], []>, transpose_lhs_hint = false} : vector<1x1024xf32>, vector<1024x128xf32>, vector<1x128xf32> -> vector<1x128xf32>
      %get3A_74 = arith.constant 0 : index
      %get3A_75 = arith.constant 0 : index
      %get3A_76 = vector.load %arg8[%get3A_74, %get3A_75] : memref<1x128xf32, #tpu.memory_space<vmem>>, vector<1x128xf32>
      %add3A_77 = arith.addf %dot_general3A_73, %get3A_76 : vector<1x128xf32>
      %swap3A_78 = arith.constant 0 : index
      %swap3A_79 = arith.constant 0 : index
      %swap3A_80 = vector.load %arg9[%swap3A_78, %swap3A_79] : memref<1x128xf32, #tpu.memory_space<vmem>>, vector<1x128xf32>
      tpu.vector_store %arg9[%swap3A_78, %swap3A_79], %add3A_77 {strides = array<i32>} : memref<1x128xf32, #tpu.memory_space<vmem>>, vector<1x128xf32>,
    } else {
    }
    return
  }
  func.func @transform_0(%arg0: i32) -> (i32, i32, i32) {
    %c0_i32 = arith.constant 0 : i32
    %c0_i32_0 = arith.constant 0 : i32
    %c0_i32_1 = arith.constant 0 : i32
    return %c0_i32, %arg0, %c0_i32_0 : i32, i32, i32
  }
  func.func @transform_1(%arg0: i32) -> (i32, i32, i32) {
    %c0_i32 = arith.constant 0 : i32
    %c0_i32_0 = arith.constant 0 : i32
    %c0_i32_1 = arith.constant 0 : i32
    %c0_i32_2 = arith.constant 0 : i32
    return %c0_i32, %c0_i32_0, %c0_i32_1 : i32, i32, i32
  }
  func.func @transform_2(%arg0: i32) -> (i32, i32) {
    %c0_i32 = arith.constant 0 : i32
    %c0_i32_0 = arith.constant 0 : i32
    %c0_i32_1 = arith.constant 0 : i32
    return %c0_i32, %c0_i32_0 : i32, i32
  }
  func.func @transform_3(%arg0: i32) -> (i32, i32) {
    %c0_i32 = arith.constant 0 : i32
    %c0_i32_0 = arith.constant 0 : i32
    return %arg0, %c0_i32 : i32, i32
  }
  func.func @transform_4(%arg0: i32) -> (i32, i32, i32) {
    %c0_i32 = arith.constant 0 : i32
    %c0_i32_0 = arith.constant 0 : i32
    %c0_i32_1 = arith.constant 0 : i32
    return %c0_i32, %arg0, %c0_i32_0 : i32, i32, i32
  }
  func.func @transform_5(%arg0: i32) -> (i32, i32) {
    %c0_i32 = arith.constant 0 : i32
    %c0_i32_0 = arith.constant 0 : i32
    return %arg0, %c0_i32 : i32, i32
  }
  func.func @transform_6(%arg0: i32) -> (i32, i32) {
    %c0_i32 = arith.constant 0 : i32
    %c0_i32_0 = arith.constant 0 : i32
    %c0_i32_1 = arith.constant 0 : i32
    return %c0_i32, %c0_i32_0 : i32, i32
  }
  func.func @transform_7(%arg0: i32) -> (i32, i32) {
    %c0_i32 = arith.constant 0 : i32
    %c0_i32_0 = arith.constant 0 : i32
    %c0_i32_1 = arith.constant 0 : i32
    return %c0_i32, %c0_i32_0 : i32, i32
  }
  func.func @transform_8(%arg0: i32) -> (i32, i32) {
    %c0_i32 = arith.constant 0 : i32
    %c0_i32_0 = arith.constant 0 : i32
    %c0_i32_1 = arith.constant 0 : i32
    return %c0_i32, %c0_i32_0 : i32, i32
  }
}

</mosaic_0001>

<sc_bundles>
// kernel: kernel.10.cloned.1.call-start
scs
__scs_entry_jumppad:
0x0: {  	(pc) =	sbr.rel $0x88, $3  }
0x1: {  	(tag) =	ssettag $0x0;
	lr =	simm.s32 $0x1  }
0x2: {  	[smem:$0x3F9B] =	sst lr;
	_ =	strace $0xD0000000  }
0x3: {  	_ = 	snop  }
0x4: {  	_ = 	snop  }
0x5: {  	_ = 	snop  }
0x6: {  	_ = 	snop  }
0x7: {  	_ = 	snop  }
__scs_overlays_trampoline_lowered:
0x8: {  	[smem:$0x3FAA] =	sst s0  }
0x9: {  	[smem:$0x3FAB] =	sst s1  }
0xa: {  	[smem:$0x3FAC] =	sst s2  }
0xb: {  	[smem:$0x3FAD] =	sst s3  }
0xc: {  	[smem:$0x3FAE] =	sst s4  }
0xd: {  	[smem:$0x3FAF] =	sst s5  }
0xe: {  	[smem:$0x3FB0] =	sst s6  }
0xf: {  	[smem:$0x3FB1] =	sst s7  }
0x10: {  	[smem:$0x3FB2] =	sst s8  }
0x11: {  	[smem:$0x3FB3] =	sst s9;
	s0 =	simm.s32 @!p0 $0x0  }
0x12: {  	s1 =	sld [smem:$0x3F99];
	s0 =	simm.s32 @p0 $0x1  }
0x13: {  	[smem:$0x3FB4] =	sst s0;
	s0 =	simm.s32 @!p1 $0x0  }
0x14: {  	s2 =	sld [smem:$0x3F98];
	s0 =	simm.s32 @p1 $0x1  }
0x15: {  	[smem:$0x3FB5] =	sst s0;
	s0 =	simm.s32 @!p2 $0x0  }
0x16: {  	s3 =	sld [smem:$0x3FDB];
	s0 =	simm.s32 @p2 $0x1  }
0x17: {  	s4 =	simm.s32 $0x1BF5;
	[smem:$0x3FB7] =	sst s0  }
0x18: {  	s0 =	sld [smem:$0x3F9A];
	_ =	swait.ge [sflag:s4], $0x0  }
0x19: {  	s7 =	sld [smem:$0x3F9B]  }
0x1a: {  	s8 =	sadd.s32 $0xFFFFE003, lr  }
0x1b: {  	s9 =	sadd.s32 $0xFFFFFEF7, lr;
	s5 =	simm.s32 $0xFFFFFFFF;
	p2 =	slt.u32 s8, $0xFFFFF086  }
0x1c: {  	p1 =	slt.u32 s9, $0xF7A;
	s5 =	simm.s32 @!p2 $0x0  }
0x1d: {  	s5 =	simm.s32 @p1 $0x1;
	p0 =	seq.s32 s7, s2  }
0x1e: {  	s7 =	smul.u32 @!p0 $0xF7A, s2;
	p2 =	seq.s32 @!p0 s5, $0x0  }
0x1f: {  	s9 =	smul.u32 $0xF7A, s1;
	s8 =	simm.s32 @!p0 $0x1BF5;
	p2 =	por !p2, p0  }
0x20: {  	[sflag:s8] =	ssyncset.s32 @!p0 $0xFFFFF086;
	s6 =	sadd.s32 @!p0 s3, s7;
	s7 =	simm.s32 @!p0 $0x108  }
0x21: {  	s3 =	sadd.s32 s3, s9;
	s6 =	sadd.s32 @!p0 $0x88, s6;
	s7 =	simm.s32 @p2 $0x1082  }
0x22: {  	[simem:s7], [sflag:s8] =	dma.local @!p0 [hbm:s6], $0xF7A  }
0x23: {  	s9 =	sor.u32 $0xD0000000, s2;
	s6 =	simm.s32 $0x108;
	_ =	swait.ge @!p0 [sflag:s8], $0x0  }
0x24: {  	s3 =	sadd.s32 $0x88, s3;
	s6 =	simm.s32 @!p1 $0x1082;
	[sflag:s4] =	ssyncset.s32 $0xFFFFF086  }
0x25: {  	[simem:s6], [sflag:s4] =	dma.local [hbm:s3], $0xF7A  }
0x26: {  	[smem:$0x3F9B] =	sst s1;
	(tag) =	ssettag s2;
	_ =	strace s9  }
0x27: {  	s1 =	sld [smem:$0x3FAB]  }
0x28: {  	s2 =	sld [smem:$0x3FAC]  }
0x29: {  	s4 =	sld [smem:$0x3FAE]  }
0x2a: {  	p0 =	seq.s32 s5, $0x0;
	s5 =	sld [smem:$0x3FAF]  }
0x2b: {  	s6 =	sld [smem:$0x3FB0]  }
0x2c: {  	s7 =	sld [smem:$0x3FB1]  }
0x2d: {  	s3 =	simm.s32 $0x108;
	s8 =	sld [smem:$0x3FB2]  }
0x2e: {  	s3 =	simm.s32 @!p0 $0x1082;
	s9 =	sld [smem:$0x3FB3]  }
0x2f: {  	lr =	sadd.s32 s0, s3;
	s0 =	sld [smem:$0x3FAA]  }
0x30: {  	s3 =	sld [smem:$0x3FAD]  }
0x31: {  	[smem:$0x3FB6] =	sst s10  }
0x32: {  	s10 =	sld [smem:$0x3FB4];
	_ =	sdelay $0x3  }
0x33: {  	p0 =	seq.s32 s10, $0x1;
	s10 =	sld [smem:$0x3FB6];
	_ =	sdelay $0x3  }
0x34: {  	[smem:$0x3FB6] =	sst s10  }
0x35: {  	s10 =	sld [smem:$0x3FB5];
	_ =	sdelay $0x3  }
0x36: {  	p1 =	seq.s32 s10, $0x1;
	s10 =	sld [smem:$0x3FB6];
	_ =	sdelay $0x3  }
0x37: {  	[smem:$0x3FB6] =	sst s10  }
0x38: {  	s10 =	sld [smem:$0x3FB7]  }
0x39: {  	_ = 	snop;
	(pc) =	sbr.ind lr, $3  }
0x3a: {  	_ = 	snop  }
0x3b: {  	_ = 	snop  }
0x3c: {  	p2 =	seq.s32 s10, $0x1;
	s10 =	sld [smem:$0x3FB6]  }
0x3d: {  	_ =	shalt  }
0x3e: {  	_ =	shalt  }
0x3f: {  	_ =	shalt  }
0x40: {  	_ =	shalt  }
0x41: {  	_ =	shalt  }
0x42: {  	_ =	shalt  }
0x43: {  	_ =	shalt  }
0x44: {  	_ =	shalt  }
0x45: {  	_ =	shalt  }
0x46: {  	_ =	shalt  }
0x47: {  	_ =	shalt  }
0x48: {  	_ =	shalt  }
0x49: {  	_ =	shalt  }
0x4a: {  	_ =	shalt  }
0x4b: {  	_ =	shalt  }
0x4c: {  	_ =	shalt  }
0x4d: {  	_ =	shalt  }
0x4e: {  	_ =	shalt  }
0x4f: {  	_ =	shalt  }
0x50: {  	_ =	shalt  }
0x51: {  	_ =	shalt  }
0x52: {  	_ =	shalt  }
0x53: {  	_ =	shalt  }
0x54: {  	_ =	shalt  }
0x55: {  	_ =	shalt  }
0x56: {  	_ =	shalt  }
0x57: {  	_ =	shalt  }
0x58: {  	_ =	shalt  }
0x59: {  	_ =	shalt  }
0x5a: {  	_ =	shalt  }
0x5b: {  	_ =	shalt  }
0x5c: {  	_ =	shalt  }
0x5d: {  	_ =	shalt  }
0x5e: {  	_ =	shalt  }
0x5f: {  	_ =	shalt  }
0x60: {  	_ =	shalt  }
0x61: {  	_ =	shalt  }
0x62: {  	_ =	shalt  }
0x63: {  	_ =	shalt  }
0x64: {  	_ =	shalt  }
0x65: {  	_ =	shalt  }
0x66: {  	_ =	shalt  }
0x67: {  	_ =	shalt  }
0x68: {  	_ =	shalt  }
0x69: {  	_ =	shalt  }
0x6a: {  	_ =	shalt  }
0x6b: {  	_ =	shalt  }
0x6c: {  	_ =	shalt  }
0x6d: {  	_ =	shalt  }
0x6e: {  	_ =	shalt  }
0x6f: {  	_ =	shalt  }
0x70: {  	_ =	shalt  }
0x71: {  	_ =	shalt  }
0x72: {  	_ =	shalt  }
0x73: {  	_ =	shalt  }
0x74: {  	_ =	shalt  }
0x75: {  	_ =	shalt  }
0x76: {  	_ =	shalt  }
0x77: {  	_ =	shalt  }
0x78: {  	_ =	shalt  }
0x79: {  	_ =	shalt  }
0x7a: {  	_ =	shalt  }
0x7b: {  	_ =	shalt  }
0x7c: {  	_ =	shalt  }
0x7d: {  	_ =	shalt  }
0x7e: {  	_ =	shalt  }
0x7f: {  	_ =	shalt  }
0x80: {  	_ =	shalt  }
0x81: {  	_ =	shalt  }
0x82: {  	_ =	shalt  }
0x83: {  	_ =	shalt  }
0x84: {  	_ =	shalt  }
0x85: {  	_ =	shalt  }
0x86: {  	_ =	shalt  }
0x87: {  	_ =	shalt  }
.Lfunc_end0:
.L_simem_size_0:
called_computation.1_lowered:
.L_overlay_start_0:
0x88: {  	s2 =	sld [smem:$0x3FD9]  }
0x89: {  	s3 =	sld [smem:$0x3FFE];
	_ =	sdelay $0x1  }
0x8a: {  	s1 =	srdreg.scid  }
0x8b: {  	s0 =	sand.u32 $0x1, s1  }
0x8c: {  	s16 =	sshll.u32 s0, $0xA;
	s2 =	sadd.s32 s3, s2  }
0x8d: {  	s2 =	sadd.s32 s2, s16  }
0x8e: {  	[smem:$0x3FC2] =	sst s2  }
0x8f: {  	_ = 	snop  }
0x90: {  	(tm) =	ssettm $0x1  }
0x91: {  	s17 =	sld [smem:$0x3FFB];
	_ =	sdelay $0x3  }
0x92: {  	_ =	strace s17  }
0x93: {  	s2 =	sld [smem:$0x3FFC];
	_ =	sdelay $0x3  }
0x94: {  	_ =	strace s2  }
0x95: {  	s2 =	sld [smem:$0x3FFD];
	_ =	sdelay $0x3  }
0x96: {  	_ =	strace s2  }
0x97: {  	_ =	strace $0x8FFFFFFF  }
0x98: {  	s18 =	sld [smem:$0x3FDB];
	_ =	sdelay $0x1  }
0x99: {  	s19 =	simm.s32 $_scs_section_size  }
0x9a: {  	s4 =	simm.s32 $_size__tile_overlayer_lowered;
	s5 =	simm.s32 $_tile_overlayer_lowered  }
0x9b: {  	s22 =	simm.s32 $0x1BFF;
	s21 =	sshll.u32 s5, $0x1;
	s2 =	sadd.s32 s19, s18  }
0x9c: {  	s6 =	simm.s32 $0x0;
	s20 =	sshll.u32 s4, $0x1;
	s4 =	sadd.s32 s21, s2  }
0x9d: {  	[timem:s6], [sflag:s22] =	dma.local [hbm:s4], s20  }
0x9e: {  	_ =	swait.ge [sflag:s22], s20  }
0x9f: {  	s3 =	ssub.s32 $0x0, s20;
	[sflag:s22] =	ssyncset.done $0x0  }
0xa0: {  	[sflag:s22] =	ssyncadd.s32 s3;
	_ =	sdelay $0x1  }
0xa1: {  	s23 =	simm.s32 $0x1B8B  }
0xa2: {  	_ =	swait.ge [sflag:s23], $0x1  }
0xa3: {  	[sflag:s23] =	ssyncset.done $0x0  }
0xa4: {  	s25 =	simm.s32 $0x1B8E;
	s24 =	sld [smem:$0x3FFE];
	[sflag:s23] =	ssyncadd.s32 $0xFFFFFFFF  }
0xa5: {  	s26 =	simm.s32 $execute0_lowered;
	[smem:$0x3FD2] =	sst s25  }
0xa6: {  	s4 =	sshll.u32 s26, $0x1;
	_ =	strace $0x80000049;
	[dreg:$0x1] =	wrdreg $0xFFFFFFFF  }
0xa7: {  	s28 =	simm.s32 $_size_execute0_lowered;
	s2 =	sadd.s32 s2, s4;
	[dreg:$0x0] =	wrdreg $0x0  }
0xa8: {  	s4 =	sshll.u32 s28, $0x1;
	[dreg:$0x2] =	wrdreg s2  }
0xa9: {  	[dreg:$0x3] =	wrdreg s4  }
0xaa: {  	[dreg:$0x4] =	wrdreg $0xC0  }
0xab: {  	_ =	task [dreg:s6], $0x5FFFF  }
0xac: {  	[dreg:$0x1] =	wrdreg $0xFFFFFFFF  }
0xad: {  	[dreg:$0x0] =	wrdreg $0x60  }
0xae: {  	[dreg:$0x2] =	wrdreg s24  }
0xaf: {  	[dreg:$0x3] =	wrdreg $0x7F800  }
0xb0: {  	[dreg:$0x4] =	wrdreg $0x9  }
0xb1: {  	_ =	task.clear_ibuf [dreg:s6], $0x5FFFF;
	_ =	strace $0x90000049  }
0xb2: {  	s29 =	simm.s32 $0x9;
	_ =	strace $0x8000004B  }
0xb3: {  	_ =	swait.ge [sflag:s29], $0x1  }
0xb4: {  	[sflag:s29] =	ssyncadd.s32 $0xFFFFFFFF  }
0xb5: {  	_ =	strace $0x9000004B  }
0xb6: {  	_ =	sfence  }
0xb7: {  	s30 =	sld [smem:$0x0];
	_ =	sdelay $0x2  }
0xb8: {  	s31 =	sshll.u32 s1, $0xD;
	s1 =	sshrl.u32 s1, $0x2  }
0xb9: {  	s3 =	sand.u32 $0x4000, s31;
	s1 =	sadd.s32 s1, s30  }
0xba: {  	s0 =	sor.u32 s3, s0;
	s1 =	sshll.u32 s1, $0x11  }
0xbb: {  	s0 =	sor.u32 s1, s0  }
0xbc: {  	s0 =	sadd.s32 $0x8F2B, s0  }
0xbd: {  	[sflag:s0] =	ssyncadd.remote.s32 $0x1  }
0xbe: {  	_ =	sfence.sel $0xFFFF  }
0xbf: {  	[dreg:$0x0] =	wrdreg $0xFFFFFFFF;
	(pc) =	sbr.abs _section_cstart, $3  }
0xc0: {  	[dreg:$0x1] =	wrdreg $0xFFFFFFFF  }
0xc1: {  	_ =	task.clear_ibuf [dreg:s6], $0x2FFFF;
	_ =	strace $0x9FFFFFFF  }
0xc2: {  	(tm) =	ssettm $0x7FFFFFFF  }
0xc3: {  	_ =	shalt  }
tec
execute0_lowered:
.L_overlay_start_1:
0x0: {  	(tag) =	ssettag $0x1  }
0x1: {  	s0 =	srdreg.scid;
	s3 =	rddreg [dreg:$0x0]  }
0x2: {  	s8 =	stileid.u32;
	s4 =	rddreg [dreg:$0x1]  }
0x3: {  	s28 =	simm.s32 $0x5000;
	s29 =	simm.s32 $0x2800;
	s30 =	simm.s32 $0x80  }
0x4: {  	s31 =	simm.s32 $0x400;
	s1 =	sand.u32 $0x1, s0;
	s6 =	sadd.s32 $0xC200, s3  }
0x5: {  	s0 =	sshll.u32 s0, $0x4;
	s17 =	sshrl.u32 s8, $0x3;
	s7 =	smul.u32 $0x5000, s8  }
0x6: {  	s21 =	sshll.u32 s8, $0x7;
	s26 =	smul.u32 $0xA0, s8;
	s2 =	sshll.u32 s1, $0x4  }
0x7: {  	s0 =	sand.u32 $0x10, s0;
	s1 =	ssub.s32 $0x2, s1;
	s5 =	sor.u32 s8, s2  }
0x8: {  	s2 =	simm.s32 $0x0;
	s0 =	sadd.s32 s0, s3;
	s18 =	sshrl.u32 s1, $0x1  }
0x9: {  	s23 =	sshrl.u32 s7, $0x2;
	s5 =	smul.u32 $0x271, s5;
	[smem:$0x7FF] =	sst s2  }
0xa: {  	s1 =	ssub.s32 s1, s18;
	s0 =	sadd.s32 s26, s0;
	_ =	strace $0x8000004A  }
0xb: {  	[dreg:$0x3] =	wrdreg s6;
	s6 =	smul.u32 $0x50000, s17;
	s5 =	sadd.s32 s5, s3  }
0xc: {  	s26 =	simm.s32 $0x1;
	s3 =	sand.u32 $0x380, s21;
	s19 =	sadd.s32 $0x6C00, s5  }
0xd: {  	s20 =	sadd.s32 $0x1C00, s5;
	s22 =	sshrl.u32 s6, $0x2;
	s6 =	sadd.s32 s23, s4  }
0xe: {  	s23 =	smax.u32 s1, $0x1;
	s1 =	simm.s32 $0x7D00;
	[dreg:$0x4] =	wrdreg s19  }
0xf: {  	[dreg:$0x5] =	wrdreg s20;
	s5 =	sadd.s32 s22, s4;
	s24 =	sadd.s32 $0x80, s6  }
0x10: {  	s25 =	sadd.s32 $0x100, s6;
	s10 =	sadd.s32 $0x180, s6;
	s11 =	sadd.s32 $0x200, s6  }
0x11: {  	s12 =	sadd.s32 $0x280, s6;
	s13 =	sadd.s32 $0x300, s6;
	s14 =	sadd.s32 $0x380, s6  }
0x12: {  	s15 =	sadd.s32 $0x14000, s6;
	s16 =	sadd.s32 $0x14080, s6;
	s17 =	sadd.s32 $0x14100, s6  }
0x13: {  	s18 =	sadd.s32 $0x14180, s6;
	s19 =	sadd.s32 $0x14200, s6;
	s20 =	sadd.s32 $0x14280, s6  }
0x14: {  	s21 =	sadd.s32 $0x14300, s6;
	s22 =	sadd.s32 $0x14380, s6;
	[dreg:$0x7] =	wrdreg s24  }
0x15: {  	s4 =	simm.s32 $0x2;
	s3 =	sadd.s32 s3, s5;
	[dreg:$0x8] =	wrdreg s25  }
0x16: {  	s24 =	sadd.s32 $0xC800, s0;
	s25 =	simm.s32 $0x3;
	s0 =	simm.s32 $0x7800  }
0x17: {  	v0 =	vimm.f32 $0.0e+00;
	s5 =	simm.s32 $0x0;
	[dreg:$0x6] =	wrdreg s3;
	s3 =	simm.s32 $0x7A80  }
.LBB2_1:
0x18: {  	s7 =	rddreg [dreg:$0x4]  }
0x19: {  	[tilespmem:s2], [sflag:$0x3] =	stream.linear.gather [hbm4b:s7+s2], $0x1388, $0x38;
	[tilespmem:$0xA780] =	vst v63  }
0x1a: {  	_ =	swait.ge [sflag:s25], $0x1388  }
0x1b: {  	[sflag:s25] =	ssyncset.done $0x0  }
0x1c: {  	s8 =	simm.s32 $0x1400;
	s9 =	rddreg [dreg:$0x5];
	[sflag:s25] =	ssyncadd.s32 $0xFFFFEC78  }
0x1d: {  	[tilespmem:s8], [sflag:$0x3] =	stream.linear.gather [hbm4b:s9+s2], $0x1388, $0x38;
	[tilespmem:$0xA780] =	vst v63  }
0x1e: {  	_ =	swait.ge [sflag:s25], $0x1388  }
0x1f: {  	[sflag:s25] =	ssyncset.done $0x0  }
0x20: {  	s9 =	rddreg [dreg:$0x3];
	[sflag:s25] =	ssyncadd.s32 $0xFFFFEC78  }
0x21: {  	[tilespmem:s28], [sflag:$0x3] =	stream.linear.gather [hbm4b:s9+s2], $0x2800, $0x38;
	[tilespmem:$0xA780] =	vst v63  }
0x22: {  	_ =	swait.ge [sflag:s25], $0x2800  }
0x23: {  	[sflag:s25] =	ssyncset.done $0x0  }
0x24: {  	s7 =	simm.s32 $0x0;
	[sflag:s25] =	ssyncadd.s32 $0xFFFFD800  }
.LBB2_2:
0x25: {  	p0 =	sne.s32 s7, $0x9FC0  }
.Ltmp0:
0x26: {  	_ = 	snop;
	(pc) =	sbr.rel @p0 .LBB2_2-.Ltmp0, $3  }
0x27: {  	_ =	sdelay $0x1  }
0x28: {  	s8 =	sshra.s32 s7, $0x2  }
0x29: {  	s7 =	sadd.s32 $0x40, s7;
	[tilespmem:s8+$0x2800] =	vst v0  }
0x2a: {  	s8 =	simm.s32 $0x0;
	s7 =	simm.s32 $0x40  }
.LBB2_4:
0x2b: {  	p0 =	sne.s32 s7, $0x4DC0;
	v1 =	vld [tilespmem:s8+$0x1400];
	_ =	sdelay $0x5  }
0x2c: {  	v2 =	vld [tilespmem:s8+$0x0];
	_ =	sdelay $0x1  }
0x2d: {  	v1 =	vld.idx.msk [tilespmem:v1+s28+$0x0], $0xffff;
	_ =	sdelay $0x1  }
.Ltmp1:
0x2e: {  	(pc) =	sbr.rel @p0 .LBB2_4-.Ltmp1, $2  }
0x2f: {  	_ =	sdelay $0x2  }
0x30: {  	s8 =	sshra.s32 s7, $0x2;
	s7 =	sadd.s32 $0x40, s7;
	[tilespmem:v2+s29+$0x0] =	vst.idx.add.f32.msk $0xffff, v1  }
0x31: {  	v1 =	vld [tilespmem:s8+$0x1400];
	_ =	sdelay $0x4  }
0x32: {  	v2 =	vld [tilespmem:s8+$0x0];
	_ =	sdelay $0x2  }
0x33: {  	v1 =	vld.idx.msk [tilespmem:v1+s28+$0x0], $0xffff;
	_ =	sdelay $0x4  }
0x34: {  	s7 =	rddreg [dreg:$0x6];
	[tilespmem:v2+s29+$0x0] =	vst.idx.add.f32.msk $0xffff, v1  }
0x35: {  	[spmem:s7] =	stream.strided.scatter [tilespmem:s29], [sflag:$0x3], $0x2800, s31, s30, $0x38;
	[tilespmem:$0xA780] =	vst v63  }
0x36: {  	_ =	swait.ge [sflag:s25], $0x2800  }
0x37: {  	[sflag:s25] =	ssyncset.done $0x0  }
0x38: {  	[sflag:s25] =	ssyncadd.s32 $0xFFFFD800  }
0x39: {  	[bflag:$0x0] =	sbarrier.arrive $0xFFFF  }
0x3a: {  	[tilespmem:s1], [sflag:$0x3] =	stream.strided.gather [spmem:s6], $0x280, s31, s30, $0x38;
	[tilespmem:$0xA780] =	vst v63  }
0x3b: {  	_ =	swait.ge [sflag:s25], $0x280  }
0x3c: {  	[sflag:s25] =	ssyncset.done $0x0  }
0x3d: {  	s8 =	rddreg [dreg:$0x7];
	[sflag:s25] =	ssyncadd.s32 $0xFFFFFD80  }
0x3e: {  	[tilespmem:s0], [sflag:$0x1] =	stream.strided.gather [spmem:s8], $0x280, s31, s30, $0x38;
	[tilespmem:$0xA780] =	vst v63  }
0x3f: {  	_ =	swait.ge [sflag:s26], $0x280  }
0x40: {  	[sflag:s26] =	ssyncset.done $0x0  }
0x41: {  	s7 =	simm.s32 $0x0;
	s9 =	rddreg [dreg:$0x8];
	[sflag:s26] =	ssyncadd.s32 $0xFFFFFD80  }
0x42: {  	[tilespmem:s3], [sflag:$0x2] =	stream.strided.gather [spmem:s9], $0x280, s31, s30, $0x38;
	[tilespmem:$0xA780] =	vst v63  }
0x43: {  	s8 =	simm.s32 $0x40;
	v1 =	vld [tilespmem:s7+$0x7800]  }
.LBB2_6:
0x44: {  	p0 =	sne.s32 s8, $0x9C0;
	v2 =	vld [tilespmem:s7+$0x7D00];
	_ =	sdelay $0x2  }
.Ltmp2:
0x45: {  	(pc) =	sbr.rel @p0 .LBB2_6-.Ltmp2, $4  }
0x46: {  	_ = 	snop  }
0x47: {  	v2 =	vadd.f32 v1, v2  }
0x48: {  	s9 =	sshra.s32 s8, $0x2  }
0x49: {  	s8 =	sadd.s32 $0x40, s8;
	v1 =	vld [tilespmem:s9+$0x7800];
	[tilespmem:s7+$0x7D00] =	vst v2;
	s7 =	smov.u32 s9  }
0x4a: {  	v2 =	vld [tilespmem:s7+$0x7D00];
	_ =	sdelay $0x4  }
0x4b: {  	v1 =	vadd.f32 v1, v2;
	_ =	sdelay $0x1  }
0x4c: {  	[tilespmem:s7+$0x7D00] =	vst v1  }
0x4d: {  	_ =	swait.ge [sflag:s4], $0x280  }
0x4e: {  	[sflag:s4] =	ssyncset.done $0x0  }
0x4f: {  	s7 =	simm.s32 $0x0;
	[sflag:s4] =	ssyncadd.s32 $0xFFFFFD80  }
0x50: {  	[tilespmem:s0], [sflag:$0x1] =	stream.strided.gather [spmem:s10], $0x280, s31, s30, $0x38;
	[tilespmem:$0xA780] =	vst v63  }
0x51: {  	s8 =	simm.s32 $0x40;
	v1 =	vld [tilespmem:s7+$0x7A80]  }
.LBB2_8:
0x52: {  	p0 =	sne.s32 s8, $0x9C0;
	v2 =	vld [tilespmem:s7+$0x7D00];
	_ =	sdelay $0x2  }
.Ltmp3:
0x53: {  	(pc) =	sbr.rel @p0 .LBB2_8-.Ltmp3, $4  }
0x54: {  	_ = 	snop  }
0x55: {  	v2 =	vadd.f32 v1, v2  }
0x56: {  	s9 =	sshra.s32 s8, $0x2  }
0x57: {  	s8 =	sadd.s32 $0x40, s8;
	v1 =	vld [tilespmem:s9+$0x7A80];
	[tilespmem:s7+$0x7D00] =	vst v2;
	s7 =	smov.u32 s9  }
0x58: {  	v2 =	vld [tilespmem:s7+$0x7D00];
	_ =	sdelay $0x4  }
0x59: {  	v1 =	vadd.f32 v1, v2;
	_ =	sdelay $0x1  }
0x5a: {  	[tilespmem:s7+$0x7D00] =	vst v1  }
0x5b: {  	_ =	swait.ge [sflag:s26], $0x280  }
0x5c: {  	[sflag:s26] =	ssyncset.done $0x0  }
0x5d: {  	s7 =	simm.s32 $0x0;
	[sflag:s26] =	ssyncadd.s32 $0xFFFFFD80  }
0x5e: {  	[tilespmem:s3], [sflag:$0x2] =	stream.strided.gather [spmem:s11], $0x280, s31, s30, $0x38;
	[tilespmem:$0xA780] =	vst v63  }
0x5f: {  	s8 =	simm.s32 $0x40;
	v1 =	vld [tilespmem:s7+$0x7800]  }
.LBB2_10:
0x60: {  	p0 =	sne.s32 s8, $0x9C0;
	v2 =	vld [tilespmem:s7+$0x7D00];
	_ =	sdelay $0x2  }
.Ltmp4:
0x61: {  	(pc) =	sbr.rel @p0 .LBB2_10-.Ltmp4, $4  }
0x62: {  	_ = 	snop  }
0x63: {  	v2 =	vadd.f32 v1, v2  }
0x64: {  	s9 =	sshra.s32 s8, $0x2  }
0x65: {  	s8 =	sadd.s32 $0x40, s8;
	v1 =	vld [tilespmem:s9+$0x7800];
	[tilespmem:s7+$0x7D00] =	vst v2;
	s7 =	smov.u32 s9  }
0x66: {  	v2 =	vld [tilespmem:s7+$0x7D00];
	_ =	sdelay $0x4  }
0x67: {  	v1 =	vadd.f32 v1, v2;
	_ =	sdelay $0x1  }
0x68: {  	[tilespmem:s7+$0x7D00] =	vst v1  }
0x69: {  	_ =	swait.ge [sflag:s4], $0x280  }
0x6a: {  	[sflag:s4] =	ssyncset.done $0x0  }
0x6b: {  	s7 =	simm.s32 $0x0;
	[sflag:s4] =	ssyncadd.s32 $0xFFFFFD80  }
0x6c: {  	[tilespmem:s0], [sflag:$0x1] =	stream.strided.gather [spmem:s12], $0x280, s31, s30, $0x38;
	[tilespmem:$0xA780] =	vst v63  }
0x6d: {  	s8 =	simm.s32 $0x40;
	v1 =	vld [tilespmem:s7+$0x7A80]  }
.LBB2_12:
0x6e: {  	p0 =	sne.s32 s8, $0x9C0;
	v2 =	vld [tilespmem:s7+$0x7D00];
	_ =	sdelay $0x2  }
.Ltmp5:
0x6f: {  	(pc) =	sbr.rel @p0 .LBB2_12-.Ltmp5, $4  }
0x70: {  	_ = 	snop  }
0x71: {  	v2 =	vadd.f32 v1, v2  }
0x72: {  	s9 =	sshra.s32 s8, $0x2  }
0x73: {  	s8 =	sadd.s32 $0x40, s8;
	v1 =	vld [tilespmem:s9+$0x7A80];
	[tilespmem:s7+$0x7D00] =	vst v2;
	s7 =	smov.u32 s9  }
0x74: {  	v2 =	vld [tilespmem:s7+$0x7D00];
	_ =	sdelay $0x4  }
0x75: {  	v1 =	vadd.f32 v1, v2;
	_ =	sdelay $0x1  }
0x76: {  	[tilespmem:s7+$0x7D00] =	vst v1  }
0x77: {  	_ =	swait.ge [sflag:s26], $0x280  }
0x78: {  	[sflag:s26] =	ssyncset.done $0x0  }
0x79: {  	s7 =	simm.s32 $0x0;
	[sflag:s26] =	ssyncadd.s32 $0xFFFFFD80  }
0x7a: {  	[tilespmem:s3], [sflag:$0x2] =	stream.strided.gather [spmem:s13], $0x280, s31, s30, $0x38;
	[tilespmem:$0xA780] =	vst v63  }
0x7b: {  	s8 =	simm.s32 $0x40;
	v1 =	vld [tilespmem:s7+$0x7800]  }
.LBB2_14:
0x7c: {  	p0 =	sne.s32 s8, $0x9C0;
	v2 =	vld [tilespmem:s7+$0x7D00];
	_ =	sdelay $0x2  }
.Ltmp6:
0x7d: {  	(pc) =	sbr.rel @p0 .LBB2_14-.Ltmp6, $4  }
0x7e: {  	_ = 	snop  }
0x7f: {  	v2 =	vadd.f32 v1, v2  }
0x80: {  	s9 =	sshra.s32 s8, $0x2  }
0x81: {  	s8 =	sadd.s32 $0x40, s8;
	v1 =	vld [tilespmem:s9+$0x7800];
	[tilespmem:s7+$0x7D00] =	vst v2;
	s7 =	smov.u32 s9  }
0x82: {  	v2 =	vld [tilespmem:s7+$0x7D00];
	_ =	sdelay $0x4  }
0x83: {  	v1 =	vadd.f32 v1, v2;
	_ =	sdelay $0x1  }
0x84: {  	[tilespmem:s7+$0x7D00] =	vst v1  }
0x85: {  	_ =	swait.ge [sflag:s4], $0x280  }
0x86: {  	[sflag:s4] =	ssyncset.done $0x0  }
0x87: {  	s7 =	simm.s32 $0x0;
	[sflag:s4] =	ssyncadd.s32 $0xFFFFFD80  }
0x88: {  	[tilespmem:s0], [sflag:$0x1] =	stream.strided.gather [spmem:s14], $0x280, s31, s30, $0x38;
	[tilespmem:$0xA780] =	vst v63  }
0x89: {  	s8 =	simm.s32 $0x40;
	v1 =	vld [tilespmem:s7+$0x7A80]  }
.LBB2_16:
0x8a: {  	p0 =	sne.s32 s8, $0x9C0;
	v2 =	vld [tilespmem:s7+$0x7D00];
	_ =	sdelay $0x2  }
.Ltmp7:
0x8b: {  	(pc) =	sbr.rel @p0 .LBB2_16-.Ltmp7, $4  }
0x8c: {  	_ = 	snop  }
0x8d: {  	v2 =	vadd.f32 v1, v2  }
0x8e: {  	s9 =	sshra.s32 s8, $0x2  }
0x8f: {  	s8 =	sadd.s32 $0x40, s8;
	v1 =	vld [tilespmem:s9+$0x7A80];
	[tilespmem:s7+$0x7D00] =	vst v2;
	s7 =	smov.u32 s9  }
0x90: {  	v2 =	vld [tilespmem:s7+$0x7D00];
	_ =	sdelay $0x4  }
0x91: {  	v1 =	vadd.f32 v1, v2;
	_ =	sdelay $0x1  }
0x92: {  	[tilespmem:s7+$0x7D00] =	vst v1  }
0x93: {  	_ =	swait.ge [sflag:s26], $0x280  }
0x94: {  	[sflag:s26] =	ssyncset.done $0x0  }
0x95: {  	s7 =	simm.s32 $0x0;
	[sflag:s26] =	ssyncadd.s32 $0xFFFFFD80  }
0x96: {  	[tilespmem:s3], [sflag:$0x2] =	stream.strided.gather [spmem:s15], $0x280, s31, s30, $0x38;
	[tilespmem:$0xA780] =	vst v63  }
0x97: {  	s8 =	simm.s32 $0x40;
	v1 =	vld [tilespmem:s7+$0x7800]  }
.LBB2_18:
0x98: {  	p0 =	sne.s32 s8, $0x9C0;
	v2 =	vld [tilespmem:s7+$0x7D00];
	_ =	sdelay $0x2  }
.Ltmp8:
0x99: {  	(pc) =	sbr.rel @p0 .LBB2_18-.Ltmp8, $4  }
0x9a: {  	_ = 	snop  }
0x9b: {  	v2 =	vadd.f32 v1, v2  }
0x9c: {  	s9 =	sshra.s32 s8, $0x2  }
0x9d: {  	s8 =	sadd.s32 $0x40, s8;
	v1 =	vld [tilespmem:s9+$0x7800];
	[tilespmem:s7+$0x7D00] =	vst v2;
	s7 =	smov.u32 s9  }
0x9e: {  	v2 =	vld [tilespmem:s7+$0x7D00];
	_ =	sdelay $0x4  }
0x9f: {  	v1 =	vadd.f32 v1, v2;
	_ =	sdelay $0x1  }
0xa0: {  	[tilespmem:s7+$0x7D00] =	vst v1  }
0xa1: {  	_ =	swait.ge [sflag:s4], $0x280  }
0xa2: {  	[sflag:s4] =	ssyncset.done $0x0  }
0xa3: {  	s7 =	simm.s32 $0x0;
	[sflag:s4] =	ssyncadd.s32 $0xFFFFFD80  }
0xa4: {  	[tilespmem:s0], [sflag:$0x1] =	stream.strided.gather [spmem:s16], $0x280, s31, s30, $0x38;
	[tilespmem:$0xA780] =	vst v63  }
0xa5: {  	s8 =	simm.s32 $0x40;
	v1 =	vld [tilespmem:s7+$0x7A80]  }
.LBB2_20:
0xa6: {  	p0 =	sne.s32 s8, $0x9C0;
	v2 =	vld [tilespmem:s7+$0x7D00];
	_ =	sdelay $0x2  }
.Ltmp9:
0xa7: {  	(pc) =	sbr.rel @p0 .LBB2_20-.Ltmp9, $4  }
0xa8: {  	_ = 	snop  }
0xa9: {  	v2 =	vadd.f32 v1, v2  }
0xaa: {  	s9 =	sshra.s32 s8, $0x2  }
0xab: {  	s8 =	sadd.s32 $0x40, s8;
	v1 =	vld [tilespmem:s9+$0x7A80];
	[tilespmem:s7+$0x7D00] =	vst v2;
	s7 =	smov.u32 s9  }
0xac: {  	v2 =	vld [tilespmem:s7+$0x7D00];
	_ =	sdelay $0x4  }
0xad: {  	v1 =	vadd.f32 v1, v2;
	_ =	sdelay $0x1  }
0xae: {  	[tilespmem:s7+$0x7D00] =	vst v1  }
0xaf: {  	_ =	swait.ge [sflag:s26], $0x280  }
0xb0: {  	[sflag:s26] =	ssyncset.done $0x0  }
0xb1: {  	s7 =	simm.s32 $0x0;
	[sflag:s26] =	ssyncadd.s32 $0xFFFFFD80  }
0xb2: {  	[tilespmem:s3], [sflag:$0x2] =	stream.strided.gather [spmem:s17], $0x280, s31, s30, $0x38;
	[tilespmem:$0xA780] =	vst v63  }
0xb3: {  	s8 =	simm.s32 $0x40;
	v1 =	vld [tilespmem:s7+$0x7800]  }
.LBB2_22:
0xb4: {  	p0 =	sne.s32 s8, $0x9C0;
	v2 =	vld [tilespmem:s7+$0x7D00];
	_ =	sdelay $0x2  }
.Ltmp10:
0xb5: {  	(pc) =	sbr.rel @p0 .LBB2_22-.Ltmp10, $4  }
0xb6: {  	_ = 	snop  }
0xb7: {  	v2 =	vadd.f32 v1, v2  }
0xb8: {  	s9 =	sshra.s32 s8, $0x2  }
0xb9: {  	s8 =	sadd.s32 $0x40, s8;
	v1 =	vld [tilespmem:s9+$0x7800];
	[tilespmem:s7+$0x7D00] =	vst v2;
	s7 =	smov.u32 s9  }
0xba: {  	v2 =	vld [tilespmem:s7+$0x7D00];
	_ =	sdelay $0x4  }
0xbb: {  	v1 =	vadd.f32 v1, v2;
	_ =	sdelay $0x1  }
0xbc: {  	[tilespmem:s7+$0x7D00] =	vst v1  }
0xbd: {  	_ =	swait.ge [sflag:s4], $0x280  }
0xbe: {  	[sflag:s4] =	ssyncset.done $0x0  }
0xbf: {  	s7 =	simm.s32 $0x0;
	[sflag:s4] =	ssyncadd.s32 $0xFFFFFD80  }
0xc0: {  	[tilespmem:s0], [sflag:$0x1] =	stream.strided.gather [spmem:s18], $0x280, s31, s30, $0x38;
	[tilespmem:$0xA780] =	vst v63  }
0xc1: {  	s8 =	simm.s32 $0x40;
	v1 =	vld [tilespmem:s7+$0x7A80]  }
.LBB2_24:
0xc2: {  	p0 =	sne.s32 s8, $0x9C0;
	v2 =	vld [tilespmem:s7+$0x7D00];
	_ =	sdelay $0x2  }
.Ltmp11:
0xc3: {  	(pc) =	sbr.rel @p0 .LBB2_24-.Ltmp11, $4  }
0xc4: {  	_ = 	snop  }
0xc5: {  	v2 =	vadd.f32 v1, v2  }
0xc6: {  	s9 =	sshra.s32 s8, $0x2  }
0xc7: {  	s8 =	sadd.s32 $0x40, s8;
	v1 =	vld [tilespmem:s9+$0x7A80];
	[tilespmem:s7+$0x7D00] =	vst v2;
	s7 =	smov.u32 s9  }
0xc8: {  	v2 =	vld [tilespmem:s7+$0x7D00];
	_ =	sdelay $0x4  }
0xc9: {  	v1 =	vadd.f32 v1, v2;
	_ =	sdelay $0x1  }
0xca: {  	[tilespmem:s7+$0x7D00] =	vst v1  }
0xcb: {  	_ =	swait.ge [sflag:s26], $0x280  }
0xcc: {  	[sflag:s26] =	ssyncset.done $0x0  }
0xcd: {  	s7 =	simm.s32 $0x0;
	[sflag:s26] =	ssyncadd.s32 $0xFFFFFD80  }
0xce: {  	[tilespmem:s3], [sflag:$0x2] =	stream.strided.gather [spmem:s19], $0x280, s31, s30, $0x38;
	[tilespmem:$0xA780] =	vst v63  }
0xcf: {  	s8 =	simm.s32 $0x40;
	v1 =	vld [tilespmem:s7+$0x7800]  }
.LBB2_26:
0xd0: {  	p0 =	sne.s32 s8, $0x9C0;
	v2 =	vld [tilespmem:s7+$0x7D00];
	_ =	sdelay $0x2  }
.Ltmp12:
0xd1: {  	(pc) =	sbr.rel @p0 .LBB2_26-.Ltmp12, $4  }
0xd2: {  	_ = 	snop  }
0xd3: {  	v2 =	vadd.f32 v1, v2  }
0xd4: {  	s9 =	sshra.s32 s8, $0x2  }
0xd5: {  	s8 =	sadd.s32 $0x40, s8;
	v1 =	vld [tilespmem:s9+$0x7800];
	[tilespmem:s7+$0x7D00] =	vst v2;
	s7 =	smov.u32 s9  }
0xd6: {  	v2 =	vld [tilespmem:s7+$0x7D00];
	_ =	sdelay $0x4  }
0xd7: {  	v1 =	vadd.f32 v1, v2;
	_ =	sdelay $0x1  }
0xd8: {  	[tilespmem:s7+$0x7D00] =	vst v1  }
0xd9: {  	_ =	swait.ge [sflag:s4], $0x280  }
0xda: {  	[sflag:s4] =	ssyncset.done $0x0  }
0xdb: {  	s7 =	simm.s32 $0x0;
	[sflag:s4] =	ssyncadd.s32 $0xFFFFFD80  }
0xdc: {  	[tilespmem:s0], [sflag:$0x1] =	stream.strided.gather [spmem:s20], $0x280, s31, s30, $0x38;
	[tilespmem:$0xA780] =	vst v63  }
0xdd: {  	s8 =	simm.s32 $0x40;
	v1 =	vld [tilespmem:s7+$0x7A80]  }
.LBB2_28:
0xde: {  	p0 =	sne.s32 s8, $0x9C0;
	v2 =	vld [tilespmem:s7+$0x7D00];
	_ =	sdelay $0x2  }
.Ltmp13:
0xdf: {  	(pc) =	sbr.rel @p0 .LBB2_28-.Ltmp13, $4  }
0xe0: {  	_ = 	snop  }
0xe1: {  	v2 =	vadd.f32 v1, v2  }
0xe2: {  	s9 =	sshra.s32 s8, $0x2  }
0xe3: {  	s8 =	sadd.s32 $0x40, s8;
	v1 =	vld [tilespmem:s9+$0x7A80];
	[tilespmem:s7+$0x7D00] =	vst v2;
	s7 =	smov.u32 s9  }
0xe4: {  	v2 =	vld [tilespmem:s7+$0x7D00];
	_ =	sdelay $0x4  }
0xe5: {  	v1 =	vadd.f32 v1, v2;
	_ =	sdelay $0x1  }
0xe6: {  	[tilespmem:s7+$0x7D00] =	vst v1  }
0xe7: {  	_ =	swait.ge [sflag:s26], $0x280  }
0xe8: {  	[sflag:s26] =	ssyncset.done $0x0  }
0xe9: {  	s7 =	simm.s32 $0x0;
	[sflag:s26] =	ssyncadd.s32 $0xFFFFFD80  }
0xea: {  	[tilespmem:s3], [sflag:$0x2] =	stream.strided.gather [spmem:s21], $0x280, s31, s30, $0x38;
	[tilespmem:$0xA780] =	vst v63  }
0xeb: {  	s8 =	simm.s32 $0x40;
	v1 =	vld [tilespmem:s7+$0x7800]  }
.LBB2_30:
0xec: {  	p0 =	sne.s32 s8, $0x9C0;
	v2 =	vld [tilespmem:s7+$0x7D00];
	_ =	sdelay $0x2  }
.Ltmp14:
0xed: {  	(pc) =	sbr.rel @p0 .LBB2_30-.Ltmp14, $4  }
0xee: {  	_ = 	snop  }
0xef: {  	v2 =	vadd.f32 v1, v2  }
0xf0: {  	s9 =	sshra.s32 s8, $0x2  }
0xf1: {  	s8 =	sadd.s32 $0x40, s8;
	v1 =	vld [tilespmem:s9+$0x7800];
	[tilespmem:s7+$0x7D00] =	vst v2;
	s7 =	smov.u32 s9  }
0xf2: {  	v2 =	vld [tilespmem:s7+$0x7D00];
	_ =	sdelay $0x4  }
0xf3: {  	v1 =	vadd.f32 v1, v2;
	_ =	sdelay $0x1  }
0xf4: {  	[tilespmem:s7+$0x7D00] =	vst v1  }
0xf5: {  	_ =	swait.ge [sflag:s4], $0x280  }
0xf6: {  	[sflag:s4] =	ssyncset.done $0x0  }
0xf7: {  	s7 =	simm.s32 $0x0;
	[sflag:s4] =	ssyncadd.s32 $0xFFFFFD80  }
0xf8: {  	[tilespmem:s0], [sflag:$0x1] =	stream.strided.gather [spmem:s22], $0x280, s31, s30, $0x38;
	[tilespmem:$0xA780] =	vst v63  }
0xf9: {  	s8 =	simm.s32 $0x40;
	v1 =	vld [tilespmem:s7+$0x7A80]  }
.LBB2_32:
0xfa: {  	p0 =	sne.s32 s8, $0x9C0;
	v2 =	vld [tilespmem:s7+$0x7D00];
	_ =	sdelay $0x2  }
.Ltmp15:
0xfb: {  	(pc) =	sbr.rel @p0 .LBB2_32-.Ltmp15, $4  }
0xfc: {  	_ = 	snop  }
0xfd: {  	v2 =	vadd.f32 v1, v2  }
0xfe: {  	s9 =	sshra.s32 s8, $0x2  }
0xff: {  	s8 =	sadd.s32 $0x40, s8;
	v1 =	vld [tilespmem:s9+$0x7A80];
	[tilespmem:s7+$0x7D00] =	vst v2;
	s7 =	smov.u32 s9  }
0x100: {  	v2 =	vld [tilespmem:s7+$0x7D00];
	_ =	sdelay $0x4  }
0x101: {  	v1 =	vadd.f32 v1, v2;
	_ =	sdelay $0x1  }
0x102: {  	[tilespmem:s7+$0x7D00] =	vst v1  }
0x103: {  	_ =	swait.ge [sflag:s26], $0x280  }
0x104: {  	[sflag:s26] =	ssyncset.done $0x0  }
0x105: {  	s7 =	simm.s32 $0x0;
	[sflag:s26] =	ssyncadd.s32 $0xFFFFFD80  }
0x106: {  	s8 =	simm.s32 $0x40;
	v1 =	vld [tilespmem:s7+$0x7800]  }
.LBB2_34:
0x107: {  	p0 =	sne.s32 s8, $0x9C0;
	v2 =	vld [tilespmem:s7+$0x7D00];
	_ =	sdelay $0x2  }
.Ltmp16:
0x108: {  	(pc) =	sbr.rel @p0 .LBB2_34-.Ltmp16, $4  }
0x109: {  	_ = 	snop  }
0x10a: {  	v2 =	vadd.f32 v1, v2  }
0x10b: {  	s9 =	sshra.s32 s8, $0x2  }
0x10c: {  	s8 =	sadd.s32 $0x40, s8;
	v1 =	vld [tilespmem:s9+$0x7800];
	[tilespmem:s7+$0x7D00] =	vst v2;
	s7 =	smov.u32 s9  }
0x10d: {  	v2 =	vld [tilespmem:s7+$0x7D00];
	_ =	sdelay $0x4  }
0x10e: {  	s5 =	sadd.s32 $0x1, s5;
	v1 =	vadd.f32 v1, v2  }
0x10f: {  	p0 =	sne.s32 s5, s23  }
.Ltmp17:
0x110: {  	s9 =	simm.s32 $0x100;
	[tilespmem:s7+$0x7D00] =	vst v1;
	(pc) =	sbr.rel @p0 .LBB2_1-.Ltmp17, $4  }
0x111: {  	[hbm4b:s24+s30] =	stream.strided.scatter [tilespmem:s1], [sflag:$0x3], $0x280, s9, s30, $0x38;
	[tilespmem:$0xA780] =	vst v63  }
0x112: {  	_ =	swait.ge [sflag:s25], $0x280  }
0x113: {  	[sflag:s25] =	ssyncset.done $0x0  }
0x114: {  	[sflag:s25] =	ssyncadd.s32 $0xFFFFFD80  }
0x115: {  	_ =	sfence.sel $0x180000  }
0x116: {  	[bflag:$0x0] =	sbarrier.arrive $0xFFFF  }
0x117: {  	_ =	strace $0x9000004A  }
0x118: {  	s0 =	stileid.u32;
	[bflag:$0x2] =	sbarrier.arrive $0xFFFF  }
0x119: {  	p0 =	sne.s32 s0, $0x0;
	s0 =	rddreg [dreg:$0x2]  }
0x11a: {  	s0 =	sadd.s32 @!p0 $0x100000, s0  }
0x11b: {  	[sflag:s0] =	ssyncadd.tile.s32 @!p0 $0x1;
	_ =	shalt  }
.Lfunc_end2:
_tile_overlayer_lowered:
.L_overlay_start_2:
0x11c: {  	(tag) =	ssettag $0x2  }
0x11d: {  	s0 =	rddreg [dreg:$0x0];
	s2 =	stileid.u32  }
0x11e: {  	s1 =	rddreg [dreg:$0x1];
	p0 =	sne.s32 s2, $0x0  }
0x11f: {  	s3 =	rddreg [dreg:$0x2];
	[bflag:$0x3] =	sbarrier.arrive $0xFFFF;
	s2 =	simm.s32 @!p0 $0x1C03  }
0x120: {  	[timem:s3], [sflag:s2] =	dma.local @!p0 [hbm:s0], s1  }
0x121: {  	s0 =	simm.s32 @!p0 $0x3  }
0x122: {  	_ =	swait.ge @!p0 [sflag:s0], s1  }
0x123: {  	s1 =	ssub.s32 @!p0 $0x0, s1;
	[sflag:s0] =	ssyncset.done @!p0 $0x0  }
0x124: {  	[sflag:s0] =	ssyncadd.s32 @!p0 s1  }
0x125: {  	[bflag:$0x3] =	sbarrier.arrive $0xFFFF  }
0x126: {  	_ =	shalt  }

// kernel: kernel.13.cloned.1.call-start
scs
__scs_entry_jumppad:
0x0: {  	(pc) =	sbr.rel $0x88, $3  }
0x1: {  	(tag) =	ssettag $0x0;
	lr =	simm.s32 $0x1  }
0x2: {  	[smem:$0x3F9B] =	sst lr;
	_ =	strace $0xD0000000  }
0x3: {  	_ = 	snop  }
0x4: {  	_ = 	snop  }
0x5: {  	_ = 	snop  }
0x6: {  	_ = 	snop  }
0x7: {  	_ = 	snop  }
__scs_overlays_trampoline_lowered:
0x8: {  	[smem:$0x3FAA] =	sst s0  }
0x9: {  	[smem:$0x3FAB] =	sst s1  }
0xa: {  	[smem:$0x3FAC] =	sst s2  }
0xb: {  	[smem:$0x3FAD] =	sst s3  }
0xc: {  	[smem:$0x3FAE] =	sst s4  }
0xd: {  	[smem:$0x3FAF] =	sst s5  }
0xe: {  	[smem:$0x3FB0] =	sst s6  }
0xf: {  	[smem:$0x3FB1] =	sst s7  }
0x10: {  	[smem:$0x3FB2] =	sst s8  }
0x11: {  	[smem:$0x3FB3] =	sst s9;
	s0 =	simm.s32 @!p0 $0x0  }
0x12: {  	s1 =	sld [smem:$0x3F99];
	s0 =	simm.s32 @p0 $0x1  }
0x13: {  	[smem:$0x3FB4] =	sst s0;
	s0 =	simm.s32 @!p1 $0x0  }
0x14: {  	s2 =	sld [smem:$0x3F98];
	s0 =	simm.s32 @p1 $0x1  }
0x15: {  	[smem:$0x3FB5] =	sst s0;
	s0 =	simm.s32 @!p2 $0x0  }
0x16: {  	s3 =	sld [smem:$0x3FDB];
	s0 =	simm.s32 @p2 $0x1  }
0x17: {  	s4 =	simm.s32 $0x1BF5;
	[smem:$0x3FB7] =	sst s0  }
0x18: {  	s0 =	sld [smem:$0x3F9A];
	_ =	swait.ge [sflag:s4], $0x0  }
0x19: {  	s7 =	sld [smem:$0x3F9B]  }
0x1a: {  	s8 =	sadd.s32 $0xFFFFE003, lr  }
0x1b: {  	s9 =	sadd.s32 $0xFFFFFEF7, lr;
	s5 =	simm.s32 $0xFFFFFFFF;
	p2 =	slt.u32 s8, $0xFFFFF086  }
0x1c: {  	p1 =	slt.u32 s9, $0xF7A;
	s5 =	simm.s32 @!p2 $0x0  }
0x1d: {  	s5 =	simm.s32 @p1 $0x1;
	p0 =	seq.s32 s7, s2  }
0x1e: {  	s7 =	smul.u32 @!p0 $0xF7A, s2;
	p2 =	seq.s32 @!p0 s5, $0x0  }
0x1f: {  	s9 =	smul.u32 $0xF7A, s1;
	s8 =	simm.s32 @!p0 $0x1BF5;
	p2 =	por !p2, p0  }
0x20: {  	[sflag:s8] =	ssyncset.s32 @!p0 $0xFFFFF086;
	s6 =	sadd.s32 @!p0 s3, s7;
	s7 =	simm.s32 @!p0 $0x108  }
0x21: {  	s3 =	sadd.s32 s3, s9;
	s6 =	sadd.s32 @!p0 $0x88, s6;
	s7 =	simm.s32 @p2 $0x1082  }
0x22: {  	[simem:s7], [sflag:s8] =	dma.local @!p0 [hbm:s6], $0xF7A  }
0x23: {  	s9 =	sor.u32 $0xD0000000, s2;
	s6 =	simm.s32 $0x108;
	_ =	swait.ge @!p0 [sflag:s8], $0x0  }
0x24: {  	s3 =	sadd.s32 $0x88, s3;
	s6 =	simm.s32 @!p1 $0x1082;
	[sflag:s4] =	ssyncset.s32 $0xFFFFF086  }
0x25: {  	[simem:s6], [sflag:s4] =	dma.local [hbm:s3], $0xF7A  }
0x26: {  	[smem:$0x3F9B] =	sst s1;
	(tag) =	ssettag s2;
	_ =	strace s9  }
0x27: {  	s1 =	sld [smem:$0x3FAB]  }
0x28: {  	s2 =	sld [smem:$0x3FAC]  }
0x29: {  	s4 =	sld [smem:$0x3FAE]  }
0x2a: {  	p0 =	seq.s32 s5, $0x0;
	s5 =	sld [smem:$0x3FAF]  }
0x2b: {  	s6 =	sld [smem:$0x3FB0]  }
0x2c: {  	s7 =	sld [smem:$0x3FB1]  }
0x2d: {  	s3 =	simm.s32 $0x108;
	s8 =	sld [smem:$0x3FB2]  }
0x2e: {  	s3 =	simm.s32 @!p0 $0x1082;
	s9 =	sld [smem:$0x3FB3]  }
0x2f: {  	lr =	sadd.s32 s0, s3;
	s0 =	sld [smem:$0x3FAA]  }
0x30: {  	s3 =	sld [smem:$0x3FAD]  }
0x31: {  	[smem:$0x3FB6] =	sst s10  }
0x32: {  	s10 =	sld [smem:$0x3FB4];
	_ =	sdelay $0x3  }
0x33: {  	p0 =	seq.s32 s10, $0x1;
	s10 =	sld [smem:$0x3FB6];
	_ =	sdelay $0x3  }
0x34: {  	[smem:$0x3FB6] =	sst s10  }
0x35: {  	s10 =	sld [smem:$0x3FB5];
	_ =	sdelay $0x3  }
0x36: {  	p1 =	seq.s32 s10, $0x1;
	s10 =	sld [smem:$0x3FB6];
	_ =	sdelay $0x3  }
0x37: {  	[smem:$0x3FB6] =	sst s10  }
0x38: {  	s10 =	sld [smem:$0x3FB7]  }
0x39: {  	_ = 	snop;
	(pc) =	sbr.ind lr, $3  }
0x3a: {  	_ = 	snop  }
0x3b: {  	_ = 	snop  }
0x3c: {  	p2 =	seq.s32 s10, $0x1;
	s10 =	sld [smem:$0x3FB6]  }
0x3d: {  	_ =	shalt  }
0x3e: {  	_ =	shalt  }
0x3f: {  	_ =	shalt  }
0x40: {  	_ =	shalt  }
0x41: {  	_ =	shalt  }
0x42: {  	_ =	shalt  }
0x43: {  	_ =	shalt  }
0x44: {  	_ =	shalt  }
0x45: {  	_ =	shalt  }
0x46: {  	_ =	shalt  }
0x47: {  	_ =	shalt  }
0x48: {  	_ =	shalt  }
0x49: {  	_ =	shalt  }
0x4a: {  	_ =	shalt  }
0x4b: {  	_ =	shalt  }
0x4c: {  	_ =	shalt  }
0x4d: {  	_ =	shalt  }
0x4e: {  	_ =	shalt  }
0x4f: {  	_ =	shalt  }
0x50: {  	_ =	shalt  }
0x51: {  	_ =	shalt  }
0x52: {  	_ =	shalt  }
0x53: {  	_ =	shalt  }
0x54: {  	_ =	shalt  }
0x55: {  	_ =	shalt  }
0x56: {  	_ =	shalt  }
0x57: {  	_ =	shalt  }
0x58: {  	_ =	shalt  }
0x59: {  	_ =	shalt  }
0x5a: {  	_ =	shalt  }
0x5b: {  	_ =	shalt  }
0x5c: {  	_ =	shalt  }
0x5d: {  	_ =	shalt  }
0x5e: {  	_ =	shalt  }
0x5f: {  	_ =	shalt  }
0x60: {  	_ =	shalt  }
0x61: {  	_ =	shalt  }
0x62: {  	_ =	shalt  }
0x63: {  	_ =	shalt  }
0x64: {  	_ =	shalt  }
0x65: {  	_ =	shalt  }
0x66: {  	_ =	shalt  }
0x67: {  	_ =	shalt  }
0x68: {  	_ =	shalt  }
0x69: {  	_ =	shalt  }
0x6a: {  	_ =	shalt  }
0x6b: {  	_ =	shalt  }
0x6c: {  	_ =	shalt  }
0x6d: {  	_ =	shalt  }
0x6e: {  	_ =	shalt  }
0x6f: {  	_ =	shalt  }
0x70: {  	_ =	shalt  }
0x71: {  	_ =	shalt  }
0x72: {  	_ =	shalt  }
0x73: {  	_ =	shalt  }
0x74: {  	_ =	shalt  }
0x75: {  	_ =	shalt  }
0x76: {  	_ =	shalt  }
0x77: {  	_ =	shalt  }
0x78: {  	_ =	shalt  }
0x79: {  	_ =	shalt  }
0x7a: {  	_ =	shalt  }
0x7b: {  	_ =	shalt  }
0x7c: {  	_ =	shalt  }
0x7d: {  	_ =	shalt  }
0x7e: {  	_ =	shalt  }
0x7f: {  	_ =	shalt  }
0x80: {  	_ =	shalt  }
0x81: {  	_ =	shalt  }
0x82: {  	_ =	shalt  }
0x83: {  	_ =	shalt  }
0x84: {  	_ =	shalt  }
0x85: {  	_ =	shalt  }
0x86: {  	_ =	shalt  }
0x87: {  	_ =	shalt  }
.Lfunc_end0:
.L_simem_size_0:
called_computation.2_lowered:
.L_overlay_start_0:
0x88: {  	s2 =	sld [smem:$0x3FD9]  }
0x89: {  	s3 =	sld [smem:$0x3FFE];
	_ =	sdelay $0x1  }
0x8a: {  	s1 =	srdreg.scid  }
0x8b: {  	s0 =	sand.u32 $0x1, s1  }
0x8c: {  	s17 =	sshll.u32 s0, $0xA;
	s2 =	sadd.s32 s3, s2  }
0x8d: {  	s2 =	sadd.s32 s2, s17  }
0x8e: {  	[smem:$0x3FC2] =	sst s2  }
0x8f: {  	_ = 	snop  }
0x90: {  	(tm) =	ssettm $0x1  }
0x91: {  	s18 =	sld [smem:$0x3FFB];
	_ =	sdelay $0x3  }
0x92: {  	_ =	strace s18  }
0x93: {  	s2 =	sld [smem:$0x3FFC];
	_ =	sdelay $0x3  }
0x94: {  	_ =	strace s2  }
0x95: {  	s2 =	sld [smem:$0x3FFD];
	_ =	sdelay $0x3  }
0x96: {  	_ =	strace s2  }
0x97: {  	_ =	strace $0x8FFFFFFF  }
0x98: {  	s19 =	sld [smem:$0x3FDB];
	_ =	sdelay $0x1  }
0x99: {  	s20 =	simm.s32 $_scs_section_size  }
0x9a: {  	s4 =	simm.s32 $_size__tile_overlayer_lowered;
	s5 =	simm.s32 $_tile_overlayer_lowered  }
0x9b: {  	s6 =	simm.s32 $0x1BFF;
	s21 =	sshll.u32 s5, $0x1;
	s3 =	sadd.s32 s20, s19  }
0x9c: {  	s22 =	simm.s32 $0x0;
	s4 =	sshll.u32 s4, $0x1;
	s5 =	sadd.s32 s21, s3  }
0x9d: {  	[timem:s22], [sflag:s6] =	dma.local [hbm:s5], s4  }
0x9e: {  	_ =	swait.ge [sflag:s6], s4  }
0x9f: {  	s4 =	ssub.s32 $0x0, s4;
	[sflag:s6] =	ssyncset.done $0x0  }
0xa0: {  	[sflag:s6] =	ssyncadd.s32 s4;
	_ =	sdelay $0x1  }
0xa1: {  	s23 =	simm.s32 $0x1B8B  }
0xa2: {  	_ =	swait.ge [sflag:s23], $0x1  }
0xa3: {  	[sflag:s23] =	ssyncset.done $0x0  }
0xa4: {  	[sflag:s23] =	ssyncadd.s32 $0xFFFFFFFF  }
0xa5: {  	s4 =	sld [smem:$0x0]  }
0xa6: {  	s5 =	sand.u32 $0xFFFFFFFE, s1  }
0xa7: {  	p0 =	sne.s32 s1, s5  }
0xa8: {  	s5 =	sshll.u32 @p0 s5, $0xE  }
0xa9: {  	s5 =	sadd.s32 @p0 $0x11B8D, s5;
	s6 =	sshll.u32 @p0 s4, $0x11  }
0xaa: {  	s5 =	sor.u32 @p0 s6, s5  }
0xab: {  	[sflag:s5] =	ssyncadd.remote.s32 @p0 $0x1;
	_ =	sdelay $0x1  }
0xac: {  	s5 =	simm.s32 @p0 $0x1B8D  }
0xad: {  	_ =	swait.eq @p0 [sflag:s5], $0x1  }
0xae: {  	[sflag:s5] =	ssyncadd.s32 @p0 $0xFFFFFFFF  }
0xaf: {  	s6 =	sshll.u32 @!p0 s1, $0xE  }
0xb0: {  	s6 =	sor.u32 @!p0 $0x4000, s6;
	s5 =	simm.s32 @!p0 $0x1B8D  }
0xb1: {  	s4 =	sshll.u32 @!p0 s4, $0x11;
	s6 =	sadd.s32 @!p0 $0x11B8D, s6;
	_ =	swait.eq @!p0 [sflag:s5], $0x1  }
0xb2: {  	s4 =	sor.u32 @!p0 s4, s6;
	[sflag:s5] =	ssyncadd.s32 @!p0 $0xFFFFFFFF  }
0xb3: {  	s25 =	simm.s32 $0x1B8E;
	s24 =	sld [smem:$0x3FFE];
	[sflag:s4] =	ssyncadd.remote.s32 @!p0 $0x1  }
0xb4: {  	s26 =	simm.s32 $execute0_lowered;
	[smem:$0x3FD2] =	sst s25  }
0xb5: {  	s5 =	sshll.u32 s26, $0x1;
	_ =	strace $0x8000004C;
	[dreg:$0x1] =	wrdreg $0xFFFFFFFF  }
0xb6: {  	s28 =	simm.s32 $_size_execute0_lowered;
	s3 =	sadd.s32 s3, s5;
	[dreg:$0x0] =	wrdreg $0x0  }
0xb7: {  	s5 =	sshll.u32 s28, $0x1;
	[dreg:$0x2] =	wrdreg s3  }
0xb8: {  	[dreg:$0x3] =	wrdreg s5  }
0xb9: {  	[dreg:$0x4] =	wrdreg $0xC0  }
0xba: {  	_ =	task [dreg:s22], $0x5FFFF  }
0xbb: {  	[dreg:$0x1] =	wrdreg $0xFFFFFFFF  }
0xbc: {  	[dreg:$0x0] =	wrdreg $0x60  }
0xbd: {  	[dreg:$0x2] =	wrdreg s24  }
0xbe: {  	[dreg:$0x3] =	wrdreg $0xB0800  }
0xbf: {  	[dreg:$0x4] =	wrdreg $0xA  }
0xc0: {  	_ =	task.clear_ibuf [dreg:s22], $0x5FFFF;
	_ =	strace $0x9000004C  }
0xc1: {  	s29 =	simm.s32 $0xA;
	_ =	strace $0x8000004E  }
0xc2: {  	_ =	swait.ge [sflag:s29], $0x1  }
0xc3: {  	[sflag:s29] =	ssyncadd.s32 $0xFFFFFFFF  }
0xc4: {  	_ =	strace $0x9000004E  }
0xc5: {  	_ =	sfence  }
0xc6: {  	s30 =	sld [smem:$0x0];
	_ =	sdelay $0x2  }
0xc7: {  	s31 =	sshll.u32 s1, $0xD;
	s1 =	sshrl.u32 s1, $0x2  }
0xc8: {  	s4 =	sand.u32 $0x4000, s31;
	s1 =	sadd.s32 s1, s30  }
0xc9: {  	s0 =	sor.u32 s4, s0;
	s1 =	sshll.u32 s1, $0x11  }
0xca: {  	s0 =	sor.u32 s1, s0  }
0xcb: {  	s0 =	sadd.s32 $0x8F2B, s0  }
0xcc: {  	[sflag:s0] =	ssyncadd.remote.s32 $0x1  }
0xcd: {  	_ =	sfence.sel $0xFFFF  }
0xce: {  	[dreg:$0x0] =	wrdreg $0xFFFFFFFF;
	(pc) =	sbr.abs _section_cstart, $3  }
0xcf: {  	[dreg:$0x1] =	wrdreg $0xFFFFFFFF  }
0xd0: {  	_ =	task.clear_ibuf [dreg:s22], $0x2FFFF;
	_ =	strace $0x9FFFFFFF  }
0xd1: {  	(tm) =	ssettm $0x7FFFFFFF  }
tec
execute0_lowered:
.L_overlay_start_1:
0x0: {  	(tag) =	ssettag $0x1  }
0x1: {  	s5 =	rddreg [dreg:$0x0]  }
0x2: {  	s2 =	rddreg [dreg:$0x1];
	s1 =	stileid.u32  }
0x3: {  	s0 =	rddreg [dreg:$0x2];
	s3 =	simm.s32 $0x0;
	s26 =	srdreg.scid  }
0x4: {  	s16 =	simm.s32 $0x3;
	s17 =	simm.s32 $0x2780;
	s18 =	simm.s32 $0x5080  }
0x5: {  	s19 =	simm.s32 $0x60;
	s20 =	simm.s32 $0x4F00;
	s4 =	smul.u32 $0x4EC, s1  }
0x6: {  	s21 =	simm.s32 $0x4F80;
	s22 =	simm.s32 $0x8080;
	s6 =	smul.u32 $0x14000, s1  }
0x7: {  	s23 =	simm.s32 $0x1;
	s25 =	simm.s32 $0x2;
	s9 =	smul.u32 $0x2800, s1  }
0x8: {  	[smem:$0x7FF] =	sst s3;
	s8 =	sand.u32 $0x1, s26;
	s10 =	smul.u32 $0x50000, s1  }
0x9: {  	s26 =	simm.s32 $0x0;
	_ =	strace $0x8000004D;
	p0 =	seq.s32 s8, $0x1  }
0xa: {  	s29 =	ssub.s32 $0x2, s8;
	s24 =	smul.u32 $0x2710, s8;
	s7 =	sadd.s32 s4, s5  }
0xb: {  	s28 =	sshrl.u32 s6, $0x3;
	s4 =	sadd.s32 $0x17200, s5;
	s30 =	sshrl.u32 s29, $0x1  }
0xc: {  	s31 =	sshrl.u32 s10, $0x2;
	s6 =	sadd.s32 $0x28000, s28;
	s14 =	ssub.s32 s29, s30  }
.Ltmp0:
0xd: {  	v0 =	vmov s24;
	s24 =	simm.s32 $0x5000;
	s9 =	smov.u32 @p0 s6;
	(pc) =	sbr.rel .LBB2_1-.Ltmp0, $4  }
0xe: {  	s6 =	sadd.s32 $0xD200, s7;
	s15 =	sadd.s32 s9, s5;
	s5 =	sadd.s32 s31, s2  }
0xf: {  	s7 =	sadd.s32 $0x12200, s7;
	s14 =	smax.u32 s14, $0x1;
	s8 =	sadd.s32 $0x3000, s5  }
0x10: {  	s9 =	sadd.s32 $0x6000, s5;
	s10 =	sadd.s32 $0x9000, s5;
	s11 =	sadd.s32 $0xC000, s5  }
0x11: {  	v1 =	vimm.f32 $0.0e+00;
	s12 =	sadd.s32 $0xF000, s5;
	s13 =	sadd.s32 $0x12000, s5;
	s15 =	sadd.s32 $0x65400, s15  }
.LBB2_6:
0x12: {  	_ =	swait.ge [sflag:s23], $0x3000  }
0x13: {  	[sflag:s23] =	ssyncset.done $0x0  }
0x14: {  	[sflag:s23] =	ssyncadd.s32 $0xFFFFD000  }
0x15: {  	v2 =	vld [tilespmem:$0x4E80]  }
0x16: {  	v3 =	vld [tilespmem:$0x4E90]  }
0x17: {  	v4 =	vld [tilespmem:$0x4EA0]  }
0x18: {  	v5 =	vld [tilespmem:$0x4EB0]  }
0x19: {  	v6 =	vld [tilespmem:$0x4EC0]  }
0x1a: {  	[tilespmem:$0x5000] =	vst v2;
	v2 =	vld [tilespmem:$0x4ED0]  }
0x1b: {  	[tilespmem:$0x5010] =	vst v3  }
0x1c: {  	[tilespmem:$0x5020] =	vst v4  }
0x1d: {  	[tilespmem:$0x5030] =	vst v5  }
0x1e: {  	[tilespmem:$0x5040] =	vst v6  }
0x1f: {  	[tilespmem:$0x5050] =	vst v2  }
0x20: {  	[spmem:s2] =	stream.indirect.scatter.add.f32 [tilespmem:s18], [sflag:$0x3], $0x80, s24, s19, $0xb8;
	[tilespmem:$0x1F080] =	vst v63  }
0x21: {  	_ =	swait.ge [sflag:s16], $0x3000  }
0x22: {  	s28 =	sshll.u32 s1, $0x6;
	s26 =	sadd.s32 $0x1, s26;
	[sflag:s16] =	ssyncset.done $0x0  }
0x23: {  	s29 =	sshrl.u32 s5, $0x3;
	p0 =	sne.s32 s26, s14;
	[sflag:s16] =	ssyncadd.s32 $0xFFFFD000  }
.Ltmp1:
0x24: {  	s28 =	sor.u32 $0x1C03, s28;
	[bflag:$0x0] =	sbarrier.arrive $0xFFFF;
	(pc) =	sbr.rel @!p0 .LBB2_7-.Ltmp1, $4  }
0x25: {  	[hbm:s15], [sflag:s28] =	dma.local [spmem:s29], $0x2800  }
0x26: {  	_ =	swait.ge [sflag:s16], $0x2800  }
0x27: {  	[sflag:s16] =	ssyncset.done $0x0  }
0x28: {  	[sflag:s16] =	ssyncadd.s32 $0xFFFFD800  }
.LBB2_1:
0x29: {  	[tilespmem:s3], [sflag:$0x3] =	stream.linear.gather [hbm4b:s6+s3], $0x2760, $0x38;
	[tilespmem:$0x1F080] =	vst v63  }
0x2a: {  	_ =	swait.ge [sflag:s16], $0x2760  }
0x2b: {  	[sflag:s16] =	ssyncset.done $0x0  }
0x2c: {  	[sflag:s16] =	ssyncadd.s32 $0xFFFFD8A0  }
0x2d: {  	[tilespmem:s17], [sflag:$0x3] =	stream.linear.gather [hbm4b:s7+s3], $0x2760, $0x38;
	[tilespmem:$0x1F080] =	vst v63  }
0x2e: {  	_ =	swait.ge [sflag:s16], $0x2760  }
0x2f: {  	[sflag:s16] =	ssyncset.done $0x0  }
0x30: {  	s28 =	simm.s32 $0x0;
	s29 =	simm.s32 $0x200;
	[sflag:s16] =	ssyncadd.s32 $0xFFFFD8A0  }
.LBB2_2:
0x31: {  	p0 =	sne.s32 s29, $0xBE00;
	[tilespmem:s28+$0x50F0] =	vst v1  }
0x32: {  	[tilespmem:s28+$0x5080] =	vst v1  }
0x33: {  	[tilespmem:s28+$0x5090] =	vst v1  }
.Ltmp2:
0x34: {  	[tilespmem:s28+$0x50A0] =	vst v1;
	(pc) =	sbr.rel @p0 .LBB2_2-.Ltmp2, $4  }
0x35: {  	[tilespmem:s28+$0x50B0] =	vst v1  }
0x36: {  	[tilespmem:s28+$0x50C0] =	vst v1  }
0x37: {  	[tilespmem:s28+$0x50D0] =	vst v1  }
0x38: {  	[tilespmem:s28+$0x50E0] =	vst v1;
	s28 =	sshra.s32 s29, $0x2;
	s29 =	sadd.s32 $0x200, s29  }
0x39: {  	[tilespmem:s28+$0x50F0] =	vst v1  }
0x3a: {  	[tilespmem:s28+$0x5080] =	vst v1  }
0x3b: {  	[tilespmem:s28+$0x5090] =	vst v1  }
0x3c: {  	[tilespmem:s28+$0x50A0] =	vst v1  }
0x3d: {  	[tilespmem:s28+$0x50B0] =	vst v1  }
0x3e: {  	[tilespmem:s28+$0x50C0] =	vst v1  }
0x3f: {  	[tilespmem:s28+$0x50D0] =	vst v1  }
0x40: {  	[tilespmem:s28+$0x50E0] =	vst v1  }
0x41: {  	[spmem:s5] =	stream.linear.scatter [tilespmem:s18], [sflag:$0x3], $0x3000, $0x38;
	[tilespmem:$0x1F080] =	vst v63  }
0x42: {  	_ =	swait.ge [sflag:s16], $0x3000  }
0x43: {  	[sflag:s16] =	ssyncset.done $0x0  }
0x44: {  	[sflag:s16] =	ssyncadd.s32 $0xFFFFD000  }
0x45: {  	[spmem:s8] =	stream.linear.scatter [tilespmem:s18], [sflag:$0x3], $0x3000, $0x38;
	[tilespmem:$0x1F080] =	vst v63  }
0x46: {  	_ =	swait.ge [sflag:s16], $0x3000  }
0x47: {  	[sflag:s16] =	ssyncset.done $0x0  }
0x48: {  	[sflag:s16] =	ssyncadd.s32 $0xFFFFD000  }
0x49: {  	[spmem:s9] =	stream.linear.scatter [tilespmem:s18], [sflag:$0x3], $0x3000, $0x38;
	[tilespmem:$0x1F080] =	vst v63  }
0x4a: {  	_ =	swait.ge [sflag:s16], $0x3000  }
0x4b: {  	[sflag:s16] =	ssyncset.done $0x0  }
0x4c: {  	[sflag:s16] =	ssyncadd.s32 $0xFFFFD000  }
0x4d: {  	[spmem:s10] =	stream.linear.scatter [tilespmem:s18], [sflag:$0x3], $0x3000, $0x38;
	[tilespmem:$0x1F080] =	vst v63  }
0x4e: {  	_ =	swait.ge [sflag:s16], $0x3000  }
0x4f: {  	[sflag:s16] =	ssyncset.done $0x0  }
0x50: {  	[sflag:s16] =	ssyncadd.s32 $0xFFFFD000  }
0x51: {  	[spmem:s11] =	stream.linear.scatter [tilespmem:s18], [sflag:$0x3], $0x3000, $0x38;
	[tilespmem:$0x1F080] =	vst v63  }
0x52: {  	_ =	swait.ge [sflag:s16], $0x3000  }
0x53: {  	[sflag:s16] =	ssyncset.done $0x0  }
0x54: {  	[sflag:s16] =	ssyncadd.s32 $0xFFFFD000  }
0x55: {  	[spmem:s12] =	stream.linear.scatter [tilespmem:s18], [sflag:$0x3], $0x3000, $0x38;
	[tilespmem:$0x1F080] =	vst v63  }
0x56: {  	_ =	swait.ge [sflag:s16], $0x3000  }
0x57: {  	[sflag:s16] =	ssyncset.done $0x0  }
0x58: {  	[sflag:s16] =	ssyncadd.s32 $0xFFFFD000  }
0x59: {  	[spmem:s13] =	stream.linear.scatter [tilespmem:s18], [sflag:$0x3], $0x2000, $0x38;
	[tilespmem:$0x1F080] =	vst v63  }
0x5a: {  	_ =	swait.ge [sflag:s16], $0x2000  }
0x5b: {  	[sflag:s16] =	ssyncset.done $0x0  }
0x5c: {  	[sflag:s16] =	ssyncadd.s32 $0xFFFFE000  }
0x5d: {  	[bflag:$0x0] =	sbarrier.arrive $0xFFFF  }
0x5e: {  	v2 =	vld [tilespmem:$0x0]  }
0x5f: {  	v3 =	vld [tilespmem:$0x10]  }
0x60: {  	v4 =	vld [tilespmem:$0x20]  }
0x61: {  	v5 =	vld [tilespmem:$0x30]  }
0x62: {  	v6 =	vld [tilespmem:$0x40]  }
0x63: {  	v7 =	vld [tilespmem:$0x50];
	v2 =	vadd.s32 v0, v2  }
0x64: {  	[tilespmem:$0x4F00] =	vst v2;
	v2 =	vadd.s32 v0, v3  }
0x65: {  	[tilespmem:$0x4F10] =	vst v2;
	v2 =	vadd.s32 v0, v4  }
0x66: {  	[tilespmem:$0x4F20] =	vst v2;
	v2 =	vadd.s32 v0, v5  }
0x67: {  	[tilespmem:$0x4F30] =	vst v2;
	v2 =	vadd.s32 v0, v6  }
0x68: {  	[tilespmem:$0x4F40] =	vst v2;
	v2 =	vadd.s32 v0, v7  }
0x69: {  	[tilespmem:$0x4F50] =	vst v2  }
0x6a: {  	[tilespmem:s18], [sflag:$0x1] =	stream.indirect.gather [hbm4b:s4+s19], $0x80, s20, s19, $0xb8;
	[tilespmem:$0x1F080] =	vst v63  }
0x6b: {  	v2 =	vld [tilespmem:$0x60]  }
0x6c: {  	v3 =	vld [tilespmem:$0x70]  }
0x6d: {  	v60 =	vld [tilespmem:$0x80]  }
0x6e: {  	v61 =	vld [tilespmem:$0x90]  }
0x6f: {  	v62 =	vld [tilespmem:$0xA0]  }
0x70: {  	v63 =	vld [tilespmem:$0xB0];
	v2 =	vadd.s32 v0, v2  }
0x71: {  	[tilespmem:$0x4F80] =	vst v2;
	v2 =	vadd.s32 v0, v3  }
0x72: {  	[tilespmem:$0x4F90] =	vst v2;
	v2 =	vadd.s32 v0, v60  }
0x73: {  	[tilespmem:$0x4FA0] =	vst v2;
	v2 =	vadd.s32 v0, v61  }
0x74: {  	[tilespmem:$0x4FB0] =	vst v2;
	v2 =	vadd.s32 v0, v62  }
0x75: {  	[tilespmem:$0x4FC0] =	vst v2;
	v2 =	vadd.s32 v0, v63  }
0x76: {  	s28 =	simm.s32 $0x0;
	s29 =	simm.s32 $0x27E0;
	s30 =	simm.s32 $0x170;
	[tilespmem:$0x4FD0] =	vst v2  }
0x77: {  	[tilespmem:s22], [sflag:$0x2] =	stream.indirect.gather [hbm4b:s4+s19], $0x80, s21, s19, $0xb8;
	[tilespmem:$0x1F080] =	vst v63  }
.LBB2_4:
0x78: {  	_ =	swait.ge [sflag:s23], $0x3000  }
0x79: {  	[sflag:s23] =	ssyncset.done $0x0  }
0x7a: {  	[sflag:s23] =	ssyncadd.s32 $0xFFFFD000  }
0x7b: {  	v2 =	vld [tilespmem:s29+$0xFFFFFFA0];
	_ =	sdelay $0x4  }
0x7c: {  	[tilespmem:$0x5000] =	vst v2  }
0x7d: {  	v2 =	vld [tilespmem:s29+$0xFFFFFFB0];
	_ =	sdelay $0x4  }
0x7e: {  	[tilespmem:$0x5010] =	vst v2  }
0x7f: {  	v2 =	vld [tilespmem:s29+$0xFFFFFFC0];
	_ =	sdelay $0x4  }
0x80: {  	[tilespmem:$0x5020] =	vst v2  }
0x81: {  	v2 =	vld [tilespmem:s29+$0xFFFFFFD0];
	_ =	sdelay $0x4  }
0x82: {  	[tilespmem:$0x5030] =	vst v2  }
0x83: {  	v2 =	vld [tilespmem:s29+$0xFFFFFFE0];
	_ =	sdelay $0x4  }
0x84: {  	[tilespmem:$0x5040] =	vst v2  }
0x85: {  	v2 =	vld [tilespmem:s29+$0xFFFFFFF0];
	_ =	sdelay $0x4  }
0x86: {  	[tilespmem:$0x5050] =	vst v2  }
0x87: {  	[spmem:s2] =	stream.indirect.scatter.add.f32 [tilespmem:s18], [sflag:$0x3], $0x80, s24, s19, $0xb8;
	[tilespmem:$0x1F080] =	vst v63  }
0x88: {  	_ =	swait.ge [sflag:s16], $0x3000  }
0x89: {  	[sflag:s16] =	ssyncset.done $0x0  }
0x8a: {  	[sflag:s16] =	ssyncadd.s32 $0xFFFFD000  }
0x8b: {  	v2 =	vld [tilespmem:s30+$0xFFFFFF50];
	_ =	sdelay $0x4  }
0x8c: {  	v2 =	vadd.s32 v0, v2  }
0x8d: {  	[tilespmem:$0x4F00] =	vst v2  }
0x8e: {  	v2 =	vld [tilespmem:s30+$0xFFFFFF60];
	_ =	sdelay $0x4  }
0x8f: {  	v2 =	vadd.s32 v0, v2  }
0x90: {  	[tilespmem:$0x4F10] =	vst v2  }
0x91: {  	v2 =	vld [tilespmem:s30+$0xFFFFFF70];
	_ =	sdelay $0x4  }
0x92: {  	v2 =	vadd.s32 v0, v2  }
0x93: {  	[tilespmem:$0x4F20] =	vst v2  }
0x94: {  	v2 =	vld [tilespmem:s30+$0xFFFFFF80];
	_ =	sdelay $0x4  }
0x95: {  	v2 =	vadd.s32 v0, v2  }
0x96: {  	s31 =	sand.u32 $0x3FC0, s28;
	[tilespmem:$0x4F30] =	vst v2  }
0x97: {  	v2 =	vld [tilespmem:s31+$0x100];
	_ =	sdelay $0x4  }
0x98: {  	v2 =	vadd.s32 v0, v2  }
0x99: {  	[tilespmem:$0x4F40] =	vst v2  }
0x9a: {  	v2 =	vld [tilespmem:s30+$0xFFFFFFA0];
	_ =	sdelay $0x4  }
0x9b: {  	v2 =	vadd.s32 v0, v2  }
0x9c: {  	[tilespmem:$0x4F50] =	vst v2  }
0x9d: {  	[tilespmem:s18], [sflag:$0x1] =	stream.indirect.gather [hbm4b:s4+s19], $0x80, s20, s19, $0xb8;
	[tilespmem:$0x1F080] =	vst v63  }
0x9e: {  	_ =	swait.ge [sflag:s25], $0x3000  }
0x9f: {  	[sflag:s25] =	ssyncset.done $0x0  }
0xa0: {  	[sflag:s25] =	ssyncadd.s32 $0xFFFFD000  }
0xa1: {  	v2 =	vld [tilespmem:s29+$0x0];
	_ =	sdelay $0x4  }
0xa2: {  	[tilespmem:$0x5000] =	vst v2  }
0xa3: {  	v2 =	vld [tilespmem:s29+$0x10];
	_ =	sdelay $0x4  }
0xa4: {  	[tilespmem:$0x5010] =	vst v2  }
0xa5: {  	v2 =	vld [tilespmem:s31+$0x2800];
	_ =	sdelay $0x4  }
0xa6: {  	[tilespmem:$0x5020] =	vst v2  }
0xa7: {  	v2 =	vld [tilespmem:s29+$0x30];
	_ =	sdelay $0x4  }
0xa8: {  	[tilespmem:$0x5030] =	vst v2  }
0xa9: {  	v2 =	vld [tilespmem:s29+$0x40];
	_ =	sdelay $0x4  }
0xaa: {  	[tilespmem:$0x5040] =	vst v2  }
0xab: {  	v2 =	vld [tilespmem:s29+$0x50];
	_ =	sdelay $0x3  }
0xac: {  	p0 =	seq.s32 s28, $0x2640  }
.Ltmp3:
0xad: {  	[tilespmem:$0x5050] =	vst v2;
	(pc) =	sbr.rel @p0 .LBB2_6-.Ltmp3, $4  }
0xae: {  	[spmem:s2] =	stream.indirect.scatter.add.f32 [tilespmem:s22], [sflag:$0x3], $0x80, s24, s19, $0xb8;
	[tilespmem:$0x1F080] =	vst v63  }
0xaf: {  	_ =	swait.ge [sflag:s16], $0x3000  }
0xb0: {  	[sflag:s16] =	ssyncset.done $0x0  }
0xb1: {  	[sflag:s16] =	ssyncadd.s32 $0xFFFFD000  }
0xb2: {  	v2 =	vld [tilespmem:s30+$0xFFFFFFB0];
	_ =	sdelay $0x4  }
0xb3: {  	v2 =	vadd.s32 v0, v2  }
0xb4: {  	[tilespmem:$0x4F80] =	vst v2  }
0xb5: {  	v2 =	vld [tilespmem:s30+$0xFFFFFFC0];
	_ =	sdelay $0x4  }
0xb6: {  	v2 =	vadd.s32 v0, v2  }
0xb7: {  	[tilespmem:$0x4F90] =	vst v2  }
0xb8: {  	v2 =	vld [tilespmem:s30+$0xFFFFFFD0];
	_ =	sdelay $0x4  }
0xb9: {  	v2 =	vadd.s32 v0, v2  }
0xba: {  	[tilespmem:$0x4FA0] =	vst v2  }
0xbb: {  	v2 =	vld [tilespmem:s30+$0xFFFFFFE0];
	_ =	sdelay $0x4  }
0xbc: {  	v2 =	vadd.s32 v0, v2  }
0xbd: {  	[tilespmem:$0x4FB0] =	vst v2  }
0xbe: {  	v2 =	vld [tilespmem:s30+$0xFFFFFFF0];
	_ =	sdelay $0x4  }
0xbf: {  	v2 =	vadd.s32 v0, v2  }
0xc0: {  	[tilespmem:$0x4FC0] =	vst v2  }
0xc1: {  	v2 =	vld [tilespmem:s30+$0x0];
	_ =	sdelay $0x2  }
.Ltmp4:
0xc2: {  	_ = 	snop;
	(pc) =	sbr.rel .LBB2_4-.Ltmp4, $4  }
0xc3: {  	_ = 	snop  }
0xc4: {  	v2 =	vadd.s32 v0, v2  }
0xc5: {  	s28 =	sadd.s32 $0xC0, s28;
	s29 =	sadd.s32 $0xC0, s29;
	s30 =	sadd.s32 $0xC0, s30;
	[tilespmem:$0x4FD0] =	vst v2  }
0xc6: {  	[tilespmem:s22], [sflag:$0x2] =	stream.indirect.gather [hbm4b:s4+s19], $0x80, s21, s19, $0xb8;
	[tilespmem:$0x1F080] =	vst v63  }
.LBB2_7:
0xc7: {  	_ =	sfence.sel $0x180000  }
0xc8: {  	[bflag:$0x0] =	sbarrier.arrive $0xFFFF  }
0xc9: {  	p0 =	sne.s32 s1, $0x0;
	_ =	strace $0x9000004D  }
0xca: {  	s0 =	sadd.s32 @!p0 $0x100000, s0;
	[bflag:$0x2] =	sbarrier.arrive $0xFFFF  }
0xcb: {  	[sflag:s0] =	ssyncadd.tile.s32 @!p0 $0x1;
	_ =	shalt  }
.Lfunc_end2:
_tile_overlayer_lowered:
.L_overlay_start_2:
0xcc: {  	(tag) =	ssettag $0x2  }
0xcd: {  	s0 =	rddreg [dreg:$0x0];
	s2 =	stileid.u32  }
0xce: {  	s1 =	rddreg [dreg:$0x1];
	p0 =	sne.s32 s2, $0x0  }
0xcf: {  	s3 =	rddreg [dreg:$0x2];
	[bflag:$0x3] =	sbarrier.arrive $0xFFFF;
	s2 =	simm.s32 @!p0 $0x1C03  }
0xd0: {  	[timem:s3], [sflag:s2] =	dma.local @!p0 [hbm:s0], s1  }
0xd1: {  	s0 =	simm.s32 @!p0 $0x3  }
0xd2: {  	_ =	swait.ge @!p0 [sflag:s0], s1  }
0xd3: {  	s1 =	ssub.s32 @!p0 $0x0, s1;
	[sflag:s0] =	ssyncset.done @!p0 $0x0  }
0xd4: {  	[sflag:s0] =	ssyncadd.s32 @!p0 s1  }
0xd5: {  	[bflag:$0x3] =	sbarrier.arrive $0xFFFF  }
0xd6: {  	_ =	shalt  }

// kernel: kernel.7.cloned.1.call-start
scs
__scs_entry_jumppad:
0x0: {  	(pc) =	sbr.rel $0x88, $3  }
0x1: {  	(tag) =	ssettag $0x0;
	lr =	simm.s32 $0x1  }
0x2: {  	[smem:$0x3F9B] =	sst lr;
	_ =	strace $0xD0000000  }
0x3: {  	_ = 	snop  }
0x4: {  	_ = 	snop  }
0x5: {  	_ = 	snop  }
0x6: {  	_ = 	snop  }
0x7: {  	_ = 	snop  }
__scs_overlays_trampoline_lowered:
0x8: {  	[smem:$0x3FAA] =	sst s0  }
0x9: {  	[smem:$0x3FAB] =	sst s1  }
0xa: {  	[smem:$0x3FAC] =	sst s2  }
0xb: {  	[smem:$0x3FAD] =	sst s3  }
0xc: {  	[smem:$0x3FAE] =	sst s4  }
0xd: {  	[smem:$0x3FAF] =	sst s5  }
0xe: {  	[smem:$0x3FB0] =	sst s6  }
0xf: {  	[smem:$0x3FB1] =	sst s7  }
0x10: {  	[smem:$0x3FB2] =	sst s8  }
0x11: {  	[smem:$0x3FB3] =	sst s9;
	s0 =	simm.s32 @!p0 $0x0  }
0x12: {  	s1 =	sld [smem:$0x3F99];
	s0 =	simm.s32 @p0 $0x1  }
0x13: {  	[smem:$0x3FB4] =	sst s0;
	s0 =	simm.s32 @!p1 $0x0  }
0x14: {  	s2 =	sld [smem:$0x3F98];
	s0 =	simm.s32 @p1 $0x1  }
0x15: {  	[smem:$0x3FB5] =	sst s0;
	s0 =	simm.s32 @!p2 $0x0  }
0x16: {  	s3 =	sld [smem:$0x3FDB];
	s0 =	simm.s32 @p2 $0x1  }
0x17: {  	s4 =	simm.s32 $0x1BF5;
	[smem:$0x3FB7] =	sst s0  }
0x18: {  	s0 =	sld [smem:$0x3F9A];
	_ =	swait.ge [sflag:s4], $0x0  }
0x19: {  	s7 =	sld [smem:$0x3F9B]  }
0x1a: {  	s8 =	sadd.s32 $0xFFFFE003, lr  }
0x1b: {  	s9 =	sadd.s32 $0xFFFFFEF7, lr;
	s5 =	simm.s32 $0xFFFFFFFF;
	p2 =	slt.u32 s8, $0xFFFFF086  }
0x1c: {  	p1 =	slt.u32 s9, $0xF7A;
	s5 =	simm.s32 @!p2 $0x0  }
0x1d: {  	s5 =	simm.s32 @p1 $0x1;
	p0 =	seq.s32 s7, s2  }
0x1e: {  	s7 =	smul.u32 @!p0 $0xF7A, s2;
	p2 =	seq.s32 @!p0 s5, $0x0  }
0x1f: {  	s9 =	smul.u32 $0xF7A, s1;
	s8 =	simm.s32 @!p0 $0x1BF5;
	p2 =	por !p2, p0  }
0x20: {  	[sflag:s8] =	ssyncset.s32 @!p0 $0xFFFFF086;
	s6 =	sadd.s32 @!p0 s3, s7;
	s7 =	simm.s32 @!p0 $0x108  }
0x21: {  	s3 =	sadd.s32 s3, s9;
	s6 =	sadd.s32 @!p0 $0x88, s6;
	s7 =	simm.s32 @p2 $0x1082  }
0x22: {  	[simem:s7], [sflag:s8] =	dma.local @!p0 [hbm:s6], $0xF7A  }
0x23: {  	s9 =	sor.u32 $0xD0000000, s2;
	s6 =	simm.s32 $0x108;
	_ =	swait.ge @!p0 [sflag:s8], $0x0  }
0x24: {  	s3 =	sadd.s32 $0x88, s3;
	s6 =	simm.s32 @!p1 $0x1082;
	[sflag:s4] =	ssyncset.s32 $0xFFFFF086  }
0x25: {  	[simem:s6], [sflag:s4] =	dma.local [hbm:s3], $0xF7A  }
0x26: {  	[smem:$0x3F9B] =	sst s1;
	(tag) =	ssettag s2;
	_ =	strace s9  }
0x27: {  	s1 =	sld [smem:$0x3FAB]  }
0x28: {  	s2 =	sld [smem:$0x3FAC]  }
0x29: {  	s4 =	sld [smem:$0x3FAE]  }
0x2a: {  	p0 =	seq.s32 s5, $0x0;
	s5 =	sld [smem:$0x3FAF]  }
0x2b: {  	s6 =	sld [smem:$0x3FB0]  }
0x2c: {  	s7 =	sld [smem:$0x3FB1]  }
0x2d: {  	s3 =	simm.s32 $0x108;
	s8 =	sld [smem:$0x3FB2]  }
0x2e: {  	s3 =	simm.s32 @!p0 $0x1082;
	s9 =	sld [smem:$0x3FB3]  }
0x2f: {  	lr =	sadd.s32 s0, s3;
	s0 =	sld [smem:$0x3FAA]  }
0x30: {  	s3 =	sld [smem:$0x3FAD]  }
0x31: {  	[smem:$0x3FB6] =	sst s10  }
0x32: {  	s10 =	sld [smem:$0x3FB4];
	_ =	sdelay $0x3  }
0x33: {  	p0 =	seq.s32 s10, $0x1;
	s10 =	sld [smem:$0x3FB6];
	_ =	sdelay $0x3  }
0x34: {  	[smem:$0x3FB6] =	sst s10  }
0x35: {  	s10 =	sld [smem:$0x3FB5];
	_ =	sdelay $0x3  }
0x36: {  	p1 =	seq.s32 s10, $0x1;
	s10 =	sld [smem:$0x3FB6];
	_ =	sdelay $0x3  }
0x37: {  	[smem:$0x3FB6] =	sst s10  }
0x38: {  	s10 =	sld [smem:$0x3FB7]  }
0x39: {  	_ = 	snop;
	(pc) =	sbr.ind lr, $3  }
0x3a: {  	_ = 	snop  }
0x3b: {  	_ = 	snop  }
0x3c: {  	p2 =	seq.s32 s10, $0x1;
	s10 =	sld [smem:$0x3FB6]  }
0x3d: {  	_ =	shalt  }
0x3e: {  	_ =	shalt  }
0x3f: {  	_ =	shalt  }
0x40: {  	_ =	shalt  }
0x41: {  	_ =	shalt  }
0x42: {  	_ =	shalt  }
0x43: {  	_ =	shalt  }
0x44: {  	_ =	shalt  }
0x45: {  	_ =	shalt  }
0x46: {  	_ =	shalt  }
0x47: {  	_ =	shalt  }
0x48: {  	_ =	shalt  }
0x49: {  	_ =	shalt  }
0x4a: {  	_ =	shalt  }
0x4b: {  	_ =	shalt  }
0x4c: {  	_ =	shalt  }
0x4d: {  	_ =	shalt  }
0x4e: {  	_ =	shalt  }
0x4f: {  	_ =	shalt  }
0x50: {  	_ =	shalt  }
0x51: {  	_ =	shalt  }
0x52: {  	_ =	shalt  }
0x53: {  	_ =	shalt  }
0x54: {  	_ =	shalt  }
0x55: {  	_ =	shalt  }
0x56: {  	_ =	shalt  }
0x57: {  	_ =	shalt  }
0x58: {  	_ =	shalt  }
0x59: {  	_ =	shalt  }
0x5a: {  	_ =	shalt  }
0x5b: {  	_ =	shalt  }
0x5c: {  	_ =	shalt  }
0x5d: {  	_ =	shalt  }
0x5e: {  	_ =	shalt  }
0x5f: {  	_ =	shalt  }
0x60: {  	_ =	shalt  }
0x61: {  	_ =	shalt  }
0x62: {  	_ =	shalt  }
0x63: {  	_ =	shalt  }
0x64: {  	_ =	shalt  }
0x65: {  	_ =	shalt  }
0x66: {  	_ =	shalt  }
0x67: {  	_ =	shalt  }
0x68: {  	_ =	shalt  }
0x69: {  	_ =	shalt  }
0x6a: {  	_ =	shalt  }
0x6b: {  	_ =	shalt  }
0x6c: {  	_ =	shalt  }
0x6d: {  	_ =	shalt  }
0x6e: {  	_ =	shalt  }
0x6f: {  	_ =	shalt  }
0x70: {  	_ =	shalt  }
0x71: {  	_ =	shalt  }
0x72: {  	_ =	shalt  }
0x73: {  	_ =	shalt  }
0x74: {  	_ =	shalt  }
0x75: {  	_ =	shalt  }
0x76: {  	_ =	shalt  }
0x77: {  	_ =	shalt  }
0x78: {  	_ =	shalt  }
0x79: {  	_ =	shalt  }
0x7a: {  	_ =	shalt  }
0x7b: {  	_ =	shalt  }
0x7c: {  	_ =	shalt  }
0x7d: {  	_ =	shalt  }
0x7e: {  	_ =	shalt  }
0x7f: {  	_ =	shalt  }
0x80: {  	_ =	shalt  }
0x81: {  	_ =	shalt  }
0x82: {  	_ =	shalt  }
0x83: {  	_ =	shalt  }
0x84: {  	_ =	shalt  }
0x85: {  	_ =	shalt  }
0x86: {  	_ =	shalt  }
0x87: {  	_ =	shalt  }
.Lfunc_end0:
.L_simem_size_0:
called_computation_lowered:
.L_overlay_start_0:
0x88: {  	s2 =	sld [smem:$0x3FD9]  }
0x89: {  	s3 =	sld [smem:$0x3FFE];
	_ =	sdelay $0x1  }
0x8a: {  	s1 =	srdreg.scid  }
0x8b: {  	s0 =	sand.u32 $0x1, s1  }
0x8c: {  	s16 =	sshll.u32 s0, $0xA;
	s2 =	sadd.s32 s3, s2  }
0x8d: {  	s2 =	sadd.s32 s2, s16  }
0x8e: {  	[smem:$0x3FC2] =	sst s2  }
0x8f: {  	_ = 	snop  }
0x90: {  	(tm) =	ssettm $0x1  }
0x91: {  	s17 =	sld [smem:$0x3FFB];
	_ =	sdelay $0x3  }
0x92: {  	_ =	strace s17  }
0x93: {  	s2 =	sld [smem:$0x3FFC];
	_ =	sdelay $0x3  }
0x94: {  	_ =	strace s2  }
0x95: {  	s2 =	sld [smem:$0x3FFD];
	_ =	sdelay $0x3  }
0x96: {  	_ =	strace s2  }
0x97: {  	_ =	strace $0x8FFFFFFF  }
0x98: {  	s18 =	sld [smem:$0x3FDB];
	_ =	sdelay $0x1  }
0x99: {  	s19 =	simm.s32 $_scs_section_size  }
0x9a: {  	s4 =	simm.s32 $_size__tile_overlayer_lowered;
	s5 =	simm.s32 $_tile_overlayer_lowered  }
0x9b: {  	s22 =	simm.s32 $0x1BFF;
	s21 =	sshll.u32 s5, $0x1;
	s2 =	sadd.s32 s19, s18  }
0x9c: {  	s6 =	simm.s32 $0x0;
	s20 =	sshll.u32 s4, $0x1;
	s4 =	sadd.s32 s21, s2  }
0x9d: {  	[timem:s6], [sflag:s22] =	dma.local [hbm:s4], s20  }
0x9e: {  	_ =	swait.ge [sflag:s22], s20  }
0x9f: {  	s3 =	ssub.s32 $0x0, s20;
	[sflag:s22] =	ssyncset.done $0x0  }
0xa0: {  	[sflag:s22] =	ssyncadd.s32 s3;
	_ =	sdelay $0x1  }
0xa1: {  	s23 =	simm.s32 $0x1B8B  }
0xa2: {  	_ =	swait.ge [sflag:s23], $0x1  }
0xa3: {  	[sflag:s23] =	ssyncset.done $0x0  }
0xa4: {  	s25 =	simm.s32 $0x1B8E;
	s24 =	sld [smem:$0x3FFE];
	[sflag:s23] =	ssyncadd.s32 $0xFFFFFFFF  }
0xa5: {  	s26 =	simm.s32 $execute0_lowered;
	[smem:$0x3FD2] =	sst s25  }
0xa6: {  	s4 =	sshll.u32 s26, $0x1;
	_ =	strace $0x80000046;
	[dreg:$0x1] =	wrdreg $0xFFFFFFFF  }
0xa7: {  	s28 =	simm.s32 $_size_execute0_lowered;
	s2 =	sadd.s32 s2, s4;
	[dreg:$0x0] =	wrdreg $0x0  }
0xa8: {  	s4 =	sshll.u32 s28, $0x1;
	[dreg:$0x2] =	wrdreg s2  }
0xa9: {  	[dreg:$0x3] =	wrdreg s4  }
0xaa: {  	[dreg:$0x4] =	wrdreg $0xC0  }
0xab: {  	_ =	task [dreg:s6], $0x5FFFF  }
0xac: {  	[dreg:$0x1] =	wrdreg $0xFFFFFFFF  }
0xad: {  	[dreg:$0x0] =	wrdreg $0x60  }
0xae: {  	[dreg:$0x2] =	wrdreg s24  }
0xaf: {  	[dreg:$0x3] =	wrdreg $0x57000  }
0xb0: {  	[dreg:$0x4] =	wrdreg $0x9  }
0xb1: {  	_ =	task.clear_ibuf [dreg:s6], $0x5FFFF;
	_ =	strace $0x90000046  }
0xb2: {  	s29 =	simm.s32 $0x9;
	_ =	strace $0x80000048  }
0xb3: {  	_ =	swait.ge [sflag:s29], $0x1  }
0xb4: {  	[sflag:s29] =	ssyncadd.s32 $0xFFFFFFFF  }
0xb5: {  	_ =	strace $0x90000048  }
0xb6: {  	_ =	sfence  }
0xb7: {  	s30 =	sld [smem:$0x0];
	_ =	sdelay $0x2  }
0xb8: {  	s31 =	sshll.u32 s1, $0xD;
	s1 =	sshrl.u32 s1, $0x2  }
0xb9: {  	s3 =	sand.u32 $0x4000, s31;
	s1 =	sadd.s32 s1, s30  }
0xba: {  	s0 =	sor.u32 s3, s0;
	s1 =	sshll.u32 s1, $0x11  }
0xbb: {  	s0 =	sor.u32 s1, s0  }
0xbc: {  	s0 =	sadd.s32 $0x8F2B, s0  }
0xbd: {  	[sflag:s0] =	ssyncadd.remote.s32 $0x1  }
0xbe: {  	_ =	sfence.sel $0xFFFF  }
0xbf: {  	[dreg:$0x0] =	wrdreg $0xFFFFFFFF;
	(pc) =	sbr.abs _section_cstart, $3  }
0xc0: {  	[dreg:$0x1] =	wrdreg $0xFFFFFFFF  }
0xc1: {  	_ =	task.clear_ibuf [dreg:s6], $0x2FFFF;
	_ =	strace $0x9FFFFFFF  }
0xc2: {  	(tm) =	ssettm $0x7FFFFFFF  }
0xc3: {  	_ =	shalt  }
tec
execute0_lowered:
.L_overlay_start_1:
0x0: {  	(tag) =	ssettag $0x1  }
0x1: {  	s0 =	rddreg [dreg:$0x0]  }
0x2: {  	s1 =	rddreg [dreg:$0x1]  }
0x3: {  	s2 =	simm.s32 $0x0;
	s16 =	srdreg.scid;
	s21 =	stileid.u32  }
0x4: {  	s28 =	simm.s32 $0x5480;
	s29 =	simm.s32 $0x4F80;
	s30 =	simm.s32 $0x1  }
0x5: {  	s31 =	simm.s32 $0x5200;
	[smem:$0x7FF] =	sst s2;
	s4 =	sadd.s32 $0x6C00, s0  }
0x6: {  	s2 =	sand.u32 $0x1, s16;
	s3 =	sshrl.u32 s21, $0x3;
	s8 =	smul.u32 $0x5000, s21  }
0x7: {  	s5 =	sadd.s32 $0x1C00, s0;
	s19 =	sadd.s32 $0xBC00, s0;
	s23 =	smul.u32 $0x4E2, s21  }
0x8: {  	s0 =	sadd.s32 $0xC200, s0;
	s17 =	sshll.u32 s21, $0x7;
	s26 =	smul.u32 $0x50, s21  }
0x9: {  	_ =	strace $0x80000047;
	s6 =	ssub.s32 $0x2, s2;
	s3 =	smul.u32 $0x50000, s3  }
0xa: {  	p0 =	seq.s32 s2, $0x0;
	s2 =	sand.u32 $0x380, s17;
	s7 =	sshrl.u32 s6, $0x1  }
0xb: {  	s18 =	sshrl.u32 s8, $0x2;
	s0 =	smov.u32 @p0 s19;
	s5 =	smov.u32 @p0 s4  }
0xc: {  	s20 =	ssub.s32 s6, s7;
	s3 =	sshrl.u32 s3, $0x2;
	s21 =	sadd.s32 s0, s26  }
0xd: {  	s26 =	simm.s32 $0x400;
	s0 =	simm.s32 $0x2;
	s22 =	sadd.s32 s3, s1  }
0xe: {  	s3 =	sadd.s32 s18, s1;
	s20 =	smax.u32 s20, $0x1;
	s1 =	simm.s32 $0x0  }
0xf: {  	s2 =	sadd.s32 s2, s22;
	s24 =	sadd.s32 $0x80, s3;
	s25 =	sadd.s32 $0x100, s3  }
0x10: {  	s7 =	sadd.s32 $0x180, s3;
	s8 =	sadd.s32 $0x200, s3;
	s9 =	sadd.s32 $0x280, s3  }
0x11: {  	s10 =	sadd.s32 $0x300, s3;
	s11 =	sadd.s32 $0x380, s3;
	s12 =	sadd.s32 $0x14000, s3  }
0x12: {  	s13 =	sadd.s32 $0x14080, s3;
	s14 =	sadd.s32 $0x14100, s3;
	s15 =	sadd.s32 $0x14180, s3  }
0x13: {  	s16 =	sadd.s32 $0x14200, s3;
	s17 =	sadd.s32 $0x14280, s3;
	[dreg:$0x3] =	wrdreg s2  }
0x14: {  	s18 =	sadd.s32 $0x14300, s3;
	s19 =	sadd.s32 $0x14380, s3;
	[dreg:$0x4] =	wrdreg s24  }
0x15: {  	s22 =	sadd.s32 s5, s23;
	s23 =	simm.s32 $0x3;
	[dreg:$0x5] =	wrdreg s25  }
0x16: {  	v0 =	vimm.f32 $0.0e+00;
	v1 =	vimm.f32 $1.000000000e+00;
	s2 =	simm.s32 $0x0;
	s24 =	simm.s32 $0x2780;
	s25 =	simm.s32 $0x80  }
.LBB2_1:
0x17: {  	[tilespmem:s2], [sflag:$0x3] =	stream.linear.gather [hbm4b:s22+s2], $0x2710, $0x38;
	[tilespmem:$0x7F00] =	vst v63  }
0x18: {  	_ =	swait.ge [sflag:s23], $0x2710  }
0x19: {  	[sflag:s23] =	ssyncset.done $0x0  }
0x1a: {  	s2 =	simm.s32 $0x0;
	[sflag:s23] =	ssyncadd.s32 $0xFFFFD8F0  }
.LBB2_2:
0x1b: {  	p0 =	sne.s32 s2, $0x9FC0  }
.Ltmp0:
0x1c: {  	_ = 	snop;
	(pc) =	sbr.rel @p0 .LBB2_2-.Ltmp0, $3  }
0x1d: {  	_ =	sdelay $0x1  }
0x1e: {  	s4 =	sshra.s32 s2, $0x2  }
0x1f: {  	s2 =	sadd.s32 $0x40, s2;
	[tilespmem:s4+$0x2780] =	vst v0  }
0x20: {  	s4 =	simm.s32 $0x0;
	s2 =	simm.s32 $0x40  }
.LBB2_4:
0x21: {  	p0 =	sne.s32 s2, $0x9C00;
	v2 =	vld [tilespmem:s4+$0x0];
	_ =	sdelay $0x3  }
.Ltmp1:
0x22: {  	(pc) =	sbr.rel @p0 .LBB2_4-.Ltmp1, $2  }
0x23: {  	_ =	sdelay $0x2  }
0x24: {  	s4 =	sshra.s32 s2, $0x2;
	s2 =	sadd.s32 $0x40, s2;
	[tilespmem:v2+s24+$0x0] =	vst.idx.add.f32.msk $0xffff, v1  }
0x25: {  	v2 =	vld [tilespmem:s4+$0x0];
	_ =	sdelay $0x7  }
0x26: {  	s2 =	rddreg [dreg:$0x3];
	[tilespmem:v2+s24+$0x0] =	vst.idx.add.f32.msk $0xffff, v1  }
0x27: {  	[spmem:s2] =	stream.strided.scatter [tilespmem:s24], [sflag:$0x3], $0x2800, s26, s25, $0x38;
	[tilespmem:$0x7F00] =	vst v63  }
0x28: {  	_ =	swait.ge [sflag:s23], $0x2800  }
0x29: {  	[sflag:s23] =	ssyncset.done $0x0  }
0x2a: {  	[sflag:s23] =	ssyncadd.s32 $0xFFFFD800  }
0x2b: {  	[bflag:$0x0] =	sbarrier.arrive $0xFFFF  }
0x2c: {  	[tilespmem:s28], [sflag:$0x3] =	stream.strided.gather [spmem:s3], $0x280, s26, s25, $0x38;
	[tilespmem:$0x7F00] =	vst v63  }
0x2d: {  	_ =	swait.ge [sflag:s23], $0x280  }
0x2e: {  	[sflag:s23] =	ssyncset.done $0x0  }
0x2f: {  	s5 =	rddreg [dreg:$0x4];
	[sflag:s23] =	ssyncadd.s32 $0xFFFFFD80  }
0x30: {  	[tilespmem:s29], [sflag:$0x1] =	stream.strided.gather [spmem:s5], $0x280, s26, s25, $0x38;
	[tilespmem:$0x7F00] =	vst v63  }
0x31: {  	_ =	swait.ge [sflag:s30], $0x280  }
0x32: {  	[sflag:s30] =	ssyncset.done $0x0  }
0x33: {  	s2 =	simm.s32 $0x0;
	s6 =	rddreg [dreg:$0x5];
	[sflag:s30] =	ssyncadd.s32 $0xFFFFFD80  }
0x34: {  	[tilespmem:s31], [sflag:$0x2] =	stream.strided.gather [spmem:s6], $0x280, s26, s25, $0x38;
	[tilespmem:$0x7F00] =	vst v63  }
0x35: {  	s4 =	simm.s32 $0x40;
	v2 =	vld [tilespmem:s2+$0x4F80]  }
.LBB2_6:
0x36: {  	p0 =	sne.s32 s4, $0x9C0;
	v3 =	vld [tilespmem:s2+$0x5480];
	_ =	sdelay $0x2  }
.Ltmp2:
0x37: {  	(pc) =	sbr.rel @p0 .LBB2_6-.Ltmp2, $4  }
0x38: {  	_ = 	snop  }
0x39: {  	v3 =	vadd.f32 v2, v3  }
0x3a: {  	s5 =	sshra.s32 s4, $0x2  }
0x3b: {  	s4 =	sadd.s32 $0x40, s4;
	v2 =	vld [tilespmem:s5+$0x4F80];
	[tilespmem:s2+$0x5480] =	vst v3;
	s2 =	smov.u32 s5  }
0x3c: {  	v3 =	vld [tilespmem:s2+$0x5480];
	_ =	sdelay $0x4  }
0x3d: {  	v2 =	vadd.f32 v2, v3;
	_ =	sdelay $0x1  }
0x3e: {  	[tilespmem:s2+$0x5480] =	vst v2  }
0x3f: {  	_ =	swait.ge [sflag:s0], $0x280  }
0x40: {  	[sflag:s0] =	ssyncset.done $0x0  }
0x41: {  	s2 =	simm.s32 $0x0;
	[sflag:s0] =	ssyncadd.s32 $0xFFFFFD80  }
0x42: {  	[tilespmem:s29], [sflag:$0x1] =	stream.strided.gather [spmem:s7], $0x280, s26, s25, $0x38;
	[tilespmem:$0x7F00] =	vst v63  }
0x43: {  	s4 =	simm.s32 $0x40;
	v2 =	vld [tilespmem:s2+$0x5200]  }
.LBB2_8:
0x44: {  	p0 =	sne.s32 s4, $0x9C0;
	v3 =	vld [tilespmem:s2+$0x5480];
	_ =	sdelay $0x2  }
.Ltmp3:
0x45: {  	(pc) =	sbr.rel @p0 .LBB2_8-.Ltmp3, $4  }
0x46: {  	_ = 	snop  }
0x47: {  	v3 =	vadd.f32 v2, v3  }
0x48: {  	s5 =	sshra.s32 s4, $0x2  }
0x49: {  	s4 =	sadd.s32 $0x40, s4;
	v2 =	vld [tilespmem:s5+$0x5200];
	[tilespmem:s2+$0x5480] =	vst v3;
	s2 =	smov.u32 s5  }
0x4a: {  	v3 =	vld [tilespmem:s2+$0x5480];
	_ =	sdelay $0x4  }
0x4b: {  	v2 =	vadd.f32 v2, v3;
	_ =	sdelay $0x1  }
0x4c: {  	[tilespmem:s2+$0x5480] =	vst v2  }
0x4d: {  	_ =	swait.ge [sflag:s30], $0x280  }
0x4e: {  	[sflag:s30] =	ssyncset.done $0x0  }
0x4f: {  	s2 =	simm.s32 $0x0;
	[sflag:s30] =	ssyncadd.s32 $0xFFFFFD80  }
0x50: {  	[tilespmem:s31], [sflag:$0x2] =	stream.strided.gather [spmem:s8], $0x280, s26, s25, $0x38;
	[tilespmem:$0x7F00] =	vst v63  }
0x51: {  	s4 =	simm.s32 $0x40;
	v2 =	vld [tilespmem:s2+$0x4F80]  }
.LBB2_10:
0x52: {  	p0 =	sne.s32 s4, $0x9C0;
	v3 =	vld [tilespmem:s2+$0x5480];
	_ =	sdelay $0x2  }
.Ltmp4:
0x53: {  	(pc) =	sbr.rel @p0 .LBB2_10-.Ltmp4, $4  }
0x54: {  	_ = 	snop  }
0x55: {  	v3 =	vadd.f32 v2, v3  }
0x56: {  	s5 =	sshra.s32 s4, $0x2  }
0x57: {  	s4 =	sadd.s32 $0x40, s4;
	v2 =	vld [tilespmem:s5+$0x4F80];
	[tilespmem:s2+$0x5480] =	vst v3;
	s2 =	smov.u32 s5  }
0x58: {  	v3 =	vld [tilespmem:s2+$0x5480];
	_ =	sdelay $0x4  }
0x59: {  	v2 =	vadd.f32 v2, v3;
	_ =	sdelay $0x1  }
0x5a: {  	[tilespmem:s2+$0x5480] =	vst v2  }
0x5b: {  	_ =	swait.ge [sflag:s0], $0x280  }
0x5c: {  	[sflag:s0] =	ssyncset.done $0x0  }
0x5d: {  	s2 =	simm.s32 $0x0;
	[sflag:s0] =	ssyncadd.s32 $0xFFFFFD80  }
0x5e: {  	[tilespmem:s29], [sflag:$0x1] =	stream.strided.gather [spmem:s9], $0x280, s26, s25, $0x38;
	[tilespmem:$0x7F00] =	vst v63  }
0x5f: {  	s4 =	simm.s32 $0x40;
	v2 =	vld [tilespmem:s2+$0x5200]  }
.LBB2_12:
0x60: {  	p0 =	sne.s32 s4, $0x9C0;
	v3 =	vld [tilespmem:s2+$0x5480];
	_ =	sdelay $0x2  }
.Ltmp5:
0x61: {  	(pc) =	sbr.rel @p0 .LBB2_12-.Ltmp5, $4  }
0x62: {  	_ = 	snop  }
0x63: {  	v3 =	vadd.f32 v2, v3  }
0x64: {  	s5 =	sshra.s32 s4, $0x2  }
0x65: {  	s4 =	sadd.s32 $0x40, s4;
	v2 =	vld [tilespmem:s5+$0x5200];
	[tilespmem:s2+$0x5480] =	vst v3;
	s2 =	smov.u32 s5  }
0x66: {  	v3 =	vld [tilespmem:s2+$0x5480];
	_ =	sdelay $0x4  }
0x67: {  	v2 =	vadd.f32 v2, v3;
	_ =	sdelay $0x1  }
0x68: {  	[tilespmem:s2+$0x5480] =	vst v2  }
0x69: {  	_ =	swait.ge [sflag:s30], $0x280  }
0x6a: {  	[sflag:s30] =	ssyncset.done $0x0  }
0x6b: {  	s2 =	simm.s32 $0x0;
	[sflag:s30] =	ssyncadd.s32 $0xFFFFFD80  }
0x6c: {  	[tilespmem:s31], [sflag:$0x2] =	stream.strided.gather [spmem:s10], $0x280, s26, s25, $0x38;
	[tilespmem:$0x7F00] =	vst v63  }
0x6d: {  	s4 =	simm.s32 $0x40;
	v2 =	vld [tilespmem:s2+$0x4F80]  }
.LBB2_14:
0x6e: {  	p0 =	sne.s32 s4, $0x9C0;
	v3 =	vld [tilespmem:s2+$0x5480];
	_ =	sdelay $0x2  }
.Ltmp6:
0x6f: {  	(pc) =	sbr.rel @p0 .LBB2_14-.Ltmp6, $4  }
0x70: {  	_ = 	snop  }
0x71: {  	v3 =	vadd.f32 v2, v3  }
0x72: {  	s5 =	sshra.s32 s4, $0x2  }
0x73: {  	s4 =	sadd.s32 $0x40, s4;
	v2 =	vld [tilespmem:s5+$0x4F80];
	[tilespmem:s2+$0x5480] =	vst v3;
	s2 =	smov.u32 s5  }
0x74: {  	v3 =	vld [tilespmem:s2+$0x5480];
	_ =	sdelay $0x4  }
0x75: {  	v2 =	vadd.f32 v2, v3;
	_ =	sdelay $0x1  }
0x76: {  	[tilespmem:s2+$0x5480] =	vst v2  }
0x77: {  	_ =	swait.ge [sflag:s0], $0x280  }
0x78: {  	[sflag:s0] =	ssyncset.done $0x0  }
0x79: {  	s2 =	simm.s32 $0x0;
	[sflag:s0] =	ssyncadd.s32 $0xFFFFFD80  }
0x7a: {  	[tilespmem:s29], [sflag:$0x1] =	stream.strided.gather [spmem:s11], $0x280, s26, s25, $0x38;
	[tilespmem:$0x7F00] =	vst v63  }
0x7b: {  	s4 =	simm.s32 $0x40;
	v2 =	vld [tilespmem:s2+$0x5200]  }
.LBB2_16:
0x7c: {  	p0 =	sne.s32 s4, $0x9C0;
	v3 =	vld [tilespmem:s2+$0x5480];
	_ =	sdelay $0x2  }
.Ltmp7:
0x7d: {  	(pc) =	sbr.rel @p0 .LBB2_16-.Ltmp7, $4  }
0x7e: {  	_ = 	snop  }
0x7f: {  	v3 =	vadd.f32 v2, v3  }
0x80: {  	s5 =	sshra.s32 s4, $0x2  }
0x81: {  	s4 =	sadd.s32 $0x40, s4;
	v2 =	vld [tilespmem:s5+$0x5200];
	[tilespmem:s2+$0x5480] =	vst v3;
	s2 =	smov.u32 s5  }
0x82: {  	v3 =	vld [tilespmem:s2+$0x5480];
	_ =	sdelay $0x4  }
0x83: {  	v2 =	vadd.f32 v2, v3;
	_ =	sdelay $0x1  }
0x84: {  	[tilespmem:s2+$0x5480] =	vst v2  }
0x85: {  	_ =	swait.ge [sflag:s30], $0x280  }
0x86: {  	[sflag:s30] =	ssyncset.done $0x0  }
0x87: {  	s2 =	simm.s32 $0x0;
	[sflag:s30] =	ssyncadd.s32 $0xFFFFFD80  }
0x88: {  	[tilespmem:s31], [sflag:$0x2] =	stream.strided.gather [spmem:s12], $0x280, s26, s25, $0x38;
	[tilespmem:$0x7F00] =	vst v63  }
0x89: {  	s4 =	simm.s32 $0x40;
	v2 =	vld [tilespmem:s2+$0x4F80]  }
.LBB2_18:
0x8a: {  	p0 =	sne.s32 s4, $0x9C0;
	v3 =	vld [tilespmem:s2+$0x5480];
	_ =	sdelay $0x2  }
.Ltmp8:
0x8b: {  	(pc) =	sbr.rel @p0 .LBB2_18-.Ltmp8, $4  }
0x8c: {  	_ = 	snop  }
0x8d: {  	v3 =	vadd.f32 v2, v3  }
0x8e: {  	s5 =	sshra.s32 s4, $0x2  }
0x8f: {  	s4 =	sadd.s32 $0x40, s4;
	v2 =	vld [tilespmem:s5+$0x4F80];
	[tilespmem:s2+$0x5480] =	vst v3;
	s2 =	smov.u32 s5  }
0x90: {  	v3 =	vld [tilespmem:s2+$0x5480];
	_ =	sdelay $0x4  }
0x91: {  	v2 =	vadd.f32 v2, v3;
	_ =	sdelay $0x1  }
0x92: {  	[tilespmem:s2+$0x5480] =	vst v2  }
0x93: {  	_ =	swait.ge [sflag:s0], $0x280  }
0x94: {  	[sflag:s0] =	ssyncset.done $0x0  }
0x95: {  	s2 =	simm.s32 $0x0;
	[sflag:s0] =	ssyncadd.s32 $0xFFFFFD80  }
0x96: {  	[tilespmem:s29], [sflag:$0x1] =	stream.strided.gather [spmem:s13], $0x280, s26, s25, $0x38;
	[tilespmem:$0x7F00] =	vst v63  }
0x97: {  	s4 =	simm.s32 $0x40;
	v2 =	vld [tilespmem:s2+$0x5200]  }
.LBB2_20:
0x98: {  	p0 =	sne.s32 s4, $0x9C0;
	v3 =	vld [tilespmem:s2+$0x5480];
	_ =	sdelay $0x2  }
.Ltmp9:
0x99: {  	(pc) =	sbr.rel @p0 .LBB2_20-.Ltmp9, $4  }
0x9a: {  	_ = 	snop  }
0x9b: {  	v3 =	vadd.f32 v2, v3  }
0x9c: {  	s5 =	sshra.s32 s4, $0x2  }
0x9d: {  	s4 =	sadd.s32 $0x40, s4;
	v2 =	vld [tilespmem:s5+$0x5200];
	[tilespmem:s2+$0x5480] =	vst v3;
	s2 =	smov.u32 s5  }
0x9e: {  	v3 =	vld [tilespmem:s2+$0x5480];
	_ =	sdelay $0x4  }
0x9f: {  	v2 =	vadd.f32 v2, v3;
	_ =	sdelay $0x1  }
0xa0: {  	[tilespmem:s2+$0x5480] =	vst v2  }
0xa1: {  	_ =	swait.ge [sflag:s30], $0x280  }
0xa2: {  	[sflag:s30] =	ssyncset.done $0x0  }
0xa3: {  	s2 =	simm.s32 $0x0;
	[sflag:s30] =	ssyncadd.s32 $0xFFFFFD80  }
0xa4: {  	[tilespmem:s31], [sflag:$0x2] =	stream.strided.gather [spmem:s14], $0x280, s26, s25, $0x38;
	[tilespmem:$0x7F00] =	vst v63  }
0xa5: {  	s4 =	simm.s32 $0x40;
	v2 =	vld [tilespmem:s2+$0x4F80]  }
.LBB2_22:
0xa6: {  	p0 =	sne.s32 s4, $0x9C0;
	v3 =	vld [tilespmem:s2+$0x5480];
	_ =	sdelay $0x2  }
.Ltmp10:
0xa7: {  	(pc) =	sbr.rel @p0 .LBB2_22-.Ltmp10, $4  }
0xa8: {  	_ = 	snop  }
0xa9: {  	v3 =	vadd.f32 v2, v3  }
0xaa: {  	s5 =	sshra.s32 s4, $0x2  }
0xab: {  	s4 =	sadd.s32 $0x40, s4;
	v2 =	vld [tilespmem:s5+$0x4F80];
	[tilespmem:s2+$0x5480] =	vst v3;
	s2 =	smov.u32 s5  }
0xac: {  	v3 =	vld [tilespmem:s2+$0x5480];
	_ =	sdelay $0x4  }
0xad: {  	v2 =	vadd.f32 v2, v3;
	_ =	sdelay $0x1  }
0xae: {  	[tilespmem:s2+$0x5480] =	vst v2  }
0xaf: {  	_ =	swait.ge [sflag:s0], $0x280  }
0xb0: {  	[sflag:s0] =	ssyncset.done $0x0  }
0xb1: {  	s2 =	simm.s32 $0x0;
	[sflag:s0] =	ssyncadd.s32 $0xFFFFFD80  }
0xb2: {  	[tilespmem:s29], [sflag:$0x1] =	stream.strided.gather [spmem:s15], $0x280, s26, s25, $0x38;
	[tilespmem:$0x7F00] =	vst v63  }
0xb3: {  	s4 =	simm.s32 $0x40;
	v2 =	vld [tilespmem:s2+$0x5200]  }
.LBB2_24:
0xb4: {  	p0 =	sne.s32 s4, $0x9C0;
	v3 =	vld [tilespmem:s2+$0x5480];
	_ =	sdelay $0x2  }
.Ltmp11:
0xb5: {  	(pc) =	sbr.rel @p0 .LBB2_24-.Ltmp11, $4  }
0xb6: {  	_ = 	snop  }
0xb7: {  	v3 =	vadd.f32 v2, v3  }
0xb8: {  	s5 =	sshra.s32 s4, $0x2  }
0xb9: {  	s4 =	sadd.s32 $0x40, s4;
	v2 =	vld [tilespmem:s5+$0x5200];
	[tilespmem:s2+$0x5480] =	vst v3;
	s2 =	smov.u32 s5  }
0xba: {  	v3 =	vld [tilespmem:s2+$0x5480];
	_ =	sdelay $0x4  }
0xbb: {  	v2 =	vadd.f32 v2, v3;
	_ =	sdelay $0x1  }
0xbc: {  	[tilespmem:s2+$0x5480] =	vst v2  }
0xbd: {  	_ =	swait.ge [sflag:s30], $0x280  }
0xbe: {  	[sflag:s30] =	ssyncset.done $0x0  }
0xbf: {  	s2 =	simm.s32 $0x0;
	[sflag:s30] =	ssyncadd.s32 $0xFFFFFD80  }
0xc0: {  	[tilespmem:s31], [sflag:$0x2] =	stream.strided.gather [spmem:s16], $0x280, s26, s25, $0x38;
	[tilespmem:$0x7F00] =	vst v63  }
0xc1: {  	s4 =	simm.s32 $0x40;
	v2 =	vld [tilespmem:s2+$0x4F80]  }
.LBB2_26:
0xc2: {  	p0 =	sne.s32 s4, $0x9C0;
	v3 =	vld [tilespmem:s2+$0x5480];
	_ =	sdelay $0x2  }
.Ltmp12:
0xc3: {  	(pc) =	sbr.rel @p0 .LBB2_26-.Ltmp12, $4  }
0xc4: {  	_ = 	snop  }
0xc5: {  	v3 =	vadd.f32 v2, v3  }
0xc6: {  	s5 =	sshra.s32 s4, $0x2  }
0xc7: {  	s4 =	sadd.s32 $0x40, s4;
	v2 =	vld [tilespmem:s5+$0x4F80];
	[tilespmem:s2+$0x5480] =	vst v3;
	s2 =	smov.u32 s5  }
0xc8: {  	v3 =	vld [tilespmem:s2+$0x5480];
	_ =	sdelay $0x4  }
0xc9: {  	v2 =	vadd.f32 v2, v3;
	_ =	sdelay $0x1  }
0xca: {  	[tilespmem:s2+$0x5480] =	vst v2  }
0xcb: {  	_ =	swait.ge [sflag:s0], $0x280  }
0xcc: {  	[sflag:s0] =	ssyncset.done $0x0  }
0xcd: {  	s2 =	simm.s32 $0x0;
	[sflag:s0] =	ssyncadd.s32 $0xFFFFFD80  }
0xce: {  	[tilespmem:s29], [sflag:$0x1] =	stream.strided.gather [spmem:s17], $0x280, s26, s25, $0x38;
	[tilespmem:$0x7F00] =	vst v63  }
0xcf: {  	s4 =	simm.s32 $0x40;
	v2 =	vld [tilespmem:s2+$0x5200]  }
.LBB2_28:
0xd0: {  	p0 =	sne.s32 s4, $0x9C0;
	v3 =	vld [tilespmem:s2+$0x5480];
	_ =	sdelay $0x2  }
.Ltmp13:
0xd1: {  	(pc) =	sbr.rel @p0 .LBB2_28-.Ltmp13, $4  }
0xd2: {  	_ = 	snop  }
0xd3: {  	v3 =	vadd.f32 v2, v3  }
0xd4: {  	s5 =	sshra.s32 s4, $0x2  }
0xd5: {  	s4 =	sadd.s32 $0x40, s4;
	v2 =	vld [tilespmem:s5+$0x5200];
	[tilespmem:s2+$0x5480] =	vst v3;
	s2 =	smov.u32 s5  }
0xd6: {  	v3 =	vld [tilespmem:s2+$0x5480];
	_ =	sdelay $0x4  }
0xd7: {  	v2 =	vadd.f32 v2, v3;
	_ =	sdelay $0x1  }
0xd8: {  	[tilespmem:s2+$0x5480] =	vst v2  }
0xd9: {  	_ =	swait.ge [sflag:s30], $0x280  }
0xda: {  	[sflag:s30] =	ssyncset.done $0x0  }
0xdb: {  	s2 =	simm.s32 $0x0;
	[sflag:s30] =	ssyncadd.s32 $0xFFFFFD80  }
0xdc: {  	[tilespmem:s31], [sflag:$0x2] =	stream.strided.gather [spmem:s18], $0x280, s26, s25, $0x38;
	[tilespmem:$0x7F00] =	vst v63  }
0xdd: {  	s4 =	simm.s32 $0x40;
	v2 =	vld [tilespmem:s2+$0x4F80]  }
.LBB2_30:
0xde: {  	p0 =	sne.s32 s4, $0x9C0;
	v3 =	vld [tilespmem:s2+$0x5480];
	_ =	sdelay $0x2  }
.Ltmp14:
0xdf: {  	(pc) =	sbr.rel @p0 .LBB2_30-.Ltmp14, $4  }
0xe0: {  	_ = 	snop  }
0xe1: {  	v3 =	vadd.f32 v2, v3  }
0xe2: {  	s5 =	sshra.s32 s4, $0x2  }
0xe3: {  	s4 =	sadd.s32 $0x40, s4;
	v2 =	vld [tilespmem:s5+$0x4F80];
	[tilespmem:s2+$0x5480] =	vst v3;
	s2 =	smov.u32 s5  }
0xe4: {  	v3 =	vld [tilespmem:s2+$0x5480];
	_ =	sdelay $0x4  }
0xe5: {  	v2 =	vadd.f32 v2, v3;
	_ =	sdelay $0x1  }
0xe6: {  	[tilespmem:s2+$0x5480] =	vst v2  }
0xe7: {  	_ =	swait.ge [sflag:s0], $0x280  }
0xe8: {  	[sflag:s0] =	ssyncset.done $0x0  }
0xe9: {  	s2 =	simm.s32 $0x0;
	[sflag:s0] =	ssyncadd.s32 $0xFFFFFD80  }
0xea: {  	[tilespmem:s29], [sflag:$0x1] =	stream.strided.gather [spmem:s19], $0x280, s26, s25, $0x38;
	[tilespmem:$0x7F00] =	vst v63  }
0xeb: {  	s4 =	simm.s32 $0x40;
	v2 =	vld [tilespmem:s2+$0x5200]  }
.LBB2_32:
0xec: {  	p0 =	sne.s32 s4, $0x9C0;
	v3 =	vld [tilespmem:s2+$0x5480];
	_ =	sdelay $0x2  }
.Ltmp15:
0xed: {  	(pc) =	sbr.rel @p0 .LBB2_32-.Ltmp15, $4  }
0xee: {  	_ = 	snop  }
0xef: {  	v3 =	vadd.f32 v2, v3  }
0xf0: {  	s5 =	sshra.s32 s4, $0x2  }
0xf1: {  	s4 =	sadd.s32 $0x40, s4;
	v2 =	vld [tilespmem:s5+$0x5200];
	[tilespmem:s2+$0x5480] =	vst v3;
	s2 =	smov.u32 s5  }
0xf2: {  	v3 =	vld [tilespmem:s2+$0x5480];
	_ =	sdelay $0x4  }
0xf3: {  	v2 =	vadd.f32 v2, v3;
	_ =	sdelay $0x1  }
0xf4: {  	[tilespmem:s2+$0x5480] =	vst v2  }
0xf5: {  	_ =	swait.ge [sflag:s30], $0x280  }
0xf6: {  	[sflag:s30] =	ssyncset.done $0x0  }
0xf7: {  	s2 =	simm.s32 $0x0;
	[sflag:s30] =	ssyncadd.s32 $0xFFFFFD80  }
0xf8: {  	s5 =	simm.s32 $0x40;
	s4 =	simm.s32 $0x0;
	v2 =	vld [tilespmem:s2+$0x4F80]  }
.LBB2_34:
0xf9: {  	p0 =	sne.s32 s5, $0x9C0;
	v3 =	vld [tilespmem:s4+$0x5480];
	_ =	sdelay $0x2  }
.Ltmp16:
0xfa: {  	(pc) =	sbr.rel @p0 .LBB2_34-.Ltmp16, $4  }
0xfb: {  	_ = 	snop  }
0xfc: {  	v3 =	vadd.f32 v2, v3  }
0xfd: {  	s6 =	sshra.s32 s5, $0x2  }
0xfe: {  	s5 =	sadd.s32 $0x40, s5;
	v2 =	vld [tilespmem:s6+$0x4F80];
	[tilespmem:s4+$0x5480] =	vst v3;
	s4 =	smov.u32 s6  }
0xff: {  	v3 =	vld [tilespmem:s4+$0x5480];
	_ =	sdelay $0x4  }
0x100: {  	v2 =	vadd.f32 v2, v3;
	_ =	sdelay $0x1  }
0x101: {  	[tilespmem:s4+$0x5480] =	vst v2;
	s4 =	simm.s32 $0x40  }
.LBB2_36:
0x102: {  	p0 =	sne.s32 s4, $0x9C0;
	v2 =	vld [tilespmem:s2+$0x5480];
	_ =	sdelay $0x4  }
0x103: {  	v3 =	vshrl.u32 v2, $0x1;
	v4 =	vmul.f32 $5.000000000e-01, v2  }
0x104: {  	v3 =	vsub.s32 $0x5F3759DF, v3  }
0x105: {  	v5 =	vmul.f32 v3, v4;
	_ =	sdelay $0x1  }
0x106: {  	v5 =	vmul.f32 v3, v5;
	_ =	sdelay $0x1  }
0x107: {  	v5 =	vsub.f32 $1.500000000e+00, v5;
	_ =	sdelay $0x1  }
0x108: {  	v3 =	vmul.f32 v3, v5;
	_ =	sdelay $0x1  }
0x109: {  	v5 =	vmul.f32 v3, v4;
	_ =	sdelay $0x1  }
0x10a: {  	v5 =	vmul.f32 v5, v3;
	_ =	sdelay $0x1  }
0x10b: {  	v5 =	vsub.f32 $1.500000000e+00, v5;
	_ =	sdelay $0x1  }
0x10c: {  	v3 =	vmul.f32 v5, v3;
	_ =	sdelay $0x1  }
0x10d: {  	v4 =	vmul.f32 v3, v4;
	_ =	sdelay $0x1  }
0x10e: {  	v4 =	vmul.f32 v4, v3;
	_ =	sdelay $0x1  }
0x10f: {  	v4 =	vsub.f32 $1.500000000e+00, v4  }
.Ltmp17:
0x110: {  	(pc) =	sbr.rel @p0 .LBB2_36-.Ltmp17, $4  }
0x111: {  	v3 =	vmul.f32 v4, v3  }
0x112: {  	vm0 =	vgt.f32 v2, $0.0e+00  }
0x113: {  	v2 =	vnsel vm0, $0x0, v3  }
0x114: {  	[tilespmem:s2+$0x5480] =	vst v2;
	s2 =	sshra.s32 s4, $0x2;
	s4 =	sadd.s32 $0x40, s4  }
0x115: {  	v2 =	vld [tilespmem:s2+$0x5480];
	_ =	sdelay $0x4  }
0x116: {  	v3 =	vshrl.u32 v2, $0x1;
	v4 =	vmul.f32 $5.000000000e-01, v2  }
0x117: {  	v3 =	vsub.s32 $0x5F3759DF, v3  }
0x118: {  	v5 =	vmul.f32 v3, v4;
	_ =	sdelay $0x1  }
0x119: {  	v5 =	vmul.f32 v3, v5;
	_ =	sdelay $0x1  }
0x11a: {  	v5 =	vsub.f32 $1.500000000e+00, v5;
	_ =	sdelay $0x1  }
0x11b: {  	v3 =	vmul.f32 v3, v5;
	_ =	sdelay $0x1  }
0x11c: {  	v5 =	vmul.f32 v3, v4;
	_ =	sdelay $0x1  }
0x11d: {  	v5 =	vmul.f32 v5, v3;
	_ =	sdelay $0x1  }
0x11e: {  	v5 =	vsub.f32 $1.500000000e+00, v5;
	_ =	sdelay $0x1  }
0x11f: {  	v3 =	vmul.f32 v5, v3;
	_ =	sdelay $0x1  }
0x120: {  	v4 =	vmul.f32 v3, v4;
	_ =	sdelay $0x1  }
0x121: {  	v4 =	vmul.f32 v4, v3;
	_ =	sdelay $0x1  }
0x122: {  	v4 =	vsub.f32 $1.500000000e+00, v4;
	_ =	sdelay $0x1  }
0x123: {  	v3 =	vmul.f32 v4, v3  }
0x124: {  	s1 =	sadd.s32 $0x1, s1;
	vm0 =	vgt.f32 v2, $0.0e+00  }
0x125: {  	p0 =	sne.s32 s1, s20;
	v2 =	vnsel vm0, $0x0, v3  }
.Ltmp18:
0x126: {  	[tilespmem:s2+$0x5480] =	vst v2;
	s2 =	simm.s32 $0x0;
	(pc) =	sbr.rel @p0 .LBB2_1-.Ltmp18, $4  }
0x127: {  	[hbm4b:s21+s2] =	stream.linear.scatter [tilespmem:s28], [sflag:$0x3], $0x280, $0x38;
	[tilespmem:$0x7F00] =	vst v63  }
0x128: {  	_ =	swait.ge [sflag:s23], $0x280  }
0x129: {  	[sflag:s23] =	ssyncset.done $0x0  }
0x12a: {  	[sflag:s23] =	ssyncadd.s32 $0xFFFFFD80  }
0x12b: {  	_ =	sfence.sel $0x180000  }
0x12c: {  	[bflag:$0x0] =	sbarrier.arrive $0xFFFF  }
0x12d: {  	_ =	strace $0x90000047  }
0x12e: {  	s0 =	stileid.u32;
	[bflag:$0x2] =	sbarrier.arrive $0xFFFF  }
0x12f: {  	p0 =	sne.s32 s0, $0x0;
	s0 =	rddreg [dreg:$0x2]  }
0x130: {  	s0 =	sadd.s32 @!p0 $0x100000, s0  }
0x131: {  	[sflag:s0] =	ssyncadd.tile.s32 @!p0 $0x1;
	_ =	shalt  }
.Lfunc_end2:
_tile_overlayer_lowered:
.L_overlay_start_2:
0x132: {  	(tag) =	ssettag $0x2  }
0x133: {  	s0 =	rddreg [dreg:$0x0];
	s2 =	stileid.u32  }
0x134: {  	s1 =	rddreg [dreg:$0x1];
	p0 =	sne.s32 s2, $0x0  }
0x135: {  	s3 =	rddreg [dreg:$0x2];
	[bflag:$0x3] =	sbarrier.arrive $0xFFFF;
	s2 =	simm.s32 @!p0 $0x1C03  }
0x136: {  	[timem:s3], [sflag:s2] =	dma.local @!p0 [hbm:s0], s1  }
0x137: {  	s0 =	simm.s32 @!p0 $0x3  }
0x138: {  	_ =	swait.ge @!p0 [sflag:s0], s1  }
0x139: {  	s1 =	ssub.s32 @!p0 $0x0, s1;
	[sflag:s0] =	ssyncset.done @!p0 $0x0  }
0x13a: {  	[sflag:s0] =	ssyncadd.s32 @!p0 s1  }
0x13b: {  	[bflag:$0x3] =	sbarrier.arrive $0xFFFF  }
0x13c: {  	_ =	shalt  }

</sc_bundles>
